<compile_context>
chip_gen: v7x
topology: tpu7x:2x2x1
jax: 0.10.2.dev20260603
libtpu: 0.0.44.dev20260713+nightly
codegen_flags: <defaults>
</compile_context>

<pallas_src>
import functools

import jax
import jax.numpy as jnp
from jax import lax
from jax.experimental import pallas as pl
from jax.experimental.pallas import tpu as pltpu
from jax.experimental.pallas import tpu_sc as plsc

_B, _N, _D = 16, 2048, 256
_ROWS = _B * _N
_NW = 32
_RPW = _ROWS // _NW
_CHUNK = 32
_NCH = _RPW // _CHUNK
_NSET = 4
_LANES = 16
_GRP = _D // _LANES
_REP = 4
_VROWS = 513

_BUF = [pltpu.VMEM((_CHUNK, _D), jnp.float32)] * (3 * _NSET)
_SEM = [pltpu.SemaphoreType.DMA] * (4 * _NSET + 1)


@functools.partial(
    pl.kernel,
    mesh=plsc.VectorSubcoreMesh(core_axis_name="c", subcore_axis_name="s"),
    out_type=jax.ShapeDtypeStruct(((_N + 1) * _B, _D), jnp.float32),
    scratch_types=[
        pltpu.VMEM((_RPW,), jnp.int32),
        pltpu.VMEM((_RPW,), jnp.int32),
        pltpu.VMEM((_NCH, _CHUNK), jnp.int32),
        pltpu.VMEM((_LANES, _D), jnp.float32),
    ] + _BUF + _SEM,
)
def _sc_node_feature(feat_hbm, idxin_hbm, idxout_hbm, inw_hbm, outw_hbm,
                     gt_hbm, out_hbm,
                     idxin_v, idxout_v, orow_v, gt_v, *bufs_and_sems):
    bufs = bufs_and_sems[:3 * _NSET]
    sems = bufs_and_sems[3 * _NSET:]
    sgt = sems[4 * _NSET]
    sets = tuple(
        (bufs[3 * i], bufs[3 * i + 1], bufs[3 * i + 2],
         sems[4 * i], sems[4 * i + 1], sems[4 * i + 2], sems[4 * i + 3])
        for i in range(_NSET))

    c = lax.axis_index("c")
    s = lax.axis_index("s")
    wid = s * 2 + c
    base = wid * _RPW
    batch = wid // 2
    half = wid % 2
    n0 = half * _RPW
    orow0 = 1 + n0

    pltpu.sync_copy(idxin_hbm.at[pl.ds(base, _RPW)], idxin_v)
    pltpu.sync_copy(idxout_hbm.at[pl.ds(base, _RPW)], idxout_v)

    rep_off = (wid % _REP) * _VROWS

    def rep_body(i, carry):
        sl = pl.ds(i * _LANES, _LANES)
        idxin_v[sl] = idxin_v[sl] + rep_off
        idxout_v[sl] = idxout_v[sl] + rep_off
        return carry
    lax.fori_loop(0, _RPW // _LANES, rep_body, 0)

    lane = lax.iota(jnp.int32, _LANES)

    def orow_body(k, carry):
        for jj in range(_CHUNK // _LANES):
            orow_v[k, pl.ds(jj * _LANES, _LANES)] = (
                (orow0 + k * _CHUNK + jj * _LANES + lane) * _B + batch)
        return carry
    lax.fori_loop(0, _NCH, orow_body, 0)

    @pl.when(wid == 0)
    def _():
        pltpu.sync_copy(gt_hbm, gt_v.at[pl.ds(0, 1)])
        for j in range(_GRP):
            sl = pl.ds(j * _LANES, _LANES)
            row = gt_v[0, sl]
            for r in range(1, _LANES):
                gt_v[r, sl] = row
        pltpu.async_copy(gt_v, out_hbm.at[lane], sgt).wait()

    def start_in(ci, st):
        fb, ib, ob = st[0], st[1], st[2]
        sf, si, so = st[3], st[4], st[5]
        pltpu.async_copy(
            feat_hbm.at[batch].at[pl.ds(n0 + ci * _CHUNK, _CHUNK)], fb, sf)
        pltpu.async_copy(inw_hbm.at[idxin_v.at[pl.ds(ci * _CHUNK, _CHUNK)]],
                         ib, si)
        pltpu.async_copy(outw_hbm.at[idxout_v.at[pl.ds(ci * _CHUNK, _CHUNK)]],
                         ob, so)

    def wait_in(ci, st):
        fb, ib, ob = st[0], st[1], st[2]
        sf, si, so = st[3], st[4], st[5]
        pltpu.make_async_copy(
            feat_hbm.at[batch].at[pl.ds(n0 + ci * _CHUNK, _CHUNK)],
            fb, sf).wait()
        pltpu.make_async_copy(
            inw_hbm.at[idxin_v.at[pl.ds(ci * _CHUNK, _CHUNK)]],
            ib, si).wait()
        pltpu.make_async_copy(
            outw_hbm.at[idxout_v.at[pl.ds(ci * _CHUNK, _CHUNK)]],
            ob, so).wait()

    def out_ref(ci):
        return out_hbm.at[orow_v.at[ci]]

    def wait_store(ci, st):
        pltpu.make_async_copy(st[0], out_ref(ci), st[6]).wait()

    def compute(st):
        fb, ib, ob = st[0], st[1], st[2]

        def row_body(r, carry):
            for j in range(_GRP):
                sl = pl.ds(j * _LANES, _LANES)
                fb[r, sl] = fb[r, sl] + ib[r, sl] + ob[r, sl]
            return carry
        lax.fori_loop(0, _CHUNK, row_body, 0)

    for b in range(_NSET):
        start_in(b, sets[b])

    def group_body(p, carry):
        for b in range(_NSET):
            ci = p * _NSET + b
            st = sets[b]
            wait_in(ci, st)
            compute(st)
            pltpu.async_copy(st[0], out_ref(ci), st[6])
            nxt = ci + _NSET - 1
            st_n = sets[(b + _NSET - 1) % _NSET]
            if b == 0:
                @pl.when(p > 0)
                def _():
                    wait_store(ci - 1, st_n)
                    start_in(nxt, st_n)
            else:
                @pl.when(p < _NCH // _NSET - 1)
                def _():
                    wait_store(ci - 1, st_n)
                    start_in(nxt, st_n)
        return carry
    lax.fori_loop(0, _NCH // _NSET, group_body, 0)

    for b in range(_NSET):
        ci = _NCH - _NSET + b
        wait_store(ci, sets[b])


def kernel(features, in_degree, out_degree, in_w, out_w, graph_token):
    idx_in = in_degree.astype(jnp.int32).reshape(_ROWS)
    idx_out = out_degree.astype(jnp.int32).reshape(_ROWS)
    in_w_rep = jnp.tile(in_w, (_REP, 1))
    out_w_rep = jnp.tile(out_w, (_REP, 1))
    out = _sc_node_feature(features, idx_in, idx_out, in_w_rep, out_w_rep,
                           graph_token)
    return out.reshape(_N + 1, _B, _D).transpose(1, 0, 2)

# --- scband reference (transcript-rebuilt; emitter-appended) ---
"""Pipeline reference for scband-generate-node-feature-52003464020798 (READ-ONLY COPY).

The authoritative reference and input builder live on the scoring server;
editing this copy changes nothing except your own understanding.
"""

import jax, jax.numpy as jnp
import numpy as np

B, N, D = 16, 2048, 256
NUM_IN = 512
NUM_OUT = 512

def setup_inputs(seed: int = 0) -> dict:
    key = jax.random.key(seed)
    k1, k2, k3, k4, k5, k6 = jax.random.split(key, 6)
    features = jax.random.normal(k1, (B, N, D), dtype=jnp.float32)
    in_degree = jax.random.randint(k2, (B, N), 0, NUM_IN, dtype=jnp.int64)
    out_degree = jax.random.randint(k3, (B, N), 0, NUM_OUT, dtype=jnp.int64)
    in_w = (jax.random.normal(k4, (NUM_IN + 1, D), dtype=jnp.float32) * 0.02).at[0].set(0.0)
    out_w = (jax.random.normal(k5, (NUM_OUT + 1, D), dtype=jnp.float32) * 0.02).at[0].set(0.0)
    graph_token = jax.random.normal(k6, (1, D), dtype=jnp.float32) * 0.02
    return {"features": features, "in_degree": in_degree, "out_degree": out_degree, "in_w": in_w, "out_w": out_w, "graph_token": graph_token}

def reference(features, in_degree, out_degree, in_w, out_w, graph_token):
    # node feature + in-degree embedding + out-degree embedding (gathers)
    node_feature = features + jnp.take(in_w, in_degree, axis=0) + jnp.take(out_w, out_degree, axis=0)
    n_graph = features.shape[0]
    graph_token_feature = jnp.broadcast_to(graph_token[None, :, :], (n_graph, 1, graph_token.shape[-1]))
    graph_node_feature = jnp.concatenate([graph_token_feature, node_feature], axis=1)
    return graph_node_feature

if __name__ == "__main__":
    import jax
    _d = setup_inputs()
    print(jax.jit(kernel)(*tuple(_d.values())))

</pallas_src>

<mosaic_0001>
#map = affine_map<(d0, d1) -> (0, 0, 0)>
#map1 = affine_map<(d0, d1) -> (0)>
#map2 = affine_map<(d0, d1) -> (0, 0)>
module attributes {stable_mosaic.version = 14 : i64} {
  func.func @_sc_node_feature(%arg0: i32, %arg1: i32, %arg2: memref<16x2048x256xf32, #tpu.memory_space<hbm>>, %arg3: memref<32768xi32, #tpu.memory_space<hbm>>, %arg4: memref<32768xi32, #tpu.memory_space<hbm>>, %arg5: memref<2052x256xf32, #tpu.memory_space<hbm>>, %arg6: memref<2052x256xf32, #tpu.memory_space<hbm>>, %arg7: memref<1x256xf32, #tpu.memory_space<hbm>>, %arg8: memref<32784x256xf32, #tpu.memory_space<hbm>>, %arg9: memref<1024xi32, #tpu.memory_space<vmem>>, %arg10: memref<1024xi32, #tpu.memory_space<vmem>>, %arg11: memref<32x32xi32, #tpu.memory_space<vmem>>, %arg12: memref<16x256xf32, #tpu.memory_space<vmem>>, %arg13: memref<32x256xf32, #tpu.memory_space<vmem>>, %arg14: memref<32x256xf32, #tpu.memory_space<vmem>>, %arg15: memref<32x256xf32, #tpu.memory_space<vmem>>, %arg16: memref<32x256xf32, #tpu.memory_space<vmem>>, %arg17: memref<32x256xf32, #tpu.memory_space<vmem>>, %arg18: memref<32x256xf32, #tpu.memory_space<vmem>>, %arg19: memref<32x256xf32, #tpu.memory_space<vmem>>, %arg20: memref<32x256xf32, #tpu.memory_space<vmem>>, %arg21: memref<32x256xf32, #tpu.memory_space<vmem>>, %arg22: memref<32x256xf32, #tpu.memory_space<vmem>>, %arg23: memref<32x256xf32, #tpu.memory_space<vmem>>, %arg24: memref<32x256xf32, #tpu.memory_space<vmem>>, %arg25: memref<!tpu.dma_semaphore, #tpu.memory_space<semaphore_mem>>, %arg26: memref<!tpu.dma_semaphore, #tpu.memory_space<semaphore_mem>>, %arg27: memref<!tpu.dma_semaphore, #tpu.memory_space<semaphore_mem>>, %arg28: memref<!tpu.dma_semaphore, #tpu.memory_space<semaphore_mem>>, %arg29: memref<!tpu.dma_semaphore, #tpu.memory_space<semaphore_mem>>, %arg30: memref<!tpu.dma_semaphore, #tpu.memory_space<semaphore_mem>>, %arg31: memref<!tpu.dma_semaphore, #tpu.memory_space<semaphore_mem>>, %arg32: memref<!tpu.dma_semaphore, #tpu.memory_space<semaphore_mem>>, %arg33: memref<!tpu.dma_semaphore, #tpu.memory_space<semaphore_mem>>, %arg34: memref<!tpu.dma_semaphore, #tpu.memory_space<semaphore_mem>>, %arg35: memref<!tpu.dma_semaphore, #tpu.memory_space<semaphore_mem>>, %arg36: memref<!tpu.dma_semaphore, #tpu.memory_space<semaphore_mem>>, %arg37: memref<!tpu.dma_semaphore, #tpu.memory_space<semaphore_mem>>, %arg38: memref<!tpu.dma_semaphore, #tpu.memory_space<semaphore_mem>>, %arg39: memref<!tpu.dma_semaphore, #tpu.memory_space<semaphore_mem>>, %arg40: memref<!tpu.dma_semaphore, #tpu.memory_space<semaphore_mem>>, %arg41: memref<!tpu.dma_semaphore, #tpu.memory_space<semaphore_mem>>) attributes {dimension_semantics = [#tpu.dimension_semantics<core_parallel>, #tpu.dimension_semantics<subcore_parallel>], iteration_bounds = array<i64: 2, 16>, scalar_prefetch = 0 : i64, scratch_operands = 33 : i64, tpu.core_type = #tpu.core_type<sc_vector_subcore>, window_params = [{transform_indices = #map}, {transform_indices = #map1}, {transform_indices = #map1}, {transform_indices = #map2}, {transform_indices = #map2}, {transform_indices = #map2}, {transform_indices = #map2}]} {
    %mul3A = arith.constant 2 : i32
    %mul3A_0 = arith.muli %arg1, %mul3A : i32
    %add3A = arith.addi %mul3A_0, %arg0 : i32
    %mul3A_1 = arith.constant 1024 : i32
    %mul3A_2 = arith.muli %add3A, %mul3A_1 : i32
    %jit3A = arith.constant 2 : i32
    %div3A = arith.divsi %add3A, %jit3A : i32
    %sign3A = arith.constant 0 : i32
    %sign3A_3 = arith.cmpi sgt, %add3A, %sign3A : i32
    %sign3A_4 = arith.extui %sign3A_3 : i1 to i32
    %sign3A_5 = arith.constant 0 : i32
    %sign3A_6 = arith.cmpi slt, %add3A, %sign3A_5 : i32
    %sign3A_7 = arith.extui %sign3A_6 : i1 to i32
    %sign3A_8 = arith.subi %sign3A_4, %sign3A_7 : i32
    %sign3A_9 = arith.constant 0 : i32
    %sign3A_10 = arith.cmpi sgt, %jit3A, %sign3A_9 : i32
    %sign3A_11 = arith.extui %sign3A_10 : i1 to i32
    %sign3A_12 = arith.constant 0 : i32
    %sign3A_13 = arith.cmpi slt, %jit3A, %sign3A_12 : i32
    %sign3A_14 = arith.extui %sign3A_13 : i1 to i32
    %sign3A_15 = arith.subi %sign3A_11, %sign3A_14 : i32
    %ne3A = arith.cmpi ne, %sign3A_8, %sign3A_15 : i32
    %rem3A = arith.remsi %add3A, %jit3A : i32
    %ne3A_16 = arith.constant 0 : i32
    %ne3A_17 = arith.cmpi ne, %rem3A, %ne3A_16 : i32
    %and3A = arith.andi %ne3A, %ne3A_17 : i1
    %sub3A = arith.constant 1 : i32
    %sub3A_18 = arith.subi %div3A, %sub3A : i32
    %select_n3A = arith.select %and3A, %sub3A_18, %div3A : i32
    %jit3A_19 = arith.constant 2 : i32
    %eq3A = arith.constant 0 : i32
    %eq3A_20 = arith.cmpi eq, %jit3A_19, %eq3A : i32
    %jit3A_21 = arith.constant 1 : i32
    %select_n3A_22 = arith.select %eq3A_20, %jit3A_21, %jit3A_19 : i32
    %rem3A_23 = arith.remsi %add3A, %select_n3A_22 : i32
    %ne3A_24 = arith.constant 0 : i32
    %ne3A_25 = arith.cmpi ne, %rem3A_23, %ne3A_24 : i32
    %lt3A = arith.constant 0 : i32
    %lt3A_26 = arith.cmpi slt, %rem3A_23, %lt3A : i32
    %lt3A_27 = arith.constant 0 : i32
    %lt3A_28 = arith.cmpi slt, %select_n3A_22, %lt3A_27 : i32
    %ne3A_29 = arith.xori %lt3A_26, %lt3A_28 : i1
    %and3A_30 = arith.andi %ne3A_29, %ne3A_25 : i1
    %add3A_31 = arith.addi %rem3A_23, %select_n3A_22 : i32
    %select_n3A_32 = arith.select %and3A_30, %add3A_31, %rem3A_23 : i32
    %mul3A_33 = arith.constant 1024 : i32
    %mul3A_34 = arith.muli %select_n3A_32, %mul3A_33 : i32
    %add3A_35 = arith.constant 1 : i32
    %add3A_36 = arith.addi %add3A_35, %mul3A_34 : i32
    "tpu.region"() ({
      %run_scoped3A = tpu.sem_alloc : memref<!tpu.dma_semaphore, #tpu.memory_space<semaphore_mem>>
      %dma_start3A_197 = tpu.memref_slice %arg3[%mul3A_2] : memref<32768xi32, #tpu.memory_space<hbm>> -> memref<1024xi32, #tpu.memory_space<hbm>>
      %dma_start3A_198 = tpu.memref_slice %arg3[%mul3A_2] : memref<32768xi32, #tpu.memory_space<hbm>> -> memref<1024xi32, #tpu.memory_space<hbm>>
      tpu.enqueue_dma source(%dma_start3A_198 : memref<1024xi32, #tpu.memory_space<hbm>>) target(%arg9 : memref<1024xi32, #tpu.memory_space<vmem>>) target_semaphore(%run_scoped3A : memref<!tpu.dma_semaphore, #tpu.memory_space<semaphore_mem>>)
      %dma_wait3A_199 = tpu.memref_slice %arg3[%mul3A_2] : memref<32768xi32, #tpu.memory_space<hbm>> -> memref<1024xi32, #tpu.memory_space<hbm>>
      %dma_wait3A_200 = tpu.memref_slice %arg3[%mul3A_2] : memref<32768xi32, #tpu.memory_space<hbm>> -> memref<1024xi32, #tpu.memory_space<hbm>>
      tpu.wait_dma2 semaphore(%run_scoped3A : memref<!tpu.dma_semaphore, #tpu.memory_space<semaphore_mem>>) src(%dma_wait3A_200 : memref<1024xi32, #tpu.memory_space<hbm>>) dst(%arg9 : memref<1024xi32, #tpu.memory_space<vmem>>)
      tpu.yield
    }) : () -> ()
    "tpu.region"() ({
      %run_scoped3A = tpu.sem_alloc : memref<!tpu.dma_semaphore, #tpu.memory_space<semaphore_mem>>
      %dma_start3A_197 = tpu.memref_slice %arg4[%mul3A_2] : memref<32768xi32, #tpu.memory_space<hbm>> -> memref<1024xi32, #tpu.memory_space<hbm>>
      %dma_start3A_198 = tpu.memref_slice %arg4[%mul3A_2] : memref<32768xi32, #tpu.memory_space<hbm>> -> memref<1024xi32, #tpu.memory_space<hbm>>
      tpu.enqueue_dma source(%dma_start3A_198 : memref<1024xi32, #tpu.memory_space<hbm>>) target(%arg10 : memref<1024xi32, #tpu.memory_space<vmem>>) target_semaphore(%run_scoped3A : memref<!tpu.dma_semaphore, #tpu.memory_space<semaphore_mem>>)
      %dma_wait3A_199 = tpu.memref_slice %arg4[%mul3A_2] : memref<32768xi32, #tpu.memory_space<hbm>> -> memref<1024xi32, #tpu.memory_space<hbm>>
      %dma_wait3A_200 = tpu.memref_slice %arg4[%mul3A_2] : memref<32768xi32, #tpu.memory_space<hbm>> -> memref<1024xi32, #tpu.memory_space<hbm>>
      tpu.wait_dma2 semaphore(%run_scoped3A : memref<!tpu.dma_semaphore, #tpu.memory_space<semaphore_mem>>) src(%dma_wait3A_200 : memref<1024xi32, #tpu.memory_space<hbm>>) dst(%arg10 : memref<1024xi32, #tpu.memory_space<vmem>>)
      tpu.yield
    }) : () -> ()
    %jit3A_37 = arith.constant 4 : i32
    %eq3A_38 = arith.constant 0 : i32
    %eq3A_39 = arith.cmpi eq, %jit3A_37, %eq3A_38 : i32
    %jit3A_40 = arith.constant 1 : i32
    %select_n3A_41 = arith.select %eq3A_39, %jit3A_40, %jit3A_37 : i32
    %rem3A_42 = arith.remsi %add3A, %select_n3A_41 : i32
    %ne3A_43 = arith.constant 0 : i32
    %ne3A_44 = arith.cmpi ne, %rem3A_42, %ne3A_43 : i32
    %lt3A_45 = arith.constant 0 : i32
    %lt3A_46 = arith.cmpi slt, %rem3A_42, %lt3A_45 : i32
    %lt3A_47 = arith.constant 0 : i32
    %lt3A_48 = arith.cmpi slt, %select_n3A_41, %lt3A_47 : i32
    %ne3A_49 = arith.xori %lt3A_46, %lt3A_48 : i1
    %and3A_50 = arith.andi %ne3A_49, %ne3A_44 : i1
    %add3A_51 = arith.addi %rem3A_42, %select_n3A_41 : i32
    %select_n3A_52 = arith.select %and3A_50, %add3A_51, %rem3A_42 : i32
    %mul3A_53 = arith.constant 513 : i32
    %mul3A_54 = arith.muli %select_n3A_52, %mul3A_53 : i32
    %scan3A = arith.constant 0 : i32
    %scan3A_55 = arith.constant 0 : i32
    %scan3A_56 = arith.constant 64 : i32
    %scan3A_57 = arith.addi %scan3A_55, %scan3A_56 : i32
    %scan3A_58 = arith.constant 1 : i32
    scf.for %scan3A_197 = %scan3A_55 to %scan3A_57 step %scan3A_58  : i32 {
      %mul3A_198 = arith.constant 16 : i32
      %mul3A_199 = arith.muli %scan3A_197, %mul3A_198 : i32
      %get3A = arith.index_cast %mul3A_199 : i32 to index
      %get3A_200 = tpu.vector_load %arg9[%get3A] {strides = array<i32>} : memref<1024xi32, #tpu.memory_space<vmem>>, vector<16xi32>,
      %get3A_201 = vector.shape_cast %get3A_200 : vector<16xi32> to vector<16xi32>
      %add3A_202 = vector.broadcast %mul3A_54 : i32 to vector<16xi32>
      %add3A_203 = arith.addi %get3A_201, %add3A_202 : vector<16xi32>
      %swap3A = arith.index_cast %mul3A_199 : i32 to index
      %swap3A_204 = tpu.vector_load %arg9[%swap3A] {strides = array<i32>} : memref<1024xi32, #tpu.memory_space<vmem>>, vector<16xi32>,
      %swap3A_205 = vector.shape_cast %swap3A_204 : vector<16xi32> to vector<16xi32>
      %swap3A_206 = vector.shape_cast %add3A_203 : vector<16xi32> to vector<16xi32>
      tpu.vector_store %arg9[%swap3A], %swap3A_206 {strides = array<i32>} : memref<1024xi32, #tpu.memory_space<vmem>>, vector<16xi32>,
      %get3A_207 = arith.index_cast %mul3A_199 : i32 to index
      %get3A_208 = tpu.vector_load %arg10[%get3A_207] {strides = array<i32>} : memref<1024xi32, #tpu.memory_space<vmem>>, vector<16xi32>,
      %get3A_209 = vector.shape_cast %get3A_208 : vector<16xi32> to vector<16xi32>
      %add3A_210 = vector.broadcast %mul3A_54 : i32 to vector<16xi32>
      %add3A_211 = arith.addi %get3A_209, %add3A_210 : vector<16xi32>
      %swap3A_212 = arith.index_cast %mul3A_199 : i32 to index
      %swap3A_213 = tpu.vector_load %arg10[%swap3A_212] {strides = array<i32>} : memref<1024xi32, #tpu.memory_space<vmem>>, vector<16xi32>,
      %swap3A_214 = vector.shape_cast %swap3A_213 : vector<16xi32> to vector<16xi32>
      %swap3A_215 = vector.shape_cast %add3A_211 : vector<16xi32> to vector<16xi32>
      tpu.vector_store %arg10[%swap3A_212], %swap3A_215 {strides = array<i32>} : memref<1024xi32, #tpu.memory_space<vmem>>, vector<16xi32>,
    }
    %scan3A_59 = arith.constant 64 : i32
    %iota3A = tpu.iota {dimensions = array<i32: 0>} : vector<16xi32>
    %scan3A_60 = arith.constant 0 : i32
    %scan3A_61 = arith.constant 0 : i32
    %scan3A_62 = arith.constant 32 : i32
    %scan3A_63 = arith.addi %scan3A_61, %scan3A_62 : i32
    %scan3A_64 = arith.constant 1 : i32
    scf.for %scan3A_197 = %scan3A_61 to %scan3A_63 step %scan3A_64  : i32 {
      %mul3A_198 = arith.constant 32 : i32
      %mul3A_199 = arith.muli %scan3A_197, %mul3A_198 : i32
      %add3A_200 = arith.addi %add3A_36, %mul3A_199 : i32
      %add3A_201 = arith.constant 0 : i32
      %add3A_202 = arith.addi %add3A_200, %add3A_201 : i32
      %add3A_203 = vector.broadcast %add3A_202 : i32 to vector<16xi32>
      %add3A_204 = arith.addi %add3A_203, %iota3A : vector<16xi32>
      %mul3A_205 = arith.constant 16 : i32
      %mul3A_206 = vector.broadcast %mul3A_205 : i32 to vector<16xi32>
      %mul3A_207 = arith.muli %add3A_204, %mul3A_206 : vector<16xi32>
      %add3A_208 = vector.broadcast %select_n3A : i32 to vector<16xi32>
      %add3A_209 = arith.addi %mul3A_207, %add3A_208 : vector<16xi32>
      %swap3A = arith.index_cast %scan3A_197 : i32 to index
      %swap3A_210 = arith.constant 0 : index
      %swap3A_211 = tpu.vector_load %arg11[%swap3A, %swap3A_210] {strides = array<i32>} : memref<32x32xi32, #tpu.memory_space<vmem>>, vector<1x16xi32>,
      %swap3A_212 = vector.shape_cast %swap3A_211 : vector<1x16xi32> to vector<16xi32>
      %swap3A_213 = vector.shape_cast %add3A_209 : vector<16xi32> to vector<1x16xi32>
      tpu.vector_store %arg11[%swap3A, %swap3A_210], %swap3A_213 {strides = array<i32>} : memref<32x32xi32, #tpu.memory_space<vmem>>, vector<1x16xi32>,
      %mul3A_214 = arith.constant 32 : i32
      %mul3A_215 = arith.muli %scan3A_197, %mul3A_214 : i32
      %add3A_216 = arith.addi %add3A_36, %mul3A_215 : i32
      %add3A_217 = arith.constant 16 : i32
      %add3A_218 = arith.addi %add3A_216, %add3A_217 : i32
      %add3A_219 = vector.broadcast %add3A_218 : i32 to vector<16xi32>
      %add3A_220 = arith.addi %add3A_219, %iota3A : vector<16xi32>
      %mul3A_221 = arith.constant 16 : i32
      %mul3A_222 = vector.broadcast %mul3A_221 : i32 to vector<16xi32>
      %mul3A_223 = arith.muli %add3A_220, %mul3A_222 : vector<16xi32>
      %add3A_224 = vector.broadcast %select_n3A : i32 to vector<16xi32>
      %add3A_225 = arith.addi %mul3A_223, %add3A_224 : vector<16xi32>
      %swap3A_226 = arith.index_cast %scan3A_197 : i32 to index
      %swap3A_227 = arith.constant 16 : index
      %swap3A_228 = tpu.vector_load %arg11[%swap3A_226, %swap3A_227] {strides = array<i32>} : memref<32x32xi32, #tpu.memory_space<vmem>>, vector<1x16xi32>,
      %swap3A_229 = vector.shape_cast %swap3A_228 : vector<1x16xi32> to vector<16xi32>
      %swap3A_230 = vector.shape_cast %add3A_225 : vector<16xi32> to vector<1x16xi32>
      tpu.vector_store %arg11[%swap3A_226, %swap3A_227], %swap3A_230 {strides = array<i32>} : memref<32x32xi32, #tpu.memory_space<vmem>>, vector<1x16xi32>,
    }
    %scan3A_65 = arith.constant 32 : i32
    %eq3A_66 = arith.constant 0 : i32
    %eq3A_67 = arith.cmpi eq, %add3A, %eq3A_66 : i32
    %convert_element_type3A = arith.extui %eq3A_67 : i1 to i32
    %cond3A = arith.constant 0 : i32
    %cond3A_68 = arith.cmpi ne, %convert_element_type3A, %cond3A : i32
    scf.if %cond3A_68 {
      "tpu.region"() ({
        %run_scoped3A = tpu.sem_alloc : memref<!tpu.dma_semaphore, #tpu.memory_space<semaphore_mem>>
        %dma_start3A_1721 = arith.constant 0 : i32
        %dma_start3A_1722 = arith.constant 0 : i32
        %dma_start3A_1723 = tpu.memref_slice %arg12[%dma_start3A_1721, %dma_start3A_1722] : memref<16x256xf32, #tpu.memory_space<vmem>> -> memref<1x256xf32, #tpu.memory_space<vmem>>
        %dma_start3A_1724 = arith.constant 0 : i32
        %dma_start3A_1725 = arith.constant 0 : i32
        %dma_start3A_1726 = tpu.memref_slice %arg12[%dma_start3A_1724, %dma_start3A_1725] : memref<16x256xf32, #tpu.memory_space<vmem>> -> memref<1x256xf32, #tpu.memory_space<vmem>>
        tpu.enqueue_dma source(%arg7 : memref<1x256xf32, #tpu.memory_space<hbm>>) target(%dma_start3A_1726 : memref<1x256xf32, #tpu.memory_space<vmem>>) target_semaphore(%run_scoped3A : memref<!tpu.dma_semaphore, #tpu.memory_space<semaphore_mem>>)
        %dma_wait3A_1727 = arith.constant 0 : i32
        %dma_wait3A_1728 = arith.constant 0 : i32
        %dma_wait3A_1729 = tpu.memref_slice %arg12[%dma_wait3A_1727, %dma_wait3A_1728] : memref<16x256xf32, #tpu.memory_space<vmem>> -> memref<1x256xf32, #tpu.memory_space<vmem>>
        %dma_wait3A_1730 = arith.constant 0 : i32
        %dma_wait3A_1731 = arith.constant 0 : i32
        %dma_wait3A_1732 = tpu.memref_slice %arg12[%dma_wait3A_1730, %dma_wait3A_1731] : memref<16x256xf32, #tpu.memory_space<vmem>> -> memref<1x256xf32, #tpu.memory_space<vmem>>
        tpu.wait_dma2 semaphore(%run_scoped3A : memref<!tpu.dma_semaphore, #tpu.memory_space<semaphore_mem>>) src(%arg7 : memref<1x256xf32, #tpu.memory_space<hbm>>) dst(%dma_wait3A_1732 : memref<1x256xf32, #tpu.memory_space<vmem>>)
        tpu.yield
      }) : () -> ()
      %get3A = arith.constant 0 : i32
      %get3A_197 = arith.index_cast %get3A : i32 to index
      %get3A_198 = arith.constant 0 : index
      %get3A_199 = tpu.vector_load %arg12[%get3A_197, %get3A_198] {strides = array<i32>} : memref<16x256xf32, #tpu.memory_space<vmem>>, vector<1x16xf32>,
      %get3A_200 = vector.shape_cast %get3A_199 : vector<1x16xf32> to vector<16xf32>
      %swap3A = arith.constant 1 : i32
      %swap3A_201 = arith.index_cast %swap3A : i32 to index
      %swap3A_202 = arith.constant 0 : index
      %swap3A_203 = tpu.vector_load %arg12[%swap3A_201, %swap3A_202] {strides = array<i32>} : memref<16x256xf32, #tpu.memory_space<vmem>>, vector<1x16xf32>,
      %swap3A_204 = vector.shape_cast %swap3A_203 : vector<1x16xf32> to vector<16xf32>
      %swap3A_205 = vector.shape_cast %get3A_200 : vector<16xf32> to vector<1x16xf32>
      tpu.vector_store %arg12[%swap3A_201, %swap3A_202], %swap3A_205 {strides = array<i32>} : memref<16x256xf32, #tpu.memory_space<vmem>>, vector<1x16xf32>,
      %swap3A_206 = arith.constant 2 : i32
      %swap3A_207 = arith.index_cast %swap3A_206 : i32 to index
      %swap3A_208 = arith.constant 0 : index
      %swap3A_209 = tpu.vector_load %arg12[%swap3A_207, %swap3A_208] {strides = array<i32>} : memref<16x256xf32, #tpu.memory_space<vmem>>, vector<1x16xf32>,
      %swap3A_210 = vector.shape_cast %swap3A_209 : vector<1x16xf32> to vector<16xf32>
      %swap3A_211 = vector.shape_cast %get3A_200 : vector<16xf32> to vector<1x16xf32>
      tpu.vector_store %arg12[%swap3A_207, %swap3A_208], %swap3A_211 {strides = array<i32>} : memref<16x256xf32, #tpu.memory_space<vmem>>, vector<1x16xf32>,
      %swap3A_212 = arith.constant 3 : i32
      %swap3A_213 = arith.index_cast %swap3A_212 : i32 to index
      %swap3A_214 = arith.constant 0 : index
      %swap3A_215 = tpu.vector_load %arg12[%swap3A_213, %swap3A_214] {strides = array<i32>} : memref<16x256xf32, #tpu.memory_space<vmem>>, vector<1x16xf32>,
      %swap3A_216 = vector.shape_cast %swap3A_215 : vector<1x16xf32> to vector<16xf32>
      %swap3A_217 = vector.shape_cast %get3A_200 : vector<16xf32> to vector<1x16xf32>
      tpu.vector_store %arg12[%swap3A_213, %swap3A_214], %swap3A_217 {strides = array<i32>} : memref<16x256xf32, #tpu.memory_space<vmem>>, vector<1x16xf32>,
      %swap3A_218 = arith.constant 4 : i32
      %swap3A_219 = arith.index_cast %swap3A_218 : i32 to index
      %swap3A_220 = arith.constant 0 : index
      %swap3A_221 = tpu.vector_load %arg12[%swap3A_219, %swap3A_220] {strides = array<i32>} : memref<16x256xf32, #tpu.memory_space<vmem>>, vector<1x16xf32>,
      %swap3A_222 = vector.shape_cast %swap3A_221 : vector<1x16xf32> to vector<16xf32>
      %swap3A_223 = vector.shape_cast %get3A_200 : vector<16xf32> to vector<1x16xf32>
      tpu.vector_store %arg12[%swap3A_219, %swap3A_220], %swap3A_223 {strides = array<i32>} : memref<16x256xf32, #tpu.memory_space<vmem>>, vector<1x16xf32>,
      %swap3A_224 = arith.constant 5 : i32
      %swap3A_225 = arith.index_cast %swap3A_224 : i32 to index
      %swap3A_226 = arith.constant 0 : index
      %swap3A_227 = tpu.vector_load %arg12[%swap3A_225, %swap3A_226] {strides = array<i32>} : memref<16x256xf32, #tpu.memory_space<vmem>>, vector<1x16xf32>,
      %swap3A_228 = vector.shape_cast %swap3A_227 : vector<1x16xf32> to vector<16xf32>
      %swap3A_229 = vector.shape_cast %get3A_200 : vector<16xf32> to vector<1x16xf32>
      tpu.vector_store %arg12[%swap3A_225, %swap3A_226], %swap3A_229 {strides = array<i32>} : memref<16x256xf32, #tpu.memory_space<vmem>>, vector<1x16xf32>,
      %swap3A_230 = arith.constant 6 : i32
      %swap3A_231 = arith.index_cast %swap3A_230 : i32 to index
      %swap3A_232 = arith.constant 0 : index
      %swap3A_233 = tpu.vector_load %arg12[%swap3A_231, %swap3A_232] {strides = array<i32>} : memref<16x256xf32, #tpu.memory_space<vmem>>, vector<1x16xf32>,
      %swap3A_234 = vector.shape_cast %swap3A_233 : vector<1x16xf32> to vector<16xf32>
      %swap3A_235 = vector.shape_cast %get3A_200 : vector<16xf32> to vector<1x16xf32>
      tpu.vector_store %arg12[%swap3A_231, %swap3A_232], %swap3A_235 {strides = array<i32>} : memref<16x256xf32, #tpu.memory_space<vmem>>, vector<1x16xf32>,
      %swap3A_236 = arith.constant 7 : i32
      %swap3A_237 = arith.index_cast %swap3A_236 : i32 to index
      %swap3A_238 = arith.constant 0 : index
      %swap3A_239 = tpu.vector_load %arg12[%swap3A_237, %swap3A_238] {strides = array<i32>} : memref<16x256xf32, #tpu.memory_space<vmem>>, vector<1x16xf32>,
      %swap3A_240 = vector.shape_cast %swap3A_239 : vector<1x16xf32> to vector<16xf32>
      %swap3A_241 = vector.shape_cast %get3A_200 : vector<16xf32> to vector<1x16xf32>
      tpu.vector_store %arg12[%swap3A_237, %swap3A_238], %swap3A_241 {strides = array<i32>} : memref<16x256xf32, #tpu.memory_space<vmem>>, vector<1x16xf32>,
      %swap3A_242 = arith.constant 8 : i32
      %swap3A_243 = arith.index_cast %swap3A_242 : i32 to index
      %swap3A_244 = arith.constant 0 : index
      %swap3A_245 = tpu.vector_load %arg12[%swap3A_243, %swap3A_244] {strides = array<i32>} : memref<16x256xf32, #tpu.memory_space<vmem>>, vector<1x16xf32>,
      %swap3A_246 = vector.shape_cast %swap3A_245 : vector<1x16xf32> to vector<16xf32>
      %swap3A_247 = vector.shape_cast %get3A_200 : vector<16xf32> to vector<1x16xf32>
      tpu.vector_store %arg12[%swap3A_243, %swap3A_244], %swap3A_247 {strides = array<i32>} : memref<16x256xf32, #tpu.memory_space<vmem>>, vector<1x16xf32>,
      %swap3A_248 = arith.constant 9 : i32
      %swap3A_249 = arith.index_cast %swap3A_248 : i32 to index
      %swap3A_250 = arith.constant 0 : index
      %swap3A_251 = tpu.vector_load %arg12[%swap3A_249, %swap3A_250] {strides = array<i32>} : memref<16x256xf32, #tpu.memory_space<vmem>>, vector<1x16xf32>,
      %swap3A_252 = vector.shape_cast %swap3A_251 : vector<1x16xf32> to vector<16xf32>
      %swap3A_253 = vector.shape_cast %get3A_200 : vector<16xf32> to vector<1x16xf32>
      tpu.vector_store %arg12[%swap3A_249, %swap3A_250], %swap3A_253 {strides = array<i32>} : memref<16x256xf32, #tpu.memory_space<vmem>>, vector<1x16xf32>,
      %swap3A_254 = arith.constant 10 : i32
      %swap3A_255 = arith.index_cast %swap3A_254 : i32 to index
      %swap3A_256 = arith.constant 0 : index
      %swap3A_257 = tpu.vector_load %arg12[%swap3A_255, %swap3A_256] {strides = array<i32>} : memref<16x256xf32, #tpu.memory_space<vmem>>, vector<1x16xf32>,
      %swap3A_258 = vector.shape_cast %swap3A_257 : vector<1x16xf32> to vector<16xf32>
      %swap3A_259 = vector.shape_cast %get3A_200 : vector<16xf32> to vector<1x16xf32>
      tpu.vector_store %arg12[%swap3A_255, %swap3A_256], %swap3A_259 {strides = array<i32>} : memref<16x256xf32, #tpu.memory_space<vmem>>, vector<1x16xf32>,
      %swap3A_260 = arith.constant 11 : i32
      %swap3A_261 = arith.index_cast %swap3A_260 : i32 to index
      %swap3A_262 = arith.constant 0 : index
      %swap3A_263 = tpu.vector_load %arg12[%swap3A_261, %swap3A_262] {strides = array<i32>} : memref<16x256xf32, #tpu.memory_space<vmem>>, vector<1x16xf32>,
      %swap3A_264 = vector.shape_cast %swap3A_263 : vector<1x16xf32> to vector<16xf32>
      %swap3A_265 = vector.shape_cast %get3A_200 : vector<16xf32> to vector<1x16xf32>
      tpu.vector_store %arg12[%swap3A_261, %swap3A_262], %swap3A_265 {strides = array<i32>} : memref<16x256xf32, #tpu.memory_space<vmem>>, vector<1x16xf32>,
      %swap3A_266 = arith.constant 12 : i32
      %swap3A_267 = arith.index_cast %swap3A_266 : i32 to index
      %swap3A_268 = arith.constant 0 : index
      %swap3A_269 = tpu.vector_load %arg12[%swap3A_267, %swap3A_268] {strides = array<i32>} : memref<16x256xf32, #tpu.memory_space<vmem>>, vector<1x16xf32>,
      %swap3A_270 = vector.shape_cast %swap3A_269 : vector<1x16xf32> to vector<16xf32>
      %swap3A_271 = vector.shape_cast %get3A_200 : vector<16xf32> to vector<1x16xf32>
      tpu.vector_store %arg12[%swap3A_267, %swap3A_268], %swap3A_271 {strides = array<i32>} : memref<16x256xf32, #tpu.memory_space<vmem>>, vector<1x16xf32>,
      %swap3A_272 = arith.constant 13 : i32
      %swap3A_273 = arith.index_cast %swap3A_272 : i32 to index
      %swap3A_274 = arith.constant 0 : index
      %swap3A_275 = tpu.vector_load %arg12[%swap3A_273, %swap3A_274] {strides = array<i32>} : memref<16x256xf32, #tpu.memory_space<vmem>>, vector<1x16xf32>,
      %swap3A_276 = vector.shape_cast %swap3A_275 : vector<1x16xf32> to vector<16xf32>
      %swap3A_277 = vector.shape_cast %get3A_200 : vector<16xf32> to vector<1x16xf32>
      tpu.vector_store %arg12[%swap3A_273, %swap3A_274], %swap3A_277 {strides = array<i32>} : memref<16x256xf32, #tpu.memory_space<vmem>>, vector<1x16xf32>,
      %swap3A_278 = arith.constant 14 : i32
      %swap3A_279 = arith.index_cast %swap3A_278 : i32 to index
      %swap3A_280 = arith.constant 0 : index
      %swap3A_281 = tpu.vector_load %arg12[%swap3A_279, %swap3A_280] {strides = array<i32>} : memref<16x256xf32, #tpu.memory_space<vmem>>, vector<1x16xf32>,
      %swap3A_282 = vector.shape_cast %swap3A_281 : vector<1x16xf32> to vector<16xf32>
      %swap3A_283 = vector.shape_cast %get3A_200 : vector<16xf32> to vector<1x16xf32>
      tpu.vector_store %arg12[%swap3A_279, %swap3A_280], %swap3A_283 {strides = array<i32>} : memref<16x256xf32, #tpu.memory_space<vmem>>, vector<1x16xf32>,
      %swap3A_284 = arith.constant 15 : i32
      %swap3A_285 = arith.index_cast %swap3A_284 : i32 to index
      %swap3A_286 = arith.constant 0 : index
      %swap3A_287 = tpu.vector_load %arg12[%swap3A_285, %swap3A_286] {strides = array<i32>} : memref<16x256xf32, #tpu.memory_space<vmem>>, vector<1x16xf32>,
      %swap3A_288 = vector.shape_cast %swap3A_287 : vector<1x16xf32> to vector<16xf32>
      %swap3A_289 = vector.shape_cast %get3A_200 : vector<16xf32> to vector<1x16xf32>
      tpu.vector_store %arg12[%swap3A_285, %swap3A_286], %swap3A_289 {strides = array<i32>} : memref<16x256xf32, #tpu.memory_space<vmem>>, vector<1x16xf32>,
      %get3A_290 = arith.constant 0 : i32
      %get3A_291 = arith.index_cast %get3A_290 : i32 to index
      %get3A_292 = arith.constant 16 : index
      %get3A_293 = tpu.vector_load %arg12[%get3A_291, %get3A_292] {strides = array<i32>} : memref<16x256xf32, #tpu.memory_space<vmem>>, vector<1x16xf32>,
      %get3A_294 = vector.shape_cast %get3A_293 : vector<1x16xf32> to vector<16xf32>
      %swap3A_295 = arith.constant 1 : i32
      %swap3A_296 = arith.index_cast %swap3A_295 : i32 to index
      %swap3A_297 = arith.constant 16 : index
      %swap3A_298 = tpu.vector_load %arg12[%swap3A_296, %swap3A_297] {strides = array<i32>} : memref<16x256xf32, #tpu.memory_space<vmem>>, vector<1x16xf32>,
      %swap3A_299 = vector.shape_cast %swap3A_298 : vector<1x16xf32> to vector<16xf32>
      %swap3A_300 = vector.shape_cast %get3A_294 : vector<16xf32> to vector<1x16xf32>
      tpu.vector_store %arg12[%swap3A_296, %swap3A_297], %swap3A_300 {strides = array<i32>} : memref<16x256xf32, #tpu.memory_space<vmem>>, vector<1x16xf32>,
      %swap3A_301 = arith.constant 2 : i32
      %swap3A_302 = arith.index_cast %swap3A_301 : i32 to index
      %swap3A_303 = arith.constant 16 : index
      %swap3A_304 = tpu.vector_load %arg12[%swap3A_302, %swap3A_303] {strides = array<i32>} : memref<16x256xf32, #tpu.memory_space<vmem>>, vector<1x16xf32>,
      %swap3A_305 = vector.shape_cast %swap3A_304 : vector<1x16xf32> to vector<16xf32>
      %swap3A_306 = vector.shape_cast %get3A_294 : vector<16xf32> to vector<1x16xf32>
      tpu.vector_store %arg12[%swap3A_302, %swap3A_303], %swap3A_306 {strides = array<i32>} : memref<16x256xf32, #tpu.memory_space<vmem>>, vector<1x16xf32>,
      %swap3A_307 = arith.constant 3 : i32
      %swap3A_308 = arith.index_cast %swap3A_307 : i32 to index
      %swap3A_309 = arith.constant 16 : index
      %swap3A_310 = tpu.vector_load %arg12[%swap3A_308, %swap3A_309] {strides = array<i32>} : memref<16x256xf32, #tpu.memory_space<vmem>>, vector<1x16xf32>,
      %swap3A_311 = vector.shape_cast %swap3A_310 : vector<1x16xf32> to vector<16xf32>
      %swap3A_312 = vector.shape_cast %get3A_294 : vector<16xf32> to vector<1x16xf32>
      tpu.vector_store %arg12[%swap3A_308, %swap3A_309], %swap3A_312 {strides = array<i32>} : memref<16x256xf32, #tpu.memory_space<vmem>>, vector<1x16xf32>,
      %swap3A_313 = arith.constant 4 : i32
      %swap3A_314 = arith.index_cast %swap3A_313 : i32 to index
      %swap3A_315 = arith.constant 16 : index
      %swap3A_316 = tpu.vector_load %arg12[%swap3A_314, %swap3A_315] {strides = array<i32>} : memref<16x256xf32, #tpu.memory_space<vmem>>, vector<1x16xf32>,
      %swap3A_317 = vector.shape_cast %swap3A_316 : vector<1x16xf32> to vector<16xf32>
      %swap3A_318 = vector.shape_cast %get3A_294 : vector<16xf32> to vector<1x16xf32>
      tpu.vector_store %arg12[%swap3A_314, %swap3A_315], %swap3A_318 {strides = array<i32>} : memref<16x256xf32, #tpu.memory_space<vmem>>, vector<1x16xf32>,
      %swap3A_319 = arith.constant 5 : i32
      %swap3A_320 = arith.index_cast %swap3A_319 : i32 to index
      %swap3A_321 = arith.constant 16 : index
      %swap3A_322 = tpu.vector_load %arg12[%swap3A_320, %swap3A_321] {strides = array<i32>} : memref<16x256xf32, #tpu.memory_space<vmem>>, vector<1x16xf32>,
      %swap3A_323 = vector.shape_cast %swap3A_322 : vector<1x16xf32> to vector<16xf32>
      %swap3A_324 = vector.shape_cast %get3A_294 : vector<16xf32> to vector<1x16xf32>
      tpu.vector_store %arg12[%swap3A_320, %swap3A_321], %swap3A_324 {strides = array<i32>} : memref<16x256xf32, #tpu.memory_space<vmem>>, vector<1x16xf32>,
      %swap3A_325 = arith.constant 6 : i32
      %swap3A_326 = arith.index_cast %swap3A_325 : i32 to index
      %swap3A_327 = arith.constant 16 : index
      %swap3A_328 = tpu.vector_load %arg12[%swap3A_326, %swap3A_327] {strides = array<i32>} : memref<16x256xf32, #tpu.memory_space<vmem>>, vector<1x16xf32>,
      %swap3A_329 = vector.shape_cast %swap3A_328 : vector<1x16xf32> to vector<16xf32>
      %swap3A_330 = vector.shape_cast %get3A_294 : vector<16xf32> to vector<1x16xf32>
      tpu.vector_store %arg12[%swap3A_326, %swap3A_327], %swap3A_330 {strides = array<i32>} : memref<16x256xf32, #tpu.memory_space<vmem>>, vector<1x16xf32>,
      %swap3A_331 = arith.constant 7 : i32
      %swap3A_332 = arith.index_cast %swap3A_331 : i32 to index
      %swap3A_333 = arith.constant 16 : index
      %swap3A_334 = tpu.vector_load %arg12[%swap3A_332, %swap3A_333] {strides = array<i32>} : memref<16x256xf32, #tpu.memory_space<vmem>>, vector<1x16xf32>,
      %swap3A_335 = vector.shape_cast %swap3A_334 : vector<1x16xf32> to vector<16xf32>
      %swap3A_336 = vector.shape_cast %get3A_294 : vector<16xf32> to vector<1x16xf32>
      tpu.vector_store %arg12[%swap3A_332, %swap3A_333], %swap3A_336 {strides = array<i32>} : memref<16x256xf32, #tpu.memory_space<vmem>>, vector<1x16xf32>,
      %swap3A_337 = arith.constant 8 : i32
      %swap3A_338 = arith.index_cast %swap3A_337 : i32 to index
      %swap3A_339 = arith.constant 16 : index
      %swap3A_340 = tpu.vector_load %arg12[%swap3A_338, %swap3A_339] {strides = array<i32>} : memref<16x256xf32, #tpu.memory_space<vmem>>, vector<1x16xf32>,
      %swap3A_341 = vector.shape_cast %swap3A_340 : vector<1x16xf32> to vector<16xf32>
      %swap3A_342 = vector.shape_cast %get3A_294 : vector<16xf32> to vector<1x16xf32>
      tpu.vector_store %arg12[%swap3A_338, %swap3A_339], %swap3A_342 {strides = array<i32>} : memref<16x256xf32, #tpu.memory_space<vmem>>, vector<1x16xf32>,
      %swap3A_343 = arith.constant 9 : i32
      %swap3A_344 = arith.index_cast %swap3A_343 : i32 to index
      %swap3A_345 = arith.constant 16 : index
      %swap3A_346 = tpu.vector_load %arg12[%swap3A_344, %swap3A_345] {strides = array<i32>} : memref<16x256xf32, #tpu.memory_space<vmem>>, vector<1x16xf32>,
      %swap3A_347 = vector.shape_cast %swap3A_346 : vector<1x16xf32> to vector<16xf32>
      %swap3A_348 = vector.shape_cast %get3A_294 : vector<16xf32> to vector<1x16xf32>
      tpu.vector_store %arg12[%swap3A_344, %swap3A_345], %swap3A_348 {strides = array<i32>} : memref<16x256xf32, #tpu.memory_space<vmem>>, vector<1x16xf32>,
      %swap3A_349 = arith.constant 10 : i32
      %swap3A_350 = arith.index_cast %swap3A_349 : i32 to index
      %swap3A_351 = arith.constant 16 : index
      %swap3A_352 = tpu.vector_load %arg12[%swap3A_350, %swap3A_351] {strides = array<i32>} : memref<16x256xf32, #tpu.memory_space<vmem>>, vector<1x16xf32>,
      %swap3A_353 = vector.shape_cast %swap3A_352 : vector<1x16xf32> to vector<16xf32>
      %swap3A_354 = vector.shape_cast %get3A_294 : vector<16xf32> to vector<1x16xf32>
      tpu.vector_store %arg12[%swap3A_350, %swap3A_351], %swap3A_354 {strides = array<i32>} : memref<16x256xf32, #tpu.memory_space<vmem>>, vector<1x16xf32>,
      %swap3A_355 = arith.constant 11 : i32
      %swap3A_356 = arith.index_cast %swap3A_355 : i32 to index
      %swap3A_357 = arith.constant 16 : index
      %swap3A_358 = tpu.vector_load %arg12[%swap3A_356, %swap3A_357] {strides = array<i32>} : memref<16x256xf32, #tpu.memory_space<vmem>>, vector<1x16xf32>,
      %swap3A_359 = vector.shape_cast %swap3A_358 : vector<1x16xf32> to vector<16xf32>
      %swap3A_360 = vector.shape_cast %get3A_294 : vector<16xf32> to vector<1x16xf32>
      tpu.vector_store %arg12[%swap3A_356, %swap3A_357], %swap3A_360 {strides = array<i32>} : memref<16x256xf32, #tpu.memory_space<vmem>>, vector<1x16xf32>,
      %swap3A_361 = arith.constant 12 : i32
      %swap3A_362 = arith.index_cast %swap3A_361 : i32 to index
      %swap3A_363 = arith.constant 16 : index
      %swap3A_364 = tpu.vector_load %arg12[%swap3A_362, %swap3A_363] {strides = array<i32>} : memref<16x256xf32, #tpu.memory_space<vmem>>, vector<1x16xf32>,
      %swap3A_365 = vector.shape_cast %swap3A_364 : vector<1x16xf32> to vector<16xf32>
      %swap3A_366 = vector.shape_cast %get3A_294 : vector<16xf32> to vector<1x16xf32>
      tpu.vector_store %arg12[%swap3A_362, %swap3A_363], %swap3A_366 {strides = array<i32>} : memref<16x256xf32, #tpu.memory_space<vmem>>, vector<1x16xf32>,
      %swap3A_367 = arith.constant 13 : i32
      %swap3A_368 = arith.index_cast %swap3A_367 : i32 to index
      %swap3A_369 = arith.constant 16 : index
      %swap3A_370 = tpu.vector_load %arg12[%swap3A_368, %swap3A_369] {strides = array<i32>} : memref<16x256xf32, #tpu.memory_space<vmem>>, vector<1x16xf32>,
      %swap3A_371 = vector.shape_cast %swap3A_370 : vector<1x16xf32> to vector<16xf32>
      %swap3A_372 = vector.shape_cast %get3A_294 : vector<16xf32> to vector<1x16xf32>
      tpu.vector_store %arg12[%swap3A_368, %swap3A_369], %swap3A_372 {strides = array<i32>} : memref<16x256xf32, #tpu.memory_space<vmem>>, vector<1x16xf32>,
      %swap3A_373 = arith.constant 14 : i32
      %swap3A_374 = arith.index_cast %swap3A_373 : i32 to index
      %swap3A_375 = arith.constant 16 : index
      %swap3A_376 = tpu.vector_load %arg12[%swap3A_374, %swap3A_375] {strides = array<i32>} : memref<16x256xf32, #tpu.memory_space<vmem>>, vector<1x16xf32>,
      %swap3A_377 = vector.shape_cast %swap3A_376 : vector<1x16xf32> to vector<16xf32>
      %swap3A_378 = vector.shape_cast %get3A_294 : vector<16xf32> to vector<1x16xf32>
      tpu.vector_store %arg12[%swap3A_374, %swap3A_375], %swap3A_378 {strides = array<i32>} : memref<16x256xf32, #tpu.memory_space<vmem>>, vector<1x16xf32>,
      %swap3A_379 = arith.constant 15 : i32
      %swap3A_380 = arith.index_cast %swap3A_379 : i32 to index
      %swap3A_381 = arith.constant 16 : index
      %swap3A_382 = tpu.vector_load %arg12[%swap3A_380, %swap3A_381] {strides = array<i32>} : memref<16x256xf32, #tpu.memory_space<vmem>>, vector<1x16xf32>,
      %swap3A_383 = vector.shape_cast %swap3A_382 : vector<1x16xf32> to vector<16xf32>
      %swap3A_384 = vector.shape_cast %get3A_294 : vector<16xf32> to vector<1x16xf32>
      tpu.vector_store %arg12[%swap3A_380, %swap3A_381], %swap3A_384 {strides = array<i32>} : memref<16x256xf32, #tpu.memory_space<vmem>>, vector<1x16xf32>,
      %get3A_385 = arith.constant 0 : i32
      %get3A_386 = arith.index_cast %get3A_385 : i32 to index
      %get3A_387 = arith.constant 32 : index
      %get3A_388 = tpu.vector_load %arg12[%get3A_386, %get3A_387] {strides = array<i32>} : memref<16x256xf32, #tpu.memory_space<vmem>>, vector<1x16xf32>,
      %get3A_389 = vector.shape_cast %get3A_388 : vector<1x16xf32> to vector<16xf32>
      %swap3A_390 = arith.constant 1 : i32
      %swap3A_391 = arith.index_cast %swap3A_390 : i32 to index
      %swap3A_392 = arith.constant 32 : index
      %swap3A_393 = tpu.vector_load %arg12[%swap3A_391, %swap3A_392] {strides = array<i32>} : memref<16x256xf32, #tpu.memory_space<vmem>>, vector<1x16xf32>,
      %swap3A_394 = vector.shape_cast %swap3A_393 : vector<1x16xf32> to vector<16xf32>
      %swap3A_395 = vector.shape_cast %get3A_389 : vector<16xf32> to vector<1x16xf32>
      tpu.vector_store %arg12[%swap3A_391, %swap3A_392], %swap3A_395 {strides = array<i32>} : memref<16x256xf32, #tpu.memory_space<vmem>>, vector<1x16xf32>,
      %swap3A_396 = arith.constant 2 : i32
      %swap3A_397 = arith.index_cast %swap3A_396 : i32 to index
      %swap3A_398 = arith.constant 32 : index
      %swap3A_399 = tpu.vector_load %arg12[%swap3A_397, %swap3A_398] {strides = array<i32>} : memref<16x256xf32, #tpu.memory_space<vmem>>, vector<1x16xf32>,
      %swap3A_400 = vector.shape_cast %swap3A_399 : vector<1x16xf32> to vector<16xf32>
      %swap3A_401 = vector.shape_cast %get3A_389 : vector<16xf32> to vector<1x16xf32>
      tpu.vector_store %arg12[%swap3A_397, %swap3A_398], %swap3A_401 {strides = array<i32>} : memref<16x256xf32, #tpu.memory_space<vmem>>, vector<1x16xf32>,
      %swap3A_402 = arith.constant 3 : i32
      %swap3A_403 = arith.index_cast %swap3A_402 : i32 to index
      %swap3A_404 = arith.constant 32 : index
      %swap3A_405 = tpu.vector_load %arg12[%swap3A_403, %swap3A_404] {strides = array<i32>} : memref<16x256xf32, #tpu.memory_space<vmem>>, vector<1x16xf32>,
      %swap3A_406 = vector.shape_cast %swap3A_405 : vector<1x16xf32> to vector<16xf32>
      %swap3A_407 = vector.shape_cast %get3A_389 : vector<16xf32> to vector<1x16xf32>
      tpu.vector_store %arg12[%swap3A_403, %swap3A_404], %swap3A_407 {strides = array<i32>} : memref<16x256xf32, #tpu.memory_space<vmem>>, vector<1x16xf32>,
      %swap3A_408 = arith.constant 4 : i32
      %swap3A_409 = arith.index_cast %swap3A_408 : i32 to index
      %swap3A_410 = arith.constant 32 : index
      %swap3A_411 = tpu.vector_load %arg12[%swap3A_409, %swap3A_410] {strides = array<i32>} : memref<16x256xf32, #tpu.memory_space<vmem>>, vector<1x16xf32>,
      %swap3A_412 = vector.shape_cast %swap3A_411 : vector<1x16xf32> to vector<16xf32>
      %swap3A_413 = vector.shape_cast %get3A_389 : vector<16xf32> to vector<1x16xf32>
      tpu.vector_store %arg12[%swap3A_409, %swap3A_410], %swap3A_413 {strides = array<i32>} : memref<16x256xf32, #tpu.memory_space<vmem>>, vector<1x16xf32>,
      %swap3A_414 = arith.constant 5 : i32
      %swap3A_415 = arith.index_cast %swap3A_414 : i32 to index
      %swap3A_416 = arith.constant 32 : index
      %swap3A_417 = tpu.vector_load %arg12[%swap3A_415, %swap3A_416] {strides = array<i32>} : memref<16x256xf32, #tpu.memory_space<vmem>>, vector<1x16xf32>,
      %swap3A_418 = vector.shape_cast %swap3A_417 : vector<1x16xf32> to vector<16xf32>
      %swap3A_419 = vector.shape_cast %get3A_389 : vector<16xf32> to vector<1x16xf32>
      tpu.vector_store %arg12[%swap3A_415, %swap3A_416], %swap3A_419 {strides = array<i32>} : memref<16x256xf32, #tpu.memory_space<vmem>>, vector<1x16xf32>,
      %swap3A_420 = arith.constant 6 : i32
      %swap3A_421 = arith.index_cast %swap3A_420 : i32 to index
      %swap3A_422 = arith.constant 32 : index
      %swap3A_423 = tpu.vector_load %arg12[%swap3A_421, %swap3A_422] {strides = array<i32>} : memref<16x256xf32, #tpu.memory_space<vmem>>, vector<1x16xf32>,
      %swap3A_424 = vector.shape_cast %swap3A_423 : vector<1x16xf32> to vector<16xf32>
      %swap3A_425 = vector.shape_cast %get3A_389 : vector<16xf32> to vector<1x16xf32>
      tpu.vector_store %arg12[%swap3A_421, %swap3A_422], %swap3A_425 {strides = array<i32>} : memref<16x256xf32, #tpu.memory_space<vmem>>, vector<1x16xf32>,
      %swap3A_426 = arith.constant 7 : i32
      %swap3A_427 = arith.index_cast %swap3A_426 : i32 to index
      %swap3A_428 = arith.constant 32 : index
      %swap3A_429 = tpu.vector_load %arg12[%swap3A_427, %swap3A_428] {strides = array<i32>} : memref<16x256xf32, #tpu.memory_space<vmem>>, vector<1x16xf32>,
      %swap3A_430 = vector.shape_cast %swap3A_429 : vector<1x16xf32> to vector<16xf32>
      %swap3A_431 = vector.shape_cast %get3A_389 : vector<16xf32> to vector<1x16xf32>
      tpu.vector_store %arg12[%swap3A_427, %swap3A_428], %swap3A_431 {strides = array<i32>} : memref<16x256xf32, #tpu.memory_space<vmem>>, vector<1x16xf32>,
      %swap3A_432 = arith.constant 8 : i32
      %swap3A_433 = arith.index_cast %swap3A_432 : i32 to index
      %swap3A_434 = arith.constant 32 : index
      %swap3A_435 = tpu.vector_load %arg12[%swap3A_433, %swap3A_434] {strides = array<i32>} : memref<16x256xf32, #tpu.memory_space<vmem>>, vector<1x16xf32>,
      %swap3A_436 = vector.shape_cast %swap3A_435 : vector<1x16xf32> to vector<16xf32>
      %swap3A_437 = vector.shape_cast %get3A_389 : vector<16xf32> to vector<1x16xf32>
      tpu.vector_store %arg12[%swap3A_433, %swap3A_434], %swap3A_437 {strides = array<i32>} : memref<16x256xf32, #tpu.memory_space<vmem>>, vector<1x16xf32>,
      %swap3A_438 = arith.constant 9 : i32
      %swap3A_439 = arith.index_cast %swap3A_438 : i32 to index
      %swap3A_440 = arith.constant 32 : index
      %swap3A_441 = tpu.vector_load %arg12[%swap3A_439, %swap3A_440] {strides = array<i32>} : memref<16x256xf32, #tpu.memory_space<vmem>>, vector<1x16xf32>,
      %swap3A_442 = vector.shape_cast %swap3A_441 : vector<1x16xf32> to vector<16xf32>
      %swap3A_443 = vector.shape_cast %get3A_389 : vector<16xf32> to vector<1x16xf32>
      tpu.vector_store %arg12[%swap3A_439, %swap3A_440], %swap3A_443 {strides = array<i32>} : memref<16x256xf32, #tpu.memory_space<vmem>>, vector<1x16xf32>,
      %swap3A_444 = arith.constant 10 : i32
      %swap3A_445 = arith.index_cast %swap3A_444 : i32 to index
      %swap3A_446 = arith.constant 32 : index
      %swap3A_447 = tpu.vector_load %arg12[%swap3A_445, %swap3A_446] {strides = array<i32>} : memref<16x256xf32, #tpu.memory_space<vmem>>, vector<1x16xf32>,
      %swap3A_448 = vector.shape_cast %swap3A_447 : vector<1x16xf32> to vector<16xf32>
      %swap3A_449 = vector.shape_cast %get3A_389 : vector<16xf32> to vector<1x16xf32>
      tpu.vector_store %arg12[%swap3A_445, %swap3A_446], %swap3A_449 {strides = array<i32>} : memref<16x256xf32, #tpu.memory_space<vmem>>, vector<1x16xf32>,
      %swap3A_450 = arith.constant 11 : i32
      %swap3A_451 = arith.index_cast %swap3A_450 : i32 to index
      %swap3A_452 = arith.constant 32 : index
      %swap3A_453 = tpu.vector_load %arg12[%swap3A_451, %swap3A_452] {strides = array<i32>} : memref<16x256xf32, #tpu.memory_space<vmem>>, vector<1x16xf32>,
      %swap3A_454 = vector.shape_cast %swap3A_453 : vector<1x16xf32> to vector<16xf32>
      %swap3A_455 = vector.shape_cast %get3A_389 : vector<16xf32> to vector<1x16xf32>
      tpu.vector_store %arg12[%swap3A_451, %swap3A_452], %swap3A_455 {strides = array<i32>} : memref<16x256xf32, #tpu.memory_space<vmem>>, vector<1x16xf32>,
      %swap3A_456 = arith.constant 12 : i32
      %swap3A_457 = arith.index_cast %swap3A_456 : i32 to index
      %swap3A_458 = arith.constant 32 : index
      %swap3A_459 = tpu.vector_load %arg12[%swap3A_457, %swap3A_458] {strides = array<i32>} : memref<16x256xf32, #tpu.memory_space<vmem>>, vector<1x16xf32>,
      %swap3A_460 = vector.shape_cast %swap3A_459 : vector<1x16xf32> to vector<16xf32>
      %swap3A_461 = vector.shape_cast %get3A_389 : vector<16xf32> to vector<1x16xf32>
      tpu.vector_store %arg12[%swap3A_457, %swap3A_458], %swap3A_461 {strides = array<i32>} : memref<16x256xf32, #tpu.memory_space<vmem>>, vector<1x16xf32>,
      %swap3A_462 = arith.constant 13 : i32
      %swap3A_463 = arith.index_cast %swap3A_462 : i32 to index
      %swap3A_464 = arith.constant 32 : index
      %swap3A_465 = tpu.vector_load %arg12[%swap3A_463, %swap3A_464] {strides = array<i32>} : memref<16x256xf32, #tpu.memory_space<vmem>>, vector<1x16xf32>,
      %swap3A_466 = vector.shape_cast %swap3A_465 : vector<1x16xf32> to vector<16xf32>
      %swap3A_467 = vector.shape_cast %get3A_389 : vector<16xf32> to vector<1x16xf32>
      tpu.vector_store %arg12[%swap3A_463, %swap3A_464], %swap3A_467 {strides = array<i32>} : memref<16x256xf32, #tpu.memory_space<vmem>>, vector<1x16xf32>,
      %swap3A_468 = arith.constant 14 : i32
      %swap3A_469 = arith.index_cast %swap3A_468 : i32 to index
      %swap3A_470 = arith.constant 32 : index
      %swap3A_471 = tpu.vector_load %arg12[%swap3A_469, %swap3A_470] {strides = array<i32>} : memref<16x256xf32, #tpu.memory_space<vmem>>, vector<1x16xf32>,
      %swap3A_472 = vector.shape_cast %swap3A_471 : vector<1x16xf32> to vector<16xf32>
      %swap3A_473 = vector.shape_cast %get3A_389 : vector<16xf32> to vector<1x16xf32>
      tpu.vector_store %arg12[%swap3A_469, %swap3A_470], %swap3A_473 {strides = array<i32>} : memref<16x256xf32, #tpu.memory_space<vmem>>, vector<1x16xf32>,
      %swap3A_474 = arith.constant 15 : i32
      %swap3A_475 = arith.index_cast %swap3A_474 : i32 to index
      %swap3A_476 = arith.constant 32 : index
      %swap3A_477 = tpu.vector_load %arg12[%swap3A_475, %swap3A_476] {strides = array<i32>} : memref<16x256xf32, #tpu.memory_space<vmem>>, vector<1x16xf32>,
      %swap3A_478 = vector.shape_cast %swap3A_477 : vector<1x16xf32> to vector<16xf32>
      %swap3A_479 = vector.shape_cast %get3A_389 : vector<16xf32> to vector<1x16xf32>
      tpu.vector_store %arg12[%swap3A_475, %swap3A_476], %swap3A_479 {strides = array<i32>} : memref<16x256xf32, #tpu.memory_space<vmem>>, vector<1x16xf32>,
      %get3A_480 = arith.constant 0 : i32
      %get3A_481 = arith.index_cast %get3A_480 : i32 to index
      %get3A_482 = arith.constant 48 : index
      %get3A_483 = tpu.vector_load %arg12[%get3A_481, %get3A_482] {strides = array<i32>} : memref<16x256xf32, #tpu.memory_space<vmem>>, vector<1x16xf32>,
      %get3A_484 = vector.shape_cast %get3A_483 : vector<1x16xf32> to vector<16xf32>
      %swap3A_485 = arith.constant 1 : i32
      %swap3A_486 = arith.index_cast %swap3A_485 : i32 to index
      %swap3A_487 = arith.constant 48 : index
      %swap3A_488 = tpu.vector_load %arg12[%swap3A_486, %swap3A_487] {strides = array<i32>} : memref<16x256xf32, #tpu.memory_space<vmem>>, vector<1x16xf32>,
      %swap3A_489 = vector.shape_cast %swap3A_488 : vector<1x16xf32> to vector<16xf32>
      %swap3A_490 = vector.shape_cast %get3A_484 : vector<16xf32> to vector<1x16xf32>
      tpu.vector_store %arg12[%swap3A_486, %swap3A_487], %swap3A_490 {strides = array<i32>} : memref<16x256xf32, #tpu.memory_space<vmem>>, vector<1x16xf32>,
      %swap3A_491 = arith.constant 2 : i32
      %swap3A_492 = arith.index_cast %swap3A_491 : i32 to index
      %swap3A_493 = arith.constant 48 : index
      %swap3A_494 = tpu.vector_load %arg12[%swap3A_492, %swap3A_493] {strides = array<i32>} : memref<16x256xf32, #tpu.memory_space<vmem>>, vector<1x16xf32>,
      %swap3A_495 = vector.shape_cast %swap3A_494 : vector<1x16xf32> to vector<16xf32>
      %swap3A_496 = vector.shape_cast %get3A_484 : vector<16xf32> to vector<1x16xf32>
      tpu.vector_store %arg12[%swap3A_492, %swap3A_493], %swap3A_496 {strides = array<i32>} : memref<16x256xf32, #tpu.memory_space<vmem>>, vector<1x16xf32>,
      %swap3A_497 = arith.constant 3 : i32
      %swap3A_498 = arith.index_cast %swap3A_497 : i32 to index
      %swap3A_499 = arith.constant 48 : index
      %swap3A_500 = tpu.vector_load %arg12[%swap3A_498, %swap3A_499] {strides = array<i32>} : memref<16x256xf32, #tpu.memory_space<vmem>>, vector<1x16xf32>,
      %swap3A_501 = vector.shape_cast %swap3A_500 : vector<1x16xf32> to vector<16xf32>
      %swap3A_502 = vector.shape_cast %get3A_484 : vector<16xf32> to vector<1x16xf32>
      tpu.vector_store %arg12[%swap3A_498, %swap3A_499], %swap3A_502 {strides = array<i32>} : memref<16x256xf32, #tpu.memory_space<vmem>>, vector<1x16xf32>,
      %swap3A_503 = arith.constant 4 : i32
      %swap3A_504 = arith.index_cast %swap3A_503 : i32 to index
      %swap3A_505 = arith.constant 48 : index
      %swap3A_506 = tpu.vector_load %arg12[%swap3A_504, %swap3A_505] {strides = array<i32>} : memref<16x256xf32, #tpu.memory_space<vmem>>, vector<1x16xf32>,
      %swap3A_507 = vector.shape_cast %swap3A_506 : vector<1x16xf32> to vector<16xf32>
      %swap3A_508 = vector.shape_cast %get3A_484 : vector<16xf32> to vector<1x16xf32>
      tpu.vector_store %arg12[%swap3A_504, %swap3A_505], %swap3A_508 {strides = array<i32>} : memref<16x256xf32, #tpu.memory_space<vmem>>, vector<1x16xf32>,
      %swap3A_509 = arith.constant 5 : i32
      %swap3A_510 = arith.index_cast %swap3A_509 : i32 to index
      %swap3A_511 = arith.constant 48 : index
      %swap3A_512 = tpu.vector_load %arg12[%swap3A_510, %swap3A_511] {strides = array<i32>} : memref<16x256xf32, #tpu.memory_space<vmem>>, vector<1x16xf32>,
      %swap3A_513 = vector.shape_cast %swap3A_512 : vector<1x16xf32> to vector<16xf32>
      %swap3A_514 = vector.shape_cast %get3A_484 : vector<16xf32> to vector<1x16xf32>
      tpu.vector_store %arg12[%swap3A_510, %swap3A_511], %swap3A_514 {strides = array<i32>} : memref<16x256xf32, #tpu.memory_space<vmem>>, vector<1x16xf32>,
      %swap3A_515 = arith.constant 6 : i32
      %swap3A_516 = arith.index_cast %swap3A_515 : i32 to index
      %swap3A_517 = arith.constant 48 : index
      %swap3A_518 = tpu.vector_load %arg12[%swap3A_516, %swap3A_517] {strides = array<i32>} : memref<16x256xf32, #tpu.memory_space<vmem>>, vector<1x16xf32>,
      %swap3A_519 = vector.shape_cast %swap3A_518 : vector<1x16xf32> to vector<16xf32>
      %swap3A_520 = vector.shape_cast %get3A_484 : vector<16xf32> to vector<1x16xf32>
      tpu.vector_store %arg12[%swap3A_516, %swap3A_517], %swap3A_520 {strides = array<i32>} : memref<16x256xf32, #tpu.memory_space<vmem>>, vector<1x16xf32>,
      %swap3A_521 = arith.constant 7 : i32
      %swap3A_522 = arith.index_cast %swap3A_521 : i32 to index
      %swap3A_523 = arith.constant 48 : index
      %swap3A_524 = tpu.vector_load %arg12[%swap3A_522, %swap3A_523] {strides = array<i32>} : memref<16x256xf32, #tpu.memory_space<vmem>>, vector<1x16xf32>,
      %swap3A_525 = vector.shape_cast %swap3A_524 : vector<1x16xf32> to vector<16xf32>
      %swap3A_526 = vector.shape_cast %get3A_484 : vector<16xf32> to vector<1x16xf32>
      tpu.vector_store %arg12[%swap3A_522, %swap3A_523], %swap3A_526 {strides = array<i32>} : memref<16x256xf32, #tpu.memory_space<vmem>>, vector<1x16xf32>,
      %swap3A_527 = arith.constant 8 : i32
      %swap3A_528 = arith.index_cast %swap3A_527 : i32 to index
      %swap3A_529 = arith.constant 48 : index
      %swap3A_530 = tpu.vector_load %arg12[%swap3A_528, %swap3A_529] {strides = array<i32>} : memref<16x256xf32, #tpu.memory_space<vmem>>, vector<1x16xf32>,
      %swap3A_531 = vector.shape_cast %swap3A_530 : vector<1x16xf32> to vector<16xf32>
      %swap3A_532 = vector.shape_cast %get3A_484 : vector<16xf32> to vector<1x16xf32>
      tpu.vector_store %arg12[%swap3A_528, %swap3A_529], %swap3A_532 {strides = array<i32>} : memref<16x256xf32, #tpu.memory_space<vmem>>, vector<1x16xf32>,
      %swap3A_533 = arith.constant 9 : i32
      %swap3A_534 = arith.index_cast %swap3A_533 : i32 to index
      %swap3A_535 = arith.constant 48 : index
      %swap3A_536 = tpu.vector_load %arg12[%swap3A_534, %swap3A_535] {strides = array<i32>} : memref<16x256xf32, #tpu.memory_space<vmem>>, vector<1x16xf32>,
      %swap3A_537 = vector.shape_cast %swap3A_536 : vector<1x16xf32> to vector<16xf32>
      %swap3A_538 = vector.shape_cast %get3A_484 : vector<16xf32> to vector<1x16xf32>
      tpu.vector_store %arg12[%swap3A_534, %swap3A_535], %swap3A_538 {strides = array<i32>} : memref<16x256xf32, #tpu.memory_space<vmem>>, vector<1x16xf32>,
      %swap3A_539 = arith.constant 10 : i32
      %swap3A_540 = arith.index_cast %swap3A_539 : i32 to index
      %swap3A_541 = arith.constant 48 : index
      %swap3A_542 = tpu.vector_load %arg12[%swap3A_540, %swap3A_541] {strides = array<i32>} : memref<16x256xf32, #tpu.memory_space<vmem>>, vector<1x16xf32>,
      %swap3A_543 = vector.shape_cast %swap3A_542 : vector<1x16xf32> to vector<16xf32>
      %swap3A_544 = vector.shape_cast %get3A_484 : vector<16xf32> to vector<1x16xf32>
      tpu.vector_store %arg12[%swap3A_540, %swap3A_541], %swap3A_544 {strides = array<i32>} : memref<16x256xf32, #tpu.memory_space<vmem>>, vector<1x16xf32>,
      %swap3A_545 = arith.constant 11 : i32
      %swap3A_546 = arith.index_cast %swap3A_545 : i32 to index
      %swap3A_547 = arith.constant 48 : index
      %swap3A_548 = tpu.vector_load %arg12[%swap3A_546, %swap3A_547] {strides = array<i32>} : memref<16x256xf32, #tpu.memory_space<vmem>>, vector<1x16xf32>,
      %swap3A_549 = vector.shape_cast %swap3A_548 : vector<1x16xf32> to vector<16xf32>
      %swap3A_550 = vector.shape_cast %get3A_484 : vector<16xf32> to vector<1x16xf32>
      tpu.vector_store %arg12[%swap3A_546, %swap3A_547], %swap3A_550 {strides = array<i32>} : memref<16x256xf32, #tpu.memory_space<vmem>>, vector<1x16xf32>,
      %swap3A_551 = arith.constant 12 : i32
      %swap3A_552 = arith.index_cast %swap3A_551 : i32 to index
      %swap3A_553 = arith.constant 48 : index
      %swap3A_554 = tpu.vector_load %arg12[%swap3A_552, %swap3A_553] {strides = array<i32>} : memref<16x256xf32, #tpu.memory_space<vmem>>, vector<1x16xf32>,
      %swap3A_555 = vector.shape_cast %swap3A_554 : vector<1x16xf32> to vector<16xf32>
      %swap3A_556 = vector.shape_cast %get3A_484 : vector<16xf32> to vector<1x16xf32>
      tpu.vector_store %arg12[%swap3A_552, %swap3A_553], %swap3A_556 {strides = array<i32>} : memref<16x256xf32, #tpu.memory_space<vmem>>, vector<1x16xf32>,
      %swap3A_557 = arith.constant 13 : i32
      %swap3A_558 = arith.index_cast %swap3A_557 : i32 to index
      %swap3A_559 = arith.constant 48 : index
      %swap3A_560 = tpu.vector_load %arg12[%swap3A_558, %swap3A_559] {strides = array<i32>} : memref<16x256xf32, #tpu.memory_space<vmem>>, vector<1x16xf32>,
      %swap3A_561 = vector.shape_cast %swap3A_560 : vector<1x16xf32> to vector<16xf32>
      %swap3A_562 = vector.shape_cast %get3A_484 : vector<16xf32> to vector<1x16xf32>
      tpu.vector_store %arg12[%swap3A_558, %swap3A_559], %swap3A_562 {strides = array<i32>} : memref<16x256xf32, #tpu.memory_space<vmem>>, vector<1x16xf32>,
      %swap3A_563 = arith.constant 14 : i32
      %swap3A_564 = arith.index_cast %swap3A_563 : i32 to index
      %swap3A_565 = arith.constant 48 : index
      %swap3A_566 = tpu.vector_load %arg12[%swap3A_564, %swap3A_565] {strides = array<i32>} : memref<16x256xf32, #tpu.memory_space<vmem>>, vector<1x16xf32>,
      %swap3A_567 = vector.shape_cast %swap3A_566 : vector<1x16xf32> to vector<16xf32>
      %swap3A_568 = vector.shape_cast %get3A_484 : vector<16xf32> to vector<1x16xf32>
      tpu.vector_store %arg12[%swap3A_564, %swap3A_565], %swap3A_568 {strides = array<i32>} : memref<16x256xf32, #tpu.memory_space<vmem>>, vector<1x16xf32>,
      %swap3A_569 = arith.constant 15 : i32
      %swap3A_570 = arith.index_cast %swap3A_569 : i32 to index
      %swap3A_571 = arith.constant 48 : index
      %swap3A_572 = tpu.vector_load %arg12[%swap3A_570, %swap3A_571] {strides = array<i32>} : memref<16x256xf32, #tpu.memory_space<vmem>>, vector<1x16xf32>,
      %swap3A_573 = vector.shape_cast %swap3A_572 : vector<1x16xf32> to vector<16xf32>
      %swap3A_574 = vector.shape_cast %get3A_484 : vector<16xf32> to vector<1x16xf32>
      tpu.vector_store %arg12[%swap3A_570, %swap3A_571], %swap3A_574 {strides = array<i32>} : memref<16x256xf32, #tpu.memory_space<vmem>>, vector<1x16xf32>,
      %get3A_575 = arith.constant 0 : i32
      %get3A_576 = arith.index_cast %get3A_575 : i32 to index
      %get3A_577 = arith.constant 64 : index
      %get3A_578 = tpu.vector_load %arg12[%get3A_576, %get3A_577] {strides = array<i32>} : memref<16x256xf32, #tpu.memory_space<vmem>>, vector<1x16xf32>,
      %get3A_579 = vector.shape_cast %get3A_578 : vector<1x16xf32> to vector<16xf32>
      %swap3A_580 = arith.constant 1 : i32
      %swap3A_581 = arith.index_cast %swap3A_580 : i32 to index
      %swap3A_582 = arith.constant 64 : index
      %swap3A_583 = tpu.vector_load %arg12[%swap3A_581, %swap3A_582] {strides = array<i32>} : memref<16x256xf32, #tpu.memory_space<vmem>>, vector<1x16xf32>,
      %swap3A_584 = vector.shape_cast %swap3A_583 : vector<1x16xf32> to vector<16xf32>
      %swap3A_585 = vector.shape_cast %get3A_579 : vector<16xf32> to vector<1x16xf32>
      tpu.vector_store %arg12[%swap3A_581, %swap3A_582], %swap3A_585 {strides = array<i32>} : memref<16x256xf32, #tpu.memory_space<vmem>>, vector<1x16xf32>,
      %swap3A_586 = arith.constant 2 : i32
      %swap3A_587 = arith.index_cast %swap3A_586 : i32 to index
      %swap3A_588 = arith.constant 64 : index
      %swap3A_589 = tpu.vector_load %arg12[%swap3A_587, %swap3A_588] {strides = array<i32>} : memref<16x256xf32, #tpu.memory_space<vmem>>, vector<1x16xf32>,
      %swap3A_590 = vector.shape_cast %swap3A_589 : vector<1x16xf32> to vector<16xf32>
      %swap3A_591 = vector.shape_cast %get3A_579 : vector<16xf32> to vector<1x16xf32>
      tpu.vector_store %arg12[%swap3A_587, %swap3A_588], %swap3A_591 {strides = array<i32>} : memref<16x256xf32, #tpu.memory_space<vmem>>, vector<1x16xf32>,
      %swap3A_592 = arith.constant 3 : i32
      %swap3A_593 = arith.index_cast %swap3A_592 : i32 to index
      %swap3A_594 = arith.constant 64 : index
      %swap3A_595 = tpu.vector_load %arg12[%swap3A_593, %swap3A_594] {strides = array<i32>} : memref<16x256xf32, #tpu.memory_space<vmem>>, vector<1x16xf32>,
      %swap3A_596 = vector.shape_cast %swap3A_595 : vector<1x16xf32> to vector<16xf32>
      %swap3A_597 = vector.shape_cast %get3A_579 : vector<16xf32> to vector<1x16xf32>
      tpu.vector_store %arg12[%swap3A_593, %swap3A_594], %swap3A_597 {strides = array<i32>} : memref<16x256xf32, #tpu.memory_space<vmem>>, vector<1x16xf32>,
      %swap3A_598 = arith.constant 4 : i32
      %swap3A_599 = arith.index_cast %swap3A_598 : i32 to index
      %swap3A_600 = arith.constant 64 : index
      %swap3A_601 = tpu.vector_load %arg12[%swap3A_599, %swap3A_600] {strides = array<i32>} : memref<16x256xf32, #tpu.memory_space<vmem>>, vector<1x16xf32>,
      %swap3A_602 = vector.shape_cast %swap3A_601 : vector<1x16xf32> to vector<16xf32>
      %swap3A_603 = vector.shape_cast %get3A_579 : vector<16xf32> to vector<1x16xf32>
      tpu.vector_store %arg12[%swap3A_599, %swap3A_600], %swap3A_603 {strides = array<i32>} : memref<16x256xf32, #tpu.memory_space<vmem>>, vector<1x16xf32>,
      %swap3A_604 = arith.constant 5 : i32
      %swap3A_605 = arith.index_cast %swap3A_604 : i32 to index
      %swap3A_606 = arith.constant 64 : index
      %swap3A_607 = tpu.vector_load %arg12[%swap3A_605, %swap3A_606] {strides = array<i32>} : memref<16x256xf32, #tpu.memory_space<vmem>>, vector<1x16xf32>,
      %swap3A_608 = vector.shape_cast %swap3A_607 : vector<1x16xf32> to vector<16xf32>
      %swap3A_609 = vector.shape_cast %get3A_579 : vector<16xf32> to vector<1x16xf32>
      tpu.vector_store %arg12[%swap3A_605, %swap3A_606], %swap3A_609 {strides = array<i32>} : memref<16x256xf32, #tpu.memory_space<vmem>>, vector<1x16xf32>,
      %swap3A_610 = arith.constant 6 : i32
      %swap3A_611 = arith.index_cast %swap3A_610 : i32 to index
      %swap3A_612 = arith.constant 64 : index
      %swap3A_613 = tpu.vector_load %arg12[%swap3A_611, %swap3A_612] {strides = array<i32>} : memref<16x256xf32, #tpu.memory_space<vmem>>, vector<1x16xf32>,
      %swap3A_614 = vector.shape_cast %swap3A_613 : vector<1x16xf32> to vector<16xf32>
      %swap3A_615 = vector.shape_cast %get3A_579 : vector<16xf32> to vector<1x16xf32>
      tpu.vector_store %arg12[%swap3A_611, %swap3A_612], %swap3A_615 {strides = array<i32>} : memref<16x256xf32, #tpu.memory_space<vmem>>, vector<1x16xf32>,
      %swap3A_616 = arith.constant 7 : i32
      %swap3A_617 = arith.index_cast %swap3A_616 : i32 to index
      %swap3A_618 = arith.constant 64 : index
      %swap3A_619 = tpu.vector_load %arg12[%swap3A_617, %swap3A_618] {strides = array<i32>} : memref<16x256xf32, #tpu.memory_space<vmem>>, vector<1x16xf32>,
      %swap3A_620 = vector.shape_cast %swap3A_619 : vector<1x16xf32> to vector<16xf32>
      %swap3A_621 = vector.shape_cast %get3A_579 : vector<16xf32> to vector<1x16xf32>
      tpu.vector_store %arg12[%swap3A_617, %swap3A_618], %swap3A_621 {strides = array<i32>} : memref<16x256xf32, #tpu.memory_space<vmem>>, vector<1x16xf32>,
      %swap3A_622 = arith.constant 8 : i32
      %swap3A_623 = arith.index_cast %swap3A_622 : i32 to index
      %swap3A_624 = arith.constant 64 : index
      %swap3A_625 = tpu.vector_load %arg12[%swap3A_623, %swap3A_624] {strides = array<i32>} : memref<16x256xf32, #tpu.memory_space<vmem>>, vector<1x16xf32>,
      %swap3A_626 = vector.shape_cast %swap3A_625 : vector<1x16xf32> to vector<16xf32>
      %swap3A_627 = vector.shape_cast %get3A_579 : vector<16xf32> to vector<1x16xf32>
      tpu.vector_store %arg12[%swap3A_623, %swap3A_624], %swap3A_627 {strides = array<i32>} : memref<16x256xf32, #tpu.memory_space<vmem>>, vector<1x16xf32>,
      %swap3A_628 = arith.constant 9 : i32
      %swap3A_629 = arith.index_cast %swap3A_628 : i32 to index
      %swap3A_630 = arith.constant 64 : index
      %swap3A_631 = tpu.vector_load %arg12[%swap3A_629, %swap3A_630] {strides = array<i32>} : memref<16x256xf32, #tpu.memory_space<vmem>>, vector<1x16xf32>,
      %swap3A_632 = vector.shape_cast %swap3A_631 : vector<1x16xf32> to vector<16xf32>
      %swap3A_633 = vector.shape_cast %get3A_579 : vector<16xf32> to vector<1x16xf32>
      tpu.vector_store %arg12[%swap3A_629, %swap3A_630], %swap3A_633 {strides = array<i32>} : memref<16x256xf32, #tpu.memory_space<vmem>>, vector<1x16xf32>,
      %swap3A_634 = arith.constant 10 : i32
      %swap3A_635 = arith.index_cast %swap3A_634 : i32 to index
      %swap3A_636 = arith.constant 64 : index
      %swap3A_637 = tpu.vector_load %arg12[%swap3A_635, %swap3A_636] {strides = array<i32>} : memref<16x256xf32, #tpu.memory_space<vmem>>, vector<1x16xf32>,
      %swap3A_638 = vector.shape_cast %swap3A_637 : vector<1x16xf32> to vector<16xf32>
      %swap3A_639 = vector.shape_cast %get3A_579 : vector<16xf32> to vector<1x16xf32>
      tpu.vector_store %arg12[%swap3A_635, %swap3A_636], %swap3A_639 {strides = array<i32>} : memref<16x256xf32, #tpu.memory_space<vmem>>, vector<1x16xf32>,
      %swap3A_640 = arith.constant 11 : i32
      %swap3A_641 = arith.index_cast %swap3A_640 : i32 to index
      %swap3A_642 = arith.constant 64 : index
      %swap3A_643 = tpu.vector_load %arg12[%swap3A_641, %swap3A_642] {strides = array<i32>} : memref<16x256xf32, #tpu.memory_space<vmem>>, vector<1x16xf32>,
      %swap3A_644 = vector.shape_cast %swap3A_643 : vector<1x16xf32> to vector<16xf32>
      %swap3A_645 = vector.shape_cast %get3A_579 : vector<16xf32> to vector<1x16xf32>
      tpu.vector_store %arg12[%swap3A_641, %swap3A_642], %swap3A_645 {strides = array<i32>} : memref<16x256xf32, #tpu.memory_space<vmem>>, vector<1x16xf32>,
      %swap3A_646 = arith.constant 12 : i32
      %swap3A_647 = arith.index_cast %swap3A_646 : i32 to index
      %swap3A_648 = arith.constant 64 : index
      %swap3A_649 = tpu.vector_load %arg12[%swap3A_647, %swap3A_648] {strides = array<i32>} : memref<16x256xf32, #tpu.memory_space<vmem>>, vector<1x16xf32>,
      %swap3A_650 = vector.shape_cast %swap3A_649 : vector<1x16xf32> to vector<16xf32>
      %swap3A_651 = vector.shape_cast %get3A_579 : vector<16xf32> to vector<1x16xf32>
      tpu.vector_store %arg12[%swap3A_647, %swap3A_648], %swap3A_651 {strides = array<i32>} : memref<16x256xf32, #tpu.memory_space<vmem>>, vector<1x16xf32>,
      %swap3A_652 = arith.constant 13 : i32
      %swap3A_653 = arith.index_cast %swap3A_652 : i32 to index
      %swap3A_654 = arith.constant 64 : index
      %swap3A_655 = tpu.vector_load %arg12[%swap3A_653, %swap3A_654] {strides = array<i32>} : memref<16x256xf32, #tpu.memory_space<vmem>>, vector<1x16xf32>,
      %swap3A_656 = vector.shape_cast %swap3A_655 : vector<1x16xf32> to vector<16xf32>
      %swap3A_657 = vector.shape_cast %get3A_579 : vector<16xf32> to vector<1x16xf32>
      tpu.vector_store %arg12[%swap3A_653, %swap3A_654], %swap3A_657 {strides = array<i32>} : memref<16x256xf32, #tpu.memory_space<vmem>>, vector<1x16xf32>,
      %swap3A_658 = arith.constant 14 : i32
      %swap3A_659 = arith.index_cast %swap3A_658 : i32 to index
      %swap3A_660 = arith.constant 64 : index
      %swap3A_661 = tpu.vector_load %arg12[%swap3A_659, %swap3A_660] {strides = array<i32>} : memref<16x256xf32, #tpu.memory_space<vmem>>, vector<1x16xf32>,
      %swap3A_662 = vector.shape_cast %swap3A_661 : vector<1x16xf32> to vector<16xf32>
      %swap3A_663 = vector.shape_cast %get3A_579 : vector<16xf32> to vector<1x16xf32>
      tpu.vector_store %arg12[%swap3A_659, %swap3A_660], %swap3A_663 {strides = array<i32>} : memref<16x256xf32, #tpu.memory_space<vmem>>, vector<1x16xf32>,
      %swap3A_664 = arith.constant 15 : i32
      %swap3A_665 = arith.index_cast %swap3A_664 : i32 to index
      %swap3A_666 = arith.constant 64 : index
      %swap3A_667 = tpu.vector_load %arg12[%swap3A_665, %swap3A_666] {strides = array<i32>} : memref<16x256xf32, #tpu.memory_space<vmem>>, vector<1x16xf32>,
      %swap3A_668 = vector.shape_cast %swap3A_667 : vector<1x16xf32> to vector<16xf32>
      %swap3A_669 = vector.shape_cast %get3A_579 : vector<16xf32> to vector<1x16xf32>
      tpu.vector_store %arg12[%swap3A_665, %swap3A_666], %swap3A_669 {strides = array<i32>} : memref<16x256xf32, #tpu.memory_space<vmem>>, vector<1x16xf32>,
      %get3A_670 = arith.constant 0 : i32
      %get3A_671 = arith.index_cast %get3A_670 : i32 to index
      %get3A_672 = arith.constant 80 : index
      %get3A_673 = tpu.vector_load %arg12[%get3A_671, %get3A_672] {strides = array<i32>} : memref<16x256xf32, #tpu.memory_space<vmem>>, vector<1x16xf32>,
      %get3A_674 = vector.shape_cast %get3A_673 : vector<1x16xf32> to vector<16xf32>
      %swap3A_675 = arith.constant 1 : i32
      %swap3A_676 = arith.index_cast %swap3A_675 : i32 to index
      %swap3A_677 = arith.constant 80 : index
      %swap3A_678 = tpu.vector_load %arg12[%swap3A_676, %swap3A_677] {strides = array<i32>} : memref<16x256xf32, #tpu.memory_space<vmem>>, vector<1x16xf32>,
      %swap3A_679 = vector.shape_cast %swap3A_678 : vector<1x16xf32> to vector<16xf32>
      %swap3A_680 = vector.shape_cast %get3A_674 : vector<16xf32> to vector<1x16xf32>
      tpu.vector_store %arg12[%swap3A_676, %swap3A_677], %swap3A_680 {strides = array<i32>} : memref<16x256xf32, #tpu.memory_space<vmem>>, vector<1x16xf32>,
      %swap3A_681 = arith.constant 2 : i32
      %swap3A_682 = arith.index_cast %swap3A_681 : i32 to index
      %swap3A_683 = arith.constant 80 : index
      %swap3A_684 = tpu.vector_load %arg12[%swap3A_682, %swap3A_683] {strides = array<i32>} : memref<16x256xf32, #tpu.memory_space<vmem>>, vector<1x16xf32>,
      %swap3A_685 = vector.shape_cast %swap3A_684 : vector<1x16xf32> to vector<16xf32>
      %swap3A_686 = vector.shape_cast %get3A_674 : vector<16xf32> to vector<1x16xf32>
      tpu.vector_store %arg12[%swap3A_682, %swap3A_683], %swap3A_686 {strides = array<i32>} : memref<16x256xf32, #tpu.memory_space<vmem>>, vector<1x16xf32>,
      %swap3A_687 = arith.constant 3 : i32
      %swap3A_688 = arith.index_cast %swap3A_687 : i32 to index
      %swap3A_689 = arith.constant 80 : index
      %swap3A_690 = tpu.vector_load %arg12[%swap3A_688, %swap3A_689] {strides = array<i32>} : memref<16x256xf32, #tpu.memory_space<vmem>>, vector<1x16xf32>,
      %swap3A_691 = vector.shape_cast %swap3A_690 : vector<1x16xf32> to vector<16xf32>
      %swap3A_692 = vector.shape_cast %get3A_674 : vector<16xf32> to vector<1x16xf32>
      tpu.vector_store %arg12[%swap3A_688, %swap3A_689], %swap3A_692 {strides = array<i32>} : memref<16x256xf32, #tpu.memory_space<vmem>>, vector<1x16xf32>,
      %swap3A_693 = arith.constant 4 : i32
      %swap3A_694 = arith.index_cast %swap3A_693 : i32 to index
      %swap3A_695 = arith.constant 80 : index
      %swap3A_696 = tpu.vector_load %arg12[%swap3A_694, %swap3A_695] {strides = array<i32>} : memref<16x256xf32, #tpu.memory_space<vmem>>, vector<1x16xf32>,
      %swap3A_697 = vector.shape_cast %swap3A_696 : vector<1x16xf32> to vector<16xf32>
      %swap3A_698 = vector.shape_cast %get3A_674 : vector<16xf32> to vector<1x16xf32>
      tpu.vector_store %arg12[%swap3A_694, %swap3A_695], %swap3A_698 {strides = array<i32>} : memref<16x256xf32, #tpu.memory_space<vmem>>, vector<1x16xf32>,
      %swap3A_699 = arith.constant 5 : i32
      %swap3A_700 = arith.index_cast %swap3A_699 : i32 to index
      %swap3A_701 = arith.constant 80 : index
      %swap3A_702 = tpu.vector_load %arg12[%swap3A_700, %swap3A_701] {strides = array<i32>} : memref<16x256xf32, #tpu.memory_space<vmem>>, vector<1x16xf32>,
      %swap3A_703 = vector.shape_cast %swap3A_702 : vector<1x16xf32> to vector<16xf32>
      %swap3A_704 = vector.shape_cast %get3A_674 : vector<16xf32> to vector<1x16xf32>
      tpu.vector_store %arg12[%swap3A_700, %swap3A_701], %swap3A_704 {strides = array<i32>} : memref<16x256xf32, #tpu.memory_space<vmem>>, vector<1x16xf32>,
      %swap3A_705 = arith.constant 6 : i32
      %swap3A_706 = arith.index_cast %swap3A_705 : i32 to index
      %swap3A_707 = arith.constant 80 : index
      %swap3A_708 = tpu.vector_load %arg12[%swap3A_706, %swap3A_707] {strides = array<i32>} : memref<16x256xf32, #tpu.memory_space<vmem>>, vector<1x16xf32>,
      %swap3A_709 = vector.shape_cast %swap3A_708 : vector<1x16xf32> to vector<16xf32>
      %swap3A_710 = vector.shape_cast %get3A_674 : vector<16xf32> to vector<1x16xf32>
      tpu.vector_store %arg12[%swap3A_706, %swap3A_707], %swap3A_710 {strides = array<i32>} : memref<16x256xf32, #tpu.memory_space<vmem>>, vector<1x16xf32>,
      %swap3A_711 = arith.constant 7 : i32
      %swap3A_712 = arith.index_cast %swap3A_711 : i32 to index
      %swap3A_713 = arith.constant 80 : index
      %swap3A_714 = tpu.vector_load %arg12[%swap3A_712, %swap3A_713] {strides = array<i32>} : memref<16x256xf32, #tpu.memory_space<vmem>>, vector<1x16xf32>,
      %swap3A_715 = vector.shape_cast %swap3A_714 : vector<1x16xf32> to vector<16xf32>
      %swap3A_716 = vector.shape_cast %get3A_674 : vector<16xf32> to vector<1x16xf32>
      tpu.vector_store %arg12[%swap3A_712, %swap3A_713], %swap3A_716 {strides = array<i32>} : memref<16x256xf32, #tpu.memory_space<vmem>>, vector<1x16xf32>,
      %swap3A_717 = arith.constant 8 : i32
      %swap3A_718 = arith.index_cast %swap3A_717 : i32 to index
      %swap3A_719 = arith.constant 80 : index
      %swap3A_720 = tpu.vector_load %arg12[%swap3A_718, %swap3A_719] {strides = array<i32>} : memref<16x256xf32, #tpu.memory_space<vmem>>, vector<1x16xf32>,
      %swap3A_721 = vector.shape_cast %swap3A_720 : vector<1x16xf32> to vector<16xf32>
      %swap3A_722 = vector.shape_cast %get3A_674 : vector<16xf32> to vector<1x16xf32>
      tpu.vector_store %arg12[%swap3A_718, %swap3A_719], %swap3A_722 {strides = array<i32>} : memref<16x256xf32, #tpu.memory_space<vmem>>, vector<1x16xf32>,
      %swap3A_723 = arith.constant 9 : i32
      %swap3A_724 = arith.index_cast %swap3A_723 : i32 to index
      %swap3A_725 = arith.constant 80 : index
      %swap3A_726 = tpu.vector_load %arg12[%swap3A_724, %swap3A_725] {strides = array<i32>} : memref<16x256xf32, #tpu.memory_space<vmem>>, vector<1x16xf32>,
      %swap3A_727 = vector.shape_cast %swap3A_726 : vector<1x16xf32> to vector<16xf32>
      %swap3A_728 = vector.shape_cast %get3A_674 : vector<16xf32> to vector<1x16xf32>
      tpu.vector_store %arg12[%swap3A_724, %swap3A_725], %swap3A_728 {strides = array<i32>} : memref<16x256xf32, #tpu.memory_space<vmem>>, vector<1x16xf32>,
      %swap3A_729 = arith.constant 10 : i32
      %swap3A_730 = arith.index_cast %swap3A_729 : i32 to index
      %swap3A_731 = arith.constant 80 : index
      %swap3A_732 = tpu.vector_load %arg12[%swap3A_730, %swap3A_731] {strides = array<i32>} : memref<16x256xf32, #tpu.memory_space<vmem>>, vector<1x16xf32>,
      %swap3A_733 = vector.shape_cast %swap3A_732 : vector<1x16xf32> to vector<16xf32>
      %swap3A_734 = vector.shape_cast %get3A_674 : vector<16xf32> to vector<1x16xf32>
      tpu.vector_store %arg12[%swap3A_730, %swap3A_731], %swap3A_734 {strides = array<i32>} : memref<16x256xf32, #tpu.memory_space<vmem>>, vector<1x16xf32>,
      %swap3A_735 = arith.constant 11 : i32
      %swap3A_736 = arith.index_cast %swap3A_735 : i32 to index
      %swap3A_737 = arith.constant 80 : index
      %swap3A_738 = tpu.vector_load %arg12[%swap3A_736, %swap3A_737] {strides = array<i32>} : memref<16x256xf32, #tpu.memory_space<vmem>>, vector<1x16xf32>,
      %swap3A_739 = vector.shape_cast %swap3A_738 : vector<1x16xf32> to vector<16xf32>
      %swap3A_740 = vector.shape_cast %get3A_674 : vector<16xf32> to vector<1x16xf32>
      tpu.vector_store %arg12[%swap3A_736, %swap3A_737], %swap3A_740 {strides = array<i32>} : memref<16x256xf32, #tpu.memory_space<vmem>>, vector<1x16xf32>,
      %swap3A_741 = arith.constant 12 : i32
      %swap3A_742 = arith.index_cast %swap3A_741 : i32 to index
      %swap3A_743 = arith.constant 80 : index
      %swap3A_744 = tpu.vector_load %arg12[%swap3A_742, %swap3A_743] {strides = array<i32>} : memref<16x256xf32, #tpu.memory_space<vmem>>, vector<1x16xf32>,
      %swap3A_745 = vector.shape_cast %swap3A_744 : vector<1x16xf32> to vector<16xf32>
      %swap3A_746 = vector.shape_cast %get3A_674 : vector<16xf32> to vector<1x16xf32>
      tpu.vector_store %arg12[%swap3A_742, %swap3A_743], %swap3A_746 {strides = array<i32>} : memref<16x256xf32, #tpu.memory_space<vmem>>, vector<1x16xf32>,
      %swap3A_747 = arith.constant 13 : i32
      %swap3A_748 = arith.index_cast %swap3A_747 : i32 to index
      %swap3A_749 = arith.constant 80 : index
      %swap3A_750 = tpu.vector_load %arg12[%swap3A_748, %swap3A_749] {strides = array<i32>} : memref<16x256xf32, #tpu.memory_space<vmem>>, vector<1x16xf32>,
      %swap3A_751 = vector.shape_cast %swap3A_750 : vector<1x16xf32> to vector<16xf32>
      %swap3A_752 = vector.shape_cast %get3A_674 : vector<16xf32> to vector<1x16xf32>
      tpu.vector_store %arg12[%swap3A_748, %swap3A_749], %swap3A_752 {strides = array<i32>} : memref<16x256xf32, #tpu.memory_space<vmem>>, vector<1x16xf32>,
      %swap3A_753 = arith.constant 14 : i32
      %swap3A_754 = arith.index_cast %swap3A_753 : i32 to index
      %swap3A_755 = arith.constant 80 : index
      %swap3A_756 = tpu.vector_load %arg12[%swap3A_754, %swap3A_755] {strides = array<i32>} : memref<16x256xf32, #tpu.memory_space<vmem>>, vector<1x16xf32>,
      %swap3A_757 = vector.shape_cast %swap3A_756 : vector<1x16xf32> to vector<16xf32>
      %swap3A_758 = vector.shape_cast %get3A_674 : vector<16xf32> to vector<1x16xf32>
      tpu.vector_store %arg12[%swap3A_754, %swap3A_755], %swap3A_758 {strides = array<i32>} : memref<16x256xf32, #tpu.memory_space<vmem>>, vector<1x16xf32>,
      %swap3A_759 = arith.constant 15 : i32
      %swap3A_760 = arith.index_cast %swap3A_759 : i32 to index
      %swap3A_761 = arith.constant 80 : index
      %swap3A_762 = tpu.vector_load %arg12[%swap3A_760, %swap3A_761] {strides = array<i32>} : memref<16x256xf32, #tpu.memory_space<vmem>>, vector<1x16xf32>,
      %swap3A_763 = vector.shape_cast %swap3A_762 : vector<1x16xf32> to vector<16xf32>
      %swap3A_764 = vector.shape_cast %get3A_674 : vector<16xf32> to vector<1x16xf32>
      tpu.vector_store %arg12[%swap3A_760, %swap3A_761], %swap3A_764 {strides = array<i32>} : memref<16x256xf32, #tpu.memory_space<vmem>>, vector<1x16xf32>,
      %get3A_765 = arith.constant 0 : i32
      %get3A_766 = arith.index_cast %get3A_765 : i32 to index
      %get3A_767 = arith.constant 96 : index
      %get3A_768 = tpu.vector_load %arg12[%get3A_766, %get3A_767] {strides = array<i32>} : memref<16x256xf32, #tpu.memory_space<vmem>>, vector<1x16xf32>,
      %get3A_769 = vector.shape_cast %get3A_768 : vector<1x16xf32> to vector<16xf32>
      %swap3A_770 = arith.constant 1 : i32
      %swap3A_771 = arith.index_cast %swap3A_770 : i32 to index
      %swap3A_772 = arith.constant 96 : index
      %swap3A_773 = tpu.vector_load %arg12[%swap3A_771, %swap3A_772] {strides = array<i32>} : memref<16x256xf32, #tpu.memory_space<vmem>>, vector<1x16xf32>,
      %swap3A_774 = vector.shape_cast %swap3A_773 : vector<1x16xf32> to vector<16xf32>
      %swap3A_775 = vector.shape_cast %get3A_769 : vector<16xf32> to vector<1x16xf32>
      tpu.vector_store %arg12[%swap3A_771, %swap3A_772], %swap3A_775 {strides = array<i32>} : memref<16x256xf32, #tpu.memory_space<vmem>>, vector<1x16xf32>,
      %swap3A_776 = arith.constant 2 : i32
      %swap3A_777 = arith.index_cast %swap3A_776 : i32 to index
      %swap3A_778 = arith.constant 96 : index
      %swap3A_779 = tpu.vector_load %arg12[%swap3A_777, %swap3A_778] {strides = array<i32>} : memref<16x256xf32, #tpu.memory_space<vmem>>, vector<1x16xf32>,
      %swap3A_780 = vector.shape_cast %swap3A_779 : vector<1x16xf32> to vector<16xf32>
      %swap3A_781 = vector.shape_cast %get3A_769 : vector<16xf32> to vector<1x16xf32>
      tpu.vector_store %arg12[%swap3A_777, %swap3A_778], %swap3A_781 {strides = array<i32>} : memref<16x256xf32, #tpu.memory_space<vmem>>, vector<1x16xf32>,
      %swap3A_782 = arith.constant 3 : i32
      %swap3A_783 = arith.index_cast %swap3A_782 : i32 to index
      %swap3A_784 = arith.constant 96 : index
      %swap3A_785 = tpu.vector_load %arg12[%swap3A_783, %swap3A_784] {strides = array<i32>} : memref<16x256xf32, #tpu.memory_space<vmem>>, vector<1x16xf32>,
      %swap3A_786 = vector.shape_cast %swap3A_785 : vector<1x16xf32> to vector<16xf32>
      %swap3A_787 = vector.shape_cast %get3A_769 : vector<16xf32> to vector<1x16xf32>
      tpu.vector_store %arg12[%swap3A_783, %swap3A_784], %swap3A_787 {strides = array<i32>} : memref<16x256xf32, #tpu.memory_space<vmem>>, vector<1x16xf32>,
      %swap3A_788 = arith.constant 4 : i32
      %swap3A_789 = arith.index_cast %swap3A_788 : i32 to index
      %swap3A_790 = arith.constant 96 : index
      %swap3A_791 = tpu.vector_load %arg12[%swap3A_789, %swap3A_790] {strides = array<i32>} : memref<16x256xf32, #tpu.memory_space<vmem>>, vector<1x16xf32>,
      %swap3A_792 = vector.shape_cast %swap3A_791 : vector<1x16xf32> to vector<16xf32>
      %swap3A_793 = vector.shape_cast %get3A_769 : vector<16xf32> to vector<1x16xf32>
      tpu.vector_store %arg12[%swap3A_789, %swap3A_790], %swap3A_793 {strides = array<i32>} : memref<16x256xf32, #tpu.memory_space<vmem>>, vector<1x16xf32>,
      %swap3A_794 = arith.constant 5 : i32
      %swap3A_795 = arith.index_cast %swap3A_794 : i32 to index
      %swap3A_796 = arith.constant 96 : index
      %swap3A_797 = tpu.vector_load %arg12[%swap3A_795, %swap3A_796] {strides = array<i32>} : memref<16x256xf32, #tpu.memory_space<vmem>>, vector<1x16xf32>,
      %swap3A_798 = vector.shape_cast %swap3A_797 : vector<1x16xf32> to vector<16xf32>
      %swap3A_799 = vector.shape_cast %get3A_769 : vector<16xf32> to vector<1x16xf32>
      tpu.vector_store %arg12[%swap3A_795, %swap3A_796], %swap3A_799 {strides = array<i32>} : memref<16x256xf32, #tpu.memory_space<vmem>>, vector<1x16xf32>,
      %swap3A_800 = arith.constant 6 : i32
      %swap3A_801 = arith.index_cast %swap3A_800 : i32 to index
      %swap3A_802 = arith.constant 96 : index
      %swap3A_803 = tpu.vector_load %arg12[%swap3A_801, %swap3A_802] {strides = array<i32>} : memref<16x256xf32, #tpu.memory_space<vmem>>, vector<1x16xf32>,
      %swap3A_804 = vector.shape_cast %swap3A_803 : vector<1x16xf32> to vector<16xf32>
      %swap3A_805 = vector.shape_cast %get3A_769 : vector<16xf32> to vector<1x16xf32>
      tpu.vector_store %arg12[%swap3A_801, %swap3A_802], %swap3A_805 {strides = array<i32>} : memref<16x256xf32, #tpu.memory_space<vmem>>, vector<1x16xf32>,
      %swap3A_806 = arith.constant 7 : i32
      %swap3A_807 = arith.index_cast %swap3A_806 : i32 to index
      %swap3A_808 = arith.constant 96 : index
      %swap3A_809 = tpu.vector_load %arg12[%swap3A_807, %swap3A_808] {strides = array<i32>} : memref<16x256xf32, #tpu.memory_space<vmem>>, vector<1x16xf32>,
      %swap3A_810 = vector.shape_cast %swap3A_809 : vector<1x16xf32> to vector<16xf32>
      %swap3A_811 = vector.shape_cast %get3A_769 : vector<16xf32> to vector<1x16xf32>
      tpu.vector_store %arg12[%swap3A_807, %swap3A_808], %swap3A_811 {strides = array<i32>} : memref<16x256xf32, #tpu.memory_space<vmem>>, vector<1x16xf32>,
      %swap3A_812 = arith.constant 8 : i32
      %swap3A_813 = arith.index_cast %swap3A_812 : i32 to index
      %swap3A_814 = arith.constant 96 : index
      %swap3A_815 = tpu.vector_load %arg12[%swap3A_813, %swap3A_814] {strides = array<i32>} : memref<16x256xf32, #tpu.memory_space<vmem>>, vector<1x16xf32>,
      %swap3A_816 = vector.shape_cast %swap3A_815 : vector<1x16xf32> to vector<16xf32>
      %swap3A_817 = vector.shape_cast %get3A_769 : vector<16xf32> to vector<1x16xf32>
      tpu.vector_store %arg12[%swap3A_813, %swap3A_814], %swap3A_817 {strides = array<i32>} : memref<16x256xf32, #tpu.memory_space<vmem>>, vector<1x16xf32>,
      %swap3A_818 = arith.constant 9 : i32
      %swap3A_819 = arith.index_cast %swap3A_818 : i32 to index
      %swap3A_820 = arith.constant 96 : index
      %swap3A_821 = tpu.vector_load %arg12[%swap3A_819, %swap3A_820] {strides = array<i32>} : memref<16x256xf32, #tpu.memory_space<vmem>>, vector<1x16xf32>,
      %swap3A_822 = vector.shape_cast %swap3A_821 : vector<1x16xf32> to vector<16xf32>
      %swap3A_823 = vector.shape_cast %get3A_769 : vector<16xf32> to vector<1x16xf32>
      tpu.vector_store %arg12[%swap3A_819, %swap3A_820], %swap3A_823 {strides = array<i32>} : memref<16x256xf32, #tpu.memory_space<vmem>>, vector<1x16xf32>,
      %swap3A_824 = arith.constant 10 : i32
      %swap3A_825 = arith.index_cast %swap3A_824 : i32 to index
      %swap3A_826 = arith.constant 96 : index
      %swap3A_827 = tpu.vector_load %arg12[%swap3A_825, %swap3A_826] {strides = array<i32>} : memref<16x256xf32, #tpu.memory_space<vmem>>, vector<1x16xf32>,
      %swap3A_828 = vector.shape_cast %swap3A_827 : vector<1x16xf32> to vector<16xf32>
      %swap3A_829 = vector.shape_cast %get3A_769 : vector<16xf32> to vector<1x16xf32>
      tpu.vector_store %arg12[%swap3A_825, %swap3A_826], %swap3A_829 {strides = array<i32>} : memref<16x256xf32, #tpu.memory_space<vmem>>, vector<1x16xf32>,
      %swap3A_830 = arith.constant 11 : i32
      %swap3A_831 = arith.index_cast %swap3A_830 : i32 to index
      %swap3A_832 = arith.constant 96 : index
      %swap3A_833 = tpu.vector_load %arg12[%swap3A_831, %swap3A_832] {strides = array<i32>} : memref<16x256xf32, #tpu.memory_space<vmem>>, vector<1x16xf32>,
      %swap3A_834 = vector.shape_cast %swap3A_833 : vector<1x16xf32> to vector<16xf32>
      %swap3A_835 = vector.shape_cast %get3A_769 : vector<16xf32> to vector<1x16xf32>
      tpu.vector_store %arg12[%swap3A_831, %swap3A_832], %swap3A_835 {strides = array<i32>} : memref<16x256xf32, #tpu.memory_space<vmem>>, vector<1x16xf32>,
      %swap3A_836 = arith.constant 12 : i32
      %swap3A_837 = arith.index_cast %swap3A_836 : i32 to index
      %swap3A_838 = arith.constant 96 : index
      %swap3A_839 = tpu.vector_load %arg12[%swap3A_837, %swap3A_838] {strides = array<i32>} : memref<16x256xf32, #tpu.memory_space<vmem>>, vector<1x16xf32>,
      %swap3A_840 = vector.shape_cast %swap3A_839 : vector<1x16xf32> to vector<16xf32>
      %swap3A_841 = vector.shape_cast %get3A_769 : vector<16xf32> to vector<1x16xf32>
      tpu.vector_store %arg12[%swap3A_837, %swap3A_838], %swap3A_841 {strides = array<i32>} : memref<16x256xf32, #tpu.memory_space<vmem>>, vector<1x16xf32>,
      %swap3A_842 = arith.constant 13 : i32
      %swap3A_843 = arith.index_cast %swap3A_842 : i32 to index
      %swap3A_844 = arith.constant 96 : index
      %swap3A_845 = tpu.vector_load %arg12[%swap3A_843, %swap3A_844] {strides = array<i32>} : memref<16x256xf32, #tpu.memory_space<vmem>>, vector<1x16xf32>,
      %swap3A_846 = vector.shape_cast %swap3A_845 : vector<1x16xf32> to vector<16xf32>
      %swap3A_847 = vector.shape_cast %get3A_769 : vector<16xf32> to vector<1x16xf32>
      tpu.vector_store %arg12[%swap3A_843, %swap3A_844], %swap3A_847 {strides = array<i32>} : memref<16x256xf32, #tpu.memory_space<vmem>>, vector<1x16xf32>,
      %swap3A_848 = arith.constant 14 : i32
      %swap3A_849 = arith.index_cast %swap3A_848 : i32 to index
      %swap3A_850 = arith.constant 96 : index
      %swap3A_851 = tpu.vector_load %arg12[%swap3A_849, %swap3A_850] {strides = array<i32>} : memref<16x256xf32, #tpu.memory_space<vmem>>, vector<1x16xf32>,
      %swap3A_852 = vector.shape_cast %swap3A_851 : vector<1x16xf32> to vector<16xf32>
      %swap3A_853 = vector.shape_cast %get3A_769 : vector<16xf32> to vector<1x16xf32>
      tpu.vector_store %arg12[%swap3A_849, %swap3A_850], %swap3A_853 {strides = array<i32>} : memref<16x256xf32, #tpu.memory_space<vmem>>, vector<1x16xf32>,
      %swap3A_854 = arith.constant 15 : i32
      %swap3A_855 = arith.index_cast %swap3A_854 : i32 to index
      %swap3A_856 = arith.constant 96 : index
      %swap3A_857 = tpu.vector_load %arg12[%swap3A_855, %swap3A_856] {strides = array<i32>} : memref<16x256xf32, #tpu.memory_space<vmem>>, vector<1x16xf32>,
      %swap3A_858 = vector.shape_cast %swap3A_857 : vector<1x16xf32> to vector<16xf32>
      %swap3A_859 = vector.shape_cast %get3A_769 : vector<16xf32> to vector<1x16xf32>
      tpu.vector_store %arg12[%swap3A_855, %swap3A_856], %swap3A_859 {strides = array<i32>} : memref<16x256xf32, #tpu.memory_space<vmem>>, vector<1x16xf32>,
      %get3A_860 = arith.constant 0 : i32
      %get3A_861 = arith.index_cast %get3A_860 : i32 to index
      %get3A_862 = arith.constant 112 : index
      %get3A_863 = tpu.vector_load %arg12[%get3A_861, %get3A_862] {strides = array<i32>} : memref<16x256xf32, #tpu.memory_space<vmem>>, vector<1x16xf32>,
      %get3A_864 = vector.shape_cast %get3A_863 : vector<1x16xf32> to vector<16xf32>
      %swap3A_865 = arith.constant 1 : i32
      %swap3A_866 = arith.index_cast %swap3A_865 : i32 to index
      %swap3A_867 = arith.constant 112 : index
      %swap3A_868 = tpu.vector_load %arg12[%swap3A_866, %swap3A_867] {strides = array<i32>} : memref<16x256xf32, #tpu.memory_space<vmem>>, vector<1x16xf32>,
      %swap3A_869 = vector.shape_cast %swap3A_868 : vector<1x16xf32> to vector<16xf32>
      %swap3A_870 = vector.shape_cast %get3A_864 : vector<16xf32> to vector<1x16xf32>
      tpu.vector_store %arg12[%swap3A_866, %swap3A_867], %swap3A_870 {strides = array<i32>} : memref<16x256xf32, #tpu.memory_space<vmem>>, vector<1x16xf32>,
      %swap3A_871 = arith.constant 2 : i32
      %swap3A_872 = arith.index_cast %swap3A_871 : i32 to index
      %swap3A_873 = arith.constant 112 : index
      %swap3A_874 = tpu.vector_load %arg12[%swap3A_872, %swap3A_873] {strides = array<i32>} : memref<16x256xf32, #tpu.memory_space<vmem>>, vector<1x16xf32>,
      %swap3A_875 = vector.shape_cast %swap3A_874 : vector<1x16xf32> to vector<16xf32>
      %swap3A_876 = vector.shape_cast %get3A_864 : vector<16xf32> to vector<1x16xf32>
      tpu.vector_store %arg12[%swap3A_872, %swap3A_873], %swap3A_876 {strides = array<i32>} : memref<16x256xf32, #tpu.memory_space<vmem>>, vector<1x16xf32>,
      %swap3A_877 = arith.constant 3 : i32
      %swap3A_878 = arith.index_cast %swap3A_877 : i32 to index
      %swap3A_879 = arith.constant 112 : index
      %swap3A_880 = tpu.vector_load %arg12[%swap3A_878, %swap3A_879] {strides = array<i32>} : memref<16x256xf32, #tpu.memory_space<vmem>>, vector<1x16xf32>,
      %swap3A_881 = vector.shape_cast %swap3A_880 : vector<1x16xf32> to vector<16xf32>
      %swap3A_882 = vector.shape_cast %get3A_864 : vector<16xf32> to vector<1x16xf32>
      tpu.vector_store %arg12[%swap3A_878, %swap3A_879], %swap3A_882 {strides = array<i32>} : memref<16x256xf32, #tpu.memory_space<vmem>>, vector<1x16xf32>,
      %swap3A_883 = arith.constant 4 : i32
      %swap3A_884 = arith.index_cast %swap3A_883 : i32 to index
      %swap3A_885 = arith.constant 112 : index
      %swap3A_886 = tpu.vector_load %arg12[%swap3A_884, %swap3A_885] {strides = array<i32>} : memref<16x256xf32, #tpu.memory_space<vmem>>, vector<1x16xf32>,
      %swap3A_887 = vector.shape_cast %swap3A_886 : vector<1x16xf32> to vector<16xf32>
      %swap3A_888 = vector.shape_cast %get3A_864 : vector<16xf32> to vector<1x16xf32>
      tpu.vector_store %arg12[%swap3A_884, %swap3A_885], %swap3A_888 {strides = array<i32>} : memref<16x256xf32, #tpu.memory_space<vmem>>, vector<1x16xf32>,
      %swap3A_889 = arith.constant 5 : i32
      %swap3A_890 = arith.index_cast %swap3A_889 : i32 to index
      %swap3A_891 = arith.constant 112 : index
      %swap3A_892 = tpu.vector_load %arg12[%swap3A_890, %swap3A_891] {strides = array<i32>} : memref<16x256xf32, #tpu.memory_space<vmem>>, vector<1x16xf32>,
      %swap3A_893 = vector.shape_cast %swap3A_892 : vector<1x16xf32> to vector<16xf32>
      %swap3A_894 = vector.shape_cast %get3A_864 : vector<16xf32> to vector<1x16xf32>
      tpu.vector_store %arg12[%swap3A_890, %swap3A_891], %swap3A_894 {strides = array<i32>} : memref<16x256xf32, #tpu.memory_space<vmem>>, vector<1x16xf32>,
      %swap3A_895 = arith.constant 6 : i32
      %swap3A_896 = arith.index_cast %swap3A_895 : i32 to index
      %swap3A_897 = arith.constant 112 : index
      %swap3A_898 = tpu.vector_load %arg12[%swap3A_896, %swap3A_897] {strides = array<i32>} : memref<16x256xf32, #tpu.memory_space<vmem>>, vector<1x16xf32>,
      %swap3A_899 = vector.shape_cast %swap3A_898 : vector<1x16xf32> to vector<16xf32>
      %swap3A_900 = vector.shape_cast %get3A_864 : vector<16xf32> to vector<1x16xf32>
      tpu.vector_store %arg12[%swap3A_896, %swap3A_897], %swap3A_900 {strides = array<i32>} : memref<16x256xf32, #tpu.memory_space<vmem>>, vector<1x16xf32>,
      %swap3A_901 = arith.constant 7 : i32
      %swap3A_902 = arith.index_cast %swap3A_901 : i32 to index
      %swap3A_903 = arith.constant 112 : index
      %swap3A_904 = tpu.vector_load %arg12[%swap3A_902, %swap3A_903] {strides = array<i32>} : memref<16x256xf32, #tpu.memory_space<vmem>>, vector<1x16xf32>,
      %swap3A_905 = vector.shape_cast %swap3A_904 : vector<1x16xf32> to vector<16xf32>
      %swap3A_906 = vector.shape_cast %get3A_864 : vector<16xf32> to vector<1x16xf32>
      tpu.vector_store %arg12[%swap3A_902, %swap3A_903], %swap3A_906 {strides = array<i32>} : memref<16x256xf32, #tpu.memory_space<vmem>>, vector<1x16xf32>,
      %swap3A_907 = arith.constant 8 : i32
      %swap3A_908 = arith.index_cast %swap3A_907 : i32 to index
      %swap3A_909 = arith.constant 112 : index
      %swap3A_910 = tpu.vector_load %arg12[%swap3A_908, %swap3A_909] {strides = array<i32>} : memref<16x256xf32, #tpu.memory_space<vmem>>, vector<1x16xf32>,
      %swap3A_911 = vector.shape_cast %swap3A_910 : vector<1x16xf32> to vector<16xf32>
      %swap3A_912 = vector.shape_cast %get3A_864 : vector<16xf32> to vector<1x16xf32>
      tpu.vector_store %arg12[%swap3A_908, %swap3A_909], %swap3A_912 {strides = array<i32>} : memref<16x256xf32, #tpu.memory_space<vmem>>, vector<1x16xf32>,
      %swap3A_913 = arith.constant 9 : i32
      %swap3A_914 = arith.index_cast %swap3A_913 : i32 to index
      %swap3A_915 = arith.constant 112 : index
      %swap3A_916 = tpu.vector_load %arg12[%swap3A_914, %swap3A_915] {strides = array<i32>} : memref<16x256xf32, #tpu.memory_space<vmem>>, vector<1x16xf32>,
      %swap3A_917 = vector.shape_cast %swap3A_916 : vector<1x16xf32> to vector<16xf32>
      %swap3A_918 = vector.shape_cast %get3A_864 : vector<16xf32> to vector<1x16xf32>
      tpu.vector_store %arg12[%swap3A_914, %swap3A_915], %swap3A_918 {strides = array<i32>} : memref<16x256xf32, #tpu.memory_space<vmem>>, vector<1x16xf32>,
      %swap3A_919 = arith.constant 10 : i32
      %swap3A_920 = arith.index_cast %swap3A_919 : i32 to index
      %swap3A_921 = arith.constant 112 : index
      %swap3A_922 = tpu.vector_load %arg12[%swap3A_920, %swap3A_921] {strides = array<i32>} : memref<16x256xf32, #tpu.memory_space<vmem>>, vector<1x16xf32>,
      %swap3A_923 = vector.shape_cast %swap3A_922 : vector<1x16xf32> to vector<16xf32>
      %swap3A_924 = vector.shape_cast %get3A_864 : vector<16xf32> to vector<1x16xf32>
      tpu.vector_store %arg12[%swap3A_920, %swap3A_921], %swap3A_924 {strides = array<i32>} : memref<16x256xf32, #tpu.memory_space<vmem>>, vector<1x16xf32>,
      %swap3A_925 = arith.constant 11 : i32
      %swap3A_926 = arith.index_cast %swap3A_925 : i32 to index
      %swap3A_927 = arith.constant 112 : index
      %swap3A_928 = tpu.vector_load %arg12[%swap3A_926, %swap3A_927] {strides = array<i32>} : memref<16x256xf32, #tpu.memory_space<vmem>>, vector<1x16xf32>,
      %swap3A_929 = vector.shape_cast %swap3A_928 : vector<1x16xf32> to vector<16xf32>
      %swap3A_930 = vector.shape_cast %get3A_864 : vector<16xf32> to vector<1x16xf32>
      tpu.vector_store %arg12[%swap3A_926, %swap3A_927], %swap3A_930 {strides = array<i32>} : memref<16x256xf32, #tpu.memory_space<vmem>>, vector<1x16xf32>,
      %swap3A_931 = arith.constant 12 : i32
      %swap3A_932 = arith.index_cast %swap3A_931 : i32 to index
      %swap3A_933 = arith.constant 112 : index
      %swap3A_934 = tpu.vector_load %arg12[%swap3A_932, %swap3A_933] {strides = array<i32>} : memref<16x256xf32, #tpu.memory_space<vmem>>, vector<1x16xf32>,
      %swap3A_935 = vector.shape_cast %swap3A_934 : vector<1x16xf32> to vector<16xf32>
      %swap3A_936 = vector.shape_cast %get3A_864 : vector<16xf32> to vector<1x16xf32>
      tpu.vector_store %arg12[%swap3A_932, %swap3A_933], %swap3A_936 {strides = array<i32>} : memref<16x256xf32, #tpu.memory_space<vmem>>, vector<1x16xf32>,
      %swap3A_937 = arith.constant 13 : i32
      %swap3A_938 = arith.index_cast %swap3A_937 : i32 to index
      %swap3A_939 = arith.constant 112 : index
      %swap3A_940 = tpu.vector_load %arg12[%swap3A_938, %swap3A_939] {strides = array<i32>} : memref<16x256xf32, #tpu.memory_space<vmem>>, vector<1x16xf32>,
      %swap3A_941 = vector.shape_cast %swap3A_940 : vector<1x16xf32> to vector<16xf32>
      %swap3A_942 = vector.shape_cast %get3A_864 : vector<16xf32> to vector<1x16xf32>
      tpu.vector_store %arg12[%swap3A_938, %swap3A_939], %swap3A_942 {strides = array<i32>} : memref<16x256xf32, #tpu.memory_space<vmem>>, vector<1x16xf32>,
      %swap3A_943 = arith.constant 14 : i32
      %swap3A_944 = arith.index_cast %swap3A_943 : i32 to index
      %swap3A_945 = arith.constant 112 : index
      %swap3A_946 = tpu.vector_load %arg12[%swap3A_944, %swap3A_945] {strides = array<i32>} : memref<16x256xf32, #tpu.memory_space<vmem>>, vector<1x16xf32>,
      %swap3A_947 = vector.shape_cast %swap3A_946 : vector<1x16xf32> to vector<16xf32>
      %swap3A_948 = vector.shape_cast %get3A_864 : vector<16xf32> to vector<1x16xf32>
      tpu.vector_store %arg12[%swap3A_944, %swap3A_945], %swap3A_948 {strides = array<i32>} : memref<16x256xf32, #tpu.memory_space<vmem>>, vector<1x16xf32>,
      %swap3A_949 = arith.constant 15 : i32
      %swap3A_950 = arith.index_cast %swap3A_949 : i32 to index
      %swap3A_951 = arith.constant 112 : index
      %swap3A_952 = tpu.vector_load %arg12[%swap3A_950, %swap3A_951] {strides = array<i32>} : memref<16x256xf32, #tpu.memory_space<vmem>>, vector<1x16xf32>,
      %swap3A_953 = vector.shape_cast %swap3A_952 : vector<1x16xf32> to vector<16xf32>
      %swap3A_954 = vector.shape_cast %get3A_864 : vector<16xf32> to vector<1x16xf32>
      tpu.vector_store %arg12[%swap3A_950, %swap3A_951], %swap3A_954 {strides = array<i32>} : memref<16x256xf32, #tpu.memory_space<vmem>>, vector<1x16xf32>,
      %get3A_955 = arith.constant 0 : i32
      %get3A_956 = arith.index_cast %get3A_955 : i32 to index
      %get3A_957 = arith.constant 128 : index
      %get3A_958 = tpu.vector_load %arg12[%get3A_956, %get3A_957] {strides = array<i32>} : memref<16x256xf32, #tpu.memory_space<vmem>>, vector<1x16xf32>,
      %get3A_959 = vector.shape_cast %get3A_958 : vector<1x16xf32> to vector<16xf32>
      %swap3A_960 = arith.constant 1 : i32
      %swap3A_961 = arith.index_cast %swap3A_960 : i32 to index
      %swap3A_962 = arith.constant 128 : index
      %swap3A_963 = tpu.vector_load %arg12[%swap3A_961, %swap3A_962] {strides = array<i32>} : memref<16x256xf32, #tpu.memory_space<vmem>>, vector<1x16xf32>,
      %swap3A_964 = vector.shape_cast %swap3A_963 : vector<1x16xf32> to vector<16xf32>
      %swap3A_965 = vector.shape_cast %get3A_959 : vector<16xf32> to vector<1x16xf32>
      tpu.vector_store %arg12[%swap3A_961, %swap3A_962], %swap3A_965 {strides = array<i32>} : memref<16x256xf32, #tpu.memory_space<vmem>>, vector<1x16xf32>,
      %swap3A_966 = arith.constant 2 : i32
      %swap3A_967 = arith.index_cast %swap3A_966 : i32 to index
      %swap3A_968 = arith.constant 128 : index
      %swap3A_969 = tpu.vector_load %arg12[%swap3A_967, %swap3A_968] {strides = array<i32>} : memref<16x256xf32, #tpu.memory_space<vmem>>, vector<1x16xf32>,
      %swap3A_970 = vector.shape_cast %swap3A_969 : vector<1x16xf32> to vector<16xf32>
      %swap3A_971 = vector.shape_cast %get3A_959 : vector<16xf32> to vector<1x16xf32>
      tpu.vector_store %arg12[%swap3A_967, %swap3A_968], %swap3A_971 {strides = array<i32>} : memref<16x256xf32, #tpu.memory_space<vmem>>, vector<1x16xf32>,
      %swap3A_972 = arith.constant 3 : i32
      %swap3A_973 = arith.index_cast %swap3A_972 : i32 to index
      %swap3A_974 = arith.constant 128 : index
      %swap3A_975 = tpu.vector_load %arg12[%swap3A_973, %swap3A_974] {strides = array<i32>} : memref<16x256xf32, #tpu.memory_space<vmem>>, vector<1x16xf32>,
      %swap3A_976 = vector.shape_cast %swap3A_975 : vector<1x16xf32> to vector<16xf32>
      %swap3A_977 = vector.shape_cast %get3A_959 : vector<16xf32> to vector<1x16xf32>
      tpu.vector_store %arg12[%swap3A_973, %swap3A_974], %swap3A_977 {strides = array<i32>} : memref<16x256xf32, #tpu.memory_space<vmem>>, vector<1x16xf32>,
      %swap3A_978 = arith.constant 4 : i32
      %swap3A_979 = arith.index_cast %swap3A_978 : i32 to index
      %swap3A_980 = arith.constant 128 : index
      %swap3A_981 = tpu.vector_load %arg12[%swap3A_979, %swap3A_980] {strides = array<i32>} : memref<16x256xf32, #tpu.memory_space<vmem>>, vector<1x16xf32>,
      %swap3A_982 = vector.shape_cast %swap3A_981 : vector<1x16xf32> to vector<16xf32>
      %swap3A_983 = vector.shape_cast %get3A_959 : vector<16xf32> to vector<1x16xf32>
      tpu.vector_store %arg12[%swap3A_979, %swap3A_980], %swap3A_983 {strides = array<i32>} : memref<16x256xf32, #tpu.memory_space<vmem>>, vector<1x16xf32>,
      %swap3A_984 = arith.constant 5 : i32
      %swap3A_985 = arith.index_cast %swap3A_984 : i32 to index
      %swap3A_986 = arith.constant 128 : index
      %swap3A_987 = tpu.vector_load %arg12[%swap3A_985, %swap3A_986] {strides = array<i32>} : memref<16x256xf32, #tpu.memory_space<vmem>>, vector<1x16xf32>,
      %swap3A_988 = vector.shape_cast %swap3A_987 : vector<1x16xf32> to vector<16xf32>
      %swap3A_989 = vector.shape_cast %get3A_959 : vector<16xf32> to vector<1x16xf32>
      tpu.vector_store %arg12[%swap3A_985, %swap3A_986], %swap3A_989 {strides = array<i32>} : memref<16x256xf32, #tpu.memory_space<vmem>>, vector<1x16xf32>,
      %swap3A_990 = arith.constant 6 : i32
      %swap3A_991 = arith.index_cast %swap3A_990 : i32 to index
      %swap3A_992 = arith.constant 128 : index
      %swap3A_993 = tpu.vector_load %arg12[%swap3A_991, %swap3A_992] {strides = array<i32>} : memref<16x256xf32, #tpu.memory_space<vmem>>, vector<1x16xf32>,
      %swap3A_994 = vector.shape_cast %swap3A_993 : vector<1x16xf32> to vector<16xf32>
      %swap3A_995 = vector.shape_cast %get3A_959 : vector<16xf32> to vector<1x16xf32>
      tpu.vector_store %arg12[%swap3A_991, %swap3A_992], %swap3A_995 {strides = array<i32>} : memref<16x256xf32, #tpu.memory_space<vmem>>, vector<1x16xf32>,
      %swap3A_996 = arith.constant 7 : i32
      %swap3A_997 = arith.index_cast %swap3A_996 : i32 to index
      %swap3A_998 = arith.constant 128 : index
      %swap3A_999 = tpu.vector_load %arg12[%swap3A_997, %swap3A_998] {strides = array<i32>} : memref<16x256xf32, #tpu.memory_space<vmem>>, vector<1x16xf32>,
      %swap3A_1000 = vector.shape_cast %swap3A_999 : vector<1x16xf32> to vector<16xf32>
      %swap3A_1001 = vector.shape_cast %get3A_959 : vector<16xf32> to vector<1x16xf32>
      tpu.vector_store %arg12[%swap3A_997, %swap3A_998], %swap3A_1001 {strides = array<i32>} : memref<16x256xf32, #tpu.memory_space<vmem>>, vector<1x16xf32>,
      %swap3A_1002 = arith.constant 8 : i32
      %swap3A_1003 = arith.index_cast %swap3A_1002 : i32 to index
      %swap3A_1004 = arith.constant 128 : index
      %swap3A_1005 = tpu.vector_load %arg12[%swap3A_1003, %swap3A_1004] {strides = array<i32>} : memref<16x256xf32, #tpu.memory_space<vmem>>, vector<1x16xf32>,
      %swap3A_1006 = vector.shape_cast %swap3A_1005 : vector<1x16xf32> to vector<16xf32>
      %swap3A_1007 = vector.shape_cast %get3A_959 : vector<16xf32> to vector<1x16xf32>
      tpu.vector_store %arg12[%swap3A_1003, %swap3A_1004], %swap3A_1007 {strides = array<i32>} : memref<16x256xf32, #tpu.memory_space<vmem>>, vector<1x16xf32>,
      %swap3A_1008 = arith.constant 9 : i32
      %swap3A_1009 = arith.index_cast %swap3A_1008 : i32 to index
      %swap3A_1010 = arith.constant 128 : index
      %swap3A_1011 = tpu.vector_load %arg12[%swap3A_1009, %swap3A_1010] {strides = array<i32>} : memref<16x256xf32, #tpu.memory_space<vmem>>, vector<1x16xf32>,
      %swap3A_1012 = vector.shape_cast %swap3A_1011 : vector<1x16xf32> to vector<16xf32>
      %swap3A_1013 = vector.shape_cast %get3A_959 : vector<16xf32> to vector<1x16xf32>
      tpu.vector_store %arg12[%swap3A_1009, %swap3A_1010], %swap3A_1013 {strides = array<i32>} : memref<16x256xf32, #tpu.memory_space<vmem>>, vector<1x16xf32>,
      %swap3A_1014 = arith.constant 10 : i32
      %swap3A_1015 = arith.index_cast %swap3A_1014 : i32 to index
      %swap3A_1016 = arith.constant 128 : index
      %swap3A_1017 = tpu.vector_load %arg12[%swap3A_1015, %swap3A_1016] {strides = array<i32>} : memref<16x256xf32, #tpu.memory_space<vmem>>, vector<1x16xf32>,
      %swap3A_1018 = vector.shape_cast %swap3A_1017 : vector<1x16xf32> to vector<16xf32>
      %swap3A_1019 = vector.shape_cast %get3A_959 : vector<16xf32> to vector<1x16xf32>
      tpu.vector_store %arg12[%swap3A_1015, %swap3A_1016], %swap3A_1019 {strides = array<i32>} : memref<16x256xf32, #tpu.memory_space<vmem>>, vector<1x16xf32>,
      %swap3A_1020 = arith.constant 11 : i32
      %swap3A_1021 = arith.index_cast %swap3A_1020 : i32 to index
      %swap3A_1022 = arith.constant 128 : index
      %swap3A_1023 = tpu.vector_load %arg12[%swap3A_1021, %swap3A_1022] {strides = array<i32>} : memref<16x256xf32, #tpu.memory_space<vmem>>, vector<1x16xf32>,
      %swap3A_1024 = vector.shape_cast %swap3A_1023 : vector<1x16xf32> to vector<16xf32>
      %swap3A_1025 = vector.shape_cast %get3A_959 : vector<16xf32> to vector<1x16xf32>
      tpu.vector_store %arg12[%swap3A_1021, %swap3A_1022], %swap3A_1025 {strides = array<i32>} : memref<16x256xf32, #tpu.memory_space<vmem>>, vector<1x16xf32>,
      %swap3A_1026 = arith.constant 12 : i32
      %swap3A_1027 = arith.index_cast %swap3A_1026 : i32 to index
      %swap3A_1028 = arith.constant 128 : index
      %swap3A_1029 = tpu.vector_load %arg12[%swap3A_1027, %swap3A_1028] {strides = array<i32>} : memref<16x256xf32, #tpu.memory_space<vmem>>, vector<1x16xf32>,
      %swap3A_1030 = vector.shape_cast %swap3A_1029 : vector<1x16xf32> to vector<16xf32>
      %swap3A_1031 = vector.shape_cast %get3A_959 : vector<16xf32> to vector<1x16xf32>
      tpu.vector_store %arg12[%swap3A_1027, %swap3A_1028], %swap3A_1031 {strides = array<i32>} : memref<16x256xf32, #tpu.memory_space<vmem>>, vector<1x16xf32>,
      %swap3A_1032 = arith.constant 13 : i32
      %swap3A_1033 = arith.index_cast %swap3A_1032 : i32 to index
      %swap3A_1034 = arith.constant 128 : index
      %swap3A_1035 = tpu.vector_load %arg12[%swap3A_1033, %swap3A_1034] {strides = array<i32>} : memref<16x256xf32, #tpu.memory_space<vmem>>, vector<1x16xf32>,
      %swap3A_1036 = vector.shape_cast %swap3A_1035 : vector<1x16xf32> to vector<16xf32>
      %swap3A_1037 = vector.shape_cast %get3A_959 : vector<16xf32> to vector<1x16xf32>
      tpu.vector_store %arg12[%swap3A_1033, %swap3A_1034], %swap3A_1037 {strides = array<i32>} : memref<16x256xf32, #tpu.memory_space<vmem>>, vector<1x16xf32>,
      %swap3A_1038 = arith.constant 14 : i32
      %swap3A_1039 = arith.index_cast %swap3A_1038 : i32 to index
      %swap3A_1040 = arith.constant 128 : index
      %swap3A_1041 = tpu.vector_load %arg12[%swap3A_1039, %swap3A_1040] {strides = array<i32>} : memref<16x256xf32, #tpu.memory_space<vmem>>, vector<1x16xf32>,
      %swap3A_1042 = vector.shape_cast %swap3A_1041 : vector<1x16xf32> to vector<16xf32>
      %swap3A_1043 = vector.shape_cast %get3A_959 : vector<16xf32> to vector<1x16xf32>
      tpu.vector_store %arg12[%swap3A_1039, %swap3A_1040], %swap3A_1043 {strides = array<i32>} : memref<16x256xf32, #tpu.memory_space<vmem>>, vector<1x16xf32>,
      %swap3A_1044 = arith.constant 15 : i32
      %swap3A_1045 = arith.index_cast %swap3A_1044 : i32 to index
      %swap3A_1046 = arith.constant 128 : index
      %swap3A_1047 = tpu.vector_load %arg12[%swap3A_1045, %swap3A_1046] {strides = array<i32>} : memref<16x256xf32, #tpu.memory_space<vmem>>, vector<1x16xf32>,
      %swap3A_1048 = vector.shape_cast %swap3A_1047 : vector<1x16xf32> to vector<16xf32>
      %swap3A_1049 = vector.shape_cast %get3A_959 : vector<16xf32> to vector<1x16xf32>
      tpu.vector_store %arg12[%swap3A_1045, %swap3A_1046], %swap3A_1049 {strides = array<i32>} : memref<16x256xf32, #tpu.memory_space<vmem>>, vector<1x16xf32>,
      %get3A_1050 = arith.constant 0 : i32
      %get3A_1051 = arith.index_cast %get3A_1050 : i32 to index
      %get3A_1052 = arith.constant 144 : index
      %get3A_1053 = tpu.vector_load %arg12[%get3A_1051, %get3A_1052] {strides = array<i32>} : memref<16x256xf32, #tpu.memory_space<vmem>>, vector<1x16xf32>,
      %get3A_1054 = vector.shape_cast %get3A_1053 : vector<1x16xf32> to vector<16xf32>
      %swap3A_1055 = arith.constant 1 : i32
      %swap3A_1056 = arith.index_cast %swap3A_1055 : i32 to index
      %swap3A_1057 = arith.constant 144 : index
      %swap3A_1058 = tpu.vector_load %arg12[%swap3A_1056, %swap3A_1057] {strides = array<i32>} : memref<16x256xf32, #tpu.memory_space<vmem>>, vector<1x16xf32>,
      %swap3A_1059 = vector.shape_cast %swap3A_1058 : vector<1x16xf32> to vector<16xf32>
      %swap3A_1060 = vector.shape_cast %get3A_1054 : vector<16xf32> to vector<1x16xf32>
      tpu.vector_store %arg12[%swap3A_1056, %swap3A_1057], %swap3A_1060 {strides = array<i32>} : memref<16x256xf32, #tpu.memory_space<vmem>>, vector<1x16xf32>,
      %swap3A_1061 = arith.constant 2 : i32
      %swap3A_1062 = arith.index_cast %swap3A_1061 : i32 to index
      %swap3A_1063 = arith.constant 144 : index
      %swap3A_1064 = tpu.vector_load %arg12[%swap3A_1062, %swap3A_1063] {strides = array<i32>} : memref<16x256xf32, #tpu.memory_space<vmem>>, vector<1x16xf32>,
      %swap3A_1065 = vector.shape_cast %swap3A_1064 : vector<1x16xf32> to vector<16xf32>
      %swap3A_1066 = vector.shape_cast %get3A_1054 : vector<16xf32> to vector<1x16xf32>
      tpu.vector_store %arg12[%swap3A_1062, %swap3A_1063], %swap3A_1066 {strides = array<i32>} : memref<16x256xf32, #tpu.memory_space<vmem>>, vector<1x16xf32>,
      %swap3A_1067 = arith.constant 3 : i32
      %swap3A_1068 = arith.index_cast %swap3A_1067 : i32 to index
      %swap3A_1069 = arith.constant 144 : index
      %swap3A_1070 = tpu.vector_load %arg12[%swap3A_1068, %swap3A_1069] {strides = array<i32>} : memref<16x256xf32, #tpu.memory_space<vmem>>, vector<1x16xf32>,
      %swap3A_1071 = vector.shape_cast %swap3A_1070 : vector<1x16xf32> to vector<16xf32>
      %swap3A_1072 = vector.shape_cast %get3A_1054 : vector<16xf32> to vector<1x16xf32>
      tpu.vector_store %arg12[%swap3A_1068, %swap3A_1069], %swap3A_1072 {strides = array<i32>} : memref<16x256xf32, #tpu.memory_space<vmem>>, vector<1x16xf32>,
      %swap3A_1073 = arith.constant 4 : i32
      %swap3A_1074 = arith.index_cast %swap3A_1073 : i32 to index
      %swap3A_1075 = arith.constant 144 : index
      %swap3A_1076 = tpu.vector_load %arg12[%swap3A_1074, %swap3A_1075] {strides = array<i32>} : memref<16x256xf32, #tpu.memory_space<vmem>>, vector<1x16xf32>,
      %swap3A_1077 = vector.shape_cast %swap3A_1076 : vector<1x16xf32> to vector<16xf32>
      %swap3A_1078 = vector.shape_cast %get3A_1054 : vector<16xf32> to vector<1x16xf32>
      tpu.vector_store %arg12[%swap3A_1074, %swap3A_1075], %swap3A_1078 {strides = array<i32>} : memref<16x256xf32, #tpu.memory_space<vmem>>, vector<1x16xf32>,
      %swap3A_1079 = arith.constant 5 : i32
      %swap3A_1080 = arith.index_cast %swap3A_1079 : i32 to index
      %swap3A_1081 = arith.constant 144 : index
      %swap3A_1082 = tpu.vector_load %arg12[%swap3A_1080, %swap3A_1081] {strides = array<i32>} : memref<16x256xf32, #tpu.memory_space<vmem>>, vector<1x16xf32>,
      %swap3A_1083 = vector.shape_cast %swap3A_1082 : vector<1x16xf32> to vector<16xf32>
      %swap3A_1084 = vector.shape_cast %get3A_1054 : vector<16xf32> to vector<1x16xf32>
      tpu.vector_store %arg12[%swap3A_1080, %swap3A_1081], %swap3A_1084 {strides = array<i32>} : memref<16x256xf32, #tpu.memory_space<vmem>>, vector<1x16xf32>,
      %swap3A_1085 = arith.constant 6 : i32
      %swap3A_1086 = arith.index_cast %swap3A_1085 : i32 to index
      %swap3A_1087 = arith.constant 144 : index
      %swap3A_1088 = tpu.vector_load %arg12[%swap3A_1086, %swap3A_1087] {strides = array<i32>} : memref<16x256xf32, #tpu.memory_space<vmem>>, vector<1x16xf32>,
      %swap3A_1089 = vector.shape_cast %swap3A_1088 : vector<1x16xf32> to vector<16xf32>
      %swap3A_1090 = vector.shape_cast %get3A_1054 : vector<16xf32> to vector<1x16xf32>
      tpu.vector_store %arg12[%swap3A_1086, %swap3A_1087], %swap3A_1090 {strides = array<i32>} : memref<16x256xf32, #tpu.memory_space<vmem>>, vector<1x16xf32>,
      %swap3A_1091 = arith.constant 7 : i32
      %swap3A_1092 = arith.index_cast %swap3A_1091 : i32 to index
      %swap3A_1093 = arith.constant 144 : index
      %swap3A_1094 = tpu.vector_load %arg12[%swap3A_1092, %swap3A_1093] {strides = array<i32>} : memref<16x256xf32, #tpu.memory_space<vmem>>, vector<1x16xf32>,
      %swap3A_1095 = vector.shape_cast %swap3A_1094 : vector<1x16xf32> to vector<16xf32>
      %swap3A_1096 = vector.shape_cast %get3A_1054 : vector<16xf32> to vector<1x16xf32>
      tpu.vector_store %arg12[%swap3A_1092, %swap3A_1093], %swap3A_1096 {strides = array<i32>} : memref<16x256xf32, #tpu.memory_space<vmem>>, vector<1x16xf32>,
      %swap3A_1097 = arith.constant 8 : i32
      %swap3A_1098 = arith.index_cast %swap3A_1097 : i32 to index
      %swap3A_1099 = arith.constant 144 : index
      %swap3A_1100 = tpu.vector_load %arg12[%swap3A_1098, %swap3A_1099] {strides = array<i32>} : memref<16x256xf32, #tpu.memory_space<vmem>>, vector<1x16xf32>,
      %swap3A_1101 = vector.shape_cast %swap3A_1100 : vector<1x16xf32> to vector<16xf32>
      %swap3A_1102 = vector.shape_cast %get3A_1054 : vector<16xf32> to vector<1x16xf32>
      tpu.vector_store %arg12[%swap3A_1098, %swap3A_1099], %swap3A_1102 {strides = array<i32>} : memref<16x256xf32, #tpu.memory_space<vmem>>, vector<1x16xf32>,
      %swap3A_1103 = arith.constant 9 : i32
      %swap3A_1104 = arith.index_cast %swap3A_1103 : i32 to index
      %swap3A_1105 = arith.constant 144 : index
      %swap3A_1106 = tpu.vector_load %arg12[%swap3A_1104, %swap3A_1105] {strides = array<i32>} : memref<16x256xf32, #tpu.memory_space<vmem>>, vector<1x16xf32>,
      %swap3A_1107 = vector.shape_cast %swap3A_1106 : vector<1x16xf32> to vector<16xf32>
      %swap3A_1108 = vector.shape_cast %get3A_1054 : vector<16xf32> to vector<1x16xf32>
      tpu.vector_store %arg12[%swap3A_1104, %swap3A_1105], %swap3A_1108 {strides = array<i32>} : memref<16x256xf32, #tpu.memory_space<vmem>>, vector<1x16xf32>,
      %swap3A_1109 = arith.constant 10 : i32
      %swap3A_1110 = arith.index_cast %swap3A_1109 : i32 to index
      %swap3A_1111 = arith.constant 144 : index
      %swap3A_1112 = tpu.vector_load %arg12[%swap3A_1110, %swap3A_1111] {strides = array<i32>} : memref<16x256xf32, #tpu.memory_space<vmem>>, vector<1x16xf32>,
      %swap3A_1113 = vector.shape_cast %swap3A_1112 : vector<1x16xf32> to vector<16xf32>
      %swap3A_1114 = vector.shape_cast %get3A_1054 : vector<16xf32> to vector<1x16xf32>
      tpu.vector_store %arg12[%swap3A_1110, %swap3A_1111], %swap3A_1114 {strides = array<i32>} : memref<16x256xf32, #tpu.memory_space<vmem>>, vector<1x16xf32>,
      %swap3A_1115 = arith.constant 11 : i32
      %swap3A_1116 = arith.index_cast %swap3A_1115 : i32 to index
      %swap3A_1117 = arith.constant 144 : index
      %swap3A_1118 = tpu.vector_load %arg12[%swap3A_1116, %swap3A_1117] {strides = array<i32>} : memref<16x256xf32, #tpu.memory_space<vmem>>, vector<1x16xf32>,
      %swap3A_1119 = vector.shape_cast %swap3A_1118 : vector<1x16xf32> to vector<16xf32>
      %swap3A_1120 = vector.shape_cast %get3A_1054 : vector<16xf32> to vector<1x16xf32>
      tpu.vector_store %arg12[%swap3A_1116, %swap3A_1117], %swap3A_1120 {strides = array<i32>} : memref<16x256xf32, #tpu.memory_space<vmem>>, vector<1x16xf32>,
      %swap3A_1121 = arith.constant 12 : i32
      %swap3A_1122 = arith.index_cast %swap3A_1121 : i32 to index
      %swap3A_1123 = arith.constant 144 : index
      %swap3A_1124 = tpu.vector_load %arg12[%swap3A_1122, %swap3A_1123] {strides = array<i32>} : memref<16x256xf32, #tpu.memory_space<vmem>>, vector<1x16xf32>,
      %swap3A_1125 = vector.shape_cast %swap3A_1124 : vector<1x16xf32> to vector<16xf32>
      %swap3A_1126 = vector.shape_cast %get3A_1054 : vector<16xf32> to vector<1x16xf32>
      tpu.vector_store %arg12[%swap3A_1122, %swap3A_1123], %swap3A_1126 {strides = array<i32>} : memref<16x256xf32, #tpu.memory_space<vmem>>, vector<1x16xf32>,
      %swap3A_1127 = arith.constant 13 : i32
      %swap3A_1128 = arith.index_cast %swap3A_1127 : i32 to index
      %swap3A_1129 = arith.constant 144 : index
      %swap3A_1130 = tpu.vector_load %arg12[%swap3A_1128, %swap3A_1129] {strides = array<i32>} : memref<16x256xf32, #tpu.memory_space<vmem>>, vector<1x16xf32>,
      %swap3A_1131 = vector.shape_cast %swap3A_1130 : vector<1x16xf32> to vector<16xf32>
      %swap3A_1132 = vector.shape_cast %get3A_1054 : vector<16xf32> to vector<1x16xf32>
      tpu.vector_store %arg12[%swap3A_1128, %swap3A_1129], %swap3A_1132 {strides = array<i32>} : memref<16x256xf32, #tpu.memory_space<vmem>>, vector<1x16xf32>,
      %swap3A_1133 = arith.constant 14 : i32
      %swap3A_1134 = arith.index_cast %swap3A_1133 : i32 to index
      %swap3A_1135 = arith.constant 144 : index
      %swap3A_1136 = tpu.vector_load %arg12[%swap3A_1134, %swap3A_1135] {strides = array<i32>} : memref<16x256xf32, #tpu.memory_space<vmem>>, vector<1x16xf32>,
      %swap3A_1137 = vector.shape_cast %swap3A_1136 : vector<1x16xf32> to vector<16xf32>
      %swap3A_1138 = vector.shape_cast %get3A_1054 : vector<16xf32> to vector<1x16xf32>
      tpu.vector_store %arg12[%swap3A_1134, %swap3A_1135], %swap3A_1138 {strides = array<i32>} : memref<16x256xf32, #tpu.memory_space<vmem>>, vector<1x16xf32>,
      %swap3A_1139 = arith.constant 15 : i32
      %swap3A_1140 = arith.index_cast %swap3A_1139 : i32 to index
      %swap3A_1141 = arith.constant 144 : index
      %swap3A_1142 = tpu.vector_load %arg12[%swap3A_1140, %swap3A_1141] {strides = array<i32>} : memref<16x256xf32, #tpu.memory_space<vmem>>, vector<1x16xf32>,
      %swap3A_1143 = vector.shape_cast %swap3A_1142 : vector<1x16xf32> to vector<16xf32>
      %swap3A_1144 = vector.shape_cast %get3A_1054 : vector<16xf32> to vector<1x16xf32>
      tpu.vector_store %arg12[%swap3A_1140, %swap3A_1141], %swap3A_1144 {strides = array<i32>} : memref<16x256xf32, #tpu.memory_space<vmem>>, vector<1x16xf32>,
      %get3A_1145 = arith.constant 0 : i32
      %get3A_1146 = arith.index_cast %get3A_1145 : i32 to index
      %get3A_1147 = arith.constant 160 : index
      %get3A_1148 = tpu.vector_load %arg12[%get3A_1146, %get3A_1147] {strides = array<i32>} : memref<16x256xf32, #tpu.memory_space<vmem>>, vector<1x16xf32>,
      %get3A_1149 = vector.shape_cast %get3A_1148 : vector<1x16xf32> to vector<16xf32>
      %swap3A_1150 = arith.constant 1 : i32
      %swap3A_1151 = arith.index_cast %swap3A_1150 : i32 to index
      %swap3A_1152 = arith.constant 160 : index
      %swap3A_1153 = tpu.vector_load %arg12[%swap3A_1151, %swap3A_1152] {strides = array<i32>} : memref<16x256xf32, #tpu.memory_space<vmem>>, vector<1x16xf32>,
      %swap3A_1154 = vector.shape_cast %swap3A_1153 : vector<1x16xf32> to vector<16xf32>
      %swap3A_1155 = vector.shape_cast %get3A_1149 : vector<16xf32> to vector<1x16xf32>
      tpu.vector_store %arg12[%swap3A_1151, %swap3A_1152], %swap3A_1155 {strides = array<i32>} : memref<16x256xf32, #tpu.memory_space<vmem>>, vector<1x16xf32>,
      %swap3A_1156 = arith.constant 2 : i32
      %swap3A_1157 = arith.index_cast %swap3A_1156 : i32 to index
      %swap3A_1158 = arith.constant 160 : index
      %swap3A_1159 = tpu.vector_load %arg12[%swap3A_1157, %swap3A_1158] {strides = array<i32>} : memref<16x256xf32, #tpu.memory_space<vmem>>, vector<1x16xf32>,
      %swap3A_1160 = vector.shape_cast %swap3A_1159 : vector<1x16xf32> to vector<16xf32>
      %swap3A_1161 = vector.shape_cast %get3A_1149 : vector<16xf32> to vector<1x16xf32>
      tpu.vector_store %arg12[%swap3A_1157, %swap3A_1158], %swap3A_1161 {strides = array<i32>} : memref<16x256xf32, #tpu.memory_space<vmem>>, vector<1x16xf32>,
      %swap3A_1162 = arith.constant 3 : i32
      %swap3A_1163 = arith.index_cast %swap3A_1162 : i32 to index
      %swap3A_1164 = arith.constant 160 : index
      %swap3A_1165 = tpu.vector_load %arg12[%swap3A_1163, %swap3A_1164] {strides = array<i32>} : memref<16x256xf32, #tpu.memory_space<vmem>>, vector<1x16xf32>,
      %swap3A_1166 = vector.shape_cast %swap3A_1165 : vector<1x16xf32> to vector<16xf32>
      %swap3A_1167 = vector.shape_cast %get3A_1149 : vector<16xf32> to vector<1x16xf32>
      tpu.vector_store %arg12[%swap3A_1163, %swap3A_1164], %swap3A_1167 {strides = array<i32>} : memref<16x256xf32, #tpu.memory_space<vmem>>, vector<1x16xf32>,
      %swap3A_1168 = arith.constant 4 : i32
      %swap3A_1169 = arith.index_cast %swap3A_1168 : i32 to index
      %swap3A_1170 = arith.constant 160 : index
      %swap3A_1171 = tpu.vector_load %arg12[%swap3A_1169, %swap3A_1170] {strides = array<i32>} : memref<16x256xf32, #tpu.memory_space<vmem>>, vector<1x16xf32>,
      %swap3A_1172 = vector.shape_cast %swap3A_1171 : vector<1x16xf32> to vector<16xf32>
      %swap3A_1173 = vector.shape_cast %get3A_1149 : vector<16xf32> to vector<1x16xf32>
      tpu.vector_store %arg12[%swap3A_1169, %swap3A_1170], %swap3A_1173 {strides = array<i32>} : memref<16x256xf32, #tpu.memory_space<vmem>>, vector<1x16xf32>,
      %swap3A_1174 = arith.constant 5 : i32
      %swap3A_1175 = arith.index_cast %swap3A_1174 : i32 to index
      %swap3A_1176 = arith.constant 160 : index
      %swap3A_1177 = tpu.vector_load %arg12[%swap3A_1175, %swap3A_1176] {strides = array<i32>} : memref<16x256xf32, #tpu.memory_space<vmem>>, vector<1x16xf32>,
      %swap3A_1178 = vector.shape_cast %swap3A_1177 : vector<1x16xf32> to vector<16xf32>
      %swap3A_1179 = vector.shape_cast %get3A_1149 : vector<16xf32> to vector<1x16xf32>
      tpu.vector_store %arg12[%swap3A_1175, %swap3A_1176], %swap3A_1179 {strides = array<i32>} : memref<16x256xf32, #tpu.memory_space<vmem>>, vector<1x16xf32>,
      %swap3A_1180 = arith.constant 6 : i32
      %swap3A_1181 = arith.index_cast %swap3A_1180 : i32 to index
      %swap3A_1182 = arith.constant 160 : index
      %swap3A_1183 = tpu.vector_load %arg12[%swap3A_1181, %swap3A_1182] {strides = array<i32>} : memref<16x256xf32, #tpu.memory_space<vmem>>, vector<1x16xf32>,
      %swap3A_1184 = vector.shape_cast %swap3A_1183 : vector<1x16xf32> to vector<16xf32>
      %swap3A_1185 = vector.shape_cast %get3A_1149 : vector<16xf32> to vector<1x16xf32>
      tpu.vector_store %arg12[%swap3A_1181, %swap3A_1182], %swap3A_1185 {strides = array<i32>} : memref<16x256xf32, #tpu.memory_space<vmem>>, vector<1x16xf32>,
      %swap3A_1186 = arith.constant 7 : i32
      %swap3A_1187 = arith.index_cast %swap3A_1186 : i32 to index
      %swap3A_1188 = arith.constant 160 : index
      %swap3A_1189 = tpu.vector_load %arg12[%swap3A_1187, %swap3A_1188] {strides = array<i32>} : memref<16x256xf32, #tpu.memory_space<vmem>>, vector<1x16xf32>,
      %swap3A_1190 = vector.shape_cast %swap3A_1189 : vector<1x16xf32> to vector<16xf32>
      %swap3A_1191 = vector.shape_cast %get3A_1149 : vector<16xf32> to vector<1x16xf32>
      tpu.vector_store %arg12[%swap3A_1187, %swap3A_1188], %swap3A_1191 {strides = array<i32>} : memref<16x256xf32, #tpu.memory_space<vmem>>, vector<1x16xf32>,
      %swap3A_1192 = arith.constant 8 : i32
      %swap3A_1193 = arith.index_cast %swap3A_1192 : i32 to index
      %swap3A_1194 = arith.constant 160 : index
      %swap3A_1195 = tpu.vector_load %arg12[%swap3A_1193, %swap3A_1194] {strides = array<i32>} : memref<16x256xf32, #tpu.memory_space<vmem>>, vector<1x16xf32>,
      %swap3A_1196 = vector.shape_cast %swap3A_1195 : vector<1x16xf32> to vector<16xf32>
      %swap3A_1197 = vector.shape_cast %get3A_1149 : vector<16xf32> to vector<1x16xf32>
      tpu.vector_store %arg12[%swap3A_1193, %swap3A_1194], %swap3A_1197 {strides = array<i32>} : memref<16x256xf32, #tpu.memory_space<vmem>>, vector<1x16xf32>,
      %swap3A_1198 = arith.constant 9 : i32
      %swap3A_1199 = arith.index_cast %swap3A_1198 : i32 to index
      %swap3A_1200 = arith.constant 160 : index
      %swap3A_1201 = tpu.vector_load %arg12[%swap3A_1199, %swap3A_1200] {strides = array<i32>} : memref<16x256xf32, #tpu.memory_space<vmem>>, vector<1x16xf32>,
      %swap3A_1202 = vector.shape_cast %swap3A_1201 : vector<1x16xf32> to vector<16xf32>
      %swap3A_1203 = vector.shape_cast %get3A_1149 : vector<16xf32> to vector<1x16xf32>
      tpu.vector_store %arg12[%swap3A_1199, %swap3A_1200], %swap3A_1203 {strides = array<i32>} : memref<16x256xf32, #tpu.memory_space<vmem>>, vector<1x16xf32>,
      %swap3A_1204 = arith.constant 10 : i32
      %swap3A_1205 = arith.index_cast %swap3A_1204 : i32 to index
      %swap3A_1206 = arith.constant 160 : index
      %swap3A_1207 = tpu.vector_load %arg12[%swap3A_1205, %swap3A_1206] {strides = array<i32>} : memref<16x256xf32, #tpu.memory_space<vmem>>, vector<1x16xf32>,
      %swap3A_1208 = vector.shape_cast %swap3A_1207 : vector<1x16xf32> to vector<16xf32>
      %swap3A_1209 = vector.shape_cast %get3A_1149 : vector<16xf32> to vector<1x16xf32>
      tpu.vector_store %arg12[%swap3A_1205, %swap3A_1206], %swap3A_1209 {strides = array<i32>} : memref<16x256xf32, #tpu.memory_space<vmem>>, vector<1x16xf32>,
      %swap3A_1210 = arith.constant 11 : i32
      %swap3A_1211 = arith.index_cast %swap3A_1210 : i32 to index
      %swap3A_1212 = arith.constant 160 : index
      %swap3A_1213 = tpu.vector_load %arg12[%swap3A_1211, %swap3A_1212] {strides = array<i32>} : memref<16x256xf32, #tpu.memory_space<vmem>>, vector<1x16xf32>,
      %swap3A_1214 = vector.shape_cast %swap3A_1213 : vector<1x16xf32> to vector<16xf32>
      %swap3A_1215 = vector.shape_cast %get3A_1149 : vector<16xf32> to vector<1x16xf32>
      tpu.vector_store %arg12[%swap3A_1211, %swap3A_1212], %swap3A_1215 {strides = array<i32>} : memref<16x256xf32, #tpu.memory_space<vmem>>, vector<1x16xf32>,
      %swap3A_1216 = arith.constant 12 : i32
      %swap3A_1217 = arith.index_cast %swap3A_1216 : i32 to index
      %swap3A_1218 = arith.constant 160 : index
      %swap3A_1219 = tpu.vector_load %arg12[%swap3A_1217, %swap3A_1218] {strides = array<i32>} : memref<16x256xf32, #tpu.memory_space<vmem>>, vector<1x16xf32>,
      %swap3A_1220 = vector.shape_cast %swap3A_1219 : vector<1x16xf32> to vector<16xf32>
      %swap3A_1221 = vector.shape_cast %get3A_1149 : vector<16xf32> to vector<1x16xf32>
      tpu.vector_store %arg12[%swap3A_1217, %swap3A_1218], %swap3A_1221 {strides = array<i32>} : memref<16x256xf32, #tpu.memory_space<vmem>>, vector<1x16xf32>,
      %swap3A_1222 = arith.constant 13 : i32
      %swap3A_1223 = arith.index_cast %swap3A_1222 : i32 to index
      %swap3A_1224 = arith.constant 160 : index
      %swap3A_1225 = tpu.vector_load %arg12[%swap3A_1223, %swap3A_1224] {strides = array<i32>} : memref<16x256xf32, #tpu.memory_space<vmem>>, vector<1x16xf32>,
      %swap3A_1226 = vector.shape_cast %swap3A_1225 : vector<1x16xf32> to vector<16xf32>
      %swap3A_1227 = vector.shape_cast %get3A_1149 : vector<16xf32> to vector<1x16xf32>
      tpu.vector_store %arg12[%swap3A_1223, %swap3A_1224], %swap3A_1227 {strides = array<i32>} : memref<16x256xf32, #tpu.memory_space<vmem>>, vector<1x16xf32>,
      %swap3A_1228 = arith.constant 14 : i32
      %swap3A_1229 = arith.index_cast %swap3A_1228 : i32 to index
      %swap3A_1230 = arith.constant 160 : index
      %swap3A_1231 = tpu.vector_load %arg12[%swap3A_1229, %swap3A_1230] {strides = array<i32>} : memref<16x256xf32, #tpu.memory_space<vmem>>, vector<1x16xf32>,
      %swap3A_1232 = vector.shape_cast %swap3A_1231 : vector<1x16xf32> to vector<16xf32>
      %swap3A_1233 = vector.shape_cast %get3A_1149 : vector<16xf32> to vector<1x16xf32>
      tpu.vector_store %arg12[%swap3A_1229, %swap3A_1230], %swap3A_1233 {strides = array<i32>} : memref<16x256xf32, #tpu.memory_space<vmem>>, vector<1x16xf32>,
      %swap3A_1234 = arith.constant 15 : i32
      %swap3A_1235 = arith.index_cast %swap3A_1234 : i32 to index
      %swap3A_1236 = arith.constant 160 : index
      %swap3A_1237 = tpu.vector_load %arg12[%swap3A_1235, %swap3A_1236] {strides = array<i32>} : memref<16x256xf32, #tpu.memory_space<vmem>>, vector<1x16xf32>,
      %swap3A_1238 = vector.shape_cast %swap3A_1237 : vector<1x16xf32> to vector<16xf32>
      %swap3A_1239 = vector.shape_cast %get3A_1149 : vector<16xf32> to vector<1x16xf32>
      tpu.vector_store %arg12[%swap3A_1235, %swap3A_1236], %swap3A_1239 {strides = array<i32>} : memref<16x256xf32, #tpu.memory_space<vmem>>, vector<1x16xf32>,
      %get3A_1240 = arith.constant 0 : i32
      %get3A_1241 = arith.index_cast %get3A_1240 : i32 to index
      %get3A_1242 = arith.constant 176 : index
      %get3A_1243 = tpu.vector_load %arg12[%get3A_1241, %get3A_1242] {strides = array<i32>} : memref<16x256xf32, #tpu.memory_space<vmem>>, vector<1x16xf32>,
      %get3A_1244 = vector.shape_cast %get3A_1243 : vector<1x16xf32> to vector<16xf32>
      %swap3A_1245 = arith.constant 1 : i32
      %swap3A_1246 = arith.index_cast %swap3A_1245 : i32 to index
      %swap3A_1247 = arith.constant 176 : index
      %swap3A_1248 = tpu.vector_load %arg12[%swap3A_1246, %swap3A_1247] {strides = array<i32>} : memref<16x256xf32, #tpu.memory_space<vmem>>, vector<1x16xf32>,
      %swap3A_1249 = vector.shape_cast %swap3A_1248 : vector<1x16xf32> to vector<16xf32>
      %swap3A_1250 = vector.shape_cast %get3A_1244 : vector<16xf32> to vector<1x16xf32>
      tpu.vector_store %arg12[%swap3A_1246, %swap3A_1247], %swap3A_1250 {strides = array<i32>} : memref<16x256xf32, #tpu.memory_space<vmem>>, vector<1x16xf32>,
      %swap3A_1251 = arith.constant 2 : i32
      %swap3A_1252 = arith.index_cast %swap3A_1251 : i32 to index
      %swap3A_1253 = arith.constant 176 : index
      %swap3A_1254 = tpu.vector_load %arg12[%swap3A_1252, %swap3A_1253] {strides = array<i32>} : memref<16x256xf32, #tpu.memory_space<vmem>>, vector<1x16xf32>,
      %swap3A_1255 = vector.shape_cast %swap3A_1254 : vector<1x16xf32> to vector<16xf32>
      %swap3A_1256 = vector.shape_cast %get3A_1244 : vector<16xf32> to vector<1x16xf32>
      tpu.vector_store %arg12[%swap3A_1252, %swap3A_1253], %swap3A_1256 {strides = array<i32>} : memref<16x256xf32, #tpu.memory_space<vmem>>, vector<1x16xf32>,
      %swap3A_1257 = arith.constant 3 : i32
      %swap3A_1258 = arith.index_cast %swap3A_1257 : i32 to index
      %swap3A_1259 = arith.constant 176 : index
      %swap3A_1260 = tpu.vector_load %arg12[%swap3A_1258, %swap3A_1259] {strides = array<i32>} : memref<16x256xf32, #tpu.memory_space<vmem>>, vector<1x16xf32>,
      %swap3A_1261 = vector.shape_cast %swap3A_1260 : vector<1x16xf32> to vector<16xf32>
      %swap3A_1262 = vector.shape_cast %get3A_1244 : vector<16xf32> to vector<1x16xf32>
      tpu.vector_store %arg12[%swap3A_1258, %swap3A_1259], %swap3A_1262 {strides = array<i32>} : memref<16x256xf32, #tpu.memory_space<vmem>>, vector<1x16xf32>,
      %swap3A_1263 = arith.constant 4 : i32
      %swap3A_1264 = arith.index_cast %swap3A_1263 : i32 to index
      %swap3A_1265 = arith.constant 176 : index
      %swap3A_1266 = tpu.vector_load %arg12[%swap3A_1264, %swap3A_1265] {strides = array<i32>} : memref<16x256xf32, #tpu.memory_space<vmem>>, vector<1x16xf32>,
      %swap3A_1267 = vector.shape_cast %swap3A_1266 : vector<1x16xf32> to vector<16xf32>
      %swap3A_1268 = vector.shape_cast %get3A_1244 : vector<16xf32> to vector<1x16xf32>
      tpu.vector_store %arg12[%swap3A_1264, %swap3A_1265], %swap3A_1268 {strides = array<i32>} : memref<16x256xf32, #tpu.memory_space<vmem>>, vector<1x16xf32>,
      %swap3A_1269 = arith.constant 5 : i32
      %swap3A_1270 = arith.index_cast %swap3A_1269 : i32 to index
      %swap3A_1271 = arith.constant 176 : index
      %swap3A_1272 = tpu.vector_load %arg12[%swap3A_1270, %swap3A_1271] {strides = array<i32>} : memref<16x256xf32, #tpu.memory_space<vmem>>, vector<1x16xf32>,
      %swap3A_1273 = vector.shape_cast %swap3A_1272 : vector<1x16xf32> to vector<16xf32>
      %swap3A_1274 = vector.shape_cast %get3A_1244 : vector<16xf32> to vector<1x16xf32>
      tpu.vector_store %arg12[%swap3A_1270, %swap3A_1271], %swap3A_1274 {strides = array<i32>} : memref<16x256xf32, #tpu.memory_space<vmem>>, vector<1x16xf32>,
      %swap3A_1275 = arith.constant 6 : i32
      %swap3A_1276 = arith.index_cast %swap3A_1275 : i32 to index
      %swap3A_1277 = arith.constant 176 : index
      %swap3A_1278 = tpu.vector_load %arg12[%swap3A_1276, %swap3A_1277] {strides = array<i32>} : memref<16x256xf32, #tpu.memory_space<vmem>>, vector<1x16xf32>,
      %swap3A_1279 = vector.shape_cast %swap3A_1278 : vector<1x16xf32> to vector<16xf32>
      %swap3A_1280 = vector.shape_cast %get3A_1244 : vector<16xf32> to vector<1x16xf32>
      tpu.vector_store %arg12[%swap3A_1276, %swap3A_1277], %swap3A_1280 {strides = array<i32>} : memref<16x256xf32, #tpu.memory_space<vmem>>, vector<1x16xf32>,
      %swap3A_1281 = arith.constant 7 : i32
      %swap3A_1282 = arith.index_cast %swap3A_1281 : i32 to index
      %swap3A_1283 = arith.constant 176 : index
      %swap3A_1284 = tpu.vector_load %arg12[%swap3A_1282, %swap3A_1283] {strides = array<i32>} : memref<16x256xf32, #tpu.memory_space<vmem>>, vector<1x16xf32>,
      %swap3A_1285 = vector.shape_cast %swap3A_1284 : vector<1x16xf32> to vector<16xf32>
      %swap3A_1286 = vector.shape_cast %get3A_1244 : vector<16xf32> to vector<1x16xf32>
      tpu.vector_store %arg12[%swap3A_1282, %swap3A_1283], %swap3A_1286 {strides = array<i32>} : memref<16x256xf32, #tpu.memory_space<vmem>>, vector<1x16xf32>,
      %swap3A_1287 = arith.constant 8 : i32
      %swap3A_1288 = arith.index_cast %swap3A_1287 : i32 to index
      %swap3A_1289 = arith.constant 176 : index
      %swap3A_1290 = tpu.vector_load %arg12[%swap3A_1288, %swap3A_1289] {strides = array<i32>} : memref<16x256xf32, #tpu.memory_space<vmem>>, vector<1x16xf32>,
      %swap3A_1291 = vector.shape_cast %swap3A_1290 : vector<1x16xf32> to vector<16xf32>
      %swap3A_1292 = vector.shape_cast %get3A_1244 : vector<16xf32> to vector<1x16xf32>
      tpu.vector_store %arg12[%swap3A_1288, %swap3A_1289], %swap3A_1292 {strides = array<i32>} : memref<16x256xf32, #tpu.memory_space<vmem>>, vector<1x16xf32>,
      %swap3A_1293 = arith.constant 9 : i32
      %swap3A_1294 = arith.index_cast %swap3A_1293 : i32 to index
      %swap3A_1295 = arith.constant 176 : index
      %swap3A_1296 = tpu.vector_load %arg12[%swap3A_1294, %swap3A_1295] {strides = array<i32>} : memref<16x256xf32, #tpu.memory_space<vmem>>, vector<1x16xf32>,
      %swap3A_1297 = vector.shape_cast %swap3A_1296 : vector<1x16xf32> to vector<16xf32>
      %swap3A_1298 = vector.shape_cast %get3A_1244 : vector<16xf32> to vector<1x16xf32>
      tpu.vector_store %arg12[%swap3A_1294, %swap3A_1295], %swap3A_1298 {strides = array<i32>} : memref<16x256xf32, #tpu.memory_space<vmem>>, vector<1x16xf32>,
      %swap3A_1299 = arith.constant 10 : i32
      %swap3A_1300 = arith.index_cast %swap3A_1299 : i32 to index
      %swap3A_1301 = arith.constant 176 : index
      %swap3A_1302 = tpu.vector_load %arg12[%swap3A_1300, %swap3A_1301] {strides = array<i32>} : memref<16x256xf32, #tpu.memory_space<vmem>>, vector<1x16xf32>,
      %swap3A_1303 = vector.shape_cast %swap3A_1302 : vector<1x16xf32> to vector<16xf32>
      %swap3A_1304 = vector.shape_cast %get3A_1244 : vector<16xf32> to vector<1x16xf32>
      tpu.vector_store %arg12[%swap3A_1300, %swap3A_1301], %swap3A_1304 {strides = array<i32>} : memref<16x256xf32, #tpu.memory_space<vmem>>, vector<1x16xf32>,
      %swap3A_1305 = arith.constant 11 : i32
      %swap3A_1306 = arith.index_cast %swap3A_1305 : i32 to index
      %swap3A_1307 = arith.constant 176 : index
      %swap3A_1308 = tpu.vector_load %arg12[%swap3A_1306, %swap3A_1307] {strides = array<i32>} : memref<16x256xf32, #tpu.memory_space<vmem>>, vector<1x16xf32>,
      %swap3A_1309 = vector.shape_cast %swap3A_1308 : vector<1x16xf32> to vector<16xf32>
      %swap3A_1310 = vector.shape_cast %get3A_1244 : vector<16xf32> to vector<1x16xf32>
      tpu.vector_store %arg12[%swap3A_1306, %swap3A_1307], %swap3A_1310 {strides = array<i32>} : memref<16x256xf32, #tpu.memory_space<vmem>>, vector<1x16xf32>,
      %swap3A_1311 = arith.constant 12 : i32
      %swap3A_1312 = arith.index_cast %swap3A_1311 : i32 to index
      %swap3A_1313 = arith.constant 176 : index
      %swap3A_1314 = tpu.vector_load %arg12[%swap3A_1312, %swap3A_1313] {strides = array<i32>} : memref<16x256xf32, #tpu.memory_space<vmem>>, vector<1x16xf32>,
      %swap3A_1315 = vector.shape_cast %swap3A_1314 : vector<1x16xf32> to vector<16xf32>
      %swap3A_1316 = vector.shape_cast %get3A_1244 : vector<16xf32> to vector<1x16xf32>
      tpu.vector_store %arg12[%swap3A_1312, %swap3A_1313], %swap3A_1316 {strides = array<i32>} : memref<16x256xf32, #tpu.memory_space<vmem>>, vector<1x16xf32>,
      %swap3A_1317 = arith.constant 13 : i32
      %swap3A_1318 = arith.index_cast %swap3A_1317 : i32 to index
      %swap3A_1319 = arith.constant 176 : index
      %swap3A_1320 = tpu.vector_load %arg12[%swap3A_1318, %swap3A_1319] {strides = array<i32>} : memref<16x256xf32, #tpu.memory_space<vmem>>, vector<1x16xf32>,
      %swap3A_1321 = vector.shape_cast %swap3A_1320 : vector<1x16xf32> to vector<16xf32>
      %swap3A_1322 = vector.shape_cast %get3A_1244 : vector<16xf32> to vector<1x16xf32>
      tpu.vector_store %arg12[%swap3A_1318, %swap3A_1319], %swap3A_1322 {strides = array<i32>} : memref<16x256xf32, #tpu.memory_space<vmem>>, vector<1x16xf32>,
      %swap3A_1323 = arith.constant 14 : i32
      %swap3A_1324 = arith.index_cast %swap3A_1323 : i32 to index
      %swap3A_1325 = arith.constant 176 : index
      %swap3A_1326 = tpu.vector_load %arg12[%swap3A_1324, %swap3A_1325] {strides = array<i32>} : memref<16x256xf32, #tpu.memory_space<vmem>>, vector<1x16xf32>,
      %swap3A_1327 = vector.shape_cast %swap3A_1326 : vector<1x16xf32> to vector<16xf32>
      %swap3A_1328 = vector.shape_cast %get3A_1244 : vector<16xf32> to vector<1x16xf32>
      tpu.vector_store %arg12[%swap3A_1324, %swap3A_1325], %swap3A_1328 {strides = array<i32>} : memref<16x256xf32, #tpu.memory_space<vmem>>, vector<1x16xf32>,
      %swap3A_1329 = arith.constant 15 : i32
      %swap3A_1330 = arith.index_cast %swap3A_1329 : i32 to index
      %swap3A_1331 = arith.constant 176 : index
      %swap3A_1332 = tpu.vector_load %arg12[%swap3A_1330, %swap3A_1331] {strides = array<i32>} : memref<16x256xf32, #tpu.memory_space<vmem>>, vector<1x16xf32>,
      %swap3A_1333 = vector.shape_cast %swap3A_1332 : vector<1x16xf32> to vector<16xf32>
      %swap3A_1334 = vector.shape_cast %get3A_1244 : vector<16xf32> to vector<1x16xf32>
      tpu.vector_store %arg12[%swap3A_1330, %swap3A_1331], %swap3A_1334 {strides = array<i32>} : memref<16x256xf32, #tpu.memory_space<vmem>>, vector<1x16xf32>,
      %get3A_1335 = arith.constant 0 : i32
      %get3A_1336 = arith.index_cast %get3A_1335 : i32 to index
      %get3A_1337 = arith.constant 192 : index
      %get3A_1338 = tpu.vector_load %arg12[%get3A_1336, %get3A_1337] {strides = array<i32>} : memref<16x256xf32, #tpu.memory_space<vmem>>, vector<1x16xf32>,
      %get3A_1339 = vector.shape_cast %get3A_1338 : vector<1x16xf32> to vector<16xf32>
      %swap3A_1340 = arith.constant 1 : i32
      %swap3A_1341 = arith.index_cast %swap3A_1340 : i32 to index
      %swap3A_1342 = arith.constant 192 : index
      %swap3A_1343 = tpu.vector_load %arg12[%swap3A_1341, %swap3A_1342] {strides = array<i32>} : memref<16x256xf32, #tpu.memory_space<vmem>>, vector<1x16xf32>,
      %swap3A_1344 = vector.shape_cast %swap3A_1343 : vector<1x16xf32> to vector<16xf32>
      %swap3A_1345 = vector.shape_cast %get3A_1339 : vector<16xf32> to vector<1x16xf32>
      tpu.vector_store %arg12[%swap3A_1341, %swap3A_1342], %swap3A_1345 {strides = array<i32>} : memref<16x256xf32, #tpu.memory_space<vmem>>, vector<1x16xf32>,
      %swap3A_1346 = arith.constant 2 : i32
      %swap3A_1347 = arith.index_cast %swap3A_1346 : i32 to index
      %swap3A_1348 = arith.constant 192 : index
      %swap3A_1349 = tpu.vector_load %arg12[%swap3A_1347, %swap3A_1348] {strides = array<i32>} : memref<16x256xf32, #tpu.memory_space<vmem>>, vector<1x16xf32>,
      %swap3A_1350 = vector.shape_cast %swap3A_1349 : vector<1x16xf32> to vector<16xf32>
      %swap3A_1351 = vector.shape_cast %get3A_1339 : vector<16xf32> to vector<1x16xf32>
      tpu.vector_store %arg12[%swap3A_1347, %swap3A_1348], %swap3A_1351 {strides = array<i32>} : memref<16x256xf32, #tpu.memory_space<vmem>>, vector<1x16xf32>,
      %swap3A_1352 = arith.constant 3 : i32
      %swap3A_1353 = arith.index_cast %swap3A_1352 : i32 to index
      %swap3A_1354 = arith.constant 192 : index
      %swap3A_1355 = tpu.vector_load %arg12[%swap3A_1353, %swap3A_1354] {strides = array<i32>} : memref<16x256xf32, #tpu.memory_space<vmem>>, vector<1x16xf32>,
      %swap3A_1356 = vector.shape_cast %swap3A_1355 : vector<1x16xf32> to vector<16xf32>
      %swap3A_1357 = vector.shape_cast %get3A_1339 : vector<16xf32> to vector<1x16xf32>
      tpu.vector_store %arg12[%swap3A_1353, %swap3A_1354], %swap3A_1357 {strides = array<i32>} : memref<16x256xf32, #tpu.memory_space<vmem>>, vector<1x16xf32>,
      %swap3A_1358 = arith.constant 4 : i32
      %swap3A_1359 = arith.index_cast %swap3A_1358 : i32 to index
      %swap3A_1360 = arith.constant 192 : index
      %swap3A_1361 = tpu.vector_load %arg12[%swap3A_1359, %swap3A_1360] {strides = array<i32>} : memref<16x256xf32, #tpu.memory_space<vmem>>, vector<1x16xf32>,
      %swap3A_1362 = vector.shape_cast %swap3A_1361 : vector<1x16xf32> to vector<16xf32>
      %swap3A_1363 = vector.shape_cast %get3A_1339 : vector<16xf32> to vector<1x16xf32>
      tpu.vector_store %arg12[%swap3A_1359, %swap3A_1360], %swap3A_1363 {strides = array<i32>} : memref<16x256xf32, #tpu.memory_space<vmem>>, vector<1x16xf32>,
      %swap3A_1364 = arith.constant 5 : i32
      %swap3A_1365 = arith.index_cast %swap3A_1364 : i32 to index
      %swap3A_1366 = arith.constant 192 : index
      %swap3A_1367 = tpu.vector_load %arg12[%swap3A_1365, %swap3A_1366] {strides = array<i32>} : memref<16x256xf32, #tpu.memory_space<vmem>>, vector<1x16xf32>,
      %swap3A_1368 = vector.shape_cast %swap3A_1367 : vector<1x16xf32> to vector<16xf32>
      %swap3A_1369 = vector.shape_cast %get3A_1339 : vector<16xf32> to vector<1x16xf32>
      tpu.vector_store %arg12[%swap3A_1365, %swap3A_1366], %swap3A_1369 {strides = array<i32>} : memref<16x256xf32, #tpu.memory_space<vmem>>, vector<1x16xf32>,
      %swap3A_1370 = arith.constant 6 : i32
      %swap3A_1371 = arith.index_cast %swap3A_1370 : i32 to index
      %swap3A_1372 = arith.constant 192 : index
      %swap3A_1373 = tpu.vector_load %arg12[%swap3A_1371, %swap3A_1372] {strides = array<i32>} : memref<16x256xf32, #tpu.memory_space<vmem>>, vector<1x16xf32>,
      %swap3A_1374 = vector.shape_cast %swap3A_1373 : vector<1x16xf32> to vector<16xf32>
      %swap3A_1375 = vector.shape_cast %get3A_1339 : vector<16xf32> to vector<1x16xf32>
      tpu.vector_store %arg12[%swap3A_1371, %swap3A_1372], %swap3A_1375 {strides = array<i32>} : memref<16x256xf32, #tpu.memory_space<vmem>>, vector<1x16xf32>,
      %swap3A_1376 = arith.constant 7 : i32
      %swap3A_1377 = arith.index_cast %swap3A_1376 : i32 to index
      %swap3A_1378 = arith.constant 192 : index
      %swap3A_1379 = tpu.vector_load %arg12[%swap3A_1377, %swap3A_1378] {strides = array<i32>} : memref<16x256xf32, #tpu.memory_space<vmem>>, vector<1x16xf32>,
      %swap3A_1380 = vector.shape_cast %swap3A_1379 : vector<1x16xf32> to vector<16xf32>
      %swap3A_1381 = vector.shape_cast %get3A_1339 : vector<16xf32> to vector<1x16xf32>
      tpu.vector_store %arg12[%swap3A_1377, %swap3A_1378], %swap3A_1381 {strides = array<i32>} : memref<16x256xf32, #tpu.memory_space<vmem>>, vector<1x16xf32>,
      %swap3A_1382 = arith.constant 8 : i32
      %swap3A_1383 = arith.index_cast %swap3A_1382 : i32 to index
      %swap3A_1384 = arith.constant 192 : index
      %swap3A_1385 = tpu.vector_load %arg12[%swap3A_1383, %swap3A_1384] {strides = array<i32>} : memref<16x256xf32, #tpu.memory_space<vmem>>, vector<1x16xf32>,
      %swap3A_1386 = vector.shape_cast %swap3A_1385 : vector<1x16xf32> to vector<16xf32>
      %swap3A_1387 = vector.shape_cast %get3A_1339 : vector<16xf32> to vector<1x16xf32>
      tpu.vector_store %arg12[%swap3A_1383, %swap3A_1384], %swap3A_1387 {strides = array<i32>} : memref<16x256xf32, #tpu.memory_space<vmem>>, vector<1x16xf32>,
      %swap3A_1388 = arith.constant 9 : i32
      %swap3A_1389 = arith.index_cast %swap3A_1388 : i32 to index
      %swap3A_1390 = arith.constant 192 : index
      %swap3A_1391 = tpu.vector_load %arg12[%swap3A_1389, %swap3A_1390] {strides = array<i32>} : memref<16x256xf32, #tpu.memory_space<vmem>>, vector<1x16xf32>,
      %swap3A_1392 = vector.shape_cast %swap3A_1391 : vector<1x16xf32> to vector<16xf32>
      %swap3A_1393 = vector.shape_cast %get3A_1339 : vector<16xf32> to vector<1x16xf32>
      tpu.vector_store %arg12[%swap3A_1389, %swap3A_1390], %swap3A_1393 {strides = array<i32>} : memref<16x256xf32, #tpu.memory_space<vmem>>, vector<1x16xf32>,
      %swap3A_1394 = arith.constant 10 : i32
      %swap3A_1395 = arith.index_cast %swap3A_1394 : i32 to index
      %swap3A_1396 = arith.constant 192 : index
      %swap3A_1397 = tpu.vector_load %arg12[%swap3A_1395, %swap3A_1396] {strides = array<i32>} : memref<16x256xf32, #tpu.memory_space<vmem>>, vector<1x16xf32>,
      %swap3A_1398 = vector.shape_cast %swap3A_1397 : vector<1x16xf32> to vector<16xf32>
      %swap3A_1399 = vector.shape_cast %get3A_1339 : vector<16xf32> to vector<1x16xf32>
      tpu.vector_store %arg12[%swap3A_1395, %swap3A_1396], %swap3A_1399 {strides = array<i32>} : memref<16x256xf32, #tpu.memory_space<vmem>>, vector<1x16xf32>,
      %swap3A_1400 = arith.constant 11 : i32
      %swap3A_1401 = arith.index_cast %swap3A_1400 : i32 to index
      %swap3A_1402 = arith.constant 192 : index
      %swap3A_1403 = tpu.vector_load %arg12[%swap3A_1401, %swap3A_1402] {strides = array<i32>} : memref<16x256xf32, #tpu.memory_space<vmem>>, vector<1x16xf32>,
      %swap3A_1404 = vector.shape_cast %swap3A_1403 : vector<1x16xf32> to vector<16xf32>
      %swap3A_1405 = vector.shape_cast %get3A_1339 : vector<16xf32> to vector<1x16xf32>
      tpu.vector_store %arg12[%swap3A_1401, %swap3A_1402], %swap3A_1405 {strides = array<i32>} : memref<16x256xf32, #tpu.memory_space<vmem>>, vector<1x16xf32>,
      %swap3A_1406 = arith.constant 12 : i32
      %swap3A_1407 = arith.index_cast %swap3A_1406 : i32 to index
      %swap3A_1408 = arith.constant 192 : index
      %swap3A_1409 = tpu.vector_load %arg12[%swap3A_1407, %swap3A_1408] {strides = array<i32>} : memref<16x256xf32, #tpu.memory_space<vmem>>, vector<1x16xf32>,
      %swap3A_1410 = vector.shape_cast %swap3A_1409 : vector<1x16xf32> to vector<16xf32>
      %swap3A_1411 = vector.shape_cast %get3A_1339 : vector<16xf32> to vector<1x16xf32>
      tpu.vector_store %arg12[%swap3A_1407, %swap3A_1408], %swap3A_1411 {strides = array<i32>} : memref<16x256xf32, #tpu.memory_space<vmem>>, vector<1x16xf32>,
      %swap3A_1412 = arith.constant 13 : i32
      %swap3A_1413 = arith.index_cast %swap3A_1412 : i32 to index
      %swap3A_1414 = arith.constant 192 : index
      %swap3A_1415 = tpu.vector_load %arg12[%swap3A_1413, %swap3A_1414] {strides = array<i32>} : memref<16x256xf32, #tpu.memory_space<vmem>>, vector<1x16xf32>,
      %swap3A_1416 = vector.shape_cast %swap3A_1415 : vector<1x16xf32> to vector<16xf32>
      %swap3A_1417 = vector.shape_cast %get3A_1339 : vector<16xf32> to vector<1x16xf32>
      tpu.vector_store %arg12[%swap3A_1413, %swap3A_1414], %swap3A_1417 {strides = array<i32>} : memref<16x256xf32, #tpu.memory_space<vmem>>, vector<1x16xf32>,
      %swap3A_1418 = arith.constant 14 : i32
      %swap3A_1419 = arith.index_cast %swap3A_1418 : i32 to index
      %swap3A_1420 = arith.constant 192 : index
      %swap3A_1421 = tpu.vector_load %arg12[%swap3A_1419, %swap3A_1420] {strides = array<i32>} : memref<16x256xf32, #tpu.memory_space<vmem>>, vector<1x16xf32>,
      %swap3A_1422 = vector.shape_cast %swap3A_1421 : vector<1x16xf32> to vector<16xf32>
      %swap3A_1423 = vector.shape_cast %get3A_1339 : vector<16xf32> to vector<1x16xf32>
      tpu.vector_store %arg12[%swap3A_1419, %swap3A_1420], %swap3A_1423 {strides = array<i32>} : memref<16x256xf32, #tpu.memory_space<vmem>>, vector<1x16xf32>,
      %swap3A_1424 = arith.constant 15 : i32
      %swap3A_1425 = arith.index_cast %swap3A_1424 : i32 to index
      %swap3A_1426 = arith.constant 192 : index
      %swap3A_1427 = tpu.vector_load %arg12[%swap3A_1425, %swap3A_1426] {strides = array<i32>} : memref<16x256xf32, #tpu.memory_space<vmem>>, vector<1x16xf32>,
      %swap3A_1428 = vector.shape_cast %swap3A_1427 : vector<1x16xf32> to vector<16xf32>
      %swap3A_1429 = vector.shape_cast %get3A_1339 : vector<16xf32> to vector<1x16xf32>
      tpu.vector_store %arg12[%swap3A_1425, %swap3A_1426], %swap3A_1429 {strides = array<i32>} : memref<16x256xf32, #tpu.memory_space<vmem>>, vector<1x16xf32>,
      %get3A_1430 = arith.constant 0 : i32
      %get3A_1431 = arith.index_cast %get3A_1430 : i32 to index
      %get3A_1432 = arith.constant 208 : index
      %get3A_1433 = tpu.vector_load %arg12[%get3A_1431, %get3A_1432] {strides = array<i32>} : memref<16x256xf32, #tpu.memory_space<vmem>>, vector<1x16xf32>,
      %get3A_1434 = vector.shape_cast %get3A_1433 : vector<1x16xf32> to vector<16xf32>
      %swap3A_1435 = arith.constant 1 : i32
      %swap3A_1436 = arith.index_cast %swap3A_1435 : i32 to index
      %swap3A_1437 = arith.constant 208 : index
      %swap3A_1438 = tpu.vector_load %arg12[%swap3A_1436, %swap3A_1437] {strides = array<i32>} : memref<16x256xf32, #tpu.memory_space<vmem>>, vector<1x16xf32>,
      %swap3A_1439 = vector.shape_cast %swap3A_1438 : vector<1x16xf32> to vector<16xf32>
      %swap3A_1440 = vector.shape_cast %get3A_1434 : vector<16xf32> to vector<1x16xf32>
      tpu.vector_store %arg12[%swap3A_1436, %swap3A_1437], %swap3A_1440 {strides = array<i32>} : memref<16x256xf32, #tpu.memory_space<vmem>>, vector<1x16xf32>,
      %swap3A_1441 = arith.constant 2 : i32
      %swap3A_1442 = arith.index_cast %swap3A_1441 : i32 to index
      %swap3A_1443 = arith.constant 208 : index
      %swap3A_1444 = tpu.vector_load %arg12[%swap3A_1442, %swap3A_1443] {strides = array<i32>} : memref<16x256xf32, #tpu.memory_space<vmem>>, vector<1x16xf32>,
      %swap3A_1445 = vector.shape_cast %swap3A_1444 : vector<1x16xf32> to vector<16xf32>
      %swap3A_1446 = vector.shape_cast %get3A_1434 : vector<16xf32> to vector<1x16xf32>
      tpu.vector_store %arg12[%swap3A_1442, %swap3A_1443], %swap3A_1446 {strides = array<i32>} : memref<16x256xf32, #tpu.memory_space<vmem>>, vector<1x16xf32>,
      %swap3A_1447 = arith.constant 3 : i32
      %swap3A_1448 = arith.index_cast %swap3A_1447 : i32 to index
      %swap3A_1449 = arith.constant 208 : index
      %swap3A_1450 = tpu.vector_load %arg12[%swap3A_1448, %swap3A_1449] {strides = array<i32>} : memref<16x256xf32, #tpu.memory_space<vmem>>, vector<1x16xf32>,
      %swap3A_1451 = vector.shape_cast %swap3A_1450 : vector<1x16xf32> to vector<16xf32>
      %swap3A_1452 = vector.shape_cast %get3A_1434 : vector<16xf32> to vector<1x16xf32>
      tpu.vector_store %arg12[%swap3A_1448, %swap3A_1449], %swap3A_1452 {strides = array<i32>} : memref<16x256xf32, #tpu.memory_space<vmem>>, vector<1x16xf32>,
      %swap3A_1453 = arith.constant 4 : i32
      %swap3A_1454 = arith.index_cast %swap3A_1453 : i32 to index
      %swap3A_1455 = arith.constant 208 : index
      %swap3A_1456 = tpu.vector_load %arg12[%swap3A_1454, %swap3A_1455] {strides = array<i32>} : memref<16x256xf32, #tpu.memory_space<vmem>>, vector<1x16xf32>,
      %swap3A_1457 = vector.shape_cast %swap3A_1456 : vector<1x16xf32> to vector<16xf32>
      %swap3A_1458 = vector.shape_cast %get3A_1434 : vector<16xf32> to vector<1x16xf32>
      tpu.vector_store %arg12[%swap3A_1454, %swap3A_1455], %swap3A_1458 {strides = array<i32>} : memref<16x256xf32, #tpu.memory_space<vmem>>, vector<1x16xf32>,
      %swap3A_1459 = arith.constant 5 : i32
      %swap3A_1460 = arith.index_cast %swap3A_1459 : i32 to index
      %swap3A_1461 = arith.constant 208 : index
      %swap3A_1462 = tpu.vector_load %arg12[%swap3A_1460, %swap3A_1461] {strides = array<i32>} : memref<16x256xf32, #tpu.memory_space<vmem>>, vector<1x16xf32>,
      %swap3A_1463 = vector.shape_cast %swap3A_1462 : vector<1x16xf32> to vector<16xf32>
      %swap3A_1464 = vector.shape_cast %get3A_1434 : vector<16xf32> to vector<1x16xf32>
      tpu.vector_store %arg12[%swap3A_1460, %swap3A_1461], %swap3A_1464 {strides = array<i32>} : memref<16x256xf32, #tpu.memory_space<vmem>>, vector<1x16xf32>,
      %swap3A_1465 = arith.constant 6 : i32
      %swap3A_1466 = arith.index_cast %swap3A_1465 : i32 to index
      %swap3A_1467 = arith.constant 208 : index
      %swap3A_1468 = tpu.vector_load %arg12[%swap3A_1466, %swap3A_1467] {strides = array<i32>} : memref<16x256xf32, #tpu.memory_space<vmem>>, vector<1x16xf32>,
      %swap3A_1469 = vector.shape_cast %swap3A_1468 : vector<1x16xf32> to vector<16xf32>
      %swap3A_1470 = vector.shape_cast %get3A_1434 : vector<16xf32> to vector<1x16xf32>
      tpu.vector_store %arg12[%swap3A_1466, %swap3A_1467], %swap3A_1470 {strides = array<i32>} : memref<16x256xf32, #tpu.memory_space<vmem>>, vector<1x16xf32>,
      %swap3A_1471 = arith.constant 7 : i32
      %swap3A_1472 = arith.index_cast %swap3A_1471 : i32 to index
      %swap3A_1473 = arith.constant 208 : index
      %swap3A_1474 = tpu.vector_load %arg12[%swap3A_1472, %swap3A_1473] {strides = array<i32>} : memref<16x256xf32, #tpu.memory_space<vmem>>, vector<1x16xf32>,
      %swap3A_1475 = vector.shape_cast %swap3A_1474 : vector<1x16xf32> to vector<16xf32>
      %swap3A_1476 = vector.shape_cast %get3A_1434 : vector<16xf32> to vector<1x16xf32>
      tpu.vector_store %arg12[%swap3A_1472, %swap3A_1473], %swap3A_1476 {strides = array<i32>} : memref<16x256xf32, #tpu.memory_space<vmem>>, vector<1x16xf32>,
      %swap3A_1477 = arith.constant 8 : i32
      %swap3A_1478 = arith.index_cast %swap3A_1477 : i32 to index
      %swap3A_1479 = arith.constant 208 : index
      %swap3A_1480 = tpu.vector_load %arg12[%swap3A_1478, %swap3A_1479] {strides = array<i32>} : memref<16x256xf32, #tpu.memory_space<vmem>>, vector<1x16xf32>,
      %swap3A_1481 = vector.shape_cast %swap3A_1480 : vector<1x16xf32> to vector<16xf32>
      %swap3A_1482 = vector.shape_cast %get3A_1434 : vector<16xf32> to vector<1x16xf32>
      tpu.vector_store %arg12[%swap3A_1478, %swap3A_1479], %swap3A_1482 {strides = array<i32>} : memref<16x256xf32, #tpu.memory_space<vmem>>, vector<1x16xf32>,
      %swap3A_1483 = arith.constant 9 : i32
      %swap3A_1484 = arith.index_cast %swap3A_1483 : i32 to index
      %swap3A_1485 = arith.constant 208 : index
      %swap3A_1486 = tpu.vector_load %arg12[%swap3A_1484, %swap3A_1485] {strides = array<i32>} : memref<16x256xf32, #tpu.memory_space<vmem>>, vector<1x16xf32>,
      %swap3A_1487 = vector.shape_cast %swap3A_1486 : vector<1x16xf32> to vector<16xf32>
      %swap3A_1488 = vector.shape_cast %get3A_1434 : vector<16xf32> to vector<1x16xf32>
      tpu.vector_store %arg12[%swap3A_1484, %swap3A_1485], %swap3A_1488 {strides = array<i32>} : memref<16x256xf32, #tpu.memory_space<vmem>>, vector<1x16xf32>,
      %swap3A_1489 = arith.constant 10 : i32
      %swap3A_1490 = arith.index_cast %swap3A_1489 : i32 to index
      %swap3A_1491 = arith.constant 208 : index
      %swap3A_1492 = tpu.vector_load %arg12[%swap3A_1490, %swap3A_1491] {strides = array<i32>} : memref<16x256xf32, #tpu.memory_space<vmem>>, vector<1x16xf32>,
      %swap3A_1493 = vector.shape_cast %swap3A_1492 : vector<1x16xf32> to vector<16xf32>
      %swap3A_1494 = vector.shape_cast %get3A_1434 : vector<16xf32> to vector<1x16xf32>
      tpu.vector_store %arg12[%swap3A_1490, %swap3A_1491], %swap3A_1494 {strides = array<i32>} : memref<16x256xf32, #tpu.memory_space<vmem>>, vector<1x16xf32>,
      %swap3A_1495 = arith.constant 11 : i32
      %swap3A_1496 = arith.index_cast %swap3A_1495 : i32 to index
      %swap3A_1497 = arith.constant 208 : index
      %swap3A_1498 = tpu.vector_load %arg12[%swap3A_1496, %swap3A_1497] {strides = array<i32>} : memref<16x256xf32, #tpu.memory_space<vmem>>, vector<1x16xf32>,
      %swap3A_1499 = vector.shape_cast %swap3A_1498 : vector<1x16xf32> to vector<16xf32>
      %swap3A_1500 = vector.shape_cast %get3A_1434 : vector<16xf32> to vector<1x16xf32>
      tpu.vector_store %arg12[%swap3A_1496, %swap3A_1497], %swap3A_1500 {strides = array<i32>} : memref<16x256xf32, #tpu.memory_space<vmem>>, vector<1x16xf32>,
      %swap3A_1501 = arith.constant 12 : i32
      %swap3A_1502 = arith.index_cast %swap3A_1501 : i32 to index
      %swap3A_1503 = arith.constant 208 : index
      %swap3A_1504 = tpu.vector_load %arg12[%swap3A_1502, %swap3A_1503] {strides = array<i32>} : memref<16x256xf32, #tpu.memory_space<vmem>>, vector<1x16xf32>,
      %swap3A_1505 = vector.shape_cast %swap3A_1504 : vector<1x16xf32> to vector<16xf32>
      %swap3A_1506 = vector.shape_cast %get3A_1434 : vector<16xf32> to vector<1x16xf32>
      tpu.vector_store %arg12[%swap3A_1502, %swap3A_1503], %swap3A_1506 {strides = array<i32>} : memref<16x256xf32, #tpu.memory_space<vmem>>, vector<1x16xf32>,
      %swap3A_1507 = arith.constant 13 : i32
      %swap3A_1508 = arith.index_cast %swap3A_1507 : i32 to index
      %swap3A_1509 = arith.constant 208 : index
      %swap3A_1510 = tpu.vector_load %arg12[%swap3A_1508, %swap3A_1509] {strides = array<i32>} : memref<16x256xf32, #tpu.memory_space<vmem>>, vector<1x16xf32>,
      %swap3A_1511 = vector.shape_cast %swap3A_1510 : vector<1x16xf32> to vector<16xf32>
      %swap3A_1512 = vector.shape_cast %get3A_1434 : vector<16xf32> to vector<1x16xf32>
      tpu.vector_store %arg12[%swap3A_1508, %swap3A_1509], %swap3A_1512 {strides = array<i32>} : memref<16x256xf32, #tpu.memory_space<vmem>>, vector<1x16xf32>,
      %swap3A_1513 = arith.constant 14 : i32
      %swap3A_1514 = arith.index_cast %swap3A_1513 : i32 to index
      %swap3A_1515 = arith.constant 208 : index
      %swap3A_1516 = tpu.vector_load %arg12[%swap3A_1514, %swap3A_1515] {strides = array<i32>} : memref<16x256xf32, #tpu.memory_space<vmem>>, vector<1x16xf32>,
      %swap3A_1517 = vector.shape_cast %swap3A_1516 : vector<1x16xf32> to vector<16xf32>
      %swap3A_1518 = vector.shape_cast %get3A_1434 : vector<16xf32> to vector<1x16xf32>
      tpu.vector_store %arg12[%swap3A_1514, %swap3A_1515], %swap3A_1518 {strides = array<i32>} : memref<16x256xf32, #tpu.memory_space<vmem>>, vector<1x16xf32>,
      %swap3A_1519 = arith.constant 15 : i32
      %swap3A_1520 = arith.index_cast %swap3A_1519 : i32 to index
      %swap3A_1521 = arith.constant 208 : index
      %swap3A_1522 = tpu.vector_load %arg12[%swap3A_1520, %swap3A_1521] {strides = array<i32>} : memref<16x256xf32, #tpu.memory_space<vmem>>, vector<1x16xf32>,
      %swap3A_1523 = vector.shape_cast %swap3A_1522 : vector<1x16xf32> to vector<16xf32>
      %swap3A_1524 = vector.shape_cast %get3A_1434 : vector<16xf32> to vector<1x16xf32>
      tpu.vector_store %arg12[%swap3A_1520, %swap3A_1521], %swap3A_1524 {strides = array<i32>} : memref<16x256xf32, #tpu.memory_space<vmem>>, vector<1x16xf32>,
      %get3A_1525 = arith.constant 0 : i32
      %get3A_1526 = arith.index_cast %get3A_1525 : i32 to index
      %get3A_1527 = arith.constant 224 : index
      %get3A_1528 = tpu.vector_load %arg12[%get3A_1526, %get3A_1527] {strides = array<i32>} : memref<16x256xf32, #tpu.memory_space<vmem>>, vector<1x16xf32>,
      %get3A_1529 = vector.shape_cast %get3A_1528 : vector<1x16xf32> to vector<16xf32>
      %swap3A_1530 = arith.constant 1 : i32
      %swap3A_1531 = arith.index_cast %swap3A_1530 : i32 to index
      %swap3A_1532 = arith.constant 224 : index
      %swap3A_1533 = tpu.vector_load %arg12[%swap3A_1531, %swap3A_1532] {strides = array<i32>} : memref<16x256xf32, #tpu.memory_space<vmem>>, vector<1x16xf32>,
      %swap3A_1534 = vector.shape_cast %swap3A_1533 : vector<1x16xf32> to vector<16xf32>
      %swap3A_1535 = vector.shape_cast %get3A_1529 : vector<16xf32> to vector<1x16xf32>
      tpu.vector_store %arg12[%swap3A_1531, %swap3A_1532], %swap3A_1535 {strides = array<i32>} : memref<16x256xf32, #tpu.memory_space<vmem>>, vector<1x16xf32>,
      %swap3A_1536 = arith.constant 2 : i32
      %swap3A_1537 = arith.index_cast %swap3A_1536 : i32 to index
      %swap3A_1538 = arith.constant 224 : index
      %swap3A_1539 = tpu.vector_load %arg12[%swap3A_1537, %swap3A_1538] {strides = array<i32>} : memref<16x256xf32, #tpu.memory_space<vmem>>, vector<1x16xf32>,
      %swap3A_1540 = vector.shape_cast %swap3A_1539 : vector<1x16xf32> to vector<16xf32>
      %swap3A_1541 = vector.shape_cast %get3A_1529 : vector<16xf32> to vector<1x16xf32>
      tpu.vector_store %arg12[%swap3A_1537, %swap3A_1538], %swap3A_1541 {strides = array<i32>} : memref<16x256xf32, #tpu.memory_space<vmem>>, vector<1x16xf32>,
      %swap3A_1542 = arith.constant 3 : i32
      %swap3A_1543 = arith.index_cast %swap3A_1542 : i32 to index
      %swap3A_1544 = arith.constant 224 : index
      %swap3A_1545 = tpu.vector_load %arg12[%swap3A_1543, %swap3A_1544] {strides = array<i32>} : memref<16x256xf32, #tpu.memory_space<vmem>>, vector<1x16xf32>,
      %swap3A_1546 = vector.shape_cast %swap3A_1545 : vector<1x16xf32> to vector<16xf32>
      %swap3A_1547 = vector.shape_cast %get3A_1529 : vector<16xf32> to vector<1x16xf32>
      tpu.vector_store %arg12[%swap3A_1543, %swap3A_1544], %swap3A_1547 {strides = array<i32>} : memref<16x256xf32, #tpu.memory_space<vmem>>, vector<1x16xf32>,
      %swap3A_1548 = arith.constant 4 : i32
      %swap3A_1549 = arith.index_cast %swap3A_1548 : i32 to index
      %swap3A_1550 = arith.constant 224 : index
      %swap3A_1551 = tpu.vector_load %arg12[%swap3A_1549, %swap3A_1550] {strides = array<i32>} : memref<16x256xf32, #tpu.memory_space<vmem>>, vector<1x16xf32>,
      %swap3A_1552 = vector.shape_cast %swap3A_1551 : vector<1x16xf32> to vector<16xf32>
      %swap3A_1553 = vector.shape_cast %get3A_1529 : vector<16xf32> to vector<1x16xf32>
      tpu.vector_store %arg12[%swap3A_1549, %swap3A_1550], %swap3A_1553 {strides = array<i32>} : memref<16x256xf32, #tpu.memory_space<vmem>>, vector<1x16xf32>,
      %swap3A_1554 = arith.constant 5 : i32
      %swap3A_1555 = arith.index_cast %swap3A_1554 : i32 to index
      %swap3A_1556 = arith.constant 224 : index
      %swap3A_1557 = tpu.vector_load %arg12[%swap3A_1555, %swap3A_1556] {strides = array<i32>} : memref<16x256xf32, #tpu.memory_space<vmem>>, vector<1x16xf32>,
      %swap3A_1558 = vector.shape_cast %swap3A_1557 : vector<1x16xf32> to vector<16xf32>
      %swap3A_1559 = vector.shape_cast %get3A_1529 : vector<16xf32> to vector<1x16xf32>
      tpu.vector_store %arg12[%swap3A_1555, %swap3A_1556], %swap3A_1559 {strides = array<i32>} : memref<16x256xf32, #tpu.memory_space<vmem>>, vector<1x16xf32>,
      %swap3A_1560 = arith.constant 6 : i32
      %swap3A_1561 = arith.index_cast %swap3A_1560 : i32 to index
      %swap3A_1562 = arith.constant 224 : index
      %swap3A_1563 = tpu.vector_load %arg12[%swap3A_1561, %swap3A_1562] {strides = array<i32>} : memref<16x256xf32, #tpu.memory_space<vmem>>, vector<1x16xf32>,
      %swap3A_1564 = vector.shape_cast %swap3A_1563 : vector<1x16xf32> to vector<16xf32>
      %swap3A_1565 = vector.shape_cast %get3A_1529 : vector<16xf32> to vector<1x16xf32>
      tpu.vector_store %arg12[%swap3A_1561, %swap3A_1562], %swap3A_1565 {strides = array<i32>} : memref<16x256xf32, #tpu.memory_space<vmem>>, vector<1x16xf32>,
      %swap3A_1566 = arith.constant 7 : i32
      %swap3A_1567 = arith.index_cast %swap3A_1566 : i32 to index
      %swap3A_1568 = arith.constant 224 : index
      %swap3A_1569 = tpu.vector_load %arg12[%swap3A_1567, %swap3A_1568] {strides = array<i32>} : memref<16x256xf32, #tpu.memory_space<vmem>>, vector<1x16xf32>,
      %swap3A_1570 = vector.shape_cast %swap3A_1569 : vector<1x16xf32> to vector<16xf32>
      %swap3A_1571 = vector.shape_cast %get3A_1529 : vector<16xf32> to vector<1x16xf32>
      tpu.vector_store %arg12[%swap3A_1567, %swap3A_1568], %swap3A_1571 {strides = array<i32>} : memref<16x256xf32, #tpu.memory_space<vmem>>, vector<1x16xf32>,
      %swap3A_1572 = arith.constant 8 : i32
      %swap3A_1573 = arith.index_cast %swap3A_1572 : i32 to index
      %swap3A_1574 = arith.constant 224 : index
      %swap3A_1575 = tpu.vector_load %arg12[%swap3A_1573, %swap3A_1574] {strides = array<i32>} : memref<16x256xf32, #tpu.memory_space<vmem>>, vector<1x16xf32>,
      %swap3A_1576 = vector.shape_cast %swap3A_1575 : vector<1x16xf32> to vector<16xf32>
      %swap3A_1577 = vector.shape_cast %get3A_1529 : vector<16xf32> to vector<1x16xf32>
      tpu.vector_store %arg12[%swap3A_1573, %swap3A_1574], %swap3A_1577 {strides = array<i32>} : memref<16x256xf32, #tpu.memory_space<vmem>>, vector<1x16xf32>,
      %swap3A_1578 = arith.constant 9 : i32
      %swap3A_1579 = arith.index_cast %swap3A_1578 : i32 to index
      %swap3A_1580 = arith.constant 224 : index
      %swap3A_1581 = tpu.vector_load %arg12[%swap3A_1579, %swap3A_1580] {strides = array<i32>} : memref<16x256xf32, #tpu.memory_space<vmem>>, vector<1x16xf32>,
      %swap3A_1582 = vector.shape_cast %swap3A_1581 : vector<1x16xf32> to vector<16xf32>
      %swap3A_1583 = vector.shape_cast %get3A_1529 : vector<16xf32> to vector<1x16xf32>
      tpu.vector_store %arg12[%swap3A_1579, %swap3A_1580], %swap3A_1583 {strides = array<i32>} : memref<16x256xf32, #tpu.memory_space<vmem>>, vector<1x16xf32>,
      %swap3A_1584 = arith.constant 10 : i32
      %swap3A_1585 = arith.index_cast %swap3A_1584 : i32 to index
      %swap3A_1586 = arith.constant 224 : index
      %swap3A_1587 = tpu.vector_load %arg12[%swap3A_1585, %swap3A_1586] {strides = array<i32>} : memref<16x256xf32, #tpu.memory_space<vmem>>, vector<1x16xf32>,
      %swap3A_1588 = vector.shape_cast %swap3A_1587 : vector<1x16xf32> to vector<16xf32>
      %swap3A_1589 = vector.shape_cast %get3A_1529 : vector<16xf32> to vector<1x16xf32>
      tpu.vector_store %arg12[%swap3A_1585, %swap3A_1586], %swap3A_1589 {strides = array<i32>} : memref<16x256xf32, #tpu.memory_space<vmem>>, vector<1x16xf32>,
      %swap3A_1590 = arith.constant 11 : i32
      %swap3A_1591 = arith.index_cast %swap3A_1590 : i32 to index
      %swap3A_1592 = arith.constant 224 : index
      %swap3A_1593 = tpu.vector_load %arg12[%swap3A_1591, %swap3A_1592] {strides = array<i32>} : memref<16x256xf32, #tpu.memory_space<vmem>>, vector<1x16xf32>,
      %swap3A_1594 = vector.shape_cast %swap3A_1593 : vector<1x16xf32> to vector<16xf32>
      %swap3A_1595 = vector.shape_cast %get3A_1529 : vector<16xf32> to vector<1x16xf32>
      tpu.vector_store %arg12[%swap3A_1591, %swap3A_1592], %swap3A_1595 {strides = array<i32>} : memref<16x256xf32, #tpu.memory_space<vmem>>, vector<1x16xf32>,
      %swap3A_1596 = arith.constant 12 : i32
      %swap3A_1597 = arith.index_cast %swap3A_1596 : i32 to index
      %swap3A_1598 = arith.constant 224 : index
      %swap3A_1599 = tpu.vector_load %arg12[%swap3A_1597, %swap3A_1598] {strides = array<i32>} : memref<16x256xf32, #tpu.memory_space<vmem>>, vector<1x16xf32>,
      %swap3A_1600 = vector.shape_cast %swap3A_1599 : vector<1x16xf32> to vector<16xf32>
      %swap3A_1601 = vector.shape_cast %get3A_1529 : vector<16xf32> to vector<1x16xf32>
      tpu.vector_store %arg12[%swap3A_1597, %swap3A_1598], %swap3A_1601 {strides = array<i32>} : memref<16x256xf32, #tpu.memory_space<vmem>>, vector<1x16xf32>,
      %swap3A_1602 = arith.constant 13 : i32
      %swap3A_1603 = arith.index_cast %swap3A_1602 : i32 to index
      %swap3A_1604 = arith.constant 224 : index
      %swap3A_1605 = tpu.vector_load %arg12[%swap3A_1603, %swap3A_1604] {strides = array<i32>} : memref<16x256xf32, #tpu.memory_space<vmem>>, vector<1x16xf32>,
      %swap3A_1606 = vector.shape_cast %swap3A_1605 : vector<1x16xf32> to vector<16xf32>
      %swap3A_1607 = vector.shape_cast %get3A_1529 : vector<16xf32> to vector<1x16xf32>
      tpu.vector_store %arg12[%swap3A_1603, %swap3A_1604], %swap3A_1607 {strides = array<i32>} : memref<16x256xf32, #tpu.memory_space<vmem>>, vector<1x16xf32>,
      %swap3A_1608 = arith.constant 14 : i32
      %swap3A_1609 = arith.index_cast %swap3A_1608 : i32 to index
      %swap3A_1610 = arith.constant 224 : index
      %swap3A_1611 = tpu.vector_load %arg12[%swap3A_1609, %swap3A_1610] {strides = array<i32>} : memref<16x256xf32, #tpu.memory_space<vmem>>, vector<1x16xf32>,
      %swap3A_1612 = vector.shape_cast %swap3A_1611 : vector<1x16xf32> to vector<16xf32>
      %swap3A_1613 = vector.shape_cast %get3A_1529 : vector<16xf32> to vector<1x16xf32>
      tpu.vector_store %arg12[%swap3A_1609, %swap3A_1610], %swap3A_1613 {strides = array<i32>} : memref<16x256xf32, #tpu.memory_space<vmem>>, vector<1x16xf32>,
      %swap3A_1614 = arith.constant 15 : i32
      %swap3A_1615 = arith.index_cast %swap3A_1614 : i32 to index
      %swap3A_1616 = arith.constant 224 : index
      %swap3A_1617 = tpu.vector_load %arg12[%swap3A_1615, %swap3A_1616] {strides = array<i32>} : memref<16x256xf32, #tpu.memory_space<vmem>>, vector<1x16xf32>,
      %swap3A_1618 = vector.shape_cast %swap3A_1617 : vector<1x16xf32> to vector<16xf32>
      %swap3A_1619 = vector.shape_cast %get3A_1529 : vector<16xf32> to vector<1x16xf32>
      tpu.vector_store %arg12[%swap3A_1615, %swap3A_1616], %swap3A_1619 {strides = array<i32>} : memref<16x256xf32, #tpu.memory_space<vmem>>, vector<1x16xf32>,
      %get3A_1620 = arith.constant 0 : i32
      %get3A_1621 = arith.index_cast %get3A_1620 : i32 to index
      %get3A_1622 = arith.constant 240 : index
      %get3A_1623 = tpu.vector_load %arg12[%get3A_1621, %get3A_1622] {strides = array<i32>} : memref<16x256xf32, #tpu.memory_space<vmem>>, vector<1x16xf32>,
      %get3A_1624 = vector.shape_cast %get3A_1623 : vector<1x16xf32> to vector<16xf32>
      %swap3A_1625 = arith.constant 1 : i32
      %swap3A_1626 = arith.index_cast %swap3A_1625 : i32 to index
      %swap3A_1627 = arith.constant 240 : index
      %swap3A_1628 = tpu.vector_load %arg12[%swap3A_1626, %swap3A_1627] {strides = array<i32>} : memref<16x256xf32, #tpu.memory_space<vmem>>, vector<1x16xf32>,
      %swap3A_1629 = vector.shape_cast %swap3A_1628 : vector<1x16xf32> to vector<16xf32>
      %swap3A_1630 = vector.shape_cast %get3A_1624 : vector<16xf32> to vector<1x16xf32>
      tpu.vector_store %arg12[%swap3A_1626, %swap3A_1627], %swap3A_1630 {strides = array<i32>} : memref<16x256xf32, #tpu.memory_space<vmem>>, vector<1x16xf32>,
      %swap3A_1631 = arith.constant 2 : i32
      %swap3A_1632 = arith.index_cast %swap3A_1631 : i32 to index
      %swap3A_1633 = arith.constant 240 : index
      %swap3A_1634 = tpu.vector_load %arg12[%swap3A_1632, %swap3A_1633] {strides = array<i32>} : memref<16x256xf32, #tpu.memory_space<vmem>>, vector<1x16xf32>,
      %swap3A_1635 = vector.shape_cast %swap3A_1634 : vector<1x16xf32> to vector<16xf32>
      %swap3A_1636 = vector.shape_cast %get3A_1624 : vector<16xf32> to vector<1x16xf32>
      tpu.vector_store %arg12[%swap3A_1632, %swap3A_1633], %swap3A_1636 {strides = array<i32>} : memref<16x256xf32, #tpu.memory_space<vmem>>, vector<1x16xf32>,
      %swap3A_1637 = arith.constant 3 : i32
      %swap3A_1638 = arith.index_cast %swap3A_1637 : i32 to index
      %swap3A_1639 = arith.constant 240 : index
      %swap3A_1640 = tpu.vector_load %arg12[%swap3A_1638, %swap3A_1639] {strides = array<i32>} : memref<16x256xf32, #tpu.memory_space<vmem>>, vector<1x16xf32>,
      %swap3A_1641 = vector.shape_cast %swap3A_1640 : vector<1x16xf32> to vector<16xf32>
      %swap3A_1642 = vector.shape_cast %get3A_1624 : vector<16xf32> to vector<1x16xf32>
      tpu.vector_store %arg12[%swap3A_1638, %swap3A_1639], %swap3A_1642 {strides = array<i32>} : memref<16x256xf32, #tpu.memory_space<vmem>>, vector<1x16xf32>,
      %swap3A_1643 = arith.constant 4 : i32
      %swap3A_1644 = arith.index_cast %swap3A_1643 : i32 to index
      %swap3A_1645 = arith.constant 240 : index
      %swap3A_1646 = tpu.vector_load %arg12[%swap3A_1644, %swap3A_1645] {strides = array<i32>} : memref<16x256xf32, #tpu.memory_space<vmem>>, vector<1x16xf32>,
      %swap3A_1647 = vector.shape_cast %swap3A_1646 : vector<1x16xf32> to vector<16xf32>
      %swap3A_1648 = vector.shape_cast %get3A_1624 : vector<16xf32> to vector<1x16xf32>
      tpu.vector_store %arg12[%swap3A_1644, %swap3A_1645], %swap3A_1648 {strides = array<i32>} : memref<16x256xf32, #tpu.memory_space<vmem>>, vector<1x16xf32>,
      %swap3A_1649 = arith.constant 5 : i32
      %swap3A_1650 = arith.index_cast %swap3A_1649 : i32 to index
      %swap3A_1651 = arith.constant 240 : index
      %swap3A_1652 = tpu.vector_load %arg12[%swap3A_1650, %swap3A_1651] {strides = array<i32>} : memref<16x256xf32, #tpu.memory_space<vmem>>, vector<1x16xf32>,
      %swap3A_1653 = vector.shape_cast %swap3A_1652 : vector<1x16xf32> to vector<16xf32>
      %swap3A_1654 = vector.shape_cast %get3A_1624 : vector<16xf32> to vector<1x16xf32>
      tpu.vector_store %arg12[%swap3A_1650, %swap3A_1651], %swap3A_1654 {strides = array<i32>} : memref<16x256xf32, #tpu.memory_space<vmem>>, vector<1x16xf32>,
      %swap3A_1655 = arith.constant 6 : i32
      %swap3A_1656 = arith.index_cast %swap3A_1655 : i32 to index
      %swap3A_1657 = arith.constant 240 : index
      %swap3A_1658 = tpu.vector_load %arg12[%swap3A_1656, %swap3A_1657] {strides = array<i32>} : memref<16x256xf32, #tpu.memory_space<vmem>>, vector<1x16xf32>,
      %swap3A_1659 = vector.shape_cast %swap3A_1658 : vector<1x16xf32> to vector<16xf32>
      %swap3A_1660 = vector.shape_cast %get3A_1624 : vector<16xf32> to vector<1x16xf32>
      tpu.vector_store %arg12[%swap3A_1656, %swap3A_1657], %swap3A_1660 {strides = array<i32>} : memref<16x256xf32, #tpu.memory_space<vmem>>, vector<1x16xf32>,
      %swap3A_1661 = arith.constant 7 : i32
      %swap3A_1662 = arith.index_cast %swap3A_1661 : i32 to index
      %swap3A_1663 = arith.constant 240 : index
      %swap3A_1664 = tpu.vector_load %arg12[%swap3A_1662, %swap3A_1663] {strides = array<i32>} : memref<16x256xf32, #tpu.memory_space<vmem>>, vector<1x16xf32>,
      %swap3A_1665 = vector.shape_cast %swap3A_1664 : vector<1x16xf32> to vector<16xf32>
      %swap3A_1666 = vector.shape_cast %get3A_1624 : vector<16xf32> to vector<1x16xf32>
      tpu.vector_store %arg12[%swap3A_1662, %swap3A_1663], %swap3A_1666 {strides = array<i32>} : memref<16x256xf32, #tpu.memory_space<vmem>>, vector<1x16xf32>,
      %swap3A_1667 = arith.constant 8 : i32
      %swap3A_1668 = arith.index_cast %swap3A_1667 : i32 to index
      %swap3A_1669 = arith.constant 240 : index
      %swap3A_1670 = tpu.vector_load %arg12[%swap3A_1668, %swap3A_1669] {strides = array<i32>} : memref<16x256xf32, #tpu.memory_space<vmem>>, vector<1x16xf32>,
      %swap3A_1671 = vector.shape_cast %swap3A_1670 : vector<1x16xf32> to vector<16xf32>
      %swap3A_1672 = vector.shape_cast %get3A_1624 : vector<16xf32> to vector<1x16xf32>
      tpu.vector_store %arg12[%swap3A_1668, %swap3A_1669], %swap3A_1672 {strides = array<i32>} : memref<16x256xf32, #tpu.memory_space<vmem>>, vector<1x16xf32>,
      %swap3A_1673 = arith.constant 9 : i32
      %swap3A_1674 = arith.index_cast %swap3A_1673 : i32 to index
      %swap3A_1675 = arith.constant 240 : index
      %swap3A_1676 = tpu.vector_load %arg12[%swap3A_1674, %swap3A_1675] {strides = array<i32>} : memref<16x256xf32, #tpu.memory_space<vmem>>, vector<1x16xf32>,
      %swap3A_1677 = vector.shape_cast %swap3A_1676 : vector<1x16xf32> to vector<16xf32>
      %swap3A_1678 = vector.shape_cast %get3A_1624 : vector<16xf32> to vector<1x16xf32>
      tpu.vector_store %arg12[%swap3A_1674, %swap3A_1675], %swap3A_1678 {strides = array<i32>} : memref<16x256xf32, #tpu.memory_space<vmem>>, vector<1x16xf32>,
      %swap3A_1679 = arith.constant 10 : i32
      %swap3A_1680 = arith.index_cast %swap3A_1679 : i32 to index
      %swap3A_1681 = arith.constant 240 : index
      %swap3A_1682 = tpu.vector_load %arg12[%swap3A_1680, %swap3A_1681] {strides = array<i32>} : memref<16x256xf32, #tpu.memory_space<vmem>>, vector<1x16xf32>,
      %swap3A_1683 = vector.shape_cast %swap3A_1682 : vector<1x16xf32> to vector<16xf32>
      %swap3A_1684 = vector.shape_cast %get3A_1624 : vector<16xf32> to vector<1x16xf32>
      tpu.vector_store %arg12[%swap3A_1680, %swap3A_1681], %swap3A_1684 {strides = array<i32>} : memref<16x256xf32, #tpu.memory_space<vmem>>, vector<1x16xf32>,
      %swap3A_1685 = arith.constant 11 : i32
      %swap3A_1686 = arith.index_cast %swap3A_1685 : i32 to index
      %swap3A_1687 = arith.constant 240 : index
      %swap3A_1688 = tpu.vector_load %arg12[%swap3A_1686, %swap3A_1687] {strides = array<i32>} : memref<16x256xf32, #tpu.memory_space<vmem>>, vector<1x16xf32>,
      %swap3A_1689 = vector.shape_cast %swap3A_1688 : vector<1x16xf32> to vector<16xf32>
      %swap3A_1690 = vector.shape_cast %get3A_1624 : vector<16xf32> to vector<1x16xf32>
      tpu.vector_store %arg12[%swap3A_1686, %swap3A_1687], %swap3A_1690 {strides = array<i32>} : memref<16x256xf32, #tpu.memory_space<vmem>>, vector<1x16xf32>,
      %swap3A_1691 = arith.constant 12 : i32
      %swap3A_1692 = arith.index_cast %swap3A_1691 : i32 to index
      %swap3A_1693 = arith.constant 240 : index
      %swap3A_1694 = tpu.vector_load %arg12[%swap3A_1692, %swap3A_1693] {strides = array<i32>} : memref<16x256xf32, #tpu.memory_space<vmem>>, vector<1x16xf32>,
      %swap3A_1695 = vector.shape_cast %swap3A_1694 : vector<1x16xf32> to vector<16xf32>
      %swap3A_1696 = vector.shape_cast %get3A_1624 : vector<16xf32> to vector<1x16xf32>
      tpu.vector_store %arg12[%swap3A_1692, %swap3A_1693], %swap3A_1696 {strides = array<i32>} : memref<16x256xf32, #tpu.memory_space<vmem>>, vector<1x16xf32>,
      %swap3A_1697 = arith.constant 13 : i32
      %swap3A_1698 = arith.index_cast %swap3A_1697 : i32 to index
      %swap3A_1699 = arith.constant 240 : index
      %swap3A_1700 = tpu.vector_load %arg12[%swap3A_1698, %swap3A_1699] {strides = array<i32>} : memref<16x256xf32, #tpu.memory_space<vmem>>, vector<1x16xf32>,
      %swap3A_1701 = vector.shape_cast %swap3A_1700 : vector<1x16xf32> to vector<16xf32>
      %swap3A_1702 = vector.shape_cast %get3A_1624 : vector<16xf32> to vector<1x16xf32>
      tpu.vector_store %arg12[%swap3A_1698, %swap3A_1699], %swap3A_1702 {strides = array<i32>} : memref<16x256xf32, #tpu.memory_space<vmem>>, vector<1x16xf32>,
      %swap3A_1703 = arith.constant 14 : i32
      %swap3A_1704 = arith.index_cast %swap3A_1703 : i32 to index
      %swap3A_1705 = arith.constant 240 : index
      %swap3A_1706 = tpu.vector_load %arg12[%swap3A_1704, %swap3A_1705] {strides = array<i32>} : memref<16x256xf32, #tpu.memory_space<vmem>>, vector<1x16xf32>,
      %swap3A_1707 = vector.shape_cast %swap3A_1706 : vector<1x16xf32> to vector<16xf32>
      %swap3A_1708 = vector.shape_cast %get3A_1624 : vector<16xf32> to vector<1x16xf32>
      tpu.vector_store %arg12[%swap3A_1704, %swap3A_1705], %swap3A_1708 {strides = array<i32>} : memref<16x256xf32, #tpu.memory_space<vmem>>, vector<1x16xf32>,
      %swap3A_1709 = arith.constant 15 : i32
      %swap3A_1710 = arith.index_cast %swap3A_1709 : i32 to index
      %swap3A_1711 = arith.constant 240 : index
      %swap3A_1712 = tpu.vector_load %arg12[%swap3A_1710, %swap3A_1711] {strides = array<i32>} : memref<16x256xf32, #tpu.memory_space<vmem>>, vector<1x16xf32>,
      %swap3A_1713 = vector.shape_cast %swap3A_1712 : vector<1x16xf32> to vector<16xf32>
      %swap3A_1714 = vector.shape_cast %get3A_1624 : vector<16xf32> to vector<1x16xf32>
      tpu.vector_store %arg12[%swap3A_1710, %swap3A_1711], %swap3A_1714 {strides = array<i32>} : memref<16x256xf32, #tpu.memory_space<vmem>>, vector<1x16xf32>,
      %dma_start3A_1715 = arith.constant 0 : i32
      %dma_start3A_1716 = arith.constant 0 : i32
      %dma_start3A_1717 = tpu.memref_slice %arg8[%dma_start3A_1715, %dma_start3A_1716] : memref<32784x256xf32, #tpu.memory_space<hbm>> -> memref<32784x256xf32, #tpu.memory_space<hbm>>
      tpu.enqueue_indirect_dma source(%arg12 : memref<16x256xf32, #tpu.memory_space<vmem>>) target(%dma_start3A_1717 : memref<32784x256xf32, #tpu.memory_space<hbm>>) offsets(%iota3A : vector<16xi32>) semaphore(%arg41 : memref<!tpu.dma_semaphore, #tpu.memory_space<semaphore_mem>>)
      %dma_wait3A_1718 = arith.constant 0 : i32
      %dma_wait3A_1719 = arith.constant 0 : i32
      %dma_wait3A_1720 = tpu.memref_slice %arg8[%dma_wait3A_1718, %dma_wait3A_1719] : memref<32784x256xf32, #tpu.memory_space<hbm>> -> memref<32784x256xf32, #tpu.memory_space<hbm>>
      tpu.wait_indirect_dma semaphore(%arg41 : memref<!tpu.dma_semaphore, #tpu.memory_space<semaphore_mem>>) src(%arg12 : memref<16x256xf32, #tpu.memory_space<vmem>>) dst(%dma_wait3A_1720 : memref<32784x256xf32, #tpu.memory_space<hbm>>)
    } else {
    }
    %add3A_69 = arith.constant 0 : i32
    %add3A_70 = arith.addi %mul3A_34, %add3A_69 : i32
    %dma_start3A = arith.constant 0 : i32
    %dma_start3A_71 = arith.constant 0 : i32
    %dma_start3A_72 = tpu.memref_slice %arg2[%select_n3A, %dma_start3A, %dma_start3A_71] : memref<16x2048x256xf32, #tpu.memory_space<hbm>> -> memref<1x2048x256xf32, #tpu.memory_space<hbm>>
    %dma_start3A_73 = tpu.memref_squeeze %dma_start3A_72 : memref<1x2048x256xf32, #tpu.memory_space<hbm>> -> memref<2048x256xf32, #tpu.memory_space<hbm>>
    %dma_start3A_74 = arith.constant 0 : i32
    %dma_start3A_75 = tpu.memref_slice %dma_start3A_73[%add3A_70, %dma_start3A_74] : memref<2048x256xf32, #tpu.memory_space<hbm>> -> memref<32x256xf32, #tpu.memory_space<hbm>>
    %dma_start3A_76 = arith.constant 0 : i32
    %dma_start3A_77 = arith.constant 0 : i32
    %dma_start3A_78 = tpu.memref_slice %arg2[%select_n3A, %dma_start3A_76, %dma_start3A_77] : memref<16x2048x256xf32, #tpu.memory_space<hbm>> -> memref<1x2048x256xf32, #tpu.memory_space<hbm>>
    %dma_start3A_79 = tpu.memref_squeeze %dma_start3A_78 : memref<1x2048x256xf32, #tpu.memory_space<hbm>> -> memref<2048x256xf32, #tpu.memory_space<hbm>>
    %dma_start3A_80 = arith.constant 0 : i32
    %dma_start3A_81 = tpu.memref_slice %dma_start3A_79[%add3A_70, %dma_start3A_80] : memref<2048x256xf32, #tpu.memory_space<hbm>> -> memref<32x256xf32, #tpu.memory_space<hbm>>
    tpu.enqueue_dma source(%dma_start3A_81 : memref<32x256xf32, #tpu.memory_space<hbm>>) target(%arg13 : memref<32x256xf32, #tpu.memory_space<vmem>>) target_semaphore(%arg25 : memref<!tpu.dma_semaphore, #tpu.memory_space<semaphore_mem>>)
    %dma_start3A_82 = arith.constant 0 : i32
    %dma_start3A_83 = tpu.memref_slice %arg9[%dma_start3A_82] : memref<1024xi32, #tpu.memory_space<vmem>> -> memref<32xi32, #tpu.memory_space<vmem>>
    %dma_start3A_84 = arith.constant 0 : i32
    %dma_start3A_85 = arith.constant 0 : i32
    %dma_start3A_86 = tpu.memref_slice %arg5[%dma_start3A_84, %dma_start3A_85] : memref<2052x256xf32, #tpu.memory_space<hbm>> -> memref<2052x256xf32, #tpu.memory_space<hbm>>
    tpu.enqueue_indirect_dma source(%dma_start3A_86 : memref<2052x256xf32, #tpu.memory_space<hbm>>) target(%arg14 : memref<32x256xf32, #tpu.memory_space<vmem>>) offsets(%dma_start3A_83 : memref<32xi32, #tpu.memory_space<vmem>>) semaphore(%arg26 : memref<!tpu.dma_semaphore, #tpu.memory_space<semaphore_mem>>)
    %dma_start3A_87 = arith.constant 0 : i32
    %dma_start3A_88 = tpu.memref_slice %arg10[%dma_start3A_87] : memref<1024xi32, #tpu.memory_space<vmem>> -> memref<32xi32, #tpu.memory_space<vmem>>
    %dma_start3A_89 = arith.constant 0 : i32
    %dma_start3A_90 = arith.constant 0 : i32
    %dma_start3A_91 = tpu.memref_slice %arg6[%dma_start3A_89, %dma_start3A_90] : memref<2052x256xf32, #tpu.memory_space<hbm>> -> memref<2052x256xf32, #tpu.memory_space<hbm>>
    tpu.enqueue_indirect_dma source(%dma_start3A_91 : memref<2052x256xf32, #tpu.memory_space<hbm>>) target(%arg15 : memref<32x256xf32, #tpu.memory_space<vmem>>) offsets(%dma_start3A_88 : memref<32xi32, #tpu.memory_space<vmem>>) semaphore(%arg27 : memref<!tpu.dma_semaphore, #tpu.memory_space<semaphore_mem>>)
    %add3A_92 = arith.constant 32 : i32
    %add3A_93 = arith.addi %mul3A_34, %add3A_92 : i32
    %dma_start3A_94 = arith.constant 0 : i32
    %dma_start3A_95 = arith.constant 0 : i32
    %dma_start3A_96 = tpu.memref_slice %arg2[%select_n3A, %dma_start3A_94, %dma_start3A_95] : memref<16x2048x256xf32, #tpu.memory_space<hbm>> -> memref<1x2048x256xf32, #tpu.memory_space<hbm>>
    %dma_start3A_97 = tpu.memref_squeeze %dma_start3A_96 : memref<1x2048x256xf32, #tpu.memory_space<hbm>> -> memref<2048x256xf32, #tpu.memory_space<hbm>>
    %dma_start3A_98 = arith.constant 0 : i32
    %dma_start3A_99 = tpu.memref_slice %dma_start3A_97[%add3A_93, %dma_start3A_98] : memref<2048x256xf32, #tpu.memory_space<hbm>> -> memref<32x256xf32, #tpu.memory_space<hbm>>
    %dma_start3A_100 = arith.constant 0 : i32
    %dma_start3A_101 = arith.constant 0 : i32
    %dma_start3A_102 = tpu.memref_slice %arg2[%select_n3A, %dma_start3A_100, %dma_start3A_101] : memref<16x2048x256xf32, #tpu.memory_space<hbm>> -> memref<1x2048x256xf32, #tpu.memory_space<hbm>>
    %dma_start3A_103 = tpu.memref_squeeze %dma_start3A_102 : memref<1x2048x256xf32, #tpu.memory_space<hbm>> -> memref<2048x256xf32, #tpu.memory_space<hbm>>
    %dma_start3A_104 = arith.constant 0 : i32
    %dma_start3A_105 = tpu.memref_slice %dma_start3A_103[%add3A_93, %dma_start3A_104] : memref<2048x256xf32, #tpu.memory_space<hbm>> -> memref<32x256xf32, #tpu.memory_space<hbm>>
    tpu.enqueue_dma source(%dma_start3A_105 : memref<32x256xf32, #tpu.memory_space<hbm>>) target(%arg16 : memref<32x256xf32, #tpu.memory_space<vmem>>) target_semaphore(%arg29 : memref<!tpu.dma_semaphore, #tpu.memory_space<semaphore_mem>>)
    %dma_start3A_106 = arith.constant 32 : i32
    %dma_start3A_107 = tpu.memref_slice %arg9[%dma_start3A_106] : memref<1024xi32, #tpu.memory_space<vmem>> -> memref<32xi32, #tpu.memory_space<vmem>>
    %dma_start3A_108 = arith.constant 0 : i32
    %dma_start3A_109 = arith.constant 0 : i32
    %dma_start3A_110 = tpu.memref_slice %arg5[%dma_start3A_108, %dma_start3A_109] : memref<2052x256xf32, #tpu.memory_space<hbm>> -> memref<2052x256xf32, #tpu.memory_space<hbm>>
    tpu.enqueue_indirect_dma source(%dma_start3A_110 : memref<2052x256xf32, #tpu.memory_space<hbm>>) target(%arg17 : memref<32x256xf32, #tpu.memory_space<vmem>>) offsets(%dma_start3A_107 : memref<32xi32, #tpu.memory_space<vmem>>) semaphore(%arg30 : memref<!tpu.dma_semaphore, #tpu.memory_space<semaphore_mem>>)
    %dma_start3A_111 = arith.constant 32 : i32
    %dma_start3A_112 = tpu.memref_slice %arg10[%dma_start3A_111] : memref<1024xi32, #tpu.memory_space<vmem>> -> memref<32xi32, #tpu.memory_space<vmem>>
    %dma_start3A_113 = arith.constant 0 : i32
    %dma_start3A_114 = arith.constant 0 : i32
    %dma_start3A_115 = tpu.memref_slice %arg6[%dma_start3A_113, %dma_start3A_114] : memref<2052x256xf32, #tpu.memory_space<hbm>> -> memref<2052x256xf32, #tpu.memory_space<hbm>>
    tpu.enqueue_indirect_dma source(%dma_start3A_115 : memref<2052x256xf32, #tpu.memory_space<hbm>>) target(%arg18 : memref<32x256xf32, #tpu.memory_space<vmem>>) offsets(%dma_start3A_112 : memref<32xi32, #tpu.memory_space<vmem>>) semaphore(%arg31 : memref<!tpu.dma_semaphore, #tpu.memory_space<semaphore_mem>>)
    %add3A_116 = arith.constant 64 : i32
    %add3A_117 = arith.addi %mul3A_34, %add3A_116 : i32
    %dma_start3A_118 = arith.constant 0 : i32
    %dma_start3A_119 = arith.constant 0 : i32
    %dma_start3A_120 = tpu.memref_slice %arg2[%select_n3A, %dma_start3A_118, %dma_start3A_119] : memref<16x2048x256xf32, #tpu.memory_space<hbm>> -> memref<1x2048x256xf32, #tpu.memory_space<hbm>>
    %dma_start3A_121 = tpu.memref_squeeze %dma_start3A_120 : memref<1x2048x256xf32, #tpu.memory_space<hbm>> -> memref<2048x256xf32, #tpu.memory_space<hbm>>
    %dma_start3A_122 = arith.constant 0 : i32
    %dma_start3A_123 = tpu.memref_slice %dma_start3A_121[%add3A_117, %dma_start3A_122] : memref<2048x256xf32, #tpu.memory_space<hbm>> -> memref<32x256xf32, #tpu.memory_space<hbm>>
    %dma_start3A_124 = arith.constant 0 : i32
    %dma_start3A_125 = arith.constant 0 : i32
    %dma_start3A_126 = tpu.memref_slice %arg2[%select_n3A, %dma_start3A_124, %dma_start3A_125] : memref<16x2048x256xf32, #tpu.memory_space<hbm>> -> memref<1x2048x256xf32, #tpu.memory_space<hbm>>
    %dma_start3A_127 = tpu.memref_squeeze %dma_start3A_126 : memref<1x2048x256xf32, #tpu.memory_space<hbm>> -> memref<2048x256xf32, #tpu.memory_space<hbm>>
    %dma_start3A_128 = arith.constant 0 : i32
    %dma_start3A_129 = tpu.memref_slice %dma_start3A_127[%add3A_117, %dma_start3A_128] : memref<2048x256xf32, #tpu.memory_space<hbm>> -> memref<32x256xf32, #tpu.memory_space<hbm>>
    tpu.enqueue_dma source(%dma_start3A_129 : memref<32x256xf32, #tpu.memory_space<hbm>>) target(%arg19 : memref<32x256xf32, #tpu.memory_space<vmem>>) target_semaphore(%arg33 : memref<!tpu.dma_semaphore, #tpu.memory_space<semaphore_mem>>)
    %dma_start3A_130 = arith.constant 64 : i32
    %dma_start3A_131 = tpu.memref_slice %arg9[%dma_start3A_130] : memref<1024xi32, #tpu.memory_space<vmem>> -> memref<32xi32, #tpu.memory_space<vmem>>
    %dma_start3A_132 = arith.constant 0 : i32
    %dma_start3A_133 = arith.constant 0 : i32
    %dma_start3A_134 = tpu.memref_slice %arg5[%dma_start3A_132, %dma_start3A_133] : memref<2052x256xf32, #tpu.memory_space<hbm>> -> memref<2052x256xf32, #tpu.memory_space<hbm>>
    tpu.enqueue_indirect_dma source(%dma_start3A_134 : memref<2052x256xf32, #tpu.memory_space<hbm>>) target(%arg20 : memref<32x256xf32, #tpu.memory_space<vmem>>) offsets(%dma_start3A_131 : memref<32xi32, #tpu.memory_space<vmem>>) semaphore(%arg34 : memref<!tpu.dma_semaphore, #tpu.memory_space<semaphore_mem>>)
    %dma_start3A_135 = arith.constant 64 : i32
    %dma_start3A_136 = tpu.memref_slice %arg10[%dma_start3A_135] : memref<1024xi32, #tpu.memory_space<vmem>> -> memref<32xi32, #tpu.memory_space<vmem>>
    %dma_start3A_137 = arith.constant 0 : i32
    %dma_start3A_138 = arith.constant 0 : i32
    %dma_start3A_139 = tpu.memref_slice %arg6[%dma_start3A_137, %dma_start3A_138] : memref<2052x256xf32, #tpu.memory_space<hbm>> -> memref<2052x256xf32, #tpu.memory_space<hbm>>
    tpu.enqueue_indirect_dma source(%dma_start3A_139 : memref<2052x256xf32, #tpu.memory_space<hbm>>) target(%arg21 : memref<32x256xf32, #tpu.memory_space<vmem>>) offsets(%dma_start3A_136 : memref<32xi32, #tpu.memory_space<vmem>>) semaphore(%arg35 : memref<!tpu.dma_semaphore, #tpu.memory_space<semaphore_mem>>)
    %add3A_140 = arith.constant 96 : i32
    %add3A_141 = arith.addi %mul3A_34, %add3A_140 : i32
    %dma_start3A_142 = arith.constant 0 : i32
    %dma_start3A_143 = arith.constant 0 : i32
    %dma_start3A_144 = tpu.memref_slice %arg2[%select_n3A, %dma_start3A_142, %dma_start3A_143] : memref<16x2048x256xf32, #tpu.memory_space<hbm>> -> memref<1x2048x256xf32, #tpu.memory_space<hbm>>
    %dma_start3A_145 = tpu.memref_squeeze %dma_start3A_144 : memref<1x2048x256xf32, #tpu.memory_space<hbm>> -> memref<2048x256xf32, #tpu.memory_space<hbm>>
    %dma_start3A_146 = arith.constant 0 : i32
    %dma_start3A_147 = tpu.memref_slice %dma_start3A_145[%add3A_141, %dma_start3A_146] : memref<2048x256xf32, #tpu.memory_space<hbm>> -> memref<32x256xf32, #tpu.memory_space<hbm>>
    %dma_start3A_148 = arith.constant 0 : i32
    %dma_start3A_149 = arith.constant 0 : i32
    %dma_start3A_150 = tpu.memref_slice %arg2[%select_n3A, %dma_start3A_148, %dma_start3A_149] : memref<16x2048x256xf32, #tpu.memory_space<hbm>> -> memref<1x2048x256xf32, #tpu.memory_space<hbm>>
    %dma_start3A_151 = tpu.memref_squeeze %dma_start3A_150 : memref<1x2048x256xf32, #tpu.memory_space<hbm>> -> memref<2048x256xf32, #tpu.memory_space<hbm>>
    %dma_start3A_152 = arith.constant 0 : i32
    %dma_start3A_153 = tpu.memref_slice %dma_start3A_151[%add3A_141, %dma_start3A_152] : memref<2048x256xf32, #tpu.memory_space<hbm>> -> memref<32x256xf32, #tpu.memory_space<hbm>>
    tpu.enqueue_dma source(%dma_start3A_153 : memref<32x256xf32, #tpu.memory_space<hbm>>) target(%arg22 : memref<32x256xf32, #tpu.memory_space<vmem>>) target_semaphore(%arg37 : memref<!tpu.dma_semaphore, #tpu.memory_space<semaphore_mem>>)
    %dma_start3A_154 = arith.constant 96 : i32
    %dma_start3A_155 = tpu.memref_slice %arg9[%dma_start3A_154] : memref<1024xi32, #tpu.memory_space<vmem>> -> memref<32xi32, #tpu.memory_space<vmem>>
    %dma_start3A_156 = arith.constant 0 : i32
    %dma_start3A_157 = arith.constant 0 : i32
    %dma_start3A_158 = tpu.memref_slice %arg5[%dma_start3A_156, %dma_start3A_157] : memref<2052x256xf32, #tpu.memory_space<hbm>> -> memref<2052x256xf32, #tpu.memory_space<hbm>>
    tpu.enqueue_indirect_dma source(%dma_start3A_158 : memref<2052x256xf32, #tpu.memory_space<hbm>>) target(%arg23 : memref<32x256xf32, #tpu.memory_space<vmem>>) offsets(%dma_start3A_155 : memref<32xi32, #tpu.memory_space<vmem>>) semaphore(%arg38 : memref<!tpu.dma_semaphore, #tpu.memory_space<semaphore_mem>>)
    %dma_start3A_159 = arith.constant 96 : i32
    %dma_start3A_160 = tpu.memref_slice %arg10[%dma_start3A_159] : memref<1024xi32, #tpu.memory_space<vmem>> -> memref<32xi32, #tpu.memory_space<vmem>>
    %dma_start3A_161 = arith.constant 0 : i32
    %dma_start3A_162 = arith.constant 0 : i32
    %dma_start3A_163 = tpu.memref_slice %arg6[%dma_start3A_161, %dma_start3A_162] : memref<2052x256xf32, #tpu.memory_space<hbm>> -> memref<2052x256xf32, #tpu.memory_space<hbm>>
    tpu.enqueue_indirect_dma source(%dma_start3A_163 : memref<2052x256xf32, #tpu.memory_space<hbm>>) target(%arg24 : memref<32x256xf32, #tpu.memory_space<vmem>>) offsets(%dma_start3A_160 : memref<32xi32, #tpu.memory_space<vmem>>) semaphore(%arg39 : memref<!tpu.dma_semaphore, #tpu.memory_space<semaphore_mem>>)
    %scan3A_164 = arith.constant 0 : i32
    %scan3A_165 = arith.constant 0 : i32
    %scan3A_166 = arith.constant 8 : i32
    %scan3A_167 = arith.addi %scan3A_165, %scan3A_166 : i32
    %scan3A_168 = arith.constant 1 : i32
    scf.for %scan3A_197 = %scan3A_165 to %scan3A_167 step %scan3A_168  : i32 {
      %mul3A_198 = arith.constant 4 : i32
      %mul3A_199 = arith.muli %scan3A_197, %mul3A_198 : i32
      %add3A_200 = arith.constant 0 : i32
      %add3A_201 = arith.addi %mul3A_199, %add3A_200 : i32
      %mul3A_202 = arith.constant 32 : i32
      %mul3A_203 = arith.muli %add3A_201, %mul3A_202 : i32
      %add3A_204 = arith.addi %mul3A_34, %mul3A_203 : i32
      %dma_wait3A_205 = arith.constant 0 : i32
      %dma_wait3A_206 = arith.constant 0 : i32
      %dma_wait3A_207 = tpu.memref_slice %arg2[%select_n3A, %dma_wait3A_205, %dma_wait3A_206] : memref<16x2048x256xf32, #tpu.memory_space<hbm>> -> memref<1x2048x256xf32, #tpu.memory_space<hbm>>
      %dma_wait3A_208 = tpu.memref_squeeze %dma_wait3A_207 : memref<1x2048x256xf32, #tpu.memory_space<hbm>> -> memref<2048x256xf32, #tpu.memory_space<hbm>>
      %dma_wait3A_209 = arith.constant 0 : i32
      %dma_wait3A_210 = tpu.memref_slice %dma_wait3A_208[%add3A_204, %dma_wait3A_209] : memref<2048x256xf32, #tpu.memory_space<hbm>> -> memref<32x256xf32, #tpu.memory_space<hbm>>
      %dma_wait3A_211 = arith.constant 0 : i32
      %dma_wait3A_212 = arith.constant 0 : i32
      %dma_wait3A_213 = tpu.memref_slice %arg2[%select_n3A, %dma_wait3A_211, %dma_wait3A_212] : memref<16x2048x256xf32, #tpu.memory_space<hbm>> -> memref<1x2048x256xf32, #tpu.memory_space<hbm>>
      %dma_wait3A_214 = tpu.memref_squeeze %dma_wait3A_213 : memref<1x2048x256xf32, #tpu.memory_space<hbm>> -> memref<2048x256xf32, #tpu.memory_space<hbm>>
      %dma_wait3A_215 = arith.constant 0 : i32
      %dma_wait3A_216 = tpu.memref_slice %dma_wait3A_214[%add3A_204, %dma_wait3A_215] : memref<2048x256xf32, #tpu.memory_space<hbm>> -> memref<32x256xf32, #tpu.memory_space<hbm>>
      tpu.wait_dma2 semaphore(%arg25 : memref<!tpu.dma_semaphore, #tpu.memory_space<semaphore_mem>>) src(%dma_wait3A_216 : memref<32x256xf32, #tpu.memory_space<hbm>>) dst(%arg13 : memref<32x256xf32, #tpu.memory_space<vmem>>)
      %mul3A_217 = arith.constant 32 : i32
      %mul3A_218 = arith.muli %add3A_201, %mul3A_217 : i32
      %dma_wait3A_219 = tpu.memref_slice %arg9[%mul3A_218] : memref<1024xi32, #tpu.memory_space<vmem>> -> memref<32xi32, #tpu.memory_space<vmem>>
      %dma_wait3A_220 = arith.constant 0 : i32
      %dma_wait3A_221 = arith.constant 0 : i32
      %dma_wait3A_222 = tpu.memref_slice %arg5[%dma_wait3A_220, %dma_wait3A_221] : memref<2052x256xf32, #tpu.memory_space<hbm>> -> memref<2052x256xf32, #tpu.memory_space<hbm>>
      tpu.wait_indirect_dma semaphore(%arg26 : memref<!tpu.dma_semaphore, #tpu.memory_space<semaphore_mem>>) src(%dma_wait3A_222 : memref<2052x256xf32, #tpu.memory_space<hbm>>) dst(%arg14 : memref<32x256xf32, #tpu.memory_space<vmem>>)
      %mul3A_223 = arith.constant 32 : i32
      %mul3A_224 = arith.muli %add3A_201, %mul3A_223 : i32
      %dma_wait3A_225 = tpu.memref_slice %arg10[%mul3A_224] : memref<1024xi32, #tpu.memory_space<vmem>> -> memref<32xi32, #tpu.memory_space<vmem>>
      %dma_wait3A_226 = arith.constant 0 : i32
      %dma_wait3A_227 = arith.constant 0 : i32
      %dma_wait3A_228 = tpu.memref_slice %arg6[%dma_wait3A_226, %dma_wait3A_227] : memref<2052x256xf32, #tpu.memory_space<hbm>> -> memref<2052x256xf32, #tpu.memory_space<hbm>>
      tpu.wait_indirect_dma semaphore(%arg27 : memref<!tpu.dma_semaphore, #tpu.memory_space<semaphore_mem>>) src(%dma_wait3A_228 : memref<2052x256xf32, #tpu.memory_space<hbm>>) dst(%arg15 : memref<32x256xf32, #tpu.memory_space<vmem>>)
      %scan3A_229 = arith.constant 0 : i32
      %scan3A_230 = arith.constant 0 : i32
      %scan3A_231 = arith.constant 32 : i32
      %scan3A_232 = arith.addi %scan3A_230, %scan3A_231 : i32
      %scan3A_233 = arith.constant 1 : i32
      scf.for %scan3A_405 = %scan3A_230 to %scan3A_232 step %scan3A_233  : i32 {
        %get3A = arith.index_cast %scan3A_405 : i32 to index
        %get3A_406 = arith.constant 0 : index
        %get3A_407 = tpu.vector_load %arg13[%get3A, %get3A_406] {strides = array<i32>} : memref<32x256xf32, #tpu.memory_space<vmem>>, vector<1x16xf32>,
        %get3A_408 = vector.shape_cast %get3A_407 : vector<1x16xf32> to vector<16xf32>
        %get3A_409 = arith.index_cast %scan3A_405 : i32 to index
        %get3A_410 = arith.constant 0 : index
        %get3A_411 = tpu.vector_load %arg14[%get3A_409, %get3A_410] {strides = array<i32>} : memref<32x256xf32, #tpu.memory_space<vmem>>, vector<1x16xf32>,
        %get3A_412 = vector.shape_cast %get3A_411 : vector<1x16xf32> to vector<16xf32>
        %add3A_413 = arith.addf %get3A_408, %get3A_412 : vector<16xf32>
        %get3A_414 = arith.index_cast %scan3A_405 : i32 to index
        %get3A_415 = arith.constant 0 : index
        %get3A_416 = tpu.vector_load %arg15[%get3A_414, %get3A_415] {strides = array<i32>} : memref<32x256xf32, #tpu.memory_space<vmem>>, vector<1x16xf32>,
        %get3A_417 = vector.shape_cast %get3A_416 : vector<1x16xf32> to vector<16xf32>
        %add3A_418 = arith.addf %add3A_413, %get3A_417 : vector<16xf32>
        %swap3A = arith.index_cast %scan3A_405 : i32 to index
        %swap3A_419 = arith.constant 0 : index
        %swap3A_420 = tpu.vector_load %arg13[%swap3A, %swap3A_419] {strides = array<i32>} : memref<32x256xf32, #tpu.memory_space<vmem>>, vector<1x16xf32>,
        %swap3A_421 = vector.shape_cast %swap3A_420 : vector<1x16xf32> to vector<16xf32>
        %swap3A_422 = vector.shape_cast %add3A_418 : vector<16xf32> to vector<1x16xf32>
        tpu.vector_store %arg13[%swap3A, %swap3A_419], %swap3A_422 {strides = array<i32>} : memref<32x256xf32, #tpu.memory_space<vmem>>, vector<1x16xf32>,
        %get3A_423 = arith.index_cast %scan3A_405 : i32 to index
        %get3A_424 = arith.constant 16 : index
        %get3A_425 = tpu.vector_load %arg13[%get3A_423, %get3A_424] {strides = array<i32>} : memref<32x256xf32, #tpu.memory_space<vmem>>, vector<1x16xf32>,
        %get3A_426 = vector.shape_cast %get3A_425 : vector<1x16xf32> to vector<16xf32>
        %get3A_427 = arith.index_cast %scan3A_405 : i32 to index
        %get3A_428 = arith.constant 16 : index
        %get3A_429 = tpu.vector_load %arg14[%get3A_427, %get3A_428] {strides = array<i32>} : memref<32x256xf32, #tpu.memory_space<vmem>>, vector<1x16xf32>,
        %get3A_430 = vector.shape_cast %get3A_429 : vector<1x16xf32> to vector<16xf32>
        %add3A_431 = arith.addf %get3A_426, %get3A_430 : vector<16xf32>
        %get3A_432 = arith.index_cast %scan3A_405 : i32 to index
        %get3A_433 = arith.constant 16 : index
        %get3A_434 = tpu.vector_load %arg15[%get3A_432, %get3A_433] {strides = array<i32>} : memref<32x256xf32, #tpu.memory_space<vmem>>, vector<1x16xf32>,
        %get3A_435 = vector.shape_cast %get3A_434 : vector<1x16xf32> to vector<16xf32>
        %add3A_436 = arith.addf %add3A_431, %get3A_435 : vector<16xf32>
        %swap3A_437 = arith.index_cast %scan3A_405 : i32 to index
        %swap3A_438 = arith.constant 16 : index
        %swap3A_439 = tpu.vector_load %arg13[%swap3A_437, %swap3A_438] {strides = array<i32>} : memref<32x256xf32, #tpu.memory_space<vmem>>, vector<1x16xf32>,
        %swap3A_440 = vector.shape_cast %swap3A_439 : vector<1x16xf32> to vector<16xf32>
        %swap3A_441 = vector.shape_cast %add3A_436 : vector<16xf32> to vector<1x16xf32>
        tpu.vector_store %arg13[%swap3A_437, %swap3A_438], %swap3A_441 {strides = array<i32>} : memref<32x256xf32, #tpu.memory_space<vmem>>, vector<1x16xf32>,
        %get3A_442 = arith.index_cast %scan3A_405 : i32 to index
        %get3A_443 = arith.constant 32 : index
        %get3A_444 = tpu.vector_load %arg13[%get3A_442, %get3A_443] {strides = array<i32>} : memref<32x256xf32, #tpu.memory_space<vmem>>, vector<1x16xf32>,
        %get3A_445 = vector.shape_cast %get3A_444 : vector<1x16xf32> to vector<16xf32>
        %get3A_446 = arith.index_cast %scan3A_405 : i32 to index
        %get3A_447 = arith.constant 32 : index
        %get3A_448 = tpu.vector_load %arg14[%get3A_446, %get3A_447] {strides = array<i32>} : memref<32x256xf32, #tpu.memory_space<vmem>>, vector<1x16xf32>,
        %get3A_449 = vector.shape_cast %get3A_448 : vector<1x16xf32> to vector<16xf32>
        %add3A_450 = arith.addf %get3A_445, %get3A_449 : vector<16xf32>
        %get3A_451 = arith.index_cast %scan3A_405 : i32 to index
        %get3A_452 = arith.constant 32 : index
        %get3A_453 = tpu.vector_load %arg15[%get3A_451, %get3A_452] {strides = array<i32>} : memref<32x256xf32, #tpu.memory_space<vmem>>, vector<1x16xf32>,
        %get3A_454 = vector.shape_cast %get3A_453 : vector<1x16xf32> to vector<16xf32>
        %add3A_455 = arith.addf %add3A_450, %get3A_454 : vector<16xf32>
        %swap3A_456 = arith.index_cast %scan3A_405 : i32 to index
        %swap3A_457 = arith.constant 32 : index
        %swap3A_458 = tpu.vector_load %arg13[%swap3A_456, %swap3A_457] {strides = array<i32>} : memref<32x256xf32, #tpu.memory_space<vmem>>, vector<1x16xf32>,
        %swap3A_459 = vector.shape_cast %swap3A_458 : vector<1x16xf32> to vector<16xf32>
        %swap3A_460 = vector.shape_cast %add3A_455 : vector<16xf32> to vector<1x16xf32>
        tpu.vector_store %arg13[%swap3A_456, %swap3A_457], %swap3A_460 {strides = array<i32>} : memref<32x256xf32, #tpu.memory_space<vmem>>, vector<1x16xf32>,
        %get3A_461 = arith.index_cast %scan3A_405 : i32 to index
        %get3A_462 = arith.constant 48 : index
        %get3A_463 = tpu.vector_load %arg13[%get3A_461, %get3A_462] {strides = array<i32>} : memref<32x256xf32, #tpu.memory_space<vmem>>, vector<1x16xf32>,
        %get3A_464 = vector.shape_cast %get3A_463 : vector<1x16xf32> to vector<16xf32>
        %get3A_465 = arith.index_cast %scan3A_405 : i32 to index
        %get3A_466 = arith.constant 48 : index
        %get3A_467 = tpu.vector_load %arg14[%get3A_465, %get3A_466] {strides = array<i32>} : memref<32x256xf32, #tpu.memory_space<vmem>>, vector<1x16xf32>,
        %get3A_468 = vector.shape_cast %get3A_467 : vector<1x16xf32> to vector<16xf32>
        %add3A_469 = arith.addf %get3A_464, %get3A_468 : vector<16xf32>
        %get3A_470 = arith.index_cast %scan3A_405 : i32 to index
        %get3A_471 = arith.constant 48 : index
        %get3A_472 = tpu.vector_load %arg15[%get3A_470, %get3A_471] {strides = array<i32>} : memref<32x256xf32, #tpu.memory_space<vmem>>, vector<1x16xf32>,
        %get3A_473 = vector.shape_cast %get3A_472 : vector<1x16xf32> to vector<16xf32>
        %add3A_474 = arith.addf %add3A_469, %get3A_473 : vector<16xf32>
        %swap3A_475 = arith.index_cast %scan3A_405 : i32 to index
        %swap3A_476 = arith.constant 48 : index
        %swap3A_477 = tpu.vector_load %arg13[%swap3A_475, %swap3A_476] {strides = array<i32>} : memref<32x256xf32, #tpu.memory_space<vmem>>, vector<1x16xf32>,
        %swap3A_478 = vector.shape_cast %swap3A_477 : vector<1x16xf32> to vector<16xf32>
        %swap3A_479 = vector.shape_cast %add3A_474 : vector<16xf32> to vector<1x16xf32>
        tpu.vector_store %arg13[%swap3A_475, %swap3A_476], %swap3A_479 {strides = array<i32>} : memref<32x256xf32, #tpu.memory_space<vmem>>, vector<1x16xf32>,
        %get3A_480 = arith.index_cast %scan3A_405 : i32 to index
        %get3A_481 = arith.constant 64 : index
        %get3A_482 = tpu.vector_load %arg13[%get3A_480, %get3A_481] {strides = array<i32>} : memref<32x256xf32, #tpu.memory_space<vmem>>, vector<1x16xf32>,
        %get3A_483 = vector.shape_cast %get3A_482 : vector<1x16xf32> to vector<16xf32>
        %get3A_484 = arith.index_cast %scan3A_405 : i32 to index
        %get3A_485 = arith.constant 64 : index
        %get3A_486 = tpu.vector_load %arg14[%get3A_484, %get3A_485] {strides = array<i32>} : memref<32x256xf32, #tpu.memory_space<vmem>>, vector<1x16xf32>,
        %get3A_487 = vector.shape_cast %get3A_486 : vector<1x16xf32> to vector<16xf32>
        %add3A_488 = arith.addf %get3A_483, %get3A_487 : vector<16xf32>
        %get3A_489 = arith.index_cast %scan3A_405 : i32 to index
        %get3A_490 = arith.constant 64 : index
        %get3A_491 = tpu.vector_load %arg15[%get3A_489, %get3A_490] {strides = array<i32>} : memref<32x256xf32, #tpu.memory_space<vmem>>, vector<1x16xf32>,
        %get3A_492 = vector.shape_cast %get3A_491 : vector<1x16xf32> to vector<16xf32>
        %add3A_493 = arith.addf %add3A_488, %get3A_492 : vector<16xf32>
        %swap3A_494 = arith.index_cast %scan3A_405 : i32 to index
        %swap3A_495 = arith.constant 64 : index
        %swap3A_496 = tpu.vector_load %arg13[%swap3A_494, %swap3A_495] {strides = array<i32>} : memref<32x256xf32, #tpu.memory_space<vmem>>, vector<1x16xf32>,
        %swap3A_497 = vector.shape_cast %swap3A_496 : vector<1x16xf32> to vector<16xf32>
        %swap3A_498 = vector.shape_cast %add3A_493 : vector<16xf32> to vector<1x16xf32>
        tpu.vector_store %arg13[%swap3A_494, %swap3A_495], %swap3A_498 {strides = array<i32>} : memref<32x256xf32, #tpu.memory_space<vmem>>, vector<1x16xf32>,
        %get3A_499 = arith.index_cast %scan3A_405 : i32 to index
        %get3A_500 = arith.constant 80 : index
        %get3A_501 = tpu.vector_load %arg13[%get3A_499, %get3A_500] {strides = array<i32>} : memref<32x256xf32, #tpu.memory_space<vmem>>, vector<1x16xf32>,
        %get3A_502 = vector.shape_cast %get3A_501 : vector<1x16xf32> to vector<16xf32>
        %get3A_503 = arith.index_cast %scan3A_405 : i32 to index
        %get3A_504 = arith.constant 80 : index
        %get3A_505 = tpu.vector_load %arg14[%get3A_503, %get3A_504] {strides = array<i32>} : memref<32x256xf32, #tpu.memory_space<vmem>>, vector<1x16xf32>,
        %get3A_506 = vector.shape_cast %get3A_505 : vector<1x16xf32> to vector<16xf32>
        %add3A_507 = arith.addf %get3A_502, %get3A_506 : vector<16xf32>
        %get3A_508 = arith.index_cast %scan3A_405 : i32 to index
        %get3A_509 = arith.constant 80 : index
        %get3A_510 = tpu.vector_load %arg15[%get3A_508, %get3A_509] {strides = array<i32>} : memref<32x256xf32, #tpu.memory_space<vmem>>, vector<1x16xf32>,
        %get3A_511 = vector.shape_cast %get3A_510 : vector<1x16xf32> to vector<16xf32>
        %add3A_512 = arith.addf %add3A_507, %get3A_511 : vector<16xf32>
        %swap3A_513 = arith.index_cast %scan3A_405 : i32 to index
        %swap3A_514 = arith.constant 80 : index
        %swap3A_515 = tpu.vector_load %arg13[%swap3A_513, %swap3A_514] {strides = array<i32>} : memref<32x256xf32, #tpu.memory_space<vmem>>, vector<1x16xf32>,
        %swap3A_516 = vector.shape_cast %swap3A_515 : vector<1x16xf32> to vector<16xf32>
        %swap3A_517 = vector.shape_cast %add3A_512 : vector<16xf32> to vector<1x16xf32>
        tpu.vector_store %arg13[%swap3A_513, %swap3A_514], %swap3A_517 {strides = array<i32>} : memref<32x256xf32, #tpu.memory_space<vmem>>, vector<1x16xf32>,
        %get3A_518 = arith.index_cast %scan3A_405 : i32 to index
        %get3A_519 = arith.constant 96 : index
        %get3A_520 = tpu.vector_load %arg13[%get3A_518, %get3A_519] {strides = array<i32>} : memref<32x256xf32, #tpu.memory_space<vmem>>, vector<1x16xf32>,
        %get3A_521 = vector.shape_cast %get3A_520 : vector<1x16xf32> to vector<16xf32>
        %get3A_522 = arith.index_cast %scan3A_405 : i32 to index
        %get3A_523 = arith.constant 96 : index
        %get3A_524 = tpu.vector_load %arg14[%get3A_522, %get3A_523] {strides = array<i32>} : memref<32x256xf32, #tpu.memory_space<vmem>>, vector<1x16xf32>,
        %get3A_525 = vector.shape_cast %get3A_524 : vector<1x16xf32> to vector<16xf32>
        %add3A_526 = arith.addf %get3A_521, %get3A_525 : vector<16xf32>
        %get3A_527 = arith.index_cast %scan3A_405 : i32 to index
        %get3A_528 = arith.constant 96 : index
        %get3A_529 = tpu.vector_load %arg15[%get3A_527, %get3A_528] {strides = array<i32>} : memref<32x256xf32, #tpu.memory_space<vmem>>, vector<1x16xf32>,
        %get3A_530 = vector.shape_cast %get3A_529 : vector<1x16xf32> to vector<16xf32>
        %add3A_531 = arith.addf %add3A_526, %get3A_530 : vector<16xf32>
        %swap3A_532 = arith.index_cast %scan3A_405 : i32 to index
        %swap3A_533 = arith.constant 96 : index
        %swap3A_534 = tpu.vector_load %arg13[%swap3A_532, %swap3A_533] {strides = array<i32>} : memref<32x256xf32, #tpu.memory_space<vmem>>, vector<1x16xf32>,
        %swap3A_535 = vector.shape_cast %swap3A_534 : vector<1x16xf32> to vector<16xf32>
        %swap3A_536 = vector.shape_cast %add3A_531 : vector<16xf32> to vector<1x16xf32>
        tpu.vector_store %arg13[%swap3A_532, %swap3A_533], %swap3A_536 {strides = array<i32>} : memref<32x256xf32, #tpu.memory_space<vmem>>, vector<1x16xf32>,
        %get3A_537 = arith.index_cast %scan3A_405 : i32 to index
        %get3A_538 = arith.constant 112 : index
        %get3A_539 = tpu.vector_load %arg13[%get3A_537, %get3A_538] {strides = array<i32>} : memref<32x256xf32, #tpu.memory_space<vmem>>, vector<1x16xf32>,
        %get3A_540 = vector.shape_cast %get3A_539 : vector<1x16xf32> to vector<16xf32>
        %get3A_541 = arith.index_cast %scan3A_405 : i32 to index
        %get3A_542 = arith.constant 112 : index
        %get3A_543 = tpu.vector_load %arg14[%get3A_541, %get3A_542] {strides = array<i32>} : memref<32x256xf32, #tpu.memory_space<vmem>>, vector<1x16xf32>,
        %get3A_544 = vector.shape_cast %get3A_543 : vector<1x16xf32> to vector<16xf32>
        %add3A_545 = arith.addf %get3A_540, %get3A_544 : vector<16xf32>
        %get3A_546 = arith.index_cast %scan3A_405 : i32 to index
        %get3A_547 = arith.constant 112 : index
        %get3A_548 = tpu.vector_load %arg15[%get3A_546, %get3A_547] {strides = array<i32>} : memref<32x256xf32, #tpu.memory_space<vmem>>, vector<1x16xf32>,
        %get3A_549 = vector.shape_cast %get3A_548 : vector<1x16xf32> to vector<16xf32>
        %add3A_550 = arith.addf %add3A_545, %get3A_549 : vector<16xf32>
        %swap3A_551 = arith.index_cast %scan3A_405 : i32 to index
        %swap3A_552 = arith.constant 112 : index
        %swap3A_553 = tpu.vector_load %arg13[%swap3A_551, %swap3A_552] {strides = array<i32>} : memref<32x256xf32, #tpu.memory_space<vmem>>, vector<1x16xf32>,
        %swap3A_554 = vector.shape_cast %swap3A_553 : vector<1x16xf32> to vector<16xf32>
        %swap3A_555 = vector.shape_cast %add3A_550 : vector<16xf32> to vector<1x16xf32>
        tpu.vector_store %arg13[%swap3A_551, %swap3A_552], %swap3A_555 {strides = array<i32>} : memref<32x256xf32, #tpu.memory_space<vmem>>, vector<1x16xf32>,
        %get3A_556 = arith.index_cast %scan3A_405 : i32 to index
        %get3A_557 = arith.constant 128 : index
        %get3A_558 = tpu.vector_load %arg13[%get3A_556, %get3A_557] {strides = array<i32>} : memref<32x256xf32, #tpu.memory_space<vmem>>, vector<1x16xf32>,
        %get3A_559 = vector.shape_cast %get3A_558 : vector<1x16xf32> to vector<16xf32>
        %get3A_560 = arith.index_cast %scan3A_405 : i32 to index
        %get3A_561 = arith.constant 128 : index
        %get3A_562 = tpu.vector_load %arg14[%get3A_560, %get3A_561] {strides = array<i32>} : memref<32x256xf32, #tpu.memory_space<vmem>>, vector<1x16xf32>,
        %get3A_563 = vector.shape_cast %get3A_562 : vector<1x16xf32> to vector<16xf32>
        %add3A_564 = arith.addf %get3A_559, %get3A_563 : vector<16xf32>
        %get3A_565 = arith.index_cast %scan3A_405 : i32 to index
        %get3A_566 = arith.constant 128 : index
        %get3A_567 = tpu.vector_load %arg15[%get3A_565, %get3A_566] {strides = array<i32>} : memref<32x256xf32, #tpu.memory_space<vmem>>, vector<1x16xf32>,
        %get3A_568 = vector.shape_cast %get3A_567 : vector<1x16xf32> to vector<16xf32>
        %add3A_569 = arith.addf %add3A_564, %get3A_568 : vector<16xf32>
        %swap3A_570 = arith.index_cast %scan3A_405 : i32 to index
        %swap3A_571 = arith.constant 128 : index
        %swap3A_572 = tpu.vector_load %arg13[%swap3A_570, %swap3A_571] {strides = array<i32>} : memref<32x256xf32, #tpu.memory_space<vmem>>, vector<1x16xf32>,
        %swap3A_573 = vector.shape_cast %swap3A_572 : vector<1x16xf32> to vector<16xf32>
        %swap3A_574 = vector.shape_cast %add3A_569 : vector<16xf32> to vector<1x16xf32>
        tpu.vector_store %arg13[%swap3A_570, %swap3A_571], %swap3A_574 {strides = array<i32>} : memref<32x256xf32, #tpu.memory_space<vmem>>, vector<1x16xf32>,
        %get3A_575 = arith.index_cast %scan3A_405 : i32 to index
        %get3A_576 = arith.constant 144 : index
        %get3A_577 = tpu.vector_load %arg13[%get3A_575, %get3A_576] {strides = array<i32>} : memref<32x256xf32, #tpu.memory_space<vmem>>, vector<1x16xf32>,
        %get3A_578 = vector.shape_cast %get3A_577 : vector<1x16xf32> to vector<16xf32>
        %get3A_579 = arith.index_cast %scan3A_405 : i32 to index
        %get3A_580 = arith.constant 144 : index
        %get3A_581 = tpu.vector_load %arg14[%get3A_579, %get3A_580] {strides = array<i32>} : memref<32x256xf32, #tpu.memory_space<vmem>>, vector<1x16xf32>,
        %get3A_582 = vector.shape_cast %get3A_581 : vector<1x16xf32> to vector<16xf32>
        %add3A_583 = arith.addf %get3A_578, %get3A_582 : vector<16xf32>
        %get3A_584 = arith.index_cast %scan3A_405 : i32 to index
        %get3A_585 = arith.constant 144 : index
        %get3A_586 = tpu.vector_load %arg15[%get3A_584, %get3A_585] {strides = array<i32>} : memref<32x256xf32, #tpu.memory_space<vmem>>, vector<1x16xf32>,
        %get3A_587 = vector.shape_cast %get3A_586 : vector<1x16xf32> to vector<16xf32>
        %add3A_588 = arith.addf %add3A_583, %get3A_587 : vector<16xf32>
        %swap3A_589 = arith.index_cast %scan3A_405 : i32 to index
        %swap3A_590 = arith.constant 144 : index
        %swap3A_591 = tpu.vector_load %arg13[%swap3A_589, %swap3A_590] {strides = array<i32>} : memref<32x256xf32, #tpu.memory_space<vmem>>, vector<1x16xf32>,
        %swap3A_592 = vector.shape_cast %swap3A_591 : vector<1x16xf32> to vector<16xf32>
        %swap3A_593 = vector.shape_cast %add3A_588 : vector<16xf32> to vector<1x16xf32>
        tpu.vector_store %arg13[%swap3A_589, %swap3A_590], %swap3A_593 {strides = array<i32>} : memref<32x256xf32, #tpu.memory_space<vmem>>, vector<1x16xf32>,
        %get3A_594 = arith.index_cast %scan3A_405 : i32 to index
        %get3A_595 = arith.constant 160 : index
        %get3A_596 = tpu.vector_load %arg13[%get3A_594, %get3A_595] {strides = array<i32>} : memref<32x256xf32, #tpu.memory_space<vmem>>, vector<1x16xf32>,
        %get3A_597 = vector.shape_cast %get3A_596 : vector<1x16xf32> to vector<16xf32>
        %get3A_598 = arith.index_cast %scan3A_405 : i32 to index
        %get3A_599 = arith.constant 160 : index
        %get3A_600 = tpu.vector_load %arg14[%get3A_598, %get3A_599] {strides = array<i32>} : memref<32x256xf32, #tpu.memory_space<vmem>>, vector<1x16xf32>,
        %get3A_601 = vector.shape_cast %get3A_600 : vector<1x16xf32> to vector<16xf32>
        %add3A_602 = arith.addf %get3A_597, %get3A_601 : vector<16xf32>
        %get3A_603 = arith.index_cast %scan3A_405 : i32 to index
        %get3A_604 = arith.constant 160 : index
        %get3A_605 = tpu.vector_load %arg15[%get3A_603, %get3A_604] {strides = array<i32>} : memref<32x256xf32, #tpu.memory_space<vmem>>, vector<1x16xf32>,
        %get3A_606 = vector.shape_cast %get3A_605 : vector<1x16xf32> to vector<16xf32>
        %add3A_607 = arith.addf %add3A_602, %get3A_606 : vector<16xf32>
        %swap3A_608 = arith.index_cast %scan3A_405 : i32 to index
        %swap3A_609 = arith.constant 160 : index
        %swap3A_610 = tpu.vector_load %arg13[%swap3A_608, %swap3A_609] {strides = array<i32>} : memref<32x256xf32, #tpu.memory_space<vmem>>, vector<1x16xf32>,
        %swap3A_611 = vector.shape_cast %swap3A_610 : vector<1x16xf32> to vector<16xf32>
        %swap3A_612 = vector.shape_cast %add3A_607 : vector<16xf32> to vector<1x16xf32>
        tpu.vector_store %arg13[%swap3A_608, %swap3A_609], %swap3A_612 {strides = array<i32>} : memref<32x256xf32, #tpu.memory_space<vmem>>, vector<1x16xf32>,
        %get3A_613 = arith.index_cast %scan3A_405 : i32 to index
        %get3A_614 = arith.constant 176 : index
        %get3A_615 = tpu.vector_load %arg13[%get3A_613, %get3A_614] {strides = array<i32>} : memref<32x256xf32, #tpu.memory_space<vmem>>, vector<1x16xf32>,
        %get3A_616 = vector.shape_cast %get3A_615 : vector<1x16xf32> to vector<16xf32>
        %get3A_617 = arith.index_cast %scan3A_405 : i32 to index
        %get3A_618 = arith.constant 176 : index
        %get3A_619 = tpu.vector_load %arg14[%get3A_617, %get3A_618] {strides = array<i32>} : memref<32x256xf32, #tpu.memory_space<vmem>>, vector<1x16xf32>,
        %get3A_620 = vector.shape_cast %get3A_619 : vector<1x16xf32> to vector<16xf32>
        %add3A_621 = arith.addf %get3A_616, %get3A_620 : vector<16xf32>
        %get3A_622 = arith.index_cast %scan3A_405 : i32 to index
        %get3A_623 = arith.constant 176 : index
        %get3A_624 = tpu.vector_load %arg15[%get3A_622, %get3A_623] {strides = array<i32>} : memref<32x256xf32, #tpu.memory_space<vmem>>, vector<1x16xf32>,
        %get3A_625 = vector.shape_cast %get3A_624 : vector<1x16xf32> to vector<16xf32>
        %add3A_626 = arith.addf %add3A_621, %get3A_625 : vector<16xf32>
        %swap3A_627 = arith.index_cast %scan3A_405 : i32 to index
        %swap3A_628 = arith.constant 176 : index
        %swap3A_629 = tpu.vector_load %arg13[%swap3A_627, %swap3A_628] {strides = array<i32>} : memref<32x256xf32, #tpu.memory_space<vmem>>, vector<1x16xf32>,
        %swap3A_630 = vector.shape_cast %swap3A_629 : vector<1x16xf32> to vector<16xf32>
        %swap3A_631 = vector.shape_cast %add3A_626 : vector<16xf32> to vector<1x16xf32>
        tpu.vector_store %arg13[%swap3A_627, %swap3A_628], %swap3A_631 {strides = array<i32>} : memref<32x256xf32, #tpu.memory_space<vmem>>, vector<1x16xf32>,
        %get3A_632 = arith.index_cast %scan3A_405 : i32 to index
        %get3A_633 = arith.constant 192 : index
        %get3A_634 = tpu.vector_load %arg13[%get3A_632, %get3A_633] {strides = array<i32>} : memref<32x256xf32, #tpu.memory_space<vmem>>, vector<1x16xf32>,
        %get3A_635 = vector.shape_cast %get3A_634 : vector<1x16xf32> to vector<16xf32>
        %get3A_636 = arith.index_cast %scan3A_405 : i32 to index
        %get3A_637 = arith.constant 192 : index
        %get3A_638 = tpu.vector_load %arg14[%get3A_636, %get3A_637] {strides = array<i32>} : memref<32x256xf32, #tpu.memory_space<vmem>>, vector<1x16xf32>,
        %get3A_639 = vector.shape_cast %get3A_638 : vector<1x16xf32> to vector<16xf32>
        %add3A_640 = arith.addf %get3A_635, %get3A_639 : vector<16xf32>
        %get3A_641 = arith.index_cast %scan3A_405 : i32 to index
        %get3A_642 = arith.constant 192 : index
        %get3A_643 = tpu.vector_load %arg15[%get3A_641, %get3A_642] {strides = array<i32>} : memref<32x256xf32, #tpu.memory_space<vmem>>, vector<1x16xf32>,
        %get3A_644 = vector.shape_cast %get3A_643 : vector<1x16xf32> to vector<16xf32>
        %add3A_645 = arith.addf %add3A_640, %get3A_644 : vector<16xf32>
        %swap3A_646 = arith.index_cast %scan3A_405 : i32 to index
        %swap3A_647 = arith.constant 192 : index
        %swap3A_648 = tpu.vector_load %arg13[%swap3A_646, %swap3A_647] {strides = array<i32>} : memref<32x256xf32, #tpu.memory_space<vmem>>, vector<1x16xf32>,
        %swap3A_649 = vector.shape_cast %swap3A_648 : vector<1x16xf32> to vector<16xf32>
        %swap3A_650 = vector.shape_cast %add3A_645 : vector<16xf32> to vector<1x16xf32>
        tpu.vector_store %arg13[%swap3A_646, %swap3A_647], %swap3A_650 {strides = array<i32>} : memref<32x256xf32, #tpu.memory_space<vmem>>, vector<1x16xf32>,
        %get3A_651 = arith.index_cast %scan3A_405 : i32 to index
        %get3A_652 = arith.constant 208 : index
        %get3A_653 = tpu.vector_load %arg13[%get3A_651, %get3A_652] {strides = array<i32>} : memref<32x256xf32, #tpu.memory_space<vmem>>, vector<1x16xf32>,
        %get3A_654 = vector.shape_cast %get3A_653 : vector<1x16xf32> to vector<16xf32>
        %get3A_655 = arith.index_cast %scan3A_405 : i32 to index
        %get3A_656 = arith.constant 208 : index
        %get3A_657 = tpu.vector_load %arg14[%get3A_655, %get3A_656] {strides = array<i32>} : memref<32x256xf32, #tpu.memory_space<vmem>>, vector<1x16xf32>,
        %get3A_658 = vector.shape_cast %get3A_657 : vector<1x16xf32> to vector<16xf32>
        %add3A_659 = arith.addf %get3A_654, %get3A_658 : vector<16xf32>
        %get3A_660 = arith.index_cast %scan3A_405 : i32 to index
        %get3A_661 = arith.constant 208 : index
        %get3A_662 = tpu.vector_load %arg15[%get3A_660, %get3A_661] {strides = array<i32>} : memref<32x256xf32, #tpu.memory_space<vmem>>, vector<1x16xf32>,
        %get3A_663 = vector.shape_cast %get3A_662 : vector<1x16xf32> to vector<16xf32>
        %add3A_664 = arith.addf %add3A_659, %get3A_663 : vector<16xf32>
        %swap3A_665 = arith.index_cast %scan3A_405 : i32 to index
        %swap3A_666 = arith.constant 208 : index
        %swap3A_667 = tpu.vector_load %arg13[%swap3A_665, %swap3A_666] {strides = array<i32>} : memref<32x256xf32, #tpu.memory_space<vmem>>, vector<1x16xf32>,
        %swap3A_668 = vector.shape_cast %swap3A_667 : vector<1x16xf32> to vector<16xf32>
        %swap3A_669 = vector.shape_cast %add3A_664 : vector<16xf32> to vector<1x16xf32>
        tpu.vector_store %arg13[%swap3A_665, %swap3A_666], %swap3A_669 {strides = array<i32>} : memref<32x256xf32, #tpu.memory_space<vmem>>, vector<1x16xf32>,
        %get3A_670 = arith.index_cast %scan3A_405 : i32 to index
        %get3A_671 = arith.constant 224 : index
        %get3A_672 = tpu.vector_load %arg13[%get3A_670, %get3A_671] {strides = array<i32>} : memref<32x256xf32, #tpu.memory_space<vmem>>, vector<1x16xf32>,
        %get3A_673 = vector.shape_cast %get3A_672 : vector<1x16xf32> to vector<16xf32>
        %get3A_674 = arith.index_cast %scan3A_405 : i32 to index
        %get3A_675 = arith.constant 224 : index
        %get3A_676 = tpu.vector_load %arg14[%get3A_674, %get3A_675] {strides = array<i32>} : memref<32x256xf32, #tpu.memory_space<vmem>>, vector<1x16xf32>,
        %get3A_677 = vector.shape_cast %get3A_676 : vector<1x16xf32> to vector<16xf32>
        %add3A_678 = arith.addf %get3A_673, %get3A_677 : vector<16xf32>
        %get3A_679 = arith.index_cast %scan3A_405 : i32 to index
        %get3A_680 = arith.constant 224 : index
        %get3A_681 = tpu.vector_load %arg15[%get3A_679, %get3A_680] {strides = array<i32>} : memref<32x256xf32, #tpu.memory_space<vmem>>, vector<1x16xf32>,
        %get3A_682 = vector.shape_cast %get3A_681 : vector<1x16xf32> to vector<16xf32>
        %add3A_683 = arith.addf %add3A_678, %get3A_682 : vector<16xf32>
        %swap3A_684 = arith.index_cast %scan3A_405 : i32 to index
        %swap3A_685 = arith.constant 224 : index
        %swap3A_686 = tpu.vector_load %arg13[%swap3A_684, %swap3A_685] {strides = array<i32>} : memref<32x256xf32, #tpu.memory_space<vmem>>, vector<1x16xf32>,
        %swap3A_687 = vector.shape_cast %swap3A_686 : vector<1x16xf32> to vector<16xf32>
        %swap3A_688 = vector.shape_cast %add3A_683 : vector<16xf32> to vector<1x16xf32>
        tpu.vector_store %arg13[%swap3A_684, %swap3A_685], %swap3A_688 {strides = array<i32>} : memref<32x256xf32, #tpu.memory_space<vmem>>, vector<1x16xf32>,
        %get3A_689 = arith.index_cast %scan3A_405 : i32 to index
        %get3A_690 = arith.constant 240 : index
        %get3A_691 = tpu.vector_load %arg13[%get3A_689, %get3A_690] {strides = array<i32>} : memref<32x256xf32, #tpu.memory_space<vmem>>, vector<1x16xf32>,
        %get3A_692 = vector.shape_cast %get3A_691 : vector<1x16xf32> to vector<16xf32>
        %get3A_693 = arith.index_cast %scan3A_405 : i32 to index
        %get3A_694 = arith.constant 240 : index
        %get3A_695 = tpu.vector_load %arg14[%get3A_693, %get3A_694] {strides = array<i32>} : memref<32x256xf32, #tpu.memory_space<vmem>>, vector<1x16xf32>,
        %get3A_696 = vector.shape_cast %get3A_695 : vector<1x16xf32> to vector<16xf32>
        %add3A_697 = arith.addf %get3A_692, %get3A_696 : vector<16xf32>
        %get3A_698 = arith.index_cast %scan3A_405 : i32 to index
        %get3A_699 = arith.constant 240 : index
        %get3A_700 = tpu.vector_load %arg15[%get3A_698, %get3A_699] {strides = array<i32>} : memref<32x256xf32, #tpu.memory_space<vmem>>, vector<1x16xf32>,
        %get3A_701 = vector.shape_cast %get3A_700 : vector<1x16xf32> to vector<16xf32>
        %add3A_702 = arith.addf %add3A_697, %get3A_701 : vector<16xf32>
        %swap3A_703 = arith.index_cast %scan3A_405 : i32 to index
        %swap3A_704 = arith.constant 240 : index
        %swap3A_705 = tpu.vector_load %arg13[%swap3A_703, %swap3A_704] {strides = array<i32>} : memref<32x256xf32, #tpu.memory_space<vmem>>, vector<1x16xf32>,
        %swap3A_706 = vector.shape_cast %swap3A_705 : vector<1x16xf32> to vector<16xf32>
        %swap3A_707 = vector.shape_cast %add3A_702 : vector<16xf32> to vector<1x16xf32>
        tpu.vector_store %arg13[%swap3A_703, %swap3A_704], %swap3A_707 {strides = array<i32>} : memref<32x256xf32, #tpu.memory_space<vmem>>, vector<1x16xf32>,
      }
      %scan3A_234 = arith.constant 32 : i32
      %dma_start3A_235 = arith.constant 0 : i32
      %dma_start3A_236 = tpu.memref_slice %arg11[%add3A_201, %dma_start3A_235] : memref<32x32xi32, #tpu.memory_space<vmem>> -> memref<1x32xi32, #tpu.memory_space<vmem>>
      %dma_start3A_237 = tpu.memref_squeeze %dma_start3A_236 : memref<1x32xi32, #tpu.memory_space<vmem>> -> memref<32xi32, #tpu.memory_space<vmem>>
      %dma_start3A_238 = arith.constant 0 : i32
      %dma_start3A_239 = arith.constant 0 : i32
      %dma_start3A_240 = tpu.memref_slice %arg8[%dma_start3A_238, %dma_start3A_239] : memref<32784x256xf32, #tpu.memory_space<hbm>> -> memref<32784x256xf32, #tpu.memory_space<hbm>>
      tpu.enqueue_indirect_dma source(%arg13 : memref<32x256xf32, #tpu.memory_space<vmem>>) target(%dma_start3A_240 : memref<32784x256xf32, #tpu.memory_space<hbm>>) offsets(%dma_start3A_237 : memref<32xi32, #tpu.memory_space<vmem>>) semaphore(%arg28 : memref<!tpu.dma_semaphore, #tpu.memory_space<semaphore_mem>>)
      %add3A_241 = arith.constant 4 : i32
      %add3A_242 = arith.addi %add3A_201, %add3A_241 : i32
      %sub3A_243 = arith.constant 1 : i32
      %sub3A_244 = arith.subi %add3A_242, %sub3A_243 : i32
      %gt3A = arith.constant 0 : i32
      %gt3A_245 = arith.cmpi sgt, %scan3A_197, %gt3A : i32
      %convert_element_type3A_246 = arith.extui %gt3A_245 : i1 to i32
      %cond3A_247 = arith.constant 0 : i32
      %cond3A_248 = arith.cmpi ne, %convert_element_type3A_246, %cond3A_247 : i32
      scf.if %cond3A_248 {
        %sub3A_405 = arith.constant 1 : i32
        %sub3A_406 = arith.subi %add3A_201, %sub3A_405 : i32
        %dma_wait3A_407 = arith.constant 0 : i32
        %dma_wait3A_408 = tpu.memref_slice %arg11[%sub3A_406, %dma_wait3A_407] : memref<32x32xi32, #tpu.memory_space<vmem>> -> memref<1x32xi32, #tpu.memory_space<vmem>>
        %dma_wait3A_409 = tpu.memref_squeeze %dma_wait3A_408 : memref<1x32xi32, #tpu.memory_space<vmem>> -> memref<32xi32, #tpu.memory_space<vmem>>
        %dma_wait3A_410 = arith.constant 0 : i32
        %dma_wait3A_411 = arith.constant 0 : i32
        %dma_wait3A_412 = tpu.memref_slice %arg8[%dma_wait3A_410, %dma_wait3A_411] : memref<32784x256xf32, #tpu.memory_space<hbm>> -> memref<32784x256xf32, #tpu.memory_space<hbm>>
        tpu.wait_indirect_dma semaphore(%arg40 : memref<!tpu.dma_semaphore, #tpu.memory_space<semaphore_mem>>) src(%arg22 : memref<32x256xf32, #tpu.memory_space<vmem>>) dst(%dma_wait3A_412 : memref<32784x256xf32, #tpu.memory_space<hbm>>)
        %mul3A_413 = arith.constant 32 : i32
        %mul3A_414 = arith.muli %sub3A_244, %mul3A_413 : i32
        %add3A_415 = arith.addi %mul3A_34, %mul3A_414 : i32
        %dma_start3A_416 = arith.constant 0 : i32
        %dma_start3A_417 = arith.constant 0 : i32
        %dma_start3A_418 = tpu.memref_slice %arg2[%select_n3A, %dma_start3A_416, %dma_start3A_417] : memref<16x2048x256xf32, #tpu.memory_space<hbm>> -> memref<1x2048x256xf32, #tpu.memory_space<hbm>>
        %dma_start3A_419 = tpu.memref_squeeze %dma_start3A_418 : memref<1x2048x256xf32, #tpu.memory_space<hbm>> -> memref<2048x256xf32, #tpu.memory_space<hbm>>
        %dma_start3A_420 = arith.constant 0 : i32
        %dma_start3A_421 = tpu.memref_slice %dma_start3A_419[%add3A_415, %dma_start3A_420] : memref<2048x256xf32, #tpu.memory_space<hbm>> -> memref<32x256xf32, #tpu.memory_space<hbm>>
        %dma_start3A_422 = arith.constant 0 : i32
        %dma_start3A_423 = arith.constant 0 : i32
        %dma_start3A_424 = tpu.memref_slice %arg2[%select_n3A, %dma_start3A_422, %dma_start3A_423] : memref<16x2048x256xf32, #tpu.memory_space<hbm>> -> memref<1x2048x256xf32, #tpu.memory_space<hbm>>
        %dma_start3A_425 = tpu.memref_squeeze %dma_start3A_424 : memref<1x2048x256xf32, #tpu.memory_space<hbm>> -> memref<2048x256xf32, #tpu.memory_space<hbm>>
        %dma_start3A_426 = arith.constant 0 : i32
        %dma_start3A_427 = tpu.memref_slice %dma_start3A_425[%add3A_415, %dma_start3A_426] : memref<2048x256xf32, #tpu.memory_space<hbm>> -> memref<32x256xf32, #tpu.memory_space<hbm>>
        tpu.enqueue_dma source(%dma_start3A_427 : memref<32x256xf32, #tpu.memory_space<hbm>>) target(%arg22 : memref<32x256xf32, #tpu.memory_space<vmem>>) target_semaphore(%arg37 : memref<!tpu.dma_semaphore, #tpu.memory_space<semaphore_mem>>)
        %mul3A_428 = arith.constant 32 : i32
        %mul3A_429 = arith.muli %sub3A_244, %mul3A_428 : i32
        %dma_start3A_430 = tpu.memref_slice %arg9[%mul3A_429] : memref<1024xi32, #tpu.memory_space<vmem>> -> memref<32xi32, #tpu.memory_space<vmem>>
        %dma_start3A_431 = arith.constant 0 : i32
        %dma_start3A_432 = arith.constant 0 : i32
        %dma_start3A_433 = tpu.memref_slice %arg5[%dma_start3A_431, %dma_start3A_432] : memref<2052x256xf32, #tpu.memory_space<hbm>> -> memref<2052x256xf32, #tpu.memory_space<hbm>>
        tpu.enqueue_indirect_dma source(%dma_start3A_433 : memref<2052x256xf32, #tpu.memory_space<hbm>>) target(%arg23 : memref<32x256xf32, #tpu.memory_space<vmem>>) offsets(%dma_start3A_430 : memref<32xi32, #tpu.memory_space<vmem>>) semaphore(%arg38 : memref<!tpu.dma_semaphore, #tpu.memory_space<semaphore_mem>>)
        %mul3A_434 = arith.constant 32 : i32
        %mul3A_435 = arith.muli %sub3A_244, %mul3A_434 : i32
        %dma_start3A_436 = tpu.memref_slice %arg10[%mul3A_435] : memref<1024xi32, #tpu.memory_space<vmem>> -> memref<32xi32, #tpu.memory_space<vmem>>
        %dma_start3A_437 = arith.constant 0 : i32
        %dma_start3A_438 = arith.constant 0 : i32
        %dma_start3A_439 = tpu.memref_slice %arg6[%dma_start3A_437, %dma_start3A_438] : memref<2052x256xf32, #tpu.memory_space<hbm>> -> memref<2052x256xf32, #tpu.memory_space<hbm>>
        tpu.enqueue_indirect_dma source(%dma_start3A_439 : memref<2052x256xf32, #tpu.memory_space<hbm>>) target(%arg24 : memref<32x256xf32, #tpu.memory_space<vmem>>) offsets(%dma_start3A_436 : memref<32xi32, #tpu.memory_space<vmem>>) semaphore(%arg39 : memref<!tpu.dma_semaphore, #tpu.memory_space<semaphore_mem>>)
      } else {
      }
      %mul3A_249 = arith.constant 4 : i32
      %mul3A_250 = arith.muli %scan3A_197, %mul3A_249 : i32
      %add3A_251 = arith.constant 1 : i32
      %add3A_252 = arith.addi %mul3A_250, %add3A_251 : i32
      %mul3A_253 = arith.constant 32 : i32
      %mul3A_254 = arith.muli %add3A_252, %mul3A_253 : i32
      %add3A_255 = arith.addi %mul3A_34, %mul3A_254 : i32
      %dma_wait3A_256 = arith.constant 0 : i32
      %dma_wait3A_257 = arith.constant 0 : i32
      %dma_wait3A_258 = tpu.memref_slice %arg2[%select_n3A, %dma_wait3A_256, %dma_wait3A_257] : memref<16x2048x256xf32, #tpu.memory_space<hbm>> -> memref<1x2048x256xf32, #tpu.memory_space<hbm>>
      %dma_wait3A_259 = tpu.memref_squeeze %dma_wait3A_258 : memref<1x2048x256xf32, #tpu.memory_space<hbm>> -> memref<2048x256xf32, #tpu.memory_space<hbm>>
      %dma_wait3A_260 = arith.constant 0 : i32
      %dma_wait3A_261 = tpu.memref_slice %dma_wait3A_259[%add3A_255, %dma_wait3A_260] : memref<2048x256xf32, #tpu.memory_space<hbm>> -> memref<32x256xf32, #tpu.memory_space<hbm>>
      %dma_wait3A_262 = arith.constant 0 : i32
      %dma_wait3A_263 = arith.constant 0 : i32
      %dma_wait3A_264 = tpu.memref_slice %arg2[%select_n3A, %dma_wait3A_262, %dma_wait3A_263] : memref<16x2048x256xf32, #tpu.memory_space<hbm>> -> memref<1x2048x256xf32, #tpu.memory_space<hbm>>
      %dma_wait3A_265 = tpu.memref_squeeze %dma_wait3A_264 : memref<1x2048x256xf32, #tpu.memory_space<hbm>> -> memref<2048x256xf32, #tpu.memory_space<hbm>>
      %dma_wait3A_266 = arith.constant 0 : i32
      %dma_wait3A_267 = tpu.memref_slice %dma_wait3A_265[%add3A_255, %dma_wait3A_266] : memref<2048x256xf32, #tpu.memory_space<hbm>> -> memref<32x256xf32, #tpu.memory_space<hbm>>
      tpu.wait_dma2 semaphore(%arg29 : memref<!tpu.dma_semaphore, #tpu.memory_space<semaphore_mem>>) src(%dma_wait3A_267 : memref<32x256xf32, #tpu.memory_space<hbm>>) dst(%arg16 : memref<32x256xf32, #tpu.memory_space<vmem>>)
      %mul3A_268 = arith.constant 32 : i32
      %mul3A_269 = arith.muli %add3A_252, %mul3A_268 : i32
      %dma_wait3A_270 = tpu.memref_slice %arg9[%mul3A_269] : memref<1024xi32, #tpu.memory_space<vmem>> -> memref<32xi32, #tpu.memory_space<vmem>>
      %dma_wait3A_271 = arith.constant 0 : i32
      %dma_wait3A_272 = arith.constant 0 : i32
      %dma_wait3A_273 = tpu.memref_slice %arg5[%dma_wait3A_271, %dma_wait3A_272] : memref<2052x256xf32, #tpu.memory_space<hbm>> -> memref<2052x256xf32, #tpu.memory_space<hbm>>
      tpu.wait_indirect_dma semaphore(%arg30 : memref<!tpu.dma_semaphore, #tpu.memory_space<semaphore_mem>>) src(%dma_wait3A_273 : memref<2052x256xf32, #tpu.memory_space<hbm>>) dst(%arg17 : memref<32x256xf32, #tpu.memory_space<vmem>>)
      %mul3A_274 = arith.constant 32 : i32
      %mul3A_275 = arith.muli %add3A_252, %mul3A_274 : i32
      %dma_wait3A_276 = tpu.memref_slice %arg10[%mul3A_275] : memref<1024xi32, #tpu.memory_space<vmem>> -> memref<32xi32, #tpu.memory_space<vmem>>
      %dma_wait3A_277 = arith.constant 0 : i32
      %dma_wait3A_278 = arith.constant 0 : i32
      %dma_wait3A_279 = tpu.memref_slice %arg6[%dma_wait3A_277, %dma_wait3A_278] : memref<2052x256xf32, #tpu.memory_space<hbm>> -> memref<2052x256xf32, #tpu.memory_space<hbm>>
      tpu.wait_indirect_dma semaphore(%arg31 : memref<!tpu.dma_semaphore, #tpu.memory_space<semaphore_mem>>) src(%dma_wait3A_279 : memref<2052x256xf32, #tpu.memory_space<hbm>>) dst(%arg18 : memref<32x256xf32, #tpu.memory_space<vmem>>)
      %scan3A_280 = arith.constant 0 : i32
      %scan3A_281 = arith.constant 0 : i32
      %scan3A_282 = arith.constant 32 : i32
      %scan3A_283 = arith.addi %scan3A_281, %scan3A_282 : i32
      %scan3A_284 = arith.constant 1 : i32
      scf.for %scan3A_405 = %scan3A_281 to %scan3A_283 step %scan3A_284  : i32 {
        %get3A = arith.index_cast %scan3A_405 : i32 to index
        %get3A_406 = arith.constant 0 : index
        %get3A_407 = tpu.vector_load %arg16[%get3A, %get3A_406] {strides = array<i32>} : memref<32x256xf32, #tpu.memory_space<vmem>>, vector<1x16xf32>,
        %get3A_408 = vector.shape_cast %get3A_407 : vector<1x16xf32> to vector<16xf32>
        %get3A_409 = arith.index_cast %scan3A_405 : i32 to index
        %get3A_410 = arith.constant 0 : index
        %get3A_411 = tpu.vector_load %arg17[%get3A_409, %get3A_410] {strides = array<i32>} : memref<32x256xf32, #tpu.memory_space<vmem>>, vector<1x16xf32>,
        %get3A_412 = vector.shape_cast %get3A_411 : vector<1x16xf32> to vector<16xf32>
        %add3A_413 = arith.addf %get3A_408, %get3A_412 : vector<16xf32>
        %get3A_414 = arith.index_cast %scan3A_405 : i32 to index
        %get3A_415 = arith.constant 0 : index
        %get3A_416 = tpu.vector_load %arg18[%get3A_414, %get3A_415] {strides = array<i32>} : memref<32x256xf32, #tpu.memory_space<vmem>>, vector<1x16xf32>,
        %get3A_417 = vector.shape_cast %get3A_416 : vector<1x16xf32> to vector<16xf32>
        %add3A_418 = arith.addf %add3A_413, %get3A_417 : vector<16xf32>
        %swap3A = arith.index_cast %scan3A_405 : i32 to index
        %swap3A_419 = arith.constant 0 : index
        %swap3A_420 = tpu.vector_load %arg16[%swap3A, %swap3A_419] {strides = array<i32>} : memref<32x256xf32, #tpu.memory_space<vmem>>, vector<1x16xf32>,
        %swap3A_421 = vector.shape_cast %swap3A_420 : vector<1x16xf32> to vector<16xf32>
        %swap3A_422 = vector.shape_cast %add3A_418 : vector<16xf32> to vector<1x16xf32>
        tpu.vector_store %arg16[%swap3A, %swap3A_419], %swap3A_422 {strides = array<i32>} : memref<32x256xf32, #tpu.memory_space<vmem>>, vector<1x16xf32>,
        %get3A_423 = arith.index_cast %scan3A_405 : i32 to index
        %get3A_424 = arith.constant 16 : index
        %get3A_425 = tpu.vector_load %arg16[%get3A_423, %get3A_424] {strides = array<i32>} : memref<32x256xf32, #tpu.memory_space<vmem>>, vector<1x16xf32>,
        %get3A_426 = vector.shape_cast %get3A_425 : vector<1x16xf32> to vector<16xf32>
        %get3A_427 = arith.index_cast %scan3A_405 : i32 to index
        %get3A_428 = arith.constant 16 : index
        %get3A_429 = tpu.vector_load %arg17[%get3A_427, %get3A_428] {strides = array<i32>} : memref<32x256xf32, #tpu.memory_space<vmem>>, vector<1x16xf32>,
        %get3A_430 = vector.shape_cast %get3A_429 : vector<1x16xf32> to vector<16xf32>
        %add3A_431 = arith.addf %get3A_426, %get3A_430 : vector<16xf32>
        %get3A_432 = arith.index_cast %scan3A_405 : i32 to index
        %get3A_433 = arith.constant 16 : index
        %get3A_434 = tpu.vector_load %arg18[%get3A_432, %get3A_433] {strides = array<i32>} : memref<32x256xf32, #tpu.memory_space<vmem>>, vector<1x16xf32>,
        %get3A_435 = vector.shape_cast %get3A_434 : vector<1x16xf32> to vector<16xf32>
        %add3A_436 = arith.addf %add3A_431, %get3A_435 : vector<16xf32>
        %swap3A_437 = arith.index_cast %scan3A_405 : i32 to index
        %swap3A_438 = arith.constant 16 : index
        %swap3A_439 = tpu.vector_load %arg16[%swap3A_437, %swap3A_438] {strides = array<i32>} : memref<32x256xf32, #tpu.memory_space<vmem>>, vector<1x16xf32>,
        %swap3A_440 = vector.shape_cast %swap3A_439 : vector<1x16xf32> to vector<16xf32>
        %swap3A_441 = vector.shape_cast %add3A_436 : vector<16xf32> to vector<1x16xf32>
        tpu.vector_store %arg16[%swap3A_437, %swap3A_438], %swap3A_441 {strides = array<i32>} : memref<32x256xf32, #tpu.memory_space<vmem>>, vector<1x16xf32>,
        %get3A_442 = arith.index_cast %scan3A_405 : i32 to index
        %get3A_443 = arith.constant 32 : index
        %get3A_444 = tpu.vector_load %arg16[%get3A_442, %get3A_443] {strides = array<i32>} : memref<32x256xf32, #tpu.memory_space<vmem>>, vector<1x16xf32>,
        %get3A_445 = vector.shape_cast %get3A_444 : vector<1x16xf32> to vector<16xf32>
        %get3A_446 = arith.index_cast %scan3A_405 : i32 to index
        %get3A_447 = arith.constant 32 : index
        %get3A_448 = tpu.vector_load %arg17[%get3A_446, %get3A_447] {strides = array<i32>} : memref<32x256xf32, #tpu.memory_space<vmem>>, vector<1x16xf32>,
        %get3A_449 = vector.shape_cast %get3A_448 : vector<1x16xf32> to vector<16xf32>
        %add3A_450 = arith.addf %get3A_445, %get3A_449 : vector<16xf32>
        %get3A_451 = arith.index_cast %scan3A_405 : i32 to index
        %get3A_452 = arith.constant 32 : index
        %get3A_453 = tpu.vector_load %arg18[%get3A_451, %get3A_452] {strides = array<i32>} : memref<32x256xf32, #tpu.memory_space<vmem>>, vector<1x16xf32>,
        %get3A_454 = vector.shape_cast %get3A_453 : vector<1x16xf32> to vector<16xf32>
        %add3A_455 = arith.addf %add3A_450, %get3A_454 : vector<16xf32>
        %swap3A_456 = arith.index_cast %scan3A_405 : i32 to index
        %swap3A_457 = arith.constant 32 : index
        %swap3A_458 = tpu.vector_load %arg16[%swap3A_456, %swap3A_457] {strides = array<i32>} : memref<32x256xf32, #tpu.memory_space<vmem>>, vector<1x16xf32>,
        %swap3A_459 = vector.shape_cast %swap3A_458 : vector<1x16xf32> to vector<16xf32>
        %swap3A_460 = vector.shape_cast %add3A_455 : vector<16xf32> to vector<1x16xf32>
        tpu.vector_store %arg16[%swap3A_456, %swap3A_457], %swap3A_460 {strides = array<i32>} : memref<32x256xf32, #tpu.memory_space<vmem>>, vector<1x16xf32>,
        %get3A_461 = arith.index_cast %scan3A_405 : i32 to index
        %get3A_462 = arith.constant 48 : index
        %get3A_463 = tpu.vector_load %arg16[%get3A_461, %get3A_462] {strides = array<i32>} : memref<32x256xf32, #tpu.memory_space<vmem>>, vector<1x16xf32>,
        %get3A_464 = vector.shape_cast %get3A_463 : vector<1x16xf32> to vector<16xf32>
        %get3A_465 = arith.index_cast %scan3A_405 : i32 to index
        %get3A_466 = arith.constant 48 : index
        %get3A_467 = tpu.vector_load %arg17[%get3A_465, %get3A_466] {strides = array<i32>} : memref<32x256xf32, #tpu.memory_space<vmem>>, vector<1x16xf32>,
        %get3A_468 = vector.shape_cast %get3A_467 : vector<1x16xf32> to vector<16xf32>
        %add3A_469 = arith.addf %get3A_464, %get3A_468 : vector<16xf32>
        %get3A_470 = arith.index_cast %scan3A_405 : i32 to index
        %get3A_471 = arith.constant 48 : index
        %get3A_472 = tpu.vector_load %arg18[%get3A_470, %get3A_471] {strides = array<i32>} : memref<32x256xf32, #tpu.memory_space<vmem>>, vector<1x16xf32>,
        %get3A_473 = vector.shape_cast %get3A_472 : vector<1x16xf32> to vector<16xf32>
        %add3A_474 = arith.addf %add3A_469, %get3A_473 : vector<16xf32>
        %swap3A_475 = arith.index_cast %scan3A_405 : i32 to index
        %swap3A_476 = arith.constant 48 : index
        %swap3A_477 = tpu.vector_load %arg16[%swap3A_475, %swap3A_476] {strides = array<i32>} : memref<32x256xf32, #tpu.memory_space<vmem>>, vector<1x16xf32>,
        %swap3A_478 = vector.shape_cast %swap3A_477 : vector<1x16xf32> to vector<16xf32>
        %swap3A_479 = vector.shape_cast %add3A_474 : vector<16xf32> to vector<1x16xf32>
        tpu.vector_store %arg16[%swap3A_475, %swap3A_476], %swap3A_479 {strides = array<i32>} : memref<32x256xf32, #tpu.memory_space<vmem>>, vector<1x16xf32>,
        %get3A_480 = arith.index_cast %scan3A_405 : i32 to index
        %get3A_481 = arith.constant 64 : index
        %get3A_482 = tpu.vector_load %arg16[%get3A_480, %get3A_481] {strides = array<i32>} : memref<32x256xf32, #tpu.memory_space<vmem>>, vector<1x16xf32>,
        %get3A_483 = vector.shape_cast %get3A_482 : vector<1x16xf32> to vector<16xf32>
        %get3A_484 = arith.index_cast %scan3A_405 : i32 to index
        %get3A_485 = arith.constant 64 : index
        %get3A_486 = tpu.vector_load %arg17[%get3A_484, %get3A_485] {strides = array<i32>} : memref<32x256xf32, #tpu.memory_space<vmem>>, vector<1x16xf32>,
        %get3A_487 = vector.shape_cast %get3A_486 : vector<1x16xf32> to vector<16xf32>
        %add3A_488 = arith.addf %get3A_483, %get3A_487 : vector<16xf32>
        %get3A_489 = arith.index_cast %scan3A_405 : i32 to index
        %get3A_490 = arith.constant 64 : index
        %get3A_491 = tpu.vector_load %arg18[%get3A_489, %get3A_490] {strides = array<i32>} : memref<32x256xf32, #tpu.memory_space<vmem>>, vector<1x16xf32>,
        %get3A_492 = vector.shape_cast %get3A_491 : vector<1x16xf32> to vector<16xf32>
        %add3A_493 = arith.addf %add3A_488, %get3A_492 : vector<16xf32>
        %swap3A_494 = arith.index_cast %scan3A_405 : i32 to index
        %swap3A_495 = arith.constant 64 : index
        %swap3A_496 = tpu.vector_load %arg16[%swap3A_494, %swap3A_495] {strides = array<i32>} : memref<32x256xf32, #tpu.memory_space<vmem>>, vector<1x16xf32>,
        %swap3A_497 = vector.shape_cast %swap3A_496 : vector<1x16xf32> to vector<16xf32>
        %swap3A_498 = vector.shape_cast %add3A_493 : vector<16xf32> to vector<1x16xf32>
        tpu.vector_store %arg16[%swap3A_494, %swap3A_495], %swap3A_498 {strides = array<i32>} : memref<32x256xf32, #tpu.memory_space<vmem>>, vector<1x16xf32>,
        %get3A_499 = arith.index_cast %scan3A_405 : i32 to index
        %get3A_500 = arith.constant 80 : index
        %get3A_501 = tpu.vector_load %arg16[%get3A_499, %get3A_500] {strides = array<i32>} : memref<32x256xf32, #tpu.memory_space<vmem>>, vector<1x16xf32>,
        %get3A_502 = vector.shape_cast %get3A_501 : vector<1x16xf32> to vector<16xf32>
        %get3A_503 = arith.index_cast %scan3A_405 : i32 to index
        %get3A_504 = arith.constant 80 : index
        %get3A_505 = tpu.vector_load %arg17[%get3A_503, %get3A_504] {strides = array<i32>} : memref<32x256xf32, #tpu.memory_space<vmem>>, vector<1x16xf32>,
        %get3A_506 = vector.shape_cast %get3A_505 : vector<1x16xf32> to vector<16xf32>
        %add3A_507 = arith.addf %get3A_502, %get3A_506 : vector<16xf32>
        %get3A_508 = arith.index_cast %scan3A_405 : i32 to index
        %get3A_509 = arith.constant 80 : index
        %get3A_510 = tpu.vector_load %arg18[%get3A_508, %get3A_509] {strides = array<i32>} : memref<32x256xf32, #tpu.memory_space<vmem>>, vector<1x16xf32>,
        %get3A_511 = vector.shape_cast %get3A_510 : vector<1x16xf32> to vector<16xf32>
        %add3A_512 = arith.addf %add3A_507, %get3A_511 : vector<16xf32>
        %swap3A_513 = arith.index_cast %scan3A_405 : i32 to index
        %swap3A_514 = arith.constant 80 : index
        %swap3A_515 = tpu.vector_load %arg16[%swap3A_513, %swap3A_514] {strides = array<i32>} : memref<32x256xf32, #tpu.memory_space<vmem>>, vector<1x16xf32>,
        %swap3A_516 = vector.shape_cast %swap3A_515 : vector<1x16xf32> to vector<16xf32>
        %swap3A_517 = vector.shape_cast %add3A_512 : vector<16xf32> to vector<1x16xf32>
        tpu.vector_store %arg16[%swap3A_513, %swap3A_514], %swap3A_517 {strides = array<i32>} : memref<32x256xf32, #tpu.memory_space<vmem>>, vector<1x16xf32>,
        %get3A_518 = arith.index_cast %scan3A_405 : i32 to index
        %get3A_519 = arith.constant 96 : index
        %get3A_520 = tpu.vector_load %arg16[%get3A_518, %get3A_519] {strides = array<i32>} : memref<32x256xf32, #tpu.memory_space<vmem>>, vector<1x16xf32>,
        %get3A_521 = vector.shape_cast %get3A_520 : vector<1x16xf32> to vector<16xf32>
        %get3A_522 = arith.index_cast %scan3A_405 : i32 to index
        %get3A_523 = arith.constant 96 : index
        %get3A_524 = tpu.vector_load %arg17[%get3A_522, %get3A_523] {strides = array<i32>} : memref<32x256xf32, #tpu.memory_space<vmem>>, vector<1x16xf32>,
        %get3A_525 = vector.shape_cast %get3A_524 : vector<1x16xf32> to vector<16xf32>
        %add3A_526 = arith.addf %get3A_521, %get3A_525 : vector<16xf32>
        %get3A_527 = arith.index_cast %scan3A_405 : i32 to index
        %get3A_528 = arith.constant 96 : index
        %get3A_529 = tpu.vector_load %arg18[%get3A_527, %get3A_528] {strides = array<i32>} : memref<32x256xf32, #tpu.memory_space<vmem>>, vector<1x16xf32>,
        %get3A_530 = vector.shape_cast %get3A_529 : vector<1x16xf32> to vector<16xf32>
        %add3A_531 = arith.addf %add3A_526, %get3A_530 : vector<16xf32>
        %swap3A_532 = arith.index_cast %scan3A_405 : i32 to index
        %swap3A_533 = arith.constant 96 : index
        %swap3A_534 = tpu.vector_load %arg16[%swap3A_532, %swap3A_533] {strides = array<i32>} : memref<32x256xf32, #tpu.memory_space<vmem>>, vector<1x16xf32>,
        %swap3A_535 = vector.shape_cast %swap3A_534 : vector<1x16xf32> to vector<16xf32>
        %swap3A_536 = vector.shape_cast %add3A_531 : vector<16xf32> to vector<1x16xf32>
        tpu.vector_store %arg16[%swap3A_532, %swap3A_533], %swap3A_536 {strides = array<i32>} : memref<32x256xf32, #tpu.memory_space<vmem>>, vector<1x16xf32>,
        %get3A_537 = arith.index_cast %scan3A_405 : i32 to index
        %get3A_538 = arith.constant 112 : index
        %get3A_539 = tpu.vector_load %arg16[%get3A_537, %get3A_538] {strides = array<i32>} : memref<32x256xf32, #tpu.memory_space<vmem>>, vector<1x16xf32>,
        %get3A_540 = vector.shape_cast %get3A_539 : vector<1x16xf32> to vector<16xf32>
        %get3A_541 = arith.index_cast %scan3A_405 : i32 to index
        %get3A_542 = arith.constant 112 : index
        %get3A_543 = tpu.vector_load %arg17[%get3A_541, %get3A_542] {strides = array<i32>} : memref<32x256xf32, #tpu.memory_space<vmem>>, vector<1x16xf32>,
        %get3A_544 = vector.shape_cast %get3A_543 : vector<1x16xf32> to vector<16xf32>
        %add3A_545 = arith.addf %get3A_540, %get3A_544 : vector<16xf32>
        %get3A_546 = arith.index_cast %scan3A_405 : i32 to index
        %get3A_547 = arith.constant 112 : index
        %get3A_548 = tpu.vector_load %arg18[%get3A_546, %get3A_547] {strides = array<i32>} : memref<32x256xf32, #tpu.memory_space<vmem>>, vector<1x16xf32>,
        %get3A_549 = vector.shape_cast %get3A_548 : vector<1x16xf32> to vector<16xf32>
        %add3A_550 = arith.addf %add3A_545, %get3A_549 : vector<16xf32>
        %swap3A_551 = arith.index_cast %scan3A_405 : i32 to index
        %swap3A_552 = arith.constant 112 : index
        %swap3A_553 = tpu.vector_load %arg16[%swap3A_551, %swap3A_552] {strides = array<i32>} : memref<32x256xf32, #tpu.memory_space<vmem>>, vector<1x16xf32>,
        %swap3A_554 = vector.shape_cast %swap3A_553 : vector<1x16xf32> to vector<16xf32>
        %swap3A_555 = vector.shape_cast %add3A_550 : vector<16xf32> to vector<1x16xf32>
        tpu.vector_store %arg16[%swap3A_551, %swap3A_552], %swap3A_555 {strides = array<i32>} : memref<32x256xf32, #tpu.memory_space<vmem>>, vector<1x16xf32>,
        %get3A_556 = arith.index_cast %scan3A_405 : i32 to index
        %get3A_557 = arith.constant 128 : index
        %get3A_558 = tpu.vector_load %arg16[%get3A_556, %get3A_557] {strides = array<i32>} : memref<32x256xf32, #tpu.memory_space<vmem>>, vector<1x16xf32>,
        %get3A_559 = vector.shape_cast %get3A_558 : vector<1x16xf32> to vector<16xf32>
        %get3A_560 = arith.index_cast %scan3A_405 : i32 to index
        %get3A_561 = arith.constant 128 : index
        %get3A_562 = tpu.vector_load %arg17[%get3A_560, %get3A_561] {strides = array<i32>} : memref<32x256xf32, #tpu.memory_space<vmem>>, vector<1x16xf32>,
        %get3A_563 = vector.shape_cast %get3A_562 : vector<1x16xf32> to vector<16xf32>
        %add3A_564 = arith.addf %get3A_559, %get3A_563 : vector<16xf32>
        %get3A_565 = arith.index_cast %scan3A_405 : i32 to index
        %get3A_566 = arith.constant 128 : index
        %get3A_567 = tpu.vector_load %arg18[%get3A_565, %get3A_566] {strides = array<i32>} : memref<32x256xf32, #tpu.memory_space<vmem>>, vector<1x16xf32>,
        %get3A_568 = vector.shape_cast %get3A_567 : vector<1x16xf32> to vector<16xf32>
        %add3A_569 = arith.addf %add3A_564, %get3A_568 : vector<16xf32>
        %swap3A_570 = arith.index_cast %scan3A_405 : i32 to index
        %swap3A_571 = arith.constant 128 : index
        %swap3A_572 = tpu.vector_load %arg16[%swap3A_570, %swap3A_571] {strides = array<i32>} : memref<32x256xf32, #tpu.memory_space<vmem>>, vector<1x16xf32>,
        %swap3A_573 = vector.shape_cast %swap3A_572 : vector<1x16xf32> to vector<16xf32>
        %swap3A_574 = vector.shape_cast %add3A_569 : vector<16xf32> to vector<1x16xf32>
        tpu.vector_store %arg16[%swap3A_570, %swap3A_571], %swap3A_574 {strides = array<i32>} : memref<32x256xf32, #tpu.memory_space<vmem>>, vector<1x16xf32>,
        %get3A_575 = arith.index_cast %scan3A_405 : i32 to index
        %get3A_576 = arith.constant 144 : index
        %get3A_577 = tpu.vector_load %arg16[%get3A_575, %get3A_576] {strides = array<i32>} : memref<32x256xf32, #tpu.memory_space<vmem>>, vector<1x16xf32>,
        %get3A_578 = vector.shape_cast %get3A_577 : vector<1x16xf32> to vector<16xf32>
        %get3A_579 = arith.index_cast %scan3A_405 : i32 to index
        %get3A_580 = arith.constant 144 : index
        %get3A_581 = tpu.vector_load %arg17[%get3A_579, %get3A_580] {strides = array<i32>} : memref<32x256xf32, #tpu.memory_space<vmem>>, vector<1x16xf32>,
        %get3A_582 = vector.shape_cast %get3A_581 : vector<1x16xf32> to vector<16xf32>
        %add3A_583 = arith.addf %get3A_578, %get3A_582 : vector<16xf32>
        %get3A_584 = arith.index_cast %scan3A_405 : i32 to index
        %get3A_585 = arith.constant 144 : index
        %get3A_586 = tpu.vector_load %arg18[%get3A_584, %get3A_585] {strides = array<i32>} : memref<32x256xf32, #tpu.memory_space<vmem>>, vector<1x16xf32>,
        %get3A_587 = vector.shape_cast %get3A_586 : vector<1x16xf32> to vector<16xf32>
        %add3A_588 = arith.addf %add3A_583, %get3A_587 : vector<16xf32>
        %swap3A_589 = arith.index_cast %scan3A_405 : i32 to index
        %swap3A_590 = arith.constant 144 : index
        %swap3A_591 = tpu.vector_load %arg16[%swap3A_589, %swap3A_590] {strides = array<i32>} : memref<32x256xf32, #tpu.memory_space<vmem>>, vector<1x16xf32>,
        %swap3A_592 = vector.shape_cast %swap3A_591 : vector<1x16xf32> to vector<16xf32>
        %swap3A_593 = vector.shape_cast %add3A_588 : vector<16xf32> to vector<1x16xf32>
        tpu.vector_store %arg16[%swap3A_589, %swap3A_590], %swap3A_593 {strides = array<i32>} : memref<32x256xf32, #tpu.memory_space<vmem>>, vector<1x16xf32>,
        %get3A_594 = arith.index_cast %scan3A_405 : i32 to index
        %get3A_595 = arith.constant 160 : index
        %get3A_596 = tpu.vector_load %arg16[%get3A_594, %get3A_595] {strides = array<i32>} : memref<32x256xf32, #tpu.memory_space<vmem>>, vector<1x16xf32>,
        %get3A_597 = vector.shape_cast %get3A_596 : vector<1x16xf32> to vector<16xf32>
        %get3A_598 = arith.index_cast %scan3A_405 : i32 to index
        %get3A_599 = arith.constant 160 : index
        %get3A_600 = tpu.vector_load %arg17[%get3A_598, %get3A_599] {strides = array<i32>} : memref<32x256xf32, #tpu.memory_space<vmem>>, vector<1x16xf32>,
        %get3A_601 = vector.shape_cast %get3A_600 : vector<1x16xf32> to vector<16xf32>
        %add3A_602 = arith.addf %get3A_597, %get3A_601 : vector<16xf32>
        %get3A_603 = arith.index_cast %scan3A_405 : i32 to index
        %get3A_604 = arith.constant 160 : index
        %get3A_605 = tpu.vector_load %arg18[%get3A_603, %get3A_604] {strides = array<i32>} : memref<32x256xf32, #tpu.memory_space<vmem>>, vector<1x16xf32>,
        %get3A_606 = vector.shape_cast %get3A_605 : vector<1x16xf32> to vector<16xf32>
        %add3A_607 = arith.addf %add3A_602, %get3A_606 : vector<16xf32>
        %swap3A_608 = arith.index_cast %scan3A_405 : i32 to index
        %swap3A_609 = arith.constant 160 : index
        %swap3A_610 = tpu.vector_load %arg16[%swap3A_608, %swap3A_609] {strides = array<i32>} : memref<32x256xf32, #tpu.memory_space<vmem>>, vector<1x16xf32>,
        %swap3A_611 = vector.shape_cast %swap3A_610 : vector<1x16xf32> to vector<16xf32>
        %swap3A_612 = vector.shape_cast %add3A_607 : vector<16xf32> to vector<1x16xf32>
        tpu.vector_store %arg16[%swap3A_608, %swap3A_609], %swap3A_612 {strides = array<i32>} : memref<32x256xf32, #tpu.memory_space<vmem>>, vector<1x16xf32>,
        %get3A_613 = arith.index_cast %scan3A_405 : i32 to index
        %get3A_614 = arith.constant 176 : index
        %get3A_615 = tpu.vector_load %arg16[%get3A_613, %get3A_614] {strides = array<i32>} : memref<32x256xf32, #tpu.memory_space<vmem>>, vector<1x16xf32>,
        %get3A_616 = vector.shape_cast %get3A_615 : vector<1x16xf32> to vector<16xf32>
        %get3A_617 = arith.index_cast %scan3A_405 : i32 to index
        %get3A_618 = arith.constant 176 : index
        %get3A_619 = tpu.vector_load %arg17[%get3A_617, %get3A_618] {strides = array<i32>} : memref<32x256xf32, #tpu.memory_space<vmem>>, vector<1x16xf32>,
        %get3A_620 = vector.shape_cast %get3A_619 : vector<1x16xf32> to vector<16xf32>
        %add3A_621 = arith.addf %get3A_616, %get3A_620 : vector<16xf32>
        %get3A_622 = arith.index_cast %scan3A_405 : i32 to index
        %get3A_623 = arith.constant 176 : index
        %get3A_624 = tpu.vector_load %arg18[%get3A_622, %get3A_623] {strides = array<i32>} : memref<32x256xf32, #tpu.memory_space<vmem>>, vector<1x16xf32>,
        %get3A_625 = vector.shape_cast %get3A_624 : vector<1x16xf32> to vector<16xf32>
        %add3A_626 = arith.addf %add3A_621, %get3A_625 : vector<16xf32>
        %swap3A_627 = arith.index_cast %scan3A_405 : i32 to index
        %swap3A_628 = arith.constant 176 : index
        %swap3A_629 = tpu.vector_load %arg16[%swap3A_627, %swap3A_628] {strides = array<i32>} : memref<32x256xf32, #tpu.memory_space<vmem>>, vector<1x16xf32>,
        %swap3A_630 = vector.shape_cast %swap3A_629 : vector<1x16xf32> to vector<16xf32>
        %swap3A_631 = vector.shape_cast %add3A_626 : vector<16xf32> to vector<1x16xf32>
        tpu.vector_store %arg16[%swap3A_627, %swap3A_628], %swap3A_631 {strides = array<i32>} : memref<32x256xf32, #tpu.memory_space<vmem>>, vector<1x16xf32>,
        %get3A_632 = arith.index_cast %scan3A_405 : i32 to index
        %get3A_633 = arith.constant 192 : index
        %get3A_634 = tpu.vector_load %arg16[%get3A_632, %get3A_633] {strides = array<i32>} : memref<32x256xf32, #tpu.memory_space<vmem>>, vector<1x16xf32>,
        %get3A_635 = vector.shape_cast %get3A_634 : vector<1x16xf32> to vector<16xf32>
        %get3A_636 = arith.index_cast %scan3A_405 : i32 to index
        %get3A_637 = arith.constant 192 : index
        %get3A_638 = tpu.vector_load %arg17[%get3A_636, %get3A_637] {strides = array<i32>} : memref<32x256xf32, #tpu.memory_space<vmem>>, vector<1x16xf32>,
        %get3A_639 = vector.shape_cast %get3A_638 : vector<1x16xf32> to vector<16xf32>
        %add3A_640 = arith.addf %get3A_635, %get3A_639 : vector<16xf32>
        %get3A_641 = arith.index_cast %scan3A_405 : i32 to index
        %get3A_642 = arith.constant 192 : index
        %get3A_643 = tpu.vector_load %arg18[%get3A_641, %get3A_642] {strides = array<i32>} : memref<32x256xf32, #tpu.memory_space<vmem>>, vector<1x16xf32>,
        %get3A_644 = vector.shape_cast %get3A_643 : vector<1x16xf32> to vector<16xf32>
        %add3A_645 = arith.addf %add3A_640, %get3A_644 : vector<16xf32>
        %swap3A_646 = arith.index_cast %scan3A_405 : i32 to index
        %swap3A_647 = arith.constant 192 : index
        %swap3A_648 = tpu.vector_load %arg16[%swap3A_646, %swap3A_647] {strides = array<i32>} : memref<32x256xf32, #tpu.memory_space<vmem>>, vector<1x16xf32>,
        %swap3A_649 = vector.shape_cast %swap3A_648 : vector<1x16xf32> to vector<16xf32>
        %swap3A_650 = vector.shape_cast %add3A_645 : vector<16xf32> to vector<1x16xf32>
        tpu.vector_store %arg16[%swap3A_646, %swap3A_647], %swap3A_650 {strides = array<i32>} : memref<32x256xf32, #tpu.memory_space<vmem>>, vector<1x16xf32>,
        %get3A_651 = arith.index_cast %scan3A_405 : i32 to index
        %get3A_652 = arith.constant 208 : index
        %get3A_653 = tpu.vector_load %arg16[%get3A_651, %get3A_652] {strides = array<i32>} : memref<32x256xf32, #tpu.memory_space<vmem>>, vector<1x16xf32>,
        %get3A_654 = vector.shape_cast %get3A_653 : vector<1x16xf32> to vector<16xf32>
        %get3A_655 = arith.index_cast %scan3A_405 : i32 to index
        %get3A_656 = arith.constant 208 : index
        %get3A_657 = tpu.vector_load %arg17[%get3A_655, %get3A_656] {strides = array<i32>} : memref<32x256xf32, #tpu.memory_space<vmem>>, vector<1x16xf32>,
        %get3A_658 = vector.shape_cast %get3A_657 : vector<1x16xf32> to vector<16xf32>
        %add3A_659 = arith.addf %get3A_654, %get3A_658 : vector<16xf32>
        %get3A_660 = arith.index_cast %scan3A_405 : i32 to index
        %get3A_661 = arith.constant 208 : index
        %get3A_662 = tpu.vector_load %arg18[%get3A_660, %get3A_661] {strides = array<i32>} : memref<32x256xf32, #tpu.memory_space<vmem>>, vector<1x16xf32>,
        %get3A_663 = vector.shape_cast %get3A_662 : vector<1x16xf32> to vector<16xf32>
        %add3A_664 = arith.addf %add3A_659, %get3A_663 : vector<16xf32>
        %swap3A_665 = arith.index_cast %scan3A_405 : i32 to index
        %swap3A_666 = arith.constant 208 : index
        %swap3A_667 = tpu.vector_load %arg16[%swap3A_665, %swap3A_666] {strides = array<i32>} : memref<32x256xf32, #tpu.memory_space<vmem>>, vector<1x16xf32>,
        %swap3A_668 = vector.shape_cast %swap3A_667 : vector<1x16xf32> to vector<16xf32>
        %swap3A_669 = vector.shape_cast %add3A_664 : vector<16xf32> to vector<1x16xf32>
        tpu.vector_store %arg16[%swap3A_665, %swap3A_666], %swap3A_669 {strides = array<i32>} : memref<32x256xf32, #tpu.memory_space<vmem>>, vector<1x16xf32>,
        %get3A_670 = arith.index_cast %scan3A_405 : i32 to index
        %get3A_671 = arith.constant 224 : index
        %get3A_672 = tpu.vector_load %arg16[%get3A_670, %get3A_671] {strides = array<i32>} : memref<32x256xf32, #tpu.memory_space<vmem>>, vector<1x16xf32>,
        %get3A_673 = vector.shape_cast %get3A_672 : vector<1x16xf32> to vector<16xf32>
        %get3A_674 = arith.index_cast %scan3A_405 : i32 to index
        %get3A_675 = arith.constant 224 : index
        %get3A_676 = tpu.vector_load %arg17[%get3A_674, %get3A_675] {strides = array<i32>} : memref<32x256xf32, #tpu.memory_space<vmem>>, vector<1x16xf32>,
        %get3A_677 = vector.shape_cast %get3A_676 : vector<1x16xf32> to vector<16xf32>
        %add3A_678 = arith.addf %get3A_673, %get3A_677 : vector<16xf32>
        %get3A_679 = arith.index_cast %scan3A_405 : i32 to index
        %get3A_680 = arith.constant 224 : index
        %get3A_681 = tpu.vector_load %arg18[%get3A_679, %get3A_680] {strides = array<i32>} : memref<32x256xf32, #tpu.memory_space<vmem>>, vector<1x16xf32>,
        %get3A_682 = vector.shape_cast %get3A_681 : vector<1x16xf32> to vector<16xf32>
        %add3A_683 = arith.addf %add3A_678, %get3A_682 : vector<16xf32>
        %swap3A_684 = arith.index_cast %scan3A_405 : i32 to index
        %swap3A_685 = arith.constant 224 : index
        %swap3A_686 = tpu.vector_load %arg16[%swap3A_684, %swap3A_685] {strides = array<i32>} : memref<32x256xf32, #tpu.memory_space<vmem>>, vector<1x16xf32>,
        %swap3A_687 = vector.shape_cast %swap3A_686 : vector<1x16xf32> to vector<16xf32>
        %swap3A_688 = vector.shape_cast %add3A_683 : vector<16xf32> to vector<1x16xf32>
        tpu.vector_store %arg16[%swap3A_684, %swap3A_685], %swap3A_688 {strides = array<i32>} : memref<32x256xf32, #tpu.memory_space<vmem>>, vector<1x16xf32>,
        %get3A_689 = arith.index_cast %scan3A_405 : i32 to index
        %get3A_690 = arith.constant 240 : index
        %get3A_691 = tpu.vector_load %arg16[%get3A_689, %get3A_690] {strides = array<i32>} : memref<32x256xf32, #tpu.memory_space<vmem>>, vector<1x16xf32>,
        %get3A_692 = vector.shape_cast %get3A_691 : vector<1x16xf32> to vector<16xf32>
        %get3A_693 = arith.index_cast %scan3A_405 : i32 to index
        %get3A_694 = arith.constant 240 : index
        %get3A_695 = tpu.vector_load %arg17[%get3A_693, %get3A_694] {strides = array<i32>} : memref<32x256xf32, #tpu.memory_space<vmem>>, vector<1x16xf32>,
        %get3A_696 = vector.shape_cast %get3A_695 : vector<1x16xf32> to vector<16xf32>
        %add3A_697 = arith.addf %get3A_692, %get3A_696 : vector<16xf32>
        %get3A_698 = arith.index_cast %scan3A_405 : i32 to index
        %get3A_699 = arith.constant 240 : index
        %get3A_700 = tpu.vector_load %arg18[%get3A_698, %get3A_699] {strides = array<i32>} : memref<32x256xf32, #tpu.memory_space<vmem>>, vector<1x16xf32>,
        %get3A_701 = vector.shape_cast %get3A_700 : vector<1x16xf32> to vector<16xf32>
        %add3A_702 = arith.addf %add3A_697, %get3A_701 : vector<16xf32>
        %swap3A_703 = arith.index_cast %scan3A_405 : i32 to index
        %swap3A_704 = arith.constant 240 : index
        %swap3A_705 = tpu.vector_load %arg16[%swap3A_703, %swap3A_704] {strides = array<i32>} : memref<32x256xf32, #tpu.memory_space<vmem>>, vector<1x16xf32>,
        %swap3A_706 = vector.shape_cast %swap3A_705 : vector<1x16xf32> to vector<16xf32>
        %swap3A_707 = vector.shape_cast %add3A_702 : vector<16xf32> to vector<1x16xf32>
        tpu.vector_store %arg16[%swap3A_703, %swap3A_704], %swap3A_707 {strides = array<i32>} : memref<32x256xf32, #tpu.memory_space<vmem>>, vector<1x16xf32>,
      }
      %scan3A_285 = arith.constant 32 : i32
      %dma_start3A_286 = arith.constant 0 : i32
      %dma_start3A_287 = tpu.memref_slice %arg11[%add3A_252, %dma_start3A_286] : memref<32x32xi32, #tpu.memory_space<vmem>> -> memref<1x32xi32, #tpu.memory_space<vmem>>
      %dma_start3A_288 = tpu.memref_squeeze %dma_start3A_287 : memref<1x32xi32, #tpu.memory_space<vmem>> -> memref<32xi32, #tpu.memory_space<vmem>>
      %dma_start3A_289 = arith.constant 0 : i32
      %dma_start3A_290 = arith.constant 0 : i32
      %dma_start3A_291 = tpu.memref_slice %arg8[%dma_start3A_289, %dma_start3A_290] : memref<32784x256xf32, #tpu.memory_space<hbm>> -> memref<32784x256xf32, #tpu.memory_space<hbm>>
      tpu.enqueue_indirect_dma source(%arg16 : memref<32x256xf32, #tpu.memory_space<vmem>>) target(%dma_start3A_291 : memref<32784x256xf32, #tpu.memory_space<hbm>>) offsets(%dma_start3A_288 : memref<32xi32, #tpu.memory_space<vmem>>) semaphore(%arg32 : memref<!tpu.dma_semaphore, #tpu.memory_space<semaphore_mem>>)
      %add3A_292 = arith.constant 4 : i32
      %add3A_293 = arith.addi %add3A_252, %add3A_292 : i32
      %sub3A_294 = arith.constant 1 : i32
      %sub3A_295 = arith.subi %add3A_293, %sub3A_294 : i32
      %lt3A_296 = arith.constant 7 : i32
      %lt3A_297 = arith.cmpi slt, %scan3A_197, %lt3A_296 : i32
      %convert_element_type3A_298 = arith.extui %lt3A_297 : i1 to i32
      %cond3A_299 = arith.constant 0 : i32
      %cond3A_300 = arith.cmpi ne, %convert_element_type3A_298, %cond3A_299 : i32
      scf.if %cond3A_300 {
        %sub3A_405 = arith.constant 1 : i32
        %sub3A_406 = arith.subi %add3A_252, %sub3A_405 : i32
        %dma_wait3A_407 = arith.constant 0 : i32
        %dma_wait3A_408 = tpu.memref_slice %arg11[%sub3A_406, %dma_wait3A_407] : memref<32x32xi32, #tpu.memory_space<vmem>> -> memref<1x32xi32, #tpu.memory_space<vmem>>
        %dma_wait3A_409 = tpu.memref_squeeze %dma_wait3A_408 : memref<1x32xi32, #tpu.memory_space<vmem>> -> memref<32xi32, #tpu.memory_space<vmem>>
        %dma_wait3A_410 = arith.constant 0 : i32
        %dma_wait3A_411 = arith.constant 0 : i32
        %dma_wait3A_412 = tpu.memref_slice %arg8[%dma_wait3A_410, %dma_wait3A_411] : memref<32784x256xf32, #tpu.memory_space<hbm>> -> memref<32784x256xf32, #tpu.memory_space<hbm>>
        tpu.wait_indirect_dma semaphore(%arg28 : memref<!tpu.dma_semaphore, #tpu.memory_space<semaphore_mem>>) src(%arg13 : memref<32x256xf32, #tpu.memory_space<vmem>>) dst(%dma_wait3A_412 : memref<32784x256xf32, #tpu.memory_space<hbm>>)
        %mul3A_413 = arith.constant 32 : i32
        %mul3A_414 = arith.muli %sub3A_295, %mul3A_413 : i32
        %add3A_415 = arith.addi %mul3A_34, %mul3A_414 : i32
        %dma_start3A_416 = arith.constant 0 : i32
        %dma_start3A_417 = arith.constant 0 : i32
        %dma_start3A_418 = tpu.memref_slice %arg2[%select_n3A, %dma_start3A_416, %dma_start3A_417] : memref<16x2048x256xf32, #tpu.memory_space<hbm>> -> memref<1x2048x256xf32, #tpu.memory_space<hbm>>
        %dma_start3A_419 = tpu.memref_squeeze %dma_start3A_418 : memref<1x2048x256xf32, #tpu.memory_space<hbm>> -> memref<2048x256xf32, #tpu.memory_space<hbm>>
        %dma_start3A_420 = arith.constant 0 : i32
        %dma_start3A_421 = tpu.memref_slice %dma_start3A_419[%add3A_415, %dma_start3A_420] : memref<2048x256xf32, #tpu.memory_space<hbm>> -> memref<32x256xf32, #tpu.memory_space<hbm>>
        %dma_start3A_422 = arith.constant 0 : i32
        %dma_start3A_423 = arith.constant 0 : i32
        %dma_start3A_424 = tpu.memref_slice %arg2[%select_n3A, %dma_start3A_422, %dma_start3A_423] : memref<16x2048x256xf32, #tpu.memory_space<hbm>> -> memref<1x2048x256xf32, #tpu.memory_space<hbm>>
        %dma_start3A_425 = tpu.memref_squeeze %dma_start3A_424 : memref<1x2048x256xf32, #tpu.memory_space<hbm>> -> memref<2048x256xf32, #tpu.memory_space<hbm>>
        %dma_start3A_426 = arith.constant 0 : i32
        %dma_start3A_427 = tpu.memref_slice %dma_start3A_425[%add3A_415, %dma_start3A_426] : memref<2048x256xf32, #tpu.memory_space<hbm>> -> memref<32x256xf32, #tpu.memory_space<hbm>>
        tpu.enqueue_dma source(%dma_start3A_427 : memref<32x256xf32, #tpu.memory_space<hbm>>) target(%arg13 : memref<32x256xf32, #tpu.memory_space<vmem>>) target_semaphore(%arg25 : memref<!tpu.dma_semaphore, #tpu.memory_space<semaphore_mem>>)
        %mul3A_428 = arith.constant 32 : i32
        %mul3A_429 = arith.muli %sub3A_295, %mul3A_428 : i32
        %dma_start3A_430 = tpu.memref_slice %arg9[%mul3A_429] : memref<1024xi32, #tpu.memory_space<vmem>> -> memref<32xi32, #tpu.memory_space<vmem>>
        %dma_start3A_431 = arith.constant 0 : i32
        %dma_start3A_432 = arith.constant 0 : i32
        %dma_start3A_433 = tpu.memref_slice %arg5[%dma_start3A_431, %dma_start3A_432] : memref<2052x256xf32, #tpu.memory_space<hbm>> -> memref<2052x256xf32, #tpu.memory_space<hbm>>
        tpu.enqueue_indirect_dma source(%dma_start3A_433 : memref<2052x256xf32, #tpu.memory_space<hbm>>) target(%arg14 : memref<32x256xf32, #tpu.memory_space<vmem>>) offsets(%dma_start3A_430 : memref<32xi32, #tpu.memory_space<vmem>>) semaphore(%arg26 : memref<!tpu.dma_semaphore, #tpu.memory_space<semaphore_mem>>)
        %mul3A_434 = arith.constant 32 : i32
        %mul3A_435 = arith.muli %sub3A_295, %mul3A_434 : i32
        %dma_start3A_436 = tpu.memref_slice %arg10[%mul3A_435] : memref<1024xi32, #tpu.memory_space<vmem>> -> memref<32xi32, #tpu.memory_space<vmem>>
        %dma_start3A_437 = arith.constant 0 : i32
        %dma_start3A_438 = arith.constant 0 : i32
        %dma_start3A_439 = tpu.memref_slice %arg6[%dma_start3A_437, %dma_start3A_438] : memref<2052x256xf32, #tpu.memory_space<hbm>> -> memref<2052x256xf32, #tpu.memory_space<hbm>>
        tpu.enqueue_indirect_dma source(%dma_start3A_439 : memref<2052x256xf32, #tpu.memory_space<hbm>>) target(%arg15 : memref<32x256xf32, #tpu.memory_space<vmem>>) offsets(%dma_start3A_436 : memref<32xi32, #tpu.memory_space<vmem>>) semaphore(%arg27 : memref<!tpu.dma_semaphore, #tpu.memory_space<semaphore_mem>>)
      } else {
      }
      %mul3A_301 = arith.constant 4 : i32
      %mul3A_302 = arith.muli %scan3A_197, %mul3A_301 : i32
      %add3A_303 = arith.constant 2 : i32
      %add3A_304 = arith.addi %mul3A_302, %add3A_303 : i32
      %mul3A_305 = arith.constant 32 : i32
      %mul3A_306 = arith.muli %add3A_304, %mul3A_305 : i32
      %add3A_307 = arith.addi %mul3A_34, %mul3A_306 : i32
      %dma_wait3A_308 = arith.constant 0 : i32
      %dma_wait3A_309 = arith.constant 0 : i32
      %dma_wait3A_310 = tpu.memref_slice %arg2[%select_n3A, %dma_wait3A_308, %dma_wait3A_309] : memref<16x2048x256xf32, #tpu.memory_space<hbm>> -> memref<1x2048x256xf32, #tpu.memory_space<hbm>>
      %dma_wait3A_311 = tpu.memref_squeeze %dma_wait3A_310 : memref<1x2048x256xf32, #tpu.memory_space<hbm>> -> memref<2048x256xf32, #tpu.memory_space<hbm>>
      %dma_wait3A_312 = arith.constant 0 : i32
      %dma_wait3A_313 = tpu.memref_slice %dma_wait3A_311[%add3A_307, %dma_wait3A_312] : memref<2048x256xf32, #tpu.memory_space<hbm>> -> memref<32x256xf32, #tpu.memory_space<hbm>>
      %dma_wait3A_314 = arith.constant 0 : i32
      %dma_wait3A_315 = arith.constant 0 : i32
      %dma_wait3A_316 = tpu.memref_slice %arg2[%select_n3A, %dma_wait3A_314, %dma_wait3A_315] : memref<16x2048x256xf32, #tpu.memory_space<hbm>> -> memref<1x2048x256xf32, #tpu.memory_space<hbm>>
      %dma_wait3A_317 = tpu.memref_squeeze %dma_wait3A_316 : memref<1x2048x256xf32, #tpu.memory_space<hbm>> -> memref<2048x256xf32, #tpu.memory_space<hbm>>
      %dma_wait3A_318 = arith.constant 0 : i32
      %dma_wait3A_319 = tpu.memref_slice %dma_wait3A_317[%add3A_307, %dma_wait3A_318] : memref<2048x256xf32, #tpu.memory_space<hbm>> -> memref<32x256xf32, #tpu.memory_space<hbm>>
      tpu.wait_dma2 semaphore(%arg33 : memref<!tpu.dma_semaphore, #tpu.memory_space<semaphore_mem>>) src(%dma_wait3A_319 : memref<32x256xf32, #tpu.memory_space<hbm>>) dst(%arg19 : memref<32x256xf32, #tpu.memory_space<vmem>>)
      %mul3A_320 = arith.constant 32 : i32
      %mul3A_321 = arith.muli %add3A_304, %mul3A_320 : i32
      %dma_wait3A_322 = tpu.memref_slice %arg9[%mul3A_321] : memref<1024xi32, #tpu.memory_space<vmem>> -> memref<32xi32, #tpu.memory_space<vmem>>
      %dma_wait3A_323 = arith.constant 0 : i32
      %dma_wait3A_324 = arith.constant 0 : i32
      %dma_wait3A_325 = tpu.memref_slice %arg5[%dma_wait3A_323, %dma_wait3A_324] : memref<2052x256xf32, #tpu.memory_space<hbm>> -> memref<2052x256xf32, #tpu.memory_space<hbm>>
      tpu.wait_indirect_dma semaphore(%arg34 : memref<!tpu.dma_semaphore, #tpu.memory_space<semaphore_mem>>) src(%dma_wait3A_325 : memref<2052x256xf32, #tpu.memory_space<hbm>>) dst(%arg20 : memref<32x256xf32, #tpu.memory_space<vmem>>)
      %mul3A_326 = arith.constant 32 : i32
      %mul3A_327 = arith.muli %add3A_304, %mul3A_326 : i32
      %dma_wait3A_328 = tpu.memref_slice %arg10[%mul3A_327] : memref<1024xi32, #tpu.memory_space<vmem>> -> memref<32xi32, #tpu.memory_space<vmem>>
      %dma_wait3A_329 = arith.constant 0 : i32
      %dma_wait3A_330 = arith.constant 0 : i32
      %dma_wait3A_331 = tpu.memref_slice %arg6[%dma_wait3A_329, %dma_wait3A_330] : memref<2052x256xf32, #tpu.memory_space<hbm>> -> memref<2052x256xf32, #tpu.memory_space<hbm>>
      tpu.wait_indirect_dma semaphore(%arg35 : memref<!tpu.dma_semaphore, #tpu.memory_space<semaphore_mem>>) src(%dma_wait3A_331 : memref<2052x256xf32, #tpu.memory_space<hbm>>) dst(%arg21 : memref<32x256xf32, #tpu.memory_space<vmem>>)
      %scan3A_332 = arith.constant 0 : i32
      %scan3A_333 = arith.constant 0 : i32
      %scan3A_334 = arith.constant 32 : i32
      %scan3A_335 = arith.addi %scan3A_333, %scan3A_334 : i32
      %scan3A_336 = arith.constant 1 : i32
      scf.for %scan3A_405 = %scan3A_333 to %scan3A_335 step %scan3A_336  : i32 {
        %get3A = arith.index_cast %scan3A_405 : i32 to index
        %get3A_406 = arith.constant 0 : index
        %get3A_407 = tpu.vector_load %arg19[%get3A, %get3A_406] {strides = array<i32>} : memref<32x256xf32, #tpu.memory_space<vmem>>, vector<1x16xf32>,
        %get3A_408 = vector.shape_cast %get3A_407 : vector<1x16xf32> to vector<16xf32>
        %get3A_409 = arith.index_cast %scan3A_405 : i32 to index
        %get3A_410 = arith.constant 0 : index
        %get3A_411 = tpu.vector_load %arg20[%get3A_409, %get3A_410] {strides = array<i32>} : memref<32x256xf32, #tpu.memory_space<vmem>>, vector<1x16xf32>,
        %get3A_412 = vector.shape_cast %get3A_411 : vector<1x16xf32> to vector<16xf32>
        %add3A_413 = arith.addf %get3A_408, %get3A_412 : vector<16xf32>
        %get3A_414 = arith.index_cast %scan3A_405 : i32 to index
        %get3A_415 = arith.constant 0 : index
        %get3A_416 = tpu.vector_load %arg21[%get3A_414, %get3A_415] {strides = array<i32>} : memref<32x256xf32, #tpu.memory_space<vmem>>, vector<1x16xf32>,
        %get3A_417 = vector.shape_cast %get3A_416 : vector<1x16xf32> to vector<16xf32>
        %add3A_418 = arith.addf %add3A_413, %get3A_417 : vector<16xf32>
        %swap3A = arith.index_cast %scan3A_405 : i32 to index
        %swap3A_419 = arith.constant 0 : index
        %swap3A_420 = tpu.vector_load %arg19[%swap3A, %swap3A_419] {strides = array<i32>} : memref<32x256xf32, #tpu.memory_space<vmem>>, vector<1x16xf32>,
        %swap3A_421 = vector.shape_cast %swap3A_420 : vector<1x16xf32> to vector<16xf32>
        %swap3A_422 = vector.shape_cast %add3A_418 : vector<16xf32> to vector<1x16xf32>
        tpu.vector_store %arg19[%swap3A, %swap3A_419], %swap3A_422 {strides = array<i32>} : memref<32x256xf32, #tpu.memory_space<vmem>>, vector<1x16xf32>,
        %get3A_423 = arith.index_cast %scan3A_405 : i32 to index
        %get3A_424 = arith.constant 16 : index
        %get3A_425 = tpu.vector_load %arg19[%get3A_423, %get3A_424] {strides = array<i32>} : memref<32x256xf32, #tpu.memory_space<vmem>>, vector<1x16xf32>,
        %get3A_426 = vector.shape_cast %get3A_425 : vector<1x16xf32> to vector<16xf32>
        %get3A_427 = arith.index_cast %scan3A_405 : i32 to index
        %get3A_428 = arith.constant 16 : index
        %get3A_429 = tpu.vector_load %arg20[%get3A_427, %get3A_428] {strides = array<i32>} : memref<32x256xf32, #tpu.memory_space<vmem>>, vector<1x16xf32>,
        %get3A_430 = vector.shape_cast %get3A_429 : vector<1x16xf32> to vector<16xf32>
        %add3A_431 = arith.addf %get3A_426, %get3A_430 : vector<16xf32>
        %get3A_432 = arith.index_cast %scan3A_405 : i32 to index
        %get3A_433 = arith.constant 16 : index
        %get3A_434 = tpu.vector_load %arg21[%get3A_432, %get3A_433] {strides = array<i32>} : memref<32x256xf32, #tpu.memory_space<vmem>>, vector<1x16xf32>,
        %get3A_435 = vector.shape_cast %get3A_434 : vector<1x16xf32> to vector<16xf32>
        %add3A_436 = arith.addf %add3A_431, %get3A_435 : vector<16xf32>
        %swap3A_437 = arith.index_cast %scan3A_405 : i32 to index
        %swap3A_438 = arith.constant 16 : index
        %swap3A_439 = tpu.vector_load %arg19[%swap3A_437, %swap3A_438] {strides = array<i32>} : memref<32x256xf32, #tpu.memory_space<vmem>>, vector<1x16xf32>,
        %swap3A_440 = vector.shape_cast %swap3A_439 : vector<1x16xf32> to vector<16xf32>
        %swap3A_441 = vector.shape_cast %add3A_436 : vector<16xf32> to vector<1x16xf32>
        tpu.vector_store %arg19[%swap3A_437, %swap3A_438], %swap3A_441 {strides = array<i32>} : memref<32x256xf32, #tpu.memory_space<vmem>>, vector<1x16xf32>,
        %get3A_442 = arith.index_cast %scan3A_405 : i32 to index
        %get3A_443 = arith.constant 32 : index
        %get3A_444 = tpu.vector_load %arg19[%get3A_442, %get3A_443] {strides = array<i32>} : memref<32x256xf32, #tpu.memory_space<vmem>>, vector<1x16xf32>,
        %get3A_445 = vector.shape_cast %get3A_444 : vector<1x16xf32> to vector<16xf32>
        %get3A_446 = arith.index_cast %scan3A_405 : i32 to index
        %get3A_447 = arith.constant 32 : index
        %get3A_448 = tpu.vector_load %arg20[%get3A_446, %get3A_447] {strides = array<i32>} : memref<32x256xf32, #tpu.memory_space<vmem>>, vector<1x16xf32>,
        %get3A_449 = vector.shape_cast %get3A_448 : vector<1x16xf32> to vector<16xf32>
        %add3A_450 = arith.addf %get3A_445, %get3A_449 : vector<16xf32>
        %get3A_451 = arith.index_cast %scan3A_405 : i32 to index
        %get3A_452 = arith.constant 32 : index
        %get3A_453 = tpu.vector_load %arg21[%get3A_451, %get3A_452] {strides = array<i32>} : memref<32x256xf32, #tpu.memory_space<vmem>>, vector<1x16xf32>,
        %get3A_454 = vector.shape_cast %get3A_453 : vector<1x16xf32> to vector<16xf32>
        %add3A_455 = arith.addf %add3A_450, %get3A_454 : vector<16xf32>
        %swap3A_456 = arith.index_cast %scan3A_405 : i32 to index
        %swap3A_457 = arith.constant 32 : index
        %swap3A_458 = tpu.vector_load %arg19[%swap3A_456, %swap3A_457] {strides = array<i32>} : memref<32x256xf32, #tpu.memory_space<vmem>>, vector<1x16xf32>,
        %swap3A_459 = vector.shape_cast %swap3A_458 : vector<1x16xf32> to vector<16xf32>
        %swap3A_460 = vector.shape_cast %add3A_455 : vector<16xf32> to vector<1x16xf32>
        tpu.vector_store %arg19[%swap3A_456, %swap3A_457], %swap3A_460 {strides = array<i32>} : memref<32x256xf32, #tpu.memory_space<vmem>>, vector<1x16xf32>,
        %get3A_461 = arith.index_cast %scan3A_405 : i32 to index
        %get3A_462 = arith.constant 48 : index
        %get3A_463 = tpu.vector_load %arg19[%get3A_461, %get3A_462] {strides = array<i32>} : memref<32x256xf32, #tpu.memory_space<vmem>>, vector<1x16xf32>,
        %get3A_464 = vector.shape_cast %get3A_463 : vector<1x16xf32> to vector<16xf32>
        %get3A_465 = arith.index_cast %scan3A_405 : i32 to index
        %get3A_466 = arith.constant 48 : index
        %get3A_467 = tpu.vector_load %arg20[%get3A_465, %get3A_466] {strides = array<i32>} : memref<32x256xf32, #tpu.memory_space<vmem>>, vector<1x16xf32>,
        %get3A_468 = vector.shape_cast %get3A_467 : vector<1x16xf32> to vector<16xf32>
        %add3A_469 = arith.addf %get3A_464, %get3A_468 : vector<16xf32>
        %get3A_470 = arith.index_cast %scan3A_405 : i32 to index
        %get3A_471 = arith.constant 48 : index
        %get3A_472 = tpu.vector_load %arg21[%get3A_470, %get3A_471] {strides = array<i32>} : memref<32x256xf32, #tpu.memory_space<vmem>>, vector<1x16xf32>,
        %get3A_473 = vector.shape_cast %get3A_472 : vector<1x16xf32> to vector<16xf32>
        %add3A_474 = arith.addf %add3A_469, %get3A_473 : vector<16xf32>
        %swap3A_475 = arith.index_cast %scan3A_405 : i32 to index
        %swap3A_476 = arith.constant 48 : index
        %swap3A_477 = tpu.vector_load %arg19[%swap3A_475, %swap3A_476] {strides = array<i32>} : memref<32x256xf32, #tpu.memory_space<vmem>>, vector<1x16xf32>,
        %swap3A_478 = vector.shape_cast %swap3A_477 : vector<1x16xf32> to vector<16xf32>
        %swap3A_479 = vector.shape_cast %add3A_474 : vector<16xf32> to vector<1x16xf32>
        tpu.vector_store %arg19[%swap3A_475, %swap3A_476], %swap3A_479 {strides = array<i32>} : memref<32x256xf32, #tpu.memory_space<vmem>>, vector<1x16xf32>,
        %get3A_480 = arith.index_cast %scan3A_405 : i32 to index
        %get3A_481 = arith.constant 64 : index
        %get3A_482 = tpu.vector_load %arg19[%get3A_480, %get3A_481] {strides = array<i32>} : memref<32x256xf32, #tpu.memory_space<vmem>>, vector<1x16xf32>,
        %get3A_483 = vector.shape_cast %get3A_482 : vector<1x16xf32> to vector<16xf32>
        %get3A_484 = arith.index_cast %scan3A_405 : i32 to index
        %get3A_485 = arith.constant 64 : index
        %get3A_486 = tpu.vector_load %arg20[%get3A_484, %get3A_485] {strides = array<i32>} : memref<32x256xf32, #tpu.memory_space<vmem>>, vector<1x16xf32>,
        %get3A_487 = vector.shape_cast %get3A_486 : vector<1x16xf32> to vector<16xf32>
        %add3A_488 = arith.addf %get3A_483, %get3A_487 : vector<16xf32>
        %get3A_489 = arith.index_cast %scan3A_405 : i32 to index
        %get3A_490 = arith.constant 64 : index
        %get3A_491 = tpu.vector_load %arg21[%get3A_489, %get3A_490] {strides = array<i32>} : memref<32x256xf32, #tpu.memory_space<vmem>>, vector<1x16xf32>,
        %get3A_492 = vector.shape_cast %get3A_491 : vector<1x16xf32> to vector<16xf32>
        %add3A_493 = arith.addf %add3A_488, %get3A_492 : vector<16xf32>
        %swap3A_494 = arith.index_cast %scan3A_405 : i32 to index
        %swap3A_495 = arith.constant 64 : index
        %swap3A_496 = tpu.vector_load %arg19[%swap3A_494, %swap3A_495] {strides = array<i32>} : memref<32x256xf32, #tpu.memory_space<vmem>>, vector<1x16xf32>,
        %swap3A_497 = vector.shape_cast %swap3A_496 : vector<1x16xf32> to vector<16xf32>
        %swap3A_498 = vector.shape_cast %add3A_493 : vector<16xf32> to vector<1x16xf32>
        tpu.vector_store %arg19[%swap3A_494, %swap3A_495], %swap3A_498 {strides = array<i32>} : memref<32x256xf32, #tpu.memory_space<vmem>>, vector<1x16xf32>,
        %get3A_499 = arith.index_cast %scan3A_405 : i32 to index
        %get3A_500 = arith.constant 80 : index
        %get3A_501 = tpu.vector_load %arg19[%get3A_499, %get3A_500] {strides = array<i32>} : memref<32x256xf32, #tpu.memory_space<vmem>>, vector<1x16xf32>,
        %get3A_502 = vector.shape_cast %get3A_501 : vector<1x16xf32> to vector<16xf32>
        %get3A_503 = arith.index_cast %scan3A_405 : i32 to index
        %get3A_504 = arith.constant 80 : index
        %get3A_505 = tpu.vector_load %arg20[%get3A_503, %get3A_504] {strides = array<i32>} : memref<32x256xf32, #tpu.memory_space<vmem>>, vector<1x16xf32>,
        %get3A_506 = vector.shape_cast %get3A_505 : vector<1x16xf32> to vector<16xf32>
        %add3A_507 = arith.addf %get3A_502, %get3A_506 : vector<16xf32>
        %get3A_508 = arith.index_cast %scan3A_405 : i32 to index
        %get3A_509 = arith.constant 80 : index
        %get3A_510 = tpu.vector_load %arg21[%get3A_508, %get3A_509] {strides = array<i32>} : memref<32x256xf32, #tpu.memory_space<vmem>>, vector<1x16xf32>,
        %get3A_511 = vector.shape_cast %get3A_510 : vector<1x16xf32> to vector<16xf32>
        %add3A_512 = arith.addf %add3A_507, %get3A_511 : vector<16xf32>
        %swap3A_513 = arith.index_cast %scan3A_405 : i32 to index
        %swap3A_514 = arith.constant 80 : index
        %swap3A_515 = tpu.vector_load %arg19[%swap3A_513, %swap3A_514] {strides = array<i32>} : memref<32x256xf32, #tpu.memory_space<vmem>>, vector<1x16xf32>,
        %swap3A_516 = vector.shape_cast %swap3A_515 : vector<1x16xf32> to vector<16xf32>
        %swap3A_517 = vector.shape_cast %add3A_512 : vector<16xf32> to vector<1x16xf32>
        tpu.vector_store %arg19[%swap3A_513, %swap3A_514], %swap3A_517 {strides = array<i32>} : memref<32x256xf32, #tpu.memory_space<vmem>>, vector<1x16xf32>,
        %get3A_518 = arith.index_cast %scan3A_405 : i32 to index
        %get3A_519 = arith.constant 96 : index
        %get3A_520 = tpu.vector_load %arg19[%get3A_518, %get3A_519] {strides = array<i32>} : memref<32x256xf32, #tpu.memory_space<vmem>>, vector<1x16xf32>,
        %get3A_521 = vector.shape_cast %get3A_520 : vector<1x16xf32> to vector<16xf32>
        %get3A_522 = arith.index_cast %scan3A_405 : i32 to index
        %get3A_523 = arith.constant 96 : index
        %get3A_524 = tpu.vector_load %arg20[%get3A_522, %get3A_523] {strides = array<i32>} : memref<32x256xf32, #tpu.memory_space<vmem>>, vector<1x16xf32>,
        %get3A_525 = vector.shape_cast %get3A_524 : vector<1x16xf32> to vector<16xf32>
        %add3A_526 = arith.addf %get3A_521, %get3A_525 : vector<16xf32>
        %get3A_527 = arith.index_cast %scan3A_405 : i32 to index
        %get3A_528 = arith.constant 96 : index
        %get3A_529 = tpu.vector_load %arg21[%get3A_527, %get3A_528] {strides = array<i32>} : memref<32x256xf32, #tpu.memory_space<vmem>>, vector<1x16xf32>,
        %get3A_530 = vector.shape_cast %get3A_529 : vector<1x16xf32> to vector<16xf32>
        %add3A_531 = arith.addf %add3A_526, %get3A_530 : vector<16xf32>
        %swap3A_532 = arith.index_cast %scan3A_405 : i32 to index
        %swap3A_533 = arith.constant 96 : index
        %swap3A_534 = tpu.vector_load %arg19[%swap3A_532, %swap3A_533] {strides = array<i32>} : memref<32x256xf32, #tpu.memory_space<vmem>>, vector<1x16xf32>,
        %swap3A_535 = vector.shape_cast %swap3A_534 : vector<1x16xf32> to vector<16xf32>
        %swap3A_536 = vector.shape_cast %add3A_531 : vector<16xf32> to vector<1x16xf32>
        tpu.vector_store %arg19[%swap3A_532, %swap3A_533], %swap3A_536 {strides = array<i32>} : memref<32x256xf32, #tpu.memory_space<vmem>>, vector<1x16xf32>,
        %get3A_537 = arith.index_cast %scan3A_405 : i32 to index
        %get3A_538 = arith.constant 112 : index
        %get3A_539 = tpu.vector_load %arg19[%get3A_537, %get3A_538] {strides = array<i32>} : memref<32x256xf32, #tpu.memory_space<vmem>>, vector<1x16xf32>,
        %get3A_540 = vector.shape_cast %get3A_539 : vector<1x16xf32> to vector<16xf32>
        %get3A_541 = arith.index_cast %scan3A_405 : i32 to index
        %get3A_542 = arith.constant 112 : index
        %get3A_543 = tpu.vector_load %arg20[%get3A_541, %get3A_542] {strides = array<i32>} : memref<32x256xf32, #tpu.memory_space<vmem>>, vector<1x16xf32>,
        %get3A_544 = vector.shape_cast %get3A_543 : vector<1x16xf32> to vector<16xf32>
        %add3A_545 = arith.addf %get3A_540, %get3A_544 : vector<16xf32>
        %get3A_546 = arith.index_cast %scan3A_405 : i32 to index
        %get3A_547 = arith.constant 112 : index
        %get3A_548 = tpu.vector_load %arg21[%get3A_546, %get3A_547] {strides = array<i32>} : memref<32x256xf32, #tpu.memory_space<vmem>>, vector<1x16xf32>,
        %get3A_549 = vector.shape_cast %get3A_548 : vector<1x16xf32> to vector<16xf32>
        %add3A_550 = arith.addf %add3A_545, %get3A_549 : vector<16xf32>
        %swap3A_551 = arith.index_cast %scan3A_405 : i32 to index
        %swap3A_552 = arith.constant 112 : index
        %swap3A_553 = tpu.vector_load %arg19[%swap3A_551, %swap3A_552] {strides = array<i32>} : memref<32x256xf32, #tpu.memory_space<vmem>>, vector<1x16xf32>,
        %swap3A_554 = vector.shape_cast %swap3A_553 : vector<1x16xf32> to vector<16xf32>
        %swap3A_555 = vector.shape_cast %add3A_550 : vector<16xf32> to vector<1x16xf32>
        tpu.vector_store %arg19[%swap3A_551, %swap3A_552], %swap3A_555 {strides = array<i32>} : memref<32x256xf32, #tpu.memory_space<vmem>>, vector<1x16xf32>,
        %get3A_556 = arith.index_cast %scan3A_405 : i32 to index
        %get3A_557 = arith.constant 128 : index
        %get3A_558 = tpu.vector_load %arg19[%get3A_556, %get3A_557] {strides = array<i32>} : memref<32x256xf32, #tpu.memory_space<vmem>>, vector<1x16xf32>,
        %get3A_559 = vector.shape_cast %get3A_558 : vector<1x16xf32> to vector<16xf32>
        %get3A_560 = arith.index_cast %scan3A_405 : i32 to index
        %get3A_561 = arith.constant 128 : index
        %get3A_562 = tpu.vector_load %arg20[%get3A_560, %get3A_561] {strides = array<i32>} : memref<32x256xf32, #tpu.memory_space<vmem>>, vector<1x16xf32>,
        %get3A_563 = vector.shape_cast %get3A_562 : vector<1x16xf32> to vector<16xf32>
        %add3A_564 = arith.addf %get3A_559, %get3A_563 : vector<16xf32>
        %get3A_565 = arith.index_cast %scan3A_405 : i32 to index
        %get3A_566 = arith.constant 128 : index
        %get3A_567 = tpu.vector_load %arg21[%get3A_565, %get3A_566] {strides = array<i32>} : memref<32x256xf32, #tpu.memory_space<vmem>>, vector<1x16xf32>,
        %get3A_568 = vector.shape_cast %get3A_567 : vector<1x16xf32> to vector<16xf32>
        %add3A_569 = arith.addf %add3A_564, %get3A_568 : vector<16xf32>
        %swap3A_570 = arith.index_cast %scan3A_405 : i32 to index
        %swap3A_571 = arith.constant 128 : index
        %swap3A_572 = tpu.vector_load %arg19[%swap3A_570, %swap3A_571] {strides = array<i32>} : memref<32x256xf32, #tpu.memory_space<vmem>>, vector<1x16xf32>,
        %swap3A_573 = vector.shape_cast %swap3A_572 : vector<1x16xf32> to vector<16xf32>
        %swap3A_574 = vector.shape_cast %add3A_569 : vector<16xf32> to vector<1x16xf32>
        tpu.vector_store %arg19[%swap3A_570, %swap3A_571], %swap3A_574 {strides = array<i32>} : memref<32x256xf32, #tpu.memory_space<vmem>>, vector<1x16xf32>,
        %get3A_575 = arith.index_cast %scan3A_405 : i32 to index
        %get3A_576 = arith.constant 144 : index
        %get3A_577 = tpu.vector_load %arg19[%get3A_575, %get3A_576] {strides = array<i32>} : memref<32x256xf32, #tpu.memory_space<vmem>>, vector<1x16xf32>,
        %get3A_578 = vector.shape_cast %get3A_577 : vector<1x16xf32> to vector<16xf32>
        %get3A_579 = arith.index_cast %scan3A_405 : i32 to index
        %get3A_580 = arith.constant 144 : index
        %get3A_581 = tpu.vector_load %arg20[%get3A_579, %get3A_580] {strides = array<i32>} : memref<32x256xf32, #tpu.memory_space<vmem>>, vector<1x16xf32>,
        %get3A_582 = vector.shape_cast %get3A_581 : vector<1x16xf32> to vector<16xf32>
        %add3A_583 = arith.addf %get3A_578, %get3A_582 : vector<16xf32>
        %get3A_584 = arith.index_cast %scan3A_405 : i32 to index
        %get3A_585 = arith.constant 144 : index
        %get3A_586 = tpu.vector_load %arg21[%get3A_584, %get3A_585] {strides = array<i32>} : memref<32x256xf32, #tpu.memory_space<vmem>>, vector<1x16xf32>,
        %get3A_587 = vector.shape_cast %get3A_586 : vector<1x16xf32> to vector<16xf32>
        %add3A_588 = arith.addf %add3A_583, %get3A_587 : vector<16xf32>
        %swap3A_589 = arith.index_cast %scan3A_405 : i32 to index
        %swap3A_590 = arith.constant 144 : index
        %swap3A_591 = tpu.vector_load %arg19[%swap3A_589, %swap3A_590] {strides = array<i32>} : memref<32x256xf32, #tpu.memory_space<vmem>>, vector<1x16xf32>,
        %swap3A_592 = vector.shape_cast %swap3A_591 : vector<1x16xf32> to vector<16xf32>
        %swap3A_593 = vector.shape_cast %add3A_588 : vector<16xf32> to vector<1x16xf32>
        tpu.vector_store %arg19[%swap3A_589, %swap3A_590], %swap3A_593 {strides = array<i32>} : memref<32x256xf32, #tpu.memory_space<vmem>>, vector<1x16xf32>,
        %get3A_594 = arith.index_cast %scan3A_405 : i32 to index
        %get3A_595 = arith.constant 160 : index
        %get3A_596 = tpu.vector_load %arg19[%get3A_594, %get3A_595] {strides = array<i32>} : memref<32x256xf32, #tpu.memory_space<vmem>>, vector<1x16xf32>,
        %get3A_597 = vector.shape_cast %get3A_596 : vector<1x16xf32> to vector<16xf32>
        %get3A_598 = arith.index_cast %scan3A_405 : i32 to index
        %get3A_599 = arith.constant 160 : index
        %get3A_600 = tpu.vector_load %arg20[%get3A_598, %get3A_599] {strides = array<i32>} : memref<32x256xf32, #tpu.memory_space<vmem>>, vector<1x16xf32>,
        %get3A_601 = vector.shape_cast %get3A_600 : vector<1x16xf32> to vector<16xf32>
        %add3A_602 = arith.addf %get3A_597, %get3A_601 : vector<16xf32>
        %get3A_603 = arith.index_cast %scan3A_405 : i32 to index
        %get3A_604 = arith.constant 160 : index
        %get3A_605 = tpu.vector_load %arg21[%get3A_603, %get3A_604] {strides = array<i32>} : memref<32x256xf32, #tpu.memory_space<vmem>>, vector<1x16xf32>,
        %get3A_606 = vector.shape_cast %get3A_605 : vector<1x16xf32> to vector<16xf32>
        %add3A_607 = arith.addf %add3A_602, %get3A_606 : vector<16xf32>
        %swap3A_608 = arith.index_cast %scan3A_405 : i32 to index
        %swap3A_609 = arith.constant 160 : index
        %swap3A_610 = tpu.vector_load %arg19[%swap3A_608, %swap3A_609] {strides = array<i32>} : memref<32x256xf32, #tpu.memory_space<vmem>>, vector<1x16xf32>,
        %swap3A_611 = vector.shape_cast %swap3A_610 : vector<1x16xf32> to vector<16xf32>
        %swap3A_612 = vector.shape_cast %add3A_607 : vector<16xf32> to vector<1x16xf32>
        tpu.vector_store %arg19[%swap3A_608, %swap3A_609], %swap3A_612 {strides = array<i32>} : memref<32x256xf32, #tpu.memory_space<vmem>>, vector<1x16xf32>,
        %get3A_613 = arith.index_cast %scan3A_405 : i32 to index
        %get3A_614 = arith.constant 176 : index
        %get3A_615 = tpu.vector_load %arg19[%get3A_613, %get3A_614] {strides = array<i32>} : memref<32x256xf32, #tpu.memory_space<vmem>>, vector<1x16xf32>,
        %get3A_616 = vector.shape_cast %get3A_615 : vector<1x16xf32> to vector<16xf32>
        %get3A_617 = arith.index_cast %scan3A_405 : i32 to index
        %get3A_618 = arith.constant 176 : index
        %get3A_619 = tpu.vector_load %arg20[%get3A_617, %get3A_618] {strides = array<i32>} : memref<32x256xf32, #tpu.memory_space<vmem>>, vector<1x16xf32>,
        %get3A_620 = vector.shape_cast %get3A_619 : vector<1x16xf32> to vector<16xf32>
        %add3A_621 = arith.addf %get3A_616, %get3A_620 : vector<16xf32>
        %get3A_622 = arith.index_cast %scan3A_405 : i32 to index
        %get3A_623 = arith.constant 176 : index
        %get3A_624 = tpu.vector_load %arg21[%get3A_622, %get3A_623] {strides = array<i32>} : memref<32x256xf32, #tpu.memory_space<vmem>>, vector<1x16xf32>,
        %get3A_625 = vector.shape_cast %get3A_624 : vector<1x16xf32> to vector<16xf32>
        %add3A_626 = arith.addf %add3A_621, %get3A_625 : vector<16xf32>
        %swap3A_627 = arith.index_cast %scan3A_405 : i32 to index
        %swap3A_628 = arith.constant 176 : index
        %swap3A_629 = tpu.vector_load %arg19[%swap3A_627, %swap3A_628] {strides = array<i32>} : memref<32x256xf32, #tpu.memory_space<vmem>>, vector<1x16xf32>,
        %swap3A_630 = vector.shape_cast %swap3A_629 : vector<1x16xf32> to vector<16xf32>
        %swap3A_631 = vector.shape_cast %add3A_626 : vector<16xf32> to vector<1x16xf32>
        tpu.vector_store %arg19[%swap3A_627, %swap3A_628], %swap3A_631 {strides = array<i32>} : memref<32x256xf32, #tpu.memory_space<vmem>>, vector<1x16xf32>,
        %get3A_632 = arith.index_cast %scan3A_405 : i32 to index
        %get3A_633 = arith.constant 192 : index
        %get3A_634 = tpu.vector_load %arg19[%get3A_632, %get3A_633] {strides = array<i32>} : memref<32x256xf32, #tpu.memory_space<vmem>>, vector<1x16xf32>,
        %get3A_635 = vector.shape_cast %get3A_634 : vector<1x16xf32> to vector<16xf32>
        %get3A_636 = arith.index_cast %scan3A_405 : i32 to index
        %get3A_637 = arith.constant 192 : index
        %get3A_638 = tpu.vector_load %arg20[%get3A_636, %get3A_637] {strides = array<i32>} : memref<32x256xf32, #tpu.memory_space<vmem>>, vector<1x16xf32>,
        %get3A_639 = vector.shape_cast %get3A_638 : vector<1x16xf32> to vector<16xf32>
        %add3A_640 = arith.addf %get3A_635, %get3A_639 : vector<16xf32>
        %get3A_641 = arith.index_cast %scan3A_405 : i32 to index
        %get3A_642 = arith.constant 192 : index
        %get3A_643 = tpu.vector_load %arg21[%get3A_641, %get3A_642] {strides = array<i32>} : memref<32x256xf32, #tpu.memory_space<vmem>>, vector<1x16xf32>,
        %get3A_644 = vector.shape_cast %get3A_643 : vector<1x16xf32> to vector<16xf32>
        %add3A_645 = arith.addf %add3A_640, %get3A_644 : vector<16xf32>
        %swap3A_646 = arith.index_cast %scan3A_405 : i32 to index
        %swap3A_647 = arith.constant 192 : index
        %swap3A_648 = tpu.vector_load %arg19[%swap3A_646, %swap3A_647] {strides = array<i32>} : memref<32x256xf32, #tpu.memory_space<vmem>>, vector<1x16xf32>,
        %swap3A_649 = vector.shape_cast %swap3A_648 : vector<1x16xf32> to vector<16xf32>
        %swap3A_650 = vector.shape_cast %add3A_645 : vector<16xf32> to vector<1x16xf32>
        tpu.vector_store %arg19[%swap3A_646, %swap3A_647], %swap3A_650 {strides = array<i32>} : memref<32x256xf32, #tpu.memory_space<vmem>>, vector<1x16xf32>,
        %get3A_651 = arith.index_cast %scan3A_405 : i32 to index
        %get3A_652 = arith.constant 208 : index
        %get3A_653 = tpu.vector_load %arg19[%get3A_651, %get3A_652] {strides = array<i32>} : memref<32x256xf32, #tpu.memory_space<vmem>>, vector<1x16xf32>,
        %get3A_654 = vector.shape_cast %get3A_653 : vector<1x16xf32> to vector<16xf32>
        %get3A_655 = arith.index_cast %scan3A_405 : i32 to index
        %get3A_656 = arith.constant 208 : index
        %get3A_657 = tpu.vector_load %arg20[%get3A_655, %get3A_656] {strides = array<i32>} : memref<32x256xf32, #tpu.memory_space<vmem>>, vector<1x16xf32>,
        %get3A_658 = vector.shape_cast %get3A_657 : vector<1x16xf32> to vector<16xf32>
        %add3A_659 = arith.addf %get3A_654, %get3A_658 : vector<16xf32>
        %get3A_660 = arith.index_cast %scan3A_405 : i32 to index
        %get3A_661 = arith.constant 208 : index
        %get3A_662 = tpu.vector_load %arg21[%get3A_660, %get3A_661] {strides = array<i32>} : memref<32x256xf32, #tpu.memory_space<vmem>>, vector<1x16xf32>,
        %get3A_663 = vector.shape_cast %get3A_662 : vector<1x16xf32> to vector<16xf32>
        %add3A_664 = arith.addf %add3A_659, %get3A_663 : vector<16xf32>
        %swap3A_665 = arith.index_cast %scan3A_405 : i32 to index
        %swap3A_666 = arith.constant 208 : index
        %swap3A_667 = tpu.vector_load %arg19[%swap3A_665, %swap3A_666] {strides = array<i32>} : memref<32x256xf32, #tpu.memory_space<vmem>>, vector<1x16xf32>,
        %swap3A_668 = vector.shape_cast %swap3A_667 : vector<1x16xf32> to vector<16xf32>
        %swap3A_669 = vector.shape_cast %add3A_664 : vector<16xf32> to vector<1x16xf32>
        tpu.vector_store %arg19[%swap3A_665, %swap3A_666], %swap3A_669 {strides = array<i32>} : memref<32x256xf32, #tpu.memory_space<vmem>>, vector<1x16xf32>,
        %get3A_670 = arith.index_cast %scan3A_405 : i32 to index
        %get3A_671 = arith.constant 224 : index
        %get3A_672 = tpu.vector_load %arg19[%get3A_670, %get3A_671] {strides = array<i32>} : memref<32x256xf32, #tpu.memory_space<vmem>>, vector<1x16xf32>,
        %get3A_673 = vector.shape_cast %get3A_672 : vector<1x16xf32> to vector<16xf32>
        %get3A_674 = arith.index_cast %scan3A_405 : i32 to index
        %get3A_675 = arith.constant 224 : index
        %get3A_676 = tpu.vector_load %arg20[%get3A_674, %get3A_675] {strides = array<i32>} : memref<32x256xf32, #tpu.memory_space<vmem>>, vector<1x16xf32>,
        %get3A_677 = vector.shape_cast %get3A_676 : vector<1x16xf32> to vector<16xf32>
        %add3A_678 = arith.addf %get3A_673, %get3A_677 : vector<16xf32>
        %get3A_679 = arith.index_cast %scan3A_405 : i32 to index
        %get3A_680 = arith.constant 224 : index
        %get3A_681 = tpu.vector_load %arg21[%get3A_679, %get3A_680] {strides = array<i32>} : memref<32x256xf32, #tpu.memory_space<vmem>>, vector<1x16xf32>,
        %get3A_682 = vector.shape_cast %get3A_681 : vector<1x16xf32> to vector<16xf32>
        %add3A_683 = arith.addf %add3A_678, %get3A_682 : vector<16xf32>
        %swap3A_684 = arith.index_cast %scan3A_405 : i32 to index
        %swap3A_685 = arith.constant 224 : index
        %swap3A_686 = tpu.vector_load %arg19[%swap3A_684, %swap3A_685] {strides = array<i32>} : memref<32x256xf32, #tpu.memory_space<vmem>>, vector<1x16xf32>,
        %swap3A_687 = vector.shape_cast %swap3A_686 : vector<1x16xf32> to vector<16xf32>
        %swap3A_688 = vector.shape_cast %add3A_683 : vector<16xf32> to vector<1x16xf32>
        tpu.vector_store %arg19[%swap3A_684, %swap3A_685], %swap3A_688 {strides = array<i32>} : memref<32x256xf32, #tpu.memory_space<vmem>>, vector<1x16xf32>,
        %get3A_689 = arith.index_cast %scan3A_405 : i32 to index
        %get3A_690 = arith.constant 240 : index
        %get3A_691 = tpu.vector_load %arg19[%get3A_689, %get3A_690] {strides = array<i32>} : memref<32x256xf32, #tpu.memory_space<vmem>>, vector<1x16xf32>,
        %get3A_692 = vector.shape_cast %get3A_691 : vector<1x16xf32> to vector<16xf32>
        %get3A_693 = arith.index_cast %scan3A_405 : i32 to index
        %get3A_694 = arith.constant 240 : index
        %get3A_695 = tpu.vector_load %arg20[%get3A_693, %get3A_694] {strides = array<i32>} : memref<32x256xf32, #tpu.memory_space<vmem>>, vector<1x16xf32>,
        %get3A_696 = vector.shape_cast %get3A_695 : vector<1x16xf32> to vector<16xf32>
        %add3A_697 = arith.addf %get3A_692, %get3A_696 : vector<16xf32>
        %get3A_698 = arith.index_cast %scan3A_405 : i32 to index
        %get3A_699 = arith.constant 240 : index
        %get3A_700 = tpu.vector_load %arg21[%get3A_698, %get3A_699] {strides = array<i32>} : memref<32x256xf32, #tpu.memory_space<vmem>>, vector<1x16xf32>,
        %get3A_701 = vector.shape_cast %get3A_700 : vector<1x16xf32> to vector<16xf32>
        %add3A_702 = arith.addf %add3A_697, %get3A_701 : vector<16xf32>
        %swap3A_703 = arith.index_cast %scan3A_405 : i32 to index
        %swap3A_704 = arith.constant 240 : index
        %swap3A_705 = tpu.vector_load %arg19[%swap3A_703, %swap3A_704] {strides = array<i32>} : memref<32x256xf32, #tpu.memory_space<vmem>>, vector<1x16xf32>,
        %swap3A_706 = vector.shape_cast %swap3A_705 : vector<1x16xf32> to vector<16xf32>
        %swap3A_707 = vector.shape_cast %add3A_702 : vector<16xf32> to vector<1x16xf32>
        tpu.vector_store %arg19[%swap3A_703, %swap3A_704], %swap3A_707 {strides = array<i32>} : memref<32x256xf32, #tpu.memory_space<vmem>>, vector<1x16xf32>,
      }
      %scan3A_337 = arith.constant 32 : i32
      %dma_start3A_338 = arith.constant 0 : i32
      %dma_start3A_339 = tpu.memref_slice %arg11[%add3A_304, %dma_start3A_338] : memref<32x32xi32, #tpu.memory_space<vmem>> -> memref<1x32xi32, #tpu.memory_space<vmem>>
      %dma_start3A_340 = tpu.memref_squeeze %dma_start3A_339 : memref<1x32xi32, #tpu.memory_space<vmem>> -> memref<32xi32, #tpu.memory_space<vmem>>
      %dma_start3A_341 = arith.constant 0 : i32
      %dma_start3A_342 = arith.constant 0 : i32
      %dma_start3A_343 = tpu.memref_slice %arg8[%dma_start3A_341, %dma_start3A_342] : memref<32784x256xf32, #tpu.memory_space<hbm>> -> memref<32784x256xf32, #tpu.memory_space<hbm>>
      tpu.enqueue_indirect_dma source(%arg19 : memref<32x256xf32, #tpu.memory_space<vmem>>) target(%dma_start3A_343 : memref<32784x256xf32, #tpu.memory_space<hbm>>) offsets(%dma_start3A_340 : memref<32xi32, #tpu.memory_space<vmem>>) semaphore(%arg36 : memref<!tpu.dma_semaphore, #tpu.memory_space<semaphore_mem>>)
      %add3A_344 = arith.constant 4 : i32
      %add3A_345 = arith.addi %add3A_304, %add3A_344 : i32
      %sub3A_346 = arith.constant 1 : i32
      %sub3A_347 = arith.subi %add3A_345, %sub3A_346 : i32
      %lt3A_348 = arith.constant 7 : i32
      %lt3A_349 = arith.cmpi slt, %scan3A_197, %lt3A_348 : i32
      %convert_element_type3A_350 = arith.extui %lt3A_349 : i1 to i32
      %cond3A_351 = arith.constant 0 : i32
      %cond3A_352 = arith.cmpi ne, %convert_element_type3A_350, %cond3A_351 : i32
      scf.if %cond3A_352 {
        %sub3A_405 = arith.constant 1 : i32
        %sub3A_406 = arith.subi %add3A_304, %sub3A_405 : i32
        %dma_wait3A_407 = arith.constant 0 : i32
        %dma_wait3A_408 = tpu.memref_slice %arg11[%sub3A_406, %dma_wait3A_407] : memref<32x32xi32, #tpu.memory_space<vmem>> -> memref<1x32xi32, #tpu.memory_space<vmem>>
        %dma_wait3A_409 = tpu.memref_squeeze %dma_wait3A_408 : memref<1x32xi32, #tpu.memory_space<vmem>> -> memref<32xi32, #tpu.memory_space<vmem>>
        %dma_wait3A_410 = arith.constant 0 : i32
        %dma_wait3A_411 = arith.constant 0 : i32
        %dma_wait3A_412 = tpu.memref_slice %arg8[%dma_wait3A_410, %dma_wait3A_411] : memref<32784x256xf32, #tpu.memory_space<hbm>> -> memref<32784x256xf32, #tpu.memory_space<hbm>>
        tpu.wait_indirect_dma semaphore(%arg32 : memref<!tpu.dma_semaphore, #tpu.memory_space<semaphore_mem>>) src(%arg16 : memref<32x256xf32, #tpu.memory_space<vmem>>) dst(%dma_wait3A_412 : memref<32784x256xf32, #tpu.memory_space<hbm>>)
        %mul3A_413 = arith.constant 32 : i32
        %mul3A_414 = arith.muli %sub3A_347, %mul3A_413 : i32
        %add3A_415 = arith.addi %mul3A_34, %mul3A_414 : i32
        %dma_start3A_416 = arith.constant 0 : i32
        %dma_start3A_417 = arith.constant 0 : i32
        %dma_start3A_418 = tpu.memref_slice %arg2[%select_n3A, %dma_start3A_416, %dma_start3A_417] : memref<16x2048x256xf32, #tpu.memory_space<hbm>> -> memref<1x2048x256xf32, #tpu.memory_space<hbm>>
        %dma_start3A_419 = tpu.memref_squeeze %dma_start3A_418 : memref<1x2048x256xf32, #tpu.memory_space<hbm>> -> memref<2048x256xf32, #tpu.memory_space<hbm>>
        %dma_start3A_420 = arith.constant 0 : i32
        %dma_start3A_421 = tpu.memref_slice %dma_start3A_419[%add3A_415, %dma_start3A_420] : memref<2048x256xf32, #tpu.memory_space<hbm>> -> memref<32x256xf32, #tpu.memory_space<hbm>>
        %dma_start3A_422 = arith.constant 0 : i32
        %dma_start3A_423 = arith.constant 0 : i32
        %dma_start3A_424 = tpu.memref_slice %arg2[%select_n3A, %dma_start3A_422, %dma_start3A_423] : memref<16x2048x256xf32, #tpu.memory_space<hbm>> -> memref<1x2048x256xf32, #tpu.memory_space<hbm>>
        %dma_start3A_425 = tpu.memref_squeeze %dma_start3A_424 : memref<1x2048x256xf32, #tpu.memory_space<hbm>> -> memref<2048x256xf32, #tpu.memory_space<hbm>>
        %dma_start3A_426 = arith.constant 0 : i32
        %dma_start3A_427 = tpu.memref_slice %dma_start3A_425[%add3A_415, %dma_start3A_426] : memref<2048x256xf32, #tpu.memory_space<hbm>> -> memref<32x256xf32, #tpu.memory_space<hbm>>
        tpu.enqueue_dma source(%dma_start3A_427 : memref<32x256xf32, #tpu.memory_space<hbm>>) target(%arg16 : memref<32x256xf32, #tpu.memory_space<vmem>>) target_semaphore(%arg29 : memref<!tpu.dma_semaphore, #tpu.memory_space<semaphore_mem>>)
        %mul3A_428 = arith.constant 32 : i32
        %mul3A_429 = arith.muli %sub3A_347, %mul3A_428 : i32
        %dma_start3A_430 = tpu.memref_slice %arg9[%mul3A_429] : memref<1024xi32, #tpu.memory_space<vmem>> -> memref<32xi32, #tpu.memory_space<vmem>>
        %dma_start3A_431 = arith.constant 0 : i32
        %dma_start3A_432 = arith.constant 0 : i32
        %dma_start3A_433 = tpu.memref_slice %arg5[%dma_start3A_431, %dma_start3A_432] : memref<2052x256xf32, #tpu.memory_space<hbm>> -> memref<2052x256xf32, #tpu.memory_space<hbm>>
        tpu.enqueue_indirect_dma source(%dma_start3A_433 : memref<2052x256xf32, #tpu.memory_space<hbm>>) target(%arg17 : memref<32x256xf32, #tpu.memory_space<vmem>>) offsets(%dma_start3A_430 : memref<32xi32, #tpu.memory_space<vmem>>) semaphore(%arg30 : memref<!tpu.dma_semaphore, #tpu.memory_space<semaphore_mem>>)
        %mul3A_434 = arith.constant 32 : i32
        %mul3A_435 = arith.muli %sub3A_347, %mul3A_434 : i32
        %dma_start3A_436 = tpu.memref_slice %arg10[%mul3A_435] : memref<1024xi32, #tpu.memory_space<vmem>> -> memref<32xi32, #tpu.memory_space<vmem>>
        %dma_start3A_437 = arith.constant 0 : i32
        %dma_start3A_438 = arith.constant 0 : i32
        %dma_start3A_439 = tpu.memref_slice %arg6[%dma_start3A_437, %dma_start3A_438] : memref<2052x256xf32, #tpu.memory_space<hbm>> -> memref<2052x256xf32, #tpu.memory_space<hbm>>
        tpu.enqueue_indirect_dma source(%dma_start3A_439 : memref<2052x256xf32, #tpu.memory_space<hbm>>) target(%arg18 : memref<32x256xf32, #tpu.memory_space<vmem>>) offsets(%dma_start3A_436 : memref<32xi32, #tpu.memory_space<vmem>>) semaphore(%arg31 : memref<!tpu.dma_semaphore, #tpu.memory_space<semaphore_mem>>)
      } else {
      }
      %mul3A_353 = arith.constant 4 : i32
      %mul3A_354 = arith.muli %scan3A_197, %mul3A_353 : i32
      %add3A_355 = arith.constant 3 : i32
      %add3A_356 = arith.addi %mul3A_354, %add3A_355 : i32
      %mul3A_357 = arith.constant 32 : i32
      %mul3A_358 = arith.muli %add3A_356, %mul3A_357 : i32
      %add3A_359 = arith.addi %mul3A_34, %mul3A_358 : i32
      %dma_wait3A_360 = arith.constant 0 : i32
      %dma_wait3A_361 = arith.constant 0 : i32
      %dma_wait3A_362 = tpu.memref_slice %arg2[%select_n3A, %dma_wait3A_360, %dma_wait3A_361] : memref<16x2048x256xf32, #tpu.memory_space<hbm>> -> memref<1x2048x256xf32, #tpu.memory_space<hbm>>
      %dma_wait3A_363 = tpu.memref_squeeze %dma_wait3A_362 : memref<1x2048x256xf32, #tpu.memory_space<hbm>> -> memref<2048x256xf32, #tpu.memory_space<hbm>>
      %dma_wait3A_364 = arith.constant 0 : i32
      %dma_wait3A_365 = tpu.memref_slice %dma_wait3A_363[%add3A_359, %dma_wait3A_364] : memref<2048x256xf32, #tpu.memory_space<hbm>> -> memref<32x256xf32, #tpu.memory_space<hbm>>
      %dma_wait3A_366 = arith.constant 0 : i32
      %dma_wait3A_367 = arith.constant 0 : i32
      %dma_wait3A_368 = tpu.memref_slice %arg2[%select_n3A, %dma_wait3A_366, %dma_wait3A_367] : memref<16x2048x256xf32, #tpu.memory_space<hbm>> -> memref<1x2048x256xf32, #tpu.memory_space<hbm>>
      %dma_wait3A_369 = tpu.memref_squeeze %dma_wait3A_368 : memref<1x2048x256xf32, #tpu.memory_space<hbm>> -> memref<2048x256xf32, #tpu.memory_space<hbm>>
      %dma_wait3A_370 = arith.constant 0 : i32
      %dma_wait3A_371 = tpu.memref_slice %dma_wait3A_369[%add3A_359, %dma_wait3A_370] : memref<2048x256xf32, #tpu.memory_space<hbm>> -> memref<32x256xf32, #tpu.memory_space<hbm>>
      tpu.wait_dma2 semaphore(%arg37 : memref<!tpu.dma_semaphore, #tpu.memory_space<semaphore_mem>>) src(%dma_wait3A_371 : memref<32x256xf32, #tpu.memory_space<hbm>>) dst(%arg22 : memref<32x256xf32, #tpu.memory_space<vmem>>)
      %mul3A_372 = arith.constant 32 : i32
      %mul3A_373 = arith.muli %add3A_356, %mul3A_372 : i32
      %dma_wait3A_374 = tpu.memref_slice %arg9[%mul3A_373] : memref<1024xi32, #tpu.memory_space<vmem>> -> memref<32xi32, #tpu.memory_space<vmem>>
      %dma_wait3A_375 = arith.constant 0 : i32
      %dma_wait3A_376 = arith.constant 0 : i32
      %dma_wait3A_377 = tpu.memref_slice %arg5[%dma_wait3A_375, %dma_wait3A_376] : memref<2052x256xf32, #tpu.memory_space<hbm>> -> memref<2052x256xf32, #tpu.memory_space<hbm>>
      tpu.wait_indirect_dma semaphore(%arg38 : memref<!tpu.dma_semaphore, #tpu.memory_space<semaphore_mem>>) src(%dma_wait3A_377 : memref<2052x256xf32, #tpu.memory_space<hbm>>) dst(%arg23 : memref<32x256xf32, #tpu.memory_space<vmem>>)
      %mul3A_378 = arith.constant 32 : i32
      %mul3A_379 = arith.muli %add3A_356, %mul3A_378 : i32
      %dma_wait3A_380 = tpu.memref_slice %arg10[%mul3A_379] : memref<1024xi32, #tpu.memory_space<vmem>> -> memref<32xi32, #tpu.memory_space<vmem>>
      %dma_wait3A_381 = arith.constant 0 : i32
      %dma_wait3A_382 = arith.constant 0 : i32
      %dma_wait3A_383 = tpu.memref_slice %arg6[%dma_wait3A_381, %dma_wait3A_382] : memref<2052x256xf32, #tpu.memory_space<hbm>> -> memref<2052x256xf32, #tpu.memory_space<hbm>>
      tpu.wait_indirect_dma semaphore(%arg39 : memref<!tpu.dma_semaphore, #tpu.memory_space<semaphore_mem>>) src(%dma_wait3A_383 : memref<2052x256xf32, #tpu.memory_space<hbm>>) dst(%arg24 : memref<32x256xf32, #tpu.memory_space<vmem>>)
      %scan3A_384 = arith.constant 0 : i32
      %scan3A_385 = arith.constant 0 : i32
      %scan3A_386 = arith.constant 32 : i32
      %scan3A_387 = arith.addi %scan3A_385, %scan3A_386 : i32
      %scan3A_388 = arith.constant 1 : i32
      scf.for %scan3A_405 = %scan3A_385 to %scan3A_387 step %scan3A_388  : i32 {
        %get3A = arith.index_cast %scan3A_405 : i32 to index
        %get3A_406 = arith.constant 0 : index
        %get3A_407 = tpu.vector_load %arg22[%get3A, %get3A_406] {strides = array<i32>} : memref<32x256xf32, #tpu.memory_space<vmem>>, vector<1x16xf32>,
        %get3A_408 = vector.shape_cast %get3A_407 : vector<1x16xf32> to vector<16xf32>
        %get3A_409 = arith.index_cast %scan3A_405 : i32 to index
        %get3A_410 = arith.constant 0 : index
        %get3A_411 = tpu.vector_load %arg23[%get3A_409, %get3A_410] {strides = array<i32>} : memref<32x256xf32, #tpu.memory_space<vmem>>, vector<1x16xf32>,
        %get3A_412 = vector.shape_cast %get3A_411 : vector<1x16xf32> to vector<16xf32>
        %add3A_413 = arith.addf %get3A_408, %get3A_412 : vector<16xf32>
        %get3A_414 = arith.index_cast %scan3A_405 : i32 to index
        %get3A_415 = arith.constant 0 : index
        %get3A_416 = tpu.vector_load %arg24[%get3A_414, %get3A_415] {strides = array<i32>} : memref<32x256xf32, #tpu.memory_space<vmem>>, vector<1x16xf32>,
        %get3A_417 = vector.shape_cast %get3A_416 : vector<1x16xf32> to vector<16xf32>
        %add3A_418 = arith.addf %add3A_413, %get3A_417 : vector<16xf32>
        %swap3A = arith.index_cast %scan3A_405 : i32 to index
        %swap3A_419 = arith.constant 0 : index
        %swap3A_420 = tpu.vector_load %arg22[%swap3A, %swap3A_419] {strides = array<i32>} : memref<32x256xf32, #tpu.memory_space<vmem>>, vector<1x16xf32>,
        %swap3A_421 = vector.shape_cast %swap3A_420 : vector<1x16xf32> to vector<16xf32>
        %swap3A_422 = vector.shape_cast %add3A_418 : vector<16xf32> to vector<1x16xf32>
        tpu.vector_store %arg22[%swap3A, %swap3A_419], %swap3A_422 {strides = array<i32>} : memref<32x256xf32, #tpu.memory_space<vmem>>, vector<1x16xf32>,
        %get3A_423 = arith.index_cast %scan3A_405 : i32 to index
        %get3A_424 = arith.constant 16 : index
        %get3A_425 = tpu.vector_load %arg22[%get3A_423, %get3A_424] {strides = array<i32>} : memref<32x256xf32, #tpu.memory_space<vmem>>, vector<1x16xf32>,
        %get3A_426 = vector.shape_cast %get3A_425 : vector<1x16xf32> to vector<16xf32>
        %get3A_427 = arith.index_cast %scan3A_405 : i32 to index
        %get3A_428 = arith.constant 16 : index
        %get3A_429 = tpu.vector_load %arg23[%get3A_427, %get3A_428] {strides = array<i32>} : memref<32x256xf32, #tpu.memory_space<vmem>>, vector<1x16xf32>,
        %get3A_430 = vector.shape_cast %get3A_429 : vector<1x16xf32> to vector<16xf32>
        %add3A_431 = arith.addf %get3A_426, %get3A_430 : vector<16xf32>
        %get3A_432 = arith.index_cast %scan3A_405 : i32 to index
        %get3A_433 = arith.constant 16 : index
        %get3A_434 = tpu.vector_load %arg24[%get3A_432, %get3A_433] {strides = array<i32>} : memref<32x256xf32, #tpu.memory_space<vmem>>, vector<1x16xf32>,
        %get3A_435 = vector.shape_cast %get3A_434 : vector<1x16xf32> to vector<16xf32>
        %add3A_436 = arith.addf %add3A_431, %get3A_435 : vector<16xf32>
        %swap3A_437 = arith.index_cast %scan3A_405 : i32 to index
        %swap3A_438 = arith.constant 16 : index
        %swap3A_439 = tpu.vector_load %arg22[%swap3A_437, %swap3A_438] {strides = array<i32>} : memref<32x256xf32, #tpu.memory_space<vmem>>, vector<1x16xf32>,
        %swap3A_440 = vector.shape_cast %swap3A_439 : vector<1x16xf32> to vector<16xf32>
        %swap3A_441 = vector.shape_cast %add3A_436 : vector<16xf32> to vector<1x16xf32>
        tpu.vector_store %arg22[%swap3A_437, %swap3A_438], %swap3A_441 {strides = array<i32>} : memref<32x256xf32, #tpu.memory_space<vmem>>, vector<1x16xf32>,
        %get3A_442 = arith.index_cast %scan3A_405 : i32 to index
        %get3A_443 = arith.constant 32 : index
        %get3A_444 = tpu.vector_load %arg22[%get3A_442, %get3A_443] {strides = array<i32>} : memref<32x256xf32, #tpu.memory_space<vmem>>, vector<1x16xf32>,
        %get3A_445 = vector.shape_cast %get3A_444 : vector<1x16xf32> to vector<16xf32>
        %get3A_446 = arith.index_cast %scan3A_405 : i32 to index
        %get3A_447 = arith.constant 32 : index
        %get3A_448 = tpu.vector_load %arg23[%get3A_446, %get3A_447] {strides = array<i32>} : memref<32x256xf32, #tpu.memory_space<vmem>>, vector<1x16xf32>,
        %get3A_449 = vector.shape_cast %get3A_448 : vector<1x16xf32> to vector<16xf32>
        %add3A_450 = arith.addf %get3A_445, %get3A_449 : vector<16xf32>
        %get3A_451 = arith.index_cast %scan3A_405 : i32 to index
        %get3A_452 = arith.constant 32 : index
        %get3A_453 = tpu.vector_load %arg24[%get3A_451, %get3A_452] {strides = array<i32>} : memref<32x256xf32, #tpu.memory_space<vmem>>, vector<1x16xf32>,
        %get3A_454 = vector.shape_cast %get3A_453 : vector<1x16xf32> to vector<16xf32>
        %add3A_455 = arith.addf %add3A_450, %get3A_454 : vector<16xf32>
        %swap3A_456 = arith.index_cast %scan3A_405 : i32 to index
        %swap3A_457 = arith.constant 32 : index
        %swap3A_458 = tpu.vector_load %arg22[%swap3A_456, %swap3A_457] {strides = array<i32>} : memref<32x256xf32, #tpu.memory_space<vmem>>, vector<1x16xf32>,
        %swap3A_459 = vector.shape_cast %swap3A_458 : vector<1x16xf32> to vector<16xf32>
        %swap3A_460 = vector.shape_cast %add3A_455 : vector<16xf32> to vector<1x16xf32>
        tpu.vector_store %arg22[%swap3A_456, %swap3A_457], %swap3A_460 {strides = array<i32>} : memref<32x256xf32, #tpu.memory_space<vmem>>, vector<1x16xf32>,
        %get3A_461 = arith.index_cast %scan3A_405 : i32 to index
        %get3A_462 = arith.constant 48 : index
        %get3A_463 = tpu.vector_load %arg22[%get3A_461, %get3A_462] {strides = array<i32>} : memref<32x256xf32, #tpu.memory_space<vmem>>, vector<1x16xf32>,
        %get3A_464 = vector.shape_cast %get3A_463 : vector<1x16xf32> to vector<16xf32>
        %get3A_465 = arith.index_cast %scan3A_405 : i32 to index
        %get3A_466 = arith.constant 48 : index
        %get3A_467 = tpu.vector_load %arg23[%get3A_465, %get3A_466] {strides = array<i32>} : memref<32x256xf32, #tpu.memory_space<vmem>>, vector<1x16xf32>,
        %get3A_468 = vector.shape_cast %get3A_467 : vector<1x16xf32> to vector<16xf32>
        %add3A_469 = arith.addf %get3A_464, %get3A_468 : vector<16xf32>
        %get3A_470 = arith.index_cast %scan3A_405 : i32 to index
        %get3A_471 = arith.constant 48 : index
        %get3A_472 = tpu.vector_load %arg24[%get3A_470, %get3A_471] {strides = array<i32>} : memref<32x256xf32, #tpu.memory_space<vmem>>, vector<1x16xf32>,
        %get3A_473 = vector.shape_cast %get3A_472 : vector<1x16xf32> to vector<16xf32>
        %add3A_474 = arith.addf %add3A_469, %get3A_473 : vector<16xf32>
        %swap3A_475 = arith.index_cast %scan3A_405 : i32 to index
        %swap3A_476 = arith.constant 48 : index
        %swap3A_477 = tpu.vector_load %arg22[%swap3A_475, %swap3A_476] {strides = array<i32>} : memref<32x256xf32, #tpu.memory_space<vmem>>, vector<1x16xf32>,
        %swap3A_478 = vector.shape_cast %swap3A_477 : vector<1x16xf32> to vector<16xf32>
        %swap3A_479 = vector.shape_cast %add3A_474 : vector<16xf32> to vector<1x16xf32>
        tpu.vector_store %arg22[%swap3A_475, %swap3A_476], %swap3A_479 {strides = array<i32>} : memref<32x256xf32, #tpu.memory_space<vmem>>, vector<1x16xf32>,
        %get3A_480 = arith.index_cast %scan3A_405 : i32 to index
        %get3A_481 = arith.constant 64 : index
        %get3A_482 = tpu.vector_load %arg22[%get3A_480, %get3A_481] {strides = array<i32>} : memref<32x256xf32, #tpu.memory_space<vmem>>, vector<1x16xf32>,
        %get3A_483 = vector.shape_cast %get3A_482 : vector<1x16xf32> to vector<16xf32>
        %get3A_484 = arith.index_cast %scan3A_405 : i32 to index
        %get3A_485 = arith.constant 64 : index
        %get3A_486 = tpu.vector_load %arg23[%get3A_484, %get3A_485] {strides = array<i32>} : memref<32x256xf32, #tpu.memory_space<vmem>>, vector<1x16xf32>,
        %get3A_487 = vector.shape_cast %get3A_486 : vector<1x16xf32> to vector<16xf32>
        %add3A_488 = arith.addf %get3A_483, %get3A_487 : vector<16xf32>
        %get3A_489 = arith.index_cast %scan3A_405 : i32 to index
        %get3A_490 = arith.constant 64 : index
        %get3A_491 = tpu.vector_load %arg24[%get3A_489, %get3A_490] {strides = array<i32>} : memref<32x256xf32, #tpu.memory_space<vmem>>, vector<1x16xf32>,
        %get3A_492 = vector.shape_cast %get3A_491 : vector<1x16xf32> to vector<16xf32>
        %add3A_493 = arith.addf %add3A_488, %get3A_492 : vector<16xf32>
        %swap3A_494 = arith.index_cast %scan3A_405 : i32 to index
        %swap3A_495 = arith.constant 64 : index
        %swap3A_496 = tpu.vector_load %arg22[%swap3A_494, %swap3A_495] {strides = array<i32>} : memref<32x256xf32, #tpu.memory_space<vmem>>, vector<1x16xf32>,
        %swap3A_497 = vector.shape_cast %swap3A_496 : vector<1x16xf32> to vector<16xf32>
        %swap3A_498 = vector.shape_cast %add3A_493 : vector<16xf32> to vector<1x16xf32>
        tpu.vector_store %arg22[%swap3A_494, %swap3A_495], %swap3A_498 {strides = array<i32>} : memref<32x256xf32, #tpu.memory_space<vmem>>, vector<1x16xf32>,
        %get3A_499 = arith.index_cast %scan3A_405 : i32 to index
        %get3A_500 = arith.constant 80 : index
        %get3A_501 = tpu.vector_load %arg22[%get3A_499, %get3A_500] {strides = array<i32>} : memref<32x256xf32, #tpu.memory_space<vmem>>, vector<1x16xf32>,
        %get3A_502 = vector.shape_cast %get3A_501 : vector<1x16xf32> to vector<16xf32>
        %get3A_503 = arith.index_cast %scan3A_405 : i32 to index
        %get3A_504 = arith.constant 80 : index
        %get3A_505 = tpu.vector_load %arg23[%get3A_503, %get3A_504] {strides = array<i32>} : memref<32x256xf32, #tpu.memory_space<vmem>>, vector<1x16xf32>,
        %get3A_506 = vector.shape_cast %get3A_505 : vector<1x16xf32> to vector<16xf32>
        %add3A_507 = arith.addf %get3A_502, %get3A_506 : vector<16xf32>
        %get3A_508 = arith.index_cast %scan3A_405 : i32 to index
        %get3A_509 = arith.constant 80 : index
        %get3A_510 = tpu.vector_load %arg24[%get3A_508, %get3A_509] {strides = array<i32>} : memref<32x256xf32, #tpu.memory_space<vmem>>, vector<1x16xf32>,
        %get3A_511 = vector.shape_cast %get3A_510 : vector<1x16xf32> to vector<16xf32>
        %add3A_512 = arith.addf %add3A_507, %get3A_511 : vector<16xf32>
        %swap3A_513 = arith.index_cast %scan3A_405 : i32 to index
        %swap3A_514 = arith.constant 80 : index
        %swap3A_515 = tpu.vector_load %arg22[%swap3A_513, %swap3A_514] {strides = array<i32>} : memref<32x256xf32, #tpu.memory_space<vmem>>, vector<1x16xf32>,
        %swap3A_516 = vector.shape_cast %swap3A_515 : vector<1x16xf32> to vector<16xf32>
        %swap3A_517 = vector.shape_cast %add3A_512 : vector<16xf32> to vector<1x16xf32>
        tpu.vector_store %arg22[%swap3A_513, %swap3A_514], %swap3A_517 {strides = array<i32>} : memref<32x256xf32, #tpu.memory_space<vmem>>, vector<1x16xf32>,
        %get3A_518 = arith.index_cast %scan3A_405 : i32 to index
        %get3A_519 = arith.constant 96 : index
        %get3A_520 = tpu.vector_load %arg22[%get3A_518, %get3A_519] {strides = array<i32>} : memref<32x256xf32, #tpu.memory_space<vmem>>, vector<1x16xf32>,
        %get3A_521 = vector.shape_cast %get3A_520 : vector<1x16xf32> to vector<16xf32>
        %get3A_522 = arith.index_cast %scan3A_405 : i32 to index
        %get3A_523 = arith.constant 96 : index
        %get3A_524 = tpu.vector_load %arg23[%get3A_522, %get3A_523] {strides = array<i32>} : memref<32x256xf32, #tpu.memory_space<vmem>>, vector<1x16xf32>,
        %get3A_525 = vector.shape_cast %get3A_524 : vector<1x16xf32> to vector<16xf32>
        %add3A_526 = arith.addf %get3A_521, %get3A_525 : vector<16xf32>
        %get3A_527 = arith.index_cast %scan3A_405 : i32 to index
        %get3A_528 = arith.constant 96 : index
        %get3A_529 = tpu.vector_load %arg24[%get3A_527, %get3A_528] {strides = array<i32>} : memref<32x256xf32, #tpu.memory_space<vmem>>, vector<1x16xf32>,
        %get3A_530 = vector.shape_cast %get3A_529 : vector<1x16xf32> to vector<16xf32>
        %add3A_531 = arith.addf %add3A_526, %get3A_530 : vector<16xf32>
        %swap3A_532 = arith.index_cast %scan3A_405 : i32 to index
        %swap3A_533 = arith.constant 96 : index
        %swap3A_534 = tpu.vector_load %arg22[%swap3A_532, %swap3A_533] {strides = array<i32>} : memref<32x256xf32, #tpu.memory_space<vmem>>, vector<1x16xf32>,
        %swap3A_535 = vector.shape_cast %swap3A_534 : vector<1x16xf32> to vector<16xf32>
        %swap3A_536 = vector.shape_cast %add3A_531 : vector<16xf32> to vector<1x16xf32>
        tpu.vector_store %arg22[%swap3A_532, %swap3A_533], %swap3A_536 {strides = array<i32>} : memref<32x256xf32, #tpu.memory_space<vmem>>, vector<1x16xf32>,
        %get3A_537 = arith.index_cast %scan3A_405 : i32 to index
        %get3A_538 = arith.constant 112 : index
        %get3A_539 = tpu.vector_load %arg22[%get3A_537, %get3A_538] {strides = array<i32>} : memref<32x256xf32, #tpu.memory_space<vmem>>, vector<1x16xf32>,
        %get3A_540 = vector.shape_cast %get3A_539 : vector<1x16xf32> to vector<16xf32>
        %get3A_541 = arith.index_cast %scan3A_405 : i32 to index
        %get3A_542 = arith.constant 112 : index
        %get3A_543 = tpu.vector_load %arg23[%get3A_541, %get3A_542] {strides = array<i32>} : memref<32x256xf32, #tpu.memory_space<vmem>>, vector<1x16xf32>,
        %get3A_544 = vector.shape_cast %get3A_543 : vector<1x16xf32> to vector<16xf32>
        %add3A_545 = arith.addf %get3A_540, %get3A_544 : vector<16xf32>
        %get3A_546 = arith.index_cast %scan3A_405 : i32 to index
        %get3A_547 = arith.constant 112 : index
        %get3A_548 = tpu.vector_load %arg24[%get3A_546, %get3A_547] {strides = array<i32>} : memref<32x256xf32, #tpu.memory_space<vmem>>, vector<1x16xf32>,
        %get3A_549 = vector.shape_cast %get3A_548 : vector<1x16xf32> to vector<16xf32>
        %add3A_550 = arith.addf %add3A_545, %get3A_549 : vector<16xf32>
        %swap3A_551 = arith.index_cast %scan3A_405 : i32 to index
        %swap3A_552 = arith.constant 112 : index
        %swap3A_553 = tpu.vector_load %arg22[%swap3A_551, %swap3A_552] {strides = array<i32>} : memref<32x256xf32, #tpu.memory_space<vmem>>, vector<1x16xf32>,
        %swap3A_554 = vector.shape_cast %swap3A_553 : vector<1x16xf32> to vector<16xf32>
        %swap3A_555 = vector.shape_cast %add3A_550 : vector<16xf32> to vector<1x16xf32>
        tpu.vector_store %arg22[%swap3A_551, %swap3A_552], %swap3A_555 {strides = array<i32>} : memref<32x256xf32, #tpu.memory_space<vmem>>, vector<1x16xf32>,
        %get3A_556 = arith.index_cast %scan3A_405 : i32 to index
        %get3A_557 = arith.constant 128 : index
        %get3A_558 = tpu.vector_load %arg22[%get3A_556, %get3A_557] {strides = array<i32>} : memref<32x256xf32, #tpu.memory_space<vmem>>, vector<1x16xf32>,
        %get3A_559 = vector.shape_cast %get3A_558 : vector<1x16xf32> to vector<16xf32>
        %get3A_560 = arith.index_cast %scan3A_405 : i32 to index
        %get3A_561 = arith.constant 128 : index
        %get3A_562 = tpu.vector_load %arg23[%get3A_560, %get3A_561] {strides = array<i32>} : memref<32x256xf32, #tpu.memory_space<vmem>>, vector<1x16xf32>,
        %get3A_563 = vector.shape_cast %get3A_562 : vector<1x16xf32> to vector<16xf32>
        %add3A_564 = arith.addf %get3A_559, %get3A_563 : vector<16xf32>
        %get3A_565 = arith.index_cast %scan3A_405 : i32 to index
        %get3A_566 = arith.constant 128 : index
        %get3A_567 = tpu.vector_load %arg24[%get3A_565, %get3A_566] {strides = array<i32>} : memref<32x256xf32, #tpu.memory_space<vmem>>, vector<1x16xf32>,
        %get3A_568 = vector.shape_cast %get3A_567 : vector<1x16xf32> to vector<16xf32>
        %add3A_569 = arith.addf %add3A_564, %get3A_568 : vector<16xf32>
        %swap3A_570 = arith.index_cast %scan3A_405 : i32 to index
        %swap3A_571 = arith.constant 128 : index
        %swap3A_572 = tpu.vector_load %arg22[%swap3A_570, %swap3A_571] {strides = array<i32>} : memref<32x256xf32, #tpu.memory_space<vmem>>, vector<1x16xf32>,
        %swap3A_573 = vector.shape_cast %swap3A_572 : vector<1x16xf32> to vector<16xf32>
        %swap3A_574 = vector.shape_cast %add3A_569 : vector<16xf32> to vector<1x16xf32>
        tpu.vector_store %arg22[%swap3A_570, %swap3A_571], %swap3A_574 {strides = array<i32>} : memref<32x256xf32, #tpu.memory_space<vmem>>, vector<1x16xf32>,
        %get3A_575 = arith.index_cast %scan3A_405 : i32 to index
        %get3A_576 = arith.constant 144 : index
        %get3A_577 = tpu.vector_load %arg22[%get3A_575, %get3A_576] {strides = array<i32>} : memref<32x256xf32, #tpu.memory_space<vmem>>, vector<1x16xf32>,
        %get3A_578 = vector.shape_cast %get3A_577 : vector<1x16xf32> to vector<16xf32>
        %get3A_579 = arith.index_cast %scan3A_405 : i32 to index
        %get3A_580 = arith.constant 144 : index
        %get3A_581 = tpu.vector_load %arg23[%get3A_579, %get3A_580] {strides = array<i32>} : memref<32x256xf32, #tpu.memory_space<vmem>>, vector<1x16xf32>,
        %get3A_582 = vector.shape_cast %get3A_581 : vector<1x16xf32> to vector<16xf32>
        %add3A_583 = arith.addf %get3A_578, %get3A_582 : vector<16xf32>
        %get3A_584 = arith.index_cast %scan3A_405 : i32 to index
        %get3A_585 = arith.constant 144 : index
        %get3A_586 = tpu.vector_load %arg24[%get3A_584, %get3A_585] {strides = array<i32>} : memref<32x256xf32, #tpu.memory_space<vmem>>, vector<1x16xf32>,
        %get3A_587 = vector.shape_cast %get3A_586 : vector<1x16xf32> to vector<16xf32>
        %add3A_588 = arith.addf %add3A_583, %get3A_587 : vector<16xf32>
        %swap3A_589 = arith.index_cast %scan3A_405 : i32 to index
        %swap3A_590 = arith.constant 144 : index
        %swap3A_591 = tpu.vector_load %arg22[%swap3A_589, %swap3A_590] {strides = array<i32>} : memref<32x256xf32, #tpu.memory_space<vmem>>, vector<1x16xf32>,
        %swap3A_592 = vector.shape_cast %swap3A_591 : vector<1x16xf32> to vector<16xf32>
        %swap3A_593 = vector.shape_cast %add3A_588 : vector<16xf32> to vector<1x16xf32>
        tpu.vector_store %arg22[%swap3A_589, %swap3A_590], %swap3A_593 {strides = array<i32>} : memref<32x256xf32, #tpu.memory_space<vmem>>, vector<1x16xf32>,
        %get3A_594 = arith.index_cast %scan3A_405 : i32 to index
        %get3A_595 = arith.constant 160 : index
        %get3A_596 = tpu.vector_load %arg22[%get3A_594, %get3A_595] {strides = array<i32>} : memref<32x256xf32, #tpu.memory_space<vmem>>, vector<1x16xf32>,
        %get3A_597 = vector.shape_cast %get3A_596 : vector<1x16xf32> to vector<16xf32>
        %get3A_598 = arith.index_cast %scan3A_405 : i32 to index
        %get3A_599 = arith.constant 160 : index
        %get3A_600 = tpu.vector_load %arg23[%get3A_598, %get3A_599] {strides = array<i32>} : memref<32x256xf32, #tpu.memory_space<vmem>>, vector<1x16xf32>,
        %get3A_601 = vector.shape_cast %get3A_600 : vector<1x16xf32> to vector<16xf32>
        %add3A_602 = arith.addf %get3A_597, %get3A_601 : vector<16xf32>
        %get3A_603 = arith.index_cast %scan3A_405 : i32 to index
        %get3A_604 = arith.constant 160 : index
        %get3A_605 = tpu.vector_load %arg24[%get3A_603, %get3A_604] {strides = array<i32>} : memref<32x256xf32, #tpu.memory_space<vmem>>, vector<1x16xf32>,
        %get3A_606 = vector.shape_cast %get3A_605 : vector<1x16xf32> to vector<16xf32>
        %add3A_607 = arith.addf %add3A_602, %get3A_606 : vector<16xf32>
        %swap3A_608 = arith.index_cast %scan3A_405 : i32 to index
        %swap3A_609 = arith.constant 160 : index
        %swap3A_610 = tpu.vector_load %arg22[%swap3A_608, %swap3A_609] {strides = array<i32>} : memref<32x256xf32, #tpu.memory_space<vmem>>, vector<1x16xf32>,
        %swap3A_611 = vector.shape_cast %swap3A_610 : vector<1x16xf32> to vector<16xf32>
        %swap3A_612 = vector.shape_cast %add3A_607 : vector<16xf32> to vector<1x16xf32>
        tpu.vector_store %arg22[%swap3A_608, %swap3A_609], %swap3A_612 {strides = array<i32>} : memref<32x256xf32, #tpu.memory_space<vmem>>, vector<1x16xf32>,
        %get3A_613 = arith.index_cast %scan3A_405 : i32 to index
        %get3A_614 = arith.constant 176 : index
        %get3A_615 = tpu.vector_load %arg22[%get3A_613, %get3A_614] {strides = array<i32>} : memref<32x256xf32, #tpu.memory_space<vmem>>, vector<1x16xf32>,
        %get3A_616 = vector.shape_cast %get3A_615 : vector<1x16xf32> to vector<16xf32>
        %get3A_617 = arith.index_cast %scan3A_405 : i32 to index
        %get3A_618 = arith.constant 176 : index
        %get3A_619 = tpu.vector_load %arg23[%get3A_617, %get3A_618] {strides = array<i32>} : memref<32x256xf32, #tpu.memory_space<vmem>>, vector<1x16xf32>,
        %get3A_620 = vector.shape_cast %get3A_619 : vector<1x16xf32> to vector<16xf32>
        %add3A_621 = arith.addf %get3A_616, %get3A_620 : vector<16xf32>
        %get3A_622 = arith.index_cast %scan3A_405 : i32 to index
        %get3A_623 = arith.constant 176 : index
        %get3A_624 = tpu.vector_load %arg24[%get3A_622, %get3A_623] {strides = array<i32>} : memref<32x256xf32, #tpu.memory_space<vmem>>, vector<1x16xf32>,
        %get3A_625 = vector.shape_cast %get3A_624 : vector<1x16xf32> to vector<16xf32>
        %add3A_626 = arith.addf %add3A_621, %get3A_625 : vector<16xf32>
        %swap3A_627 = arith.index_cast %scan3A_405 : i32 to index
        %swap3A_628 = arith.constant 176 : index
        %swap3A_629 = tpu.vector_load %arg22[%swap3A_627, %swap3A_628] {strides = array<i32>} : memref<32x256xf32, #tpu.memory_space<vmem>>, vector<1x16xf32>,
        %swap3A_630 = vector.shape_cast %swap3A_629 : vector<1x16xf32> to vector<16xf32>
        %swap3A_631 = vector.shape_cast %add3A_626 : vector<16xf32> to vector<1x16xf32>
        tpu.vector_store %arg22[%swap3A_627, %swap3A_628], %swap3A_631 {strides = array<i32>} : memref<32x256xf32, #tpu.memory_space<vmem>>, vector<1x16xf32>,
        %get3A_632 = arith.index_cast %scan3A_405 : i32 to index
        %get3A_633 = arith.constant 192 : index
        %get3A_634 = tpu.vector_load %arg22[%get3A_632, %get3A_633] {strides = array<i32>} : memref<32x256xf32, #tpu.memory_space<vmem>>, vector<1x16xf32>,
        %get3A_635 = vector.shape_cast %get3A_634 : vector<1x16xf32> to vector<16xf32>
        %get3A_636 = arith.index_cast %scan3A_405 : i32 to index
        %get3A_637 = arith.constant 192 : index
        %get3A_638 = tpu.vector_load %arg23[%get3A_636, %get3A_637] {strides = array<i32>} : memref<32x256xf32, #tpu.memory_space<vmem>>, vector<1x16xf32>,
        %get3A_639 = vector.shape_cast %get3A_638 : vector<1x16xf32> to vector<16xf32>
        %add3A_640 = arith.addf %get3A_635, %get3A_639 : vector<16xf32>
        %get3A_641 = arith.index_cast %scan3A_405 : i32 to index
        %get3A_642 = arith.constant 192 : index
        %get3A_643 = tpu.vector_load %arg24[%get3A_641, %get3A_642] {strides = array<i32>} : memref<32x256xf32, #tpu.memory_space<vmem>>, vector<1x16xf32>,
        %get3A_644 = vector.shape_cast %get3A_643 : vector<1x16xf32> to vector<16xf32>
        %add3A_645 = arith.addf %add3A_640, %get3A_644 : vector<16xf32>
        %swap3A_646 = arith.index_cast %scan3A_405 : i32 to index
        %swap3A_647 = arith.constant 192 : index
        %swap3A_648 = tpu.vector_load %arg22[%swap3A_646, %swap3A_647] {strides = array<i32>} : memref<32x256xf32, #tpu.memory_space<vmem>>, vector<1x16xf32>,
        %swap3A_649 = vector.shape_cast %swap3A_648 : vector<1x16xf32> to vector<16xf32>
        %swap3A_650 = vector.shape_cast %add3A_645 : vector<16xf32> to vector<1x16xf32>
        tpu.vector_store %arg22[%swap3A_646, %swap3A_647], %swap3A_650 {strides = array<i32>} : memref<32x256xf32, #tpu.memory_space<vmem>>, vector<1x16xf32>,
        %get3A_651 = arith.index_cast %scan3A_405 : i32 to index
        %get3A_652 = arith.constant 208 : index
        %get3A_653 = tpu.vector_load %arg22[%get3A_651, %get3A_652] {strides = array<i32>} : memref<32x256xf32, #tpu.memory_space<vmem>>, vector<1x16xf32>,
        %get3A_654 = vector.shape_cast %get3A_653 : vector<1x16xf32> to vector<16xf32>
        %get3A_655 = arith.index_cast %scan3A_405 : i32 to index
        %get3A_656 = arith.constant 208 : index
        %get3A_657 = tpu.vector_load %arg23[%get3A_655, %get3A_656] {strides = array<i32>} : memref<32x256xf32, #tpu.memory_space<vmem>>, vector<1x16xf32>,
        %get3A_658 = vector.shape_cast %get3A_657 : vector<1x16xf32> to vector<16xf32>
        %add3A_659 = arith.addf %get3A_654, %get3A_658 : vector<16xf32>
        %get3A_660 = arith.index_cast %scan3A_405 : i32 to index
        %get3A_661 = arith.constant 208 : index
        %get3A_662 = tpu.vector_load %arg24[%get3A_660, %get3A_661] {strides = array<i32>} : memref<32x256xf32, #tpu.memory_space<vmem>>, vector<1x16xf32>,
        %get3A_663 = vector.shape_cast %get3A_662 : vector<1x16xf32> to vector<16xf32>
        %add3A_664 = arith.addf %add3A_659, %get3A_663 : vector<16xf32>
        %swap3A_665 = arith.index_cast %scan3A_405 : i32 to index
        %swap3A_666 = arith.constant 208 : index
        %swap3A_667 = tpu.vector_load %arg22[%swap3A_665, %swap3A_666] {strides = array<i32>} : memref<32x256xf32, #tpu.memory_space<vmem>>, vector<1x16xf32>,
        %swap3A_668 = vector.shape_cast %swap3A_667 : vector<1x16xf32> to vector<16xf32>
        %swap3A_669 = vector.shape_cast %add3A_664 : vector<16xf32> to vector<1x16xf32>
        tpu.vector_store %arg22[%swap3A_665, %swap3A_666], %swap3A_669 {strides = array<i32>} : memref<32x256xf32, #tpu.memory_space<vmem>>, vector<1x16xf32>,
        %get3A_670 = arith.index_cast %scan3A_405 : i32 to index
        %get3A_671 = arith.constant 224 : index
        %get3A_672 = tpu.vector_load %arg22[%get3A_670, %get3A_671] {strides = array<i32>} : memref<32x256xf32, #tpu.memory_space<vmem>>, vector<1x16xf32>,
        %get3A_673 = vector.shape_cast %get3A_672 : vector<1x16xf32> to vector<16xf32>
        %get3A_674 = arith.index_cast %scan3A_405 : i32 to index
        %get3A_675 = arith.constant 224 : index
        %get3A_676 = tpu.vector_load %arg23[%get3A_674, %get3A_675] {strides = array<i32>} : memref<32x256xf32, #tpu.memory_space<vmem>>, vector<1x16xf32>,
        %get3A_677 = vector.shape_cast %get3A_676 : vector<1x16xf32> to vector<16xf32>
        %add3A_678 = arith.addf %get3A_673, %get3A_677 : vector<16xf32>
        %get3A_679 = arith.index_cast %scan3A_405 : i32 to index
        %get3A_680 = arith.constant 224 : index
        %get3A_681 = tpu.vector_load %arg24[%get3A_679, %get3A_680] {strides = array<i32>} : memref<32x256xf32, #tpu.memory_space<vmem>>, vector<1x16xf32>,
        %get3A_682 = vector.shape_cast %get3A_681 : vector<1x16xf32> to vector<16xf32>
        %add3A_683 = arith.addf %add3A_678, %get3A_682 : vector<16xf32>
        %swap3A_684 = arith.index_cast %scan3A_405 : i32 to index
        %swap3A_685 = arith.constant 224 : index
        %swap3A_686 = tpu.vector_load %arg22[%swap3A_684, %swap3A_685] {strides = array<i32>} : memref<32x256xf32, #tpu.memory_space<vmem>>, vector<1x16xf32>,
        %swap3A_687 = vector.shape_cast %swap3A_686 : vector<1x16xf32> to vector<16xf32>
        %swap3A_688 = vector.shape_cast %add3A_683 : vector<16xf32> to vector<1x16xf32>
        tpu.vector_store %arg22[%swap3A_684, %swap3A_685], %swap3A_688 {strides = array<i32>} : memref<32x256xf32, #tpu.memory_space<vmem>>, vector<1x16xf32>,
        %get3A_689 = arith.index_cast %scan3A_405 : i32 to index
        %get3A_690 = arith.constant 240 : index
        %get3A_691 = tpu.vector_load %arg22[%get3A_689, %get3A_690] {strides = array<i32>} : memref<32x256xf32, #tpu.memory_space<vmem>>, vector<1x16xf32>,
        %get3A_692 = vector.shape_cast %get3A_691 : vector<1x16xf32> to vector<16xf32>
        %get3A_693 = arith.index_cast %scan3A_405 : i32 to index
        %get3A_694 = arith.constant 240 : index
        %get3A_695 = tpu.vector_load %arg23[%get3A_693, %get3A_694] {strides = array<i32>} : memref<32x256xf32, #tpu.memory_space<vmem>>, vector<1x16xf32>,
        %get3A_696 = vector.shape_cast %get3A_695 : vector<1x16xf32> to vector<16xf32>
        %add3A_697 = arith.addf %get3A_692, %get3A_696 : vector<16xf32>
        %get3A_698 = arith.index_cast %scan3A_405 : i32 to index
        %get3A_699 = arith.constant 240 : index
        %get3A_700 = tpu.vector_load %arg24[%get3A_698, %get3A_699] {strides = array<i32>} : memref<32x256xf32, #tpu.memory_space<vmem>>, vector<1x16xf32>,
        %get3A_701 = vector.shape_cast %get3A_700 : vector<1x16xf32> to vector<16xf32>
        %add3A_702 = arith.addf %add3A_697, %get3A_701 : vector<16xf32>
        %swap3A_703 = arith.index_cast %scan3A_405 : i32 to index
        %swap3A_704 = arith.constant 240 : index
        %swap3A_705 = tpu.vector_load %arg22[%swap3A_703, %swap3A_704] {strides = array<i32>} : memref<32x256xf32, #tpu.memory_space<vmem>>, vector<1x16xf32>,
        %swap3A_706 = vector.shape_cast %swap3A_705 : vector<1x16xf32> to vector<16xf32>
        %swap3A_707 = vector.shape_cast %add3A_702 : vector<16xf32> to vector<1x16xf32>
        tpu.vector_store %arg22[%swap3A_703, %swap3A_704], %swap3A_707 {strides = array<i32>} : memref<32x256xf32, #tpu.memory_space<vmem>>, vector<1x16xf32>,
      }
      %scan3A_389 = arith.constant 32 : i32
      %dma_start3A_390 = arith.constant 0 : i32
      %dma_start3A_391 = tpu.memref_slice %arg11[%add3A_356, %dma_start3A_390] : memref<32x32xi32, #tpu.memory_space<vmem>> -> memref<1x32xi32, #tpu.memory_space<vmem>>
      %dma_start3A_392 = tpu.memref_squeeze %dma_start3A_391 : memref<1x32xi32, #tpu.memory_space<vmem>> -> memref<32xi32, #tpu.memory_space<vmem>>
      %dma_start3A_393 = arith.constant 0 : i32
      %dma_start3A_394 = arith.constant 0 : i32
      %dma_start3A_395 = tpu.memref_slice %arg8[%dma_start3A_393, %dma_start3A_394] : memref<32784x256xf32, #tpu.memory_space<hbm>> -> memref<32784x256xf32, #tpu.memory_space<hbm>>
      tpu.enqueue_indirect_dma source(%arg22 : memref<32x256xf32, #tpu.memory_space<vmem>>) target(%dma_start3A_395 : memref<32784x256xf32, #tpu.memory_space<hbm>>) offsets(%dma_start3A_392 : memref<32xi32, #tpu.memory_space<vmem>>) semaphore(%arg40 : memref<!tpu.dma_semaphore, #tpu.memory_space<semaphore_mem>>)
      %add3A_396 = arith.constant 4 : i32
      %add3A_397 = arith.addi %add3A_356, %add3A_396 : i32
      %sub3A_398 = arith.constant 1 : i32
      %sub3A_399 = arith.subi %add3A_397, %sub3A_398 : i32
      %lt3A_400 = arith.constant 7 : i32
      %lt3A_401 = arith.cmpi slt, %scan3A_197, %lt3A_400 : i32
      %convert_element_type3A_402 = arith.extui %lt3A_401 : i1 to i32
      %cond3A_403 = arith.constant 0 : i32
      %cond3A_404 = arith.cmpi ne, %convert_element_type3A_402, %cond3A_403 : i32
      scf.if %cond3A_404 {
        %sub3A_405 = arith.constant 1 : i32
        %sub3A_406 = arith.subi %add3A_356, %sub3A_405 : i32
        %dma_wait3A_407 = arith.constant 0 : i32
        %dma_wait3A_408 = tpu.memref_slice %arg11[%sub3A_406, %dma_wait3A_407] : memref<32x32xi32, #tpu.memory_space<vmem>> -> memref<1x32xi32, #tpu.memory_space<vmem>>
        %dma_wait3A_409 = tpu.memref_squeeze %dma_wait3A_408 : memref<1x32xi32, #tpu.memory_space<vmem>> -> memref<32xi32, #tpu.memory_space<vmem>>
        %dma_wait3A_410 = arith.constant 0 : i32
        %dma_wait3A_411 = arith.constant 0 : i32
        %dma_wait3A_412 = tpu.memref_slice %arg8[%dma_wait3A_410, %dma_wait3A_411] : memref<32784x256xf32, #tpu.memory_space<hbm>> -> memref<32784x256xf32, #tpu.memory_space<hbm>>
        tpu.wait_indirect_dma semaphore(%arg36 : memref<!tpu.dma_semaphore, #tpu.memory_space<semaphore_mem>>) src(%arg19 : memref<32x256xf32, #tpu.memory_space<vmem>>) dst(%dma_wait3A_412 : memref<32784x256xf32, #tpu.memory_space<hbm>>)
        %mul3A_413 = arith.constant 32 : i32
        %mul3A_414 = arith.muli %sub3A_399, %mul3A_413 : i32
        %add3A_415 = arith.addi %mul3A_34, %mul3A_414 : i32
        %dma_start3A_416 = arith.constant 0 : i32
        %dma_start3A_417 = arith.constant 0 : i32
        %dma_start3A_418 = tpu.memref_slice %arg2[%select_n3A, %dma_start3A_416, %dma_start3A_417] : memref<16x2048x256xf32, #tpu.memory_space<hbm>> -> memref<1x2048x256xf32, #tpu.memory_space<hbm>>
        %dma_start3A_419 = tpu.memref_squeeze %dma_start3A_418 : memref<1x2048x256xf32, #tpu.memory_space<hbm>> -> memref<2048x256xf32, #tpu.memory_space<hbm>>
        %dma_start3A_420 = arith.constant 0 : i32
        %dma_start3A_421 = tpu.memref_slice %dma_start3A_419[%add3A_415, %dma_start3A_420] : memref<2048x256xf32, #tpu.memory_space<hbm>> -> memref<32x256xf32, #tpu.memory_space<hbm>>
        %dma_start3A_422 = arith.constant 0 : i32
        %dma_start3A_423 = arith.constant 0 : i32
        %dma_start3A_424 = tpu.memref_slice %arg2[%select_n3A, %dma_start3A_422, %dma_start3A_423] : memref<16x2048x256xf32, #tpu.memory_space<hbm>> -> memref<1x2048x256xf32, #tpu.memory_space<hbm>>
        %dma_start3A_425 = tpu.memref_squeeze %dma_start3A_424 : memref<1x2048x256xf32, #tpu.memory_space<hbm>> -> memref<2048x256xf32, #tpu.memory_space<hbm>>
        %dma_start3A_426 = arith.constant 0 : i32
        %dma_start3A_427 = tpu.memref_slice %dma_start3A_425[%add3A_415, %dma_start3A_426] : memref<2048x256xf32, #tpu.memory_space<hbm>> -> memref<32x256xf32, #tpu.memory_space<hbm>>
        tpu.enqueue_dma source(%dma_start3A_427 : memref<32x256xf32, #tpu.memory_space<hbm>>) target(%arg19 : memref<32x256xf32, #tpu.memory_space<vmem>>) target_semaphore(%arg33 : memref<!tpu.dma_semaphore, #tpu.memory_space<semaphore_mem>>)
        %mul3A_428 = arith.constant 32 : i32
        %mul3A_429 = arith.muli %sub3A_399, %mul3A_428 : i32
        %dma_start3A_430 = tpu.memref_slice %arg9[%mul3A_429] : memref<1024xi32, #tpu.memory_space<vmem>> -> memref<32xi32, #tpu.memory_space<vmem>>
        %dma_start3A_431 = arith.constant 0 : i32
        %dma_start3A_432 = arith.constant 0 : i32
        %dma_start3A_433 = tpu.memref_slice %arg5[%dma_start3A_431, %dma_start3A_432] : memref<2052x256xf32, #tpu.memory_space<hbm>> -> memref<2052x256xf32, #tpu.memory_space<hbm>>
        tpu.enqueue_indirect_dma source(%dma_start3A_433 : memref<2052x256xf32, #tpu.memory_space<hbm>>) target(%arg20 : memref<32x256xf32, #tpu.memory_space<vmem>>) offsets(%dma_start3A_430 : memref<32xi32, #tpu.memory_space<vmem>>) semaphore(%arg34 : memref<!tpu.dma_semaphore, #tpu.memory_space<semaphore_mem>>)
        %mul3A_434 = arith.constant 32 : i32
        %mul3A_435 = arith.muli %sub3A_399, %mul3A_434 : i32
        %dma_start3A_436 = tpu.memref_slice %arg10[%mul3A_435] : memref<1024xi32, #tpu.memory_space<vmem>> -> memref<32xi32, #tpu.memory_space<vmem>>
        %dma_start3A_437 = arith.constant 0 : i32
        %dma_start3A_438 = arith.constant 0 : i32
        %dma_start3A_439 = tpu.memref_slice %arg6[%dma_start3A_437, %dma_start3A_438] : memref<2052x256xf32, #tpu.memory_space<hbm>> -> memref<2052x256xf32, #tpu.memory_space<hbm>>
        tpu.enqueue_indirect_dma source(%dma_start3A_439 : memref<2052x256xf32, #tpu.memory_space<hbm>>) target(%arg21 : memref<32x256xf32, #tpu.memory_space<vmem>>) offsets(%dma_start3A_436 : memref<32xi32, #tpu.memory_space<vmem>>) semaphore(%arg35 : memref<!tpu.dma_semaphore, #tpu.memory_space<semaphore_mem>>)
      } else {
      }
    }
    %scan3A_169 = arith.constant 8 : i32
    %dma_wait3A = arith.constant 28 : i32
    %dma_wait3A_170 = arith.constant 0 : i32
    %dma_wait3A_171 = tpu.memref_slice %arg11[%dma_wait3A, %dma_wait3A_170] : memref<32x32xi32, #tpu.memory_space<vmem>> -> memref<1x32xi32, #tpu.memory_space<vmem>>
    %dma_wait3A_172 = tpu.memref_squeeze %dma_wait3A_171 : memref<1x32xi32, #tpu.memory_space<vmem>> -> memref<32xi32, #tpu.memory_space<vmem>>
    %dma_wait3A_173 = arith.constant 0 : i32
    %dma_wait3A_174 = arith.constant 0 : i32
    %dma_wait3A_175 = tpu.memref_slice %arg8[%dma_wait3A_173, %dma_wait3A_174] : memref<32784x256xf32, #tpu.memory_space<hbm>> -> memref<32784x256xf32, #tpu.memory_space<hbm>>
    tpu.wait_indirect_dma semaphore(%arg28 : memref<!tpu.dma_semaphore, #tpu.memory_space<semaphore_mem>>) src(%arg13 : memref<32x256xf32, #tpu.memory_space<vmem>>) dst(%dma_wait3A_175 : memref<32784x256xf32, #tpu.memory_space<hbm>>)
    %dma_wait3A_176 = arith.constant 29 : i32
    %dma_wait3A_177 = arith.constant 0 : i32
    %dma_wait3A_178 = tpu.memref_slice %arg11[%dma_wait3A_176, %dma_wait3A_177] : memref<32x32xi32, #tpu.memory_space<vmem>> -> memref<1x32xi32, #tpu.memory_space<vmem>>
    %dma_wait3A_179 = tpu.memref_squeeze %dma_wait3A_178 : memref<1x32xi32, #tpu.memory_space<vmem>> -> memref<32xi32, #tpu.memory_space<vmem>>
    %dma_wait3A_180 = arith.constant 0 : i32
    %dma_wait3A_181 = arith.constant 0 : i32
    %dma_wait3A_182 = tpu.memref_slice %arg8[%dma_wait3A_180, %dma_wait3A_181] : memref<32784x256xf32, #tpu.memory_space<hbm>> -> memref<32784x256xf32, #tpu.memory_space<hbm>>
    tpu.wait_indirect_dma semaphore(%arg32 : memref<!tpu.dma_semaphore, #tpu.memory_space<semaphore_mem>>) src(%arg16 : memref<32x256xf32, #tpu.memory_space<vmem>>) dst(%dma_wait3A_182 : memref<32784x256xf32, #tpu.memory_space<hbm>>)
    %dma_wait3A_183 = arith.constant 30 : i32
    %dma_wait3A_184 = arith.constant 0 : i32
    %dma_wait3A_185 = tpu.memref_slice %arg11[%dma_wait3A_183, %dma_wait3A_184] : memref<32x32xi32, #tpu.memory_space<vmem>> -> memref<1x32xi32, #tpu.memory_space<vmem>>
    %dma_wait3A_186 = tpu.memref_squeeze %dma_wait3A_185 : memref<1x32xi32, #tpu.memory_space<vmem>> -> memref<32xi32, #tpu.memory_space<vmem>>
    %dma_wait3A_187 = arith.constant 0 : i32
    %dma_wait3A_188 = arith.constant 0 : i32
    %dma_wait3A_189 = tpu.memref_slice %arg8[%dma_wait3A_187, %dma_wait3A_188] : memref<32784x256xf32, #tpu.memory_space<hbm>> -> memref<32784x256xf32, #tpu.memory_space<hbm>>
    tpu.wait_indirect_dma semaphore(%arg36 : memref<!tpu.dma_semaphore, #tpu.memory_space<semaphore_mem>>) src(%arg19 : memref<32x256xf32, #tpu.memory_space<vmem>>) dst(%dma_wait3A_189 : memref<32784x256xf32, #tpu.memory_space<hbm>>)
    %dma_wait3A_190 = arith.constant 31 : i32
    %dma_wait3A_191 = arith.constant 0 : i32
    %dma_wait3A_192 = tpu.memref_slice %arg11[%dma_wait3A_190, %dma_wait3A_191] : memref<32x32xi32, #tpu.memory_space<vmem>> -> memref<1x32xi32, #tpu.memory_space<vmem>>
    %dma_wait3A_193 = tpu.memref_squeeze %dma_wait3A_192 : memref<1x32xi32, #tpu.memory_space<vmem>> -> memref<32xi32, #tpu.memory_space<vmem>>
    %dma_wait3A_194 = arith.constant 0 : i32
    %dma_wait3A_195 = arith.constant 0 : i32
    %dma_wait3A_196 = tpu.memref_slice %arg8[%dma_wait3A_194, %dma_wait3A_195] : memref<32784x256xf32, #tpu.memory_space<hbm>> -> memref<32784x256xf32, #tpu.memory_space<hbm>>
    tpu.wait_indirect_dma semaphore(%arg40 : memref<!tpu.dma_semaphore, #tpu.memory_space<semaphore_mem>>) src(%arg22 : memref<32x256xf32, #tpu.memory_space<vmem>>) dst(%dma_wait3A_196 : memref<32784x256xf32, #tpu.memory_space<hbm>>)
    return
  }
}

</mosaic_0001>

<sc_bundles>
// kernel: kernel.3.cloned.1.call-start
scs
__scs_entry_jumppad:
0x0: {  	(pc) =	sbr.rel $0x88, $3  }
0x1: {  	(tag) =	ssettag $0x0;
	lr =	simm.s32 $0x1  }
0x2: {  	[smem:$0x3F9B] =	sst lr;
	_ =	strace $0xD0000000  }
0x3: {  	_ = 	snop  }
0x4: {  	_ = 	snop  }
0x5: {  	_ = 	snop  }
0x6: {  	_ = 	snop  }
0x7: {  	_ = 	snop  }
__scs_overlays_trampoline_lowered:
0x8: {  	[smem:$0x3FAA] =	sst s0  }
0x9: {  	[smem:$0x3FAB] =	sst s1  }
0xa: {  	[smem:$0x3FAC] =	sst s2  }
0xb: {  	[smem:$0x3FAD] =	sst s3  }
0xc: {  	[smem:$0x3FAE] =	sst s4  }
0xd: {  	[smem:$0x3FAF] =	sst s5  }
0xe: {  	[smem:$0x3FB0] =	sst s6  }
0xf: {  	[smem:$0x3FB1] =	sst s7  }
0x10: {  	[smem:$0x3FB2] =	sst s8  }
0x11: {  	[smem:$0x3FB3] =	sst s9;
	s0 =	simm.s32 @!p0 $0x0  }
0x12: {  	s1 =	sld [smem:$0x3F99];
	s0 =	simm.s32 @p0 $0x1  }
0x13: {  	[smem:$0x3FB4] =	sst s0;
	s0 =	simm.s32 @!p1 $0x0  }
0x14: {  	s2 =	sld [smem:$0x3F98];
	s0 =	simm.s32 @p1 $0x1  }
0x15: {  	[smem:$0x3FB5] =	sst s0;
	s0 =	simm.s32 @!p2 $0x0  }
0x16: {  	s3 =	sld [smem:$0x3FDB];
	s0 =	simm.s32 @p2 $0x1  }
0x17: {  	s4 =	simm.s32 $0x1BF5;
	[smem:$0x3FB7] =	sst s0  }
0x18: {  	s0 =	sld [smem:$0x3F9A];
	_ =	swait.ge [sflag:s4], $0x0  }
0x19: {  	s7 =	sld [smem:$0x3F9B]  }
0x1a: {  	s8 =	sadd.s32 $0xFFFFE003, lr  }
0x1b: {  	s9 =	sadd.s32 $0xFFFFFEF7, lr;
	s5 =	simm.s32 $0xFFFFFFFF;
	p2 =	slt.u32 s8, $0xFFFFF086  }
0x1c: {  	p1 =	slt.u32 s9, $0xF7A;
	s5 =	simm.s32 @!p2 $0x0  }
0x1d: {  	s5 =	simm.s32 @p1 $0x1;
	p0 =	seq.s32 s7, s2  }
0x1e: {  	s7 =	smul.u32 @!p0 $0xF7A, s2;
	p2 =	seq.s32 @!p0 s5, $0x0  }
0x1f: {  	s9 =	smul.u32 $0xF7A, s1;
	s8 =	simm.s32 @!p0 $0x1BF5;
	p2 =	por !p2, p0  }
0x20: {  	[sflag:s8] =	ssyncset.s32 @!p0 $0xFFFFF086;
	s6 =	sadd.s32 @!p0 s3, s7;
	s7 =	simm.s32 @!p0 $0x108  }
0x21: {  	s3 =	sadd.s32 s3, s9;
	s6 =	sadd.s32 @!p0 $0x88, s6;
	s7 =	simm.s32 @p2 $0x1082  }
0x22: {  	[simem:s7], [sflag:s8] =	dma.local @!p0 [hbm:s6], $0xF7A  }
0x23: {  	s9 =	sor.u32 $0xD0000000, s2;
	s6 =	simm.s32 $0x108;
	_ =	swait.ge @!p0 [sflag:s8], $0x0  }
0x24: {  	s3 =	sadd.s32 $0x88, s3;
	s6 =	simm.s32 @!p1 $0x1082;
	[sflag:s4] =	ssyncset.s32 $0xFFFFF086  }
0x25: {  	[simem:s6], [sflag:s4] =	dma.local [hbm:s3], $0xF7A  }
0x26: {  	[smem:$0x3F9B] =	sst s1;
	(tag) =	ssettag s2;
	_ =	strace s9  }
0x27: {  	s1 =	sld [smem:$0x3FAB]  }
0x28: {  	s2 =	sld [smem:$0x3FAC]  }
0x29: {  	s4 =	sld [smem:$0x3FAE]  }
0x2a: {  	p0 =	seq.s32 s5, $0x0;
	s5 =	sld [smem:$0x3FAF]  }
0x2b: {  	s6 =	sld [smem:$0x3FB0]  }
0x2c: {  	s7 =	sld [smem:$0x3FB1]  }
0x2d: {  	s3 =	simm.s32 $0x108;
	s8 =	sld [smem:$0x3FB2]  }
0x2e: {  	s3 =	simm.s32 @!p0 $0x1082;
	s9 =	sld [smem:$0x3FB3]  }
0x2f: {  	lr =	sadd.s32 s0, s3;
	s0 =	sld [smem:$0x3FAA]  }
0x30: {  	s3 =	sld [smem:$0x3FAD]  }
0x31: {  	[smem:$0x3FB6] =	sst s10  }
0x32: {  	s10 =	sld [smem:$0x3FB4];
	_ =	sdelay $0x3  }
0x33: {  	p0 =	seq.s32 s10, $0x1;
	s10 =	sld [smem:$0x3FB6];
	_ =	sdelay $0x3  }
0x34: {  	[smem:$0x3FB6] =	sst s10  }
0x35: {  	s10 =	sld [smem:$0x3FB5];
	_ =	sdelay $0x3  }
0x36: {  	p1 =	seq.s32 s10, $0x1;
	s10 =	sld [smem:$0x3FB6];
	_ =	sdelay $0x3  }
0x37: {  	[smem:$0x3FB6] =	sst s10  }
0x38: {  	s10 =	sld [smem:$0x3FB7]  }
0x39: {  	_ = 	snop;
	(pc) =	sbr.ind lr, $3  }
0x3a: {  	_ = 	snop  }
0x3b: {  	_ = 	snop  }
0x3c: {  	p2 =	seq.s32 s10, $0x1;
	s10 =	sld [smem:$0x3FB6]  }
0x3d: {  	_ =	shalt  }
0x3e: {  	_ =	shalt  }
0x3f: {  	_ =	shalt  }
0x40: {  	_ =	shalt  }
0x41: {  	_ =	shalt  }
0x42: {  	_ =	shalt  }
0x43: {  	_ =	shalt  }
0x44: {  	_ =	shalt  }
0x45: {  	_ =	shalt  }
0x46: {  	_ =	shalt  }
0x47: {  	_ =	shalt  }
0x48: {  	_ =	shalt  }
0x49: {  	_ =	shalt  }
0x4a: {  	_ =	shalt  }
0x4b: {  	_ =	shalt  }
0x4c: {  	_ =	shalt  }
0x4d: {  	_ =	shalt  }
0x4e: {  	_ =	shalt  }
0x4f: {  	_ =	shalt  }
0x50: {  	_ =	shalt  }
0x51: {  	_ =	shalt  }
0x52: {  	_ =	shalt  }
0x53: {  	_ =	shalt  }
0x54: {  	_ =	shalt  }
0x55: {  	_ =	shalt  }
0x56: {  	_ =	shalt  }
0x57: {  	_ =	shalt  }
0x58: {  	_ =	shalt  }
0x59: {  	_ =	shalt  }
0x5a: {  	_ =	shalt  }
0x5b: {  	_ =	shalt  }
0x5c: {  	_ =	shalt  }
0x5d: {  	_ =	shalt  }
0x5e: {  	_ =	shalt  }
0x5f: {  	_ =	shalt  }
0x60: {  	_ =	shalt  }
0x61: {  	_ =	shalt  }
0x62: {  	_ =	shalt  }
0x63: {  	_ =	shalt  }
0x64: {  	_ =	shalt  }
0x65: {  	_ =	shalt  }
0x66: {  	_ =	shalt  }
0x67: {  	_ =	shalt  }
0x68: {  	_ =	shalt  }
0x69: {  	_ =	shalt  }
0x6a: {  	_ =	shalt  }
0x6b: {  	_ =	shalt  }
0x6c: {  	_ =	shalt  }
0x6d: {  	_ =	shalt  }
0x6e: {  	_ =	shalt  }
0x6f: {  	_ =	shalt  }
0x70: {  	_ =	shalt  }
0x71: {  	_ =	shalt  }
0x72: {  	_ =	shalt  }
0x73: {  	_ =	shalt  }
0x74: {  	_ =	shalt  }
0x75: {  	_ =	shalt  }
0x76: {  	_ =	shalt  }
0x77: {  	_ =	shalt  }
0x78: {  	_ =	shalt  }
0x79: {  	_ =	shalt  }
0x7a: {  	_ =	shalt  }
0x7b: {  	_ =	shalt  }
0x7c: {  	_ =	shalt  }
0x7d: {  	_ =	shalt  }
0x7e: {  	_ =	shalt  }
0x7f: {  	_ =	shalt  }
0x80: {  	_ =	shalt  }
0x81: {  	_ =	shalt  }
0x82: {  	_ =	shalt  }
0x83: {  	_ =	shalt  }
0x84: {  	_ =	shalt  }
0x85: {  	_ =	shalt  }
0x86: {  	_ =	shalt  }
0x87: {  	_ =	shalt  }
.Lfunc_end0:
.L_simem_size_0:
called_computation_lowered:
.L_overlay_start_0:
0x88: {  	s2 =	sld [smem:$0x3FD9]  }
0x89: {  	s3 =	sld [smem:$0x3FFE];
	_ =	sdelay $0x1  }
0x8a: {  	s1 =	srdreg.scid  }
0x8b: {  	s0 =	sand.u32 $0x1, s1  }
0x8c: {  	s17 =	sshll.u32 s0, $0xA;
	s2 =	sadd.s32 s3, s2  }
0x8d: {  	s2 =	sadd.s32 s2, s17  }
0x8e: {  	[smem:$0x3FC2] =	sst s2  }
0x8f: {  	_ = 	snop  }
0x90: {  	s2 =	sld [smem:$0x3FC9]  }
0x91: {  	s18 =	sld [smem:$0x3FC4]  }
0x92: {  	s4 =	sld [smem:$0x3FD0];
	(tm) =	ssettm $0x1  }
0x93: {  	s5 =	sld [smem:$0x3FFB];
	_ =	sdelay $0x3  }
0x94: {  	_ =	strace s5  }
0x95: {  	s5 =	sld [smem:$0x3FFC];
	_ =	sdelay $0x3  }
0x96: {  	_ =	strace s5  }
0x97: {  	s5 =	sld [smem:$0x3FFD];
	_ =	sdelay $0x3  }
0x98: {  	_ =	strace s5  }
0x99: {  	_ =	strace $0x8FFFFFFF  }
0x9a: {  	s19 =	sld [smem:$0x3FDB];
	_ =	sdelay $0x1  }
0x9b: {  	s6 =	simm.s32 $_scs_section_size  }
0x9c: {  	s7 =	simm.s32 $_size__tile_overlayer_lowered;
	s8 =	simm.s32 $_tile_overlayer_lowered  }
0x9d: {  	s22 =	simm.s32 $0x1BFF;
	s21 =	sshll.u32 s8, $0x1;
	s5 =	sadd.s32 s6, s19  }
0x9e: {  	s9 =	simm.s32 $0x0;
	s20 =	sshll.u32 s7, $0x1;
	s7 =	sadd.s32 s21, s5  }
0x9f: {  	[timem:s9], [sflag:s22] =	dma.local [hbm:s7], s20  }
0xa0: {  	_ =	swait.ge [sflag:s22], s20  }
0xa1: {  	s6 =	ssub.s32 $0x0, s20;
	[sflag:s22] =	ssyncset.done $0x0  }
0xa2: {  	[sflag:s22] =	ssyncadd.s32 s6;
	_ =	sdelay $0x1  }
0xa3: {  	s23 =	simm.s32 $0x1B8B  }
0xa4: {  	_ =	swait.ge [sflag:s23], $0x1  }
0xa5: {  	[sflag:s23] =	ssyncset.done $0x0  }
0xa6: {  	s25 =	simm.s32 $0x1B8E;
	s24 =	sld [smem:$0x3FFE];
	[sflag:s23] =	ssyncadd.s32 $0xFFFFFFFF  }
0xa7: {  	s26 =	simm.s32 $execute0_lowered;
	[smem:$0x3FD2] =	sst s25  }
0xa8: {  	s7 =	sshll.u32 s26, $0x1;
	_ =	strace $0x80000046;
	[dreg:$0x1] =	wrdreg $0xFFFFFFFF  }
0xa9: {  	s28 =	simm.s32 $_size_execute0_lowered;
	s5 =	sadd.s32 s5, s7;
	[dreg:$0x0] =	wrdreg $0x0  }
0xaa: {  	s7 =	sshll.u32 s28, $0x1;
	[dreg:$0x2] =	wrdreg s5  }
0xab: {  	[dreg:$0x3] =	wrdreg s7  }
0xac: {  	[dreg:$0x4] =	wrdreg $0xC0  }
0xad: {  	_ =	task [dreg:s9], $0x5FFFF  }
0xae: {  	[dreg:$0x1] =	wrdreg $0xFFFFFFFF  }
0xaf: {  	[dreg:$0x0] =	wrdreg $0x60  }
0xb0: {  	[dreg:$0x2] =	wrdreg s2  }
0xb1: {  	[dreg:$0x3] =	wrdreg s24  }
0xb2: {  	[dreg:$0x4] =	wrdreg s18  }
0xb3: {  	[dreg:$0x5] =	wrdreg s4  }
0xb4: {  	[dreg:$0x6] =	wrdreg $0x9  }
0xb5: {  	_ =	task.clear_ibuf [dreg:s9], $0x7FFFF;
	_ =	strace $0x90000046  }
0xb6: {  	s29 =	simm.s32 $0x9;
	_ =	strace $0x80000048  }
0xb7: {  	_ =	swait.ge [sflag:s29], $0x1  }
0xb8: {  	[sflag:s29] =	ssyncadd.s32 $0xFFFFFFFF  }
0xb9: {  	_ =	strace $0x90000048  }
0xba: {  	_ =	sfence  }
0xbb: {  	s30 =	sld [smem:$0x0];
	_ =	sdelay $0x2  }
0xbc: {  	s31 =	sshll.u32 s1, $0xD;
	s1 =	sshrl.u32 s1, $0x2  }
0xbd: {  	s3 =	sand.u32 $0x4000, s31;
	s1 =	sadd.s32 s1, s30  }
0xbe: {  	s0 =	sor.u32 s3, s0;
	s1 =	sshll.u32 s1, $0x11  }
0xbf: {  	s0 =	sor.u32 s1, s0  }
0xc0: {  	s0 =	sadd.s32 $0x8F2B, s0  }
0xc1: {  	[sflag:s0] =	ssyncadd.remote.s32 $0x1  }
0xc2: {  	_ =	sfence.sel $0xFFFF  }
0xc3: {  	[dreg:$0x0] =	wrdreg $0xFFFFFFFF;
	(pc) =	sbr.abs _section_cstart, $3  }
0xc4: {  	[dreg:$0x1] =	wrdreg $0xFFFFFFFF  }
0xc5: {  	_ =	task.clear_ibuf [dreg:s9], $0x2FFFF;
	_ =	strace $0x9FFFFFFF  }
0xc6: {  	(tm) =	ssettm $0x7FFFFFFF  }
0xc7: {  	_ =	shalt  }
tec
execute0_lowered:
.L_overlay_start_1:
0x0: {  	(tag) =	ssettag $0x1  }
0x1: {  	s0 =	rddreg [dreg:$0x0]  }
0x2: {  	s1 =	rddreg [dreg:$0x1]  }
0x3: {  	s14 =	rddreg [dreg:$0x2];
	s2 =	srdreg.scid  }
0x4: {  	s12 =	stileid.u32;
	s3 =	rddreg [dreg:$0x3]  }
0x5: {  	s4 =	simm.s32 $0x0;
	s8 =	simm.s32 $0x1;
	s7 =	simm.s32 $0x1  }
0x6: {  	s30 =	simm.s32 $0x14800;
	s19 =	simm.s32 $0x7;
	s28 =	simm.s32 $0xE  }
0x7: {  	s29 =	simm.s32 $0xF;
	s9 =	sand.u32 $0x1, s2;
	s15 =	sshll.u32 s12, $0x1  }
0x8: {  	[smem:$0x7FF] =	sst s4;
	s5 =	sadd.s32 $0x2600, s1;
	s6 =	sadd.s32 $0x12800, s1  }
0x9: {  	s24 =	sadd.s32 $0x10, s14;
	s14 =	simm.s32 $0xC;
	s11 =	sor.u32 s9, s15  }
0xa: {  	_ =	strace $0x80000047;
	p1 =	seq.s32 s9, $0x1;
	s16 =	ssub.s32 $0x2, s9  }
0xb: {  	s13 =	sshll.u32 s9, $0xF;
	[dreg:$0x9] =	wrdreg s24;
	s24 =	simm.s32 $0x2  }
0xc: {  	s2 =	sshll.u32 s11, $0x7;
	p0 =	seq.s32 s11, $0x0;
	s17 =	sshrl.u32 s16, $0x1  }
0xd: {  	s21 =	sand.u32 $0x3, s11;
	s23 =	sor.u32 $0x400, s13;
	[dreg:$0x7] =	wrdreg s13  }
0xe: {  	s10 =	sadd.s32 s2, s1;
	p0 =	por !p0, !p1;
	s1 =	ssub.s32 s16, s17  }
0xf: {  	v0 =	vimm.s32 $0x76543210;
	s17 =	simm.s32 $0x9;
	p0 =	por !p0, !p0;
	s20 =	sadd.s32 $0x600, s10  }
0x10: {  	v1 =	vimm.s32 $0x13121110;
	v2 =	vimm.s32 $0x17161514;
	v0 =	vunpack.c.l.s4.s8 v0;
	s10 =	sadd.s32 $0x1600, s10;
	s1 =	smax.u32 s1, $0x1;
	[dreg:$0x5] =	wrdreg s20  }
0x11: {  	v1 =	vunpack.c.0.s8.s32 v1;
	v2 =	vunpack.c.0.s8.s32 v2;
	s8 =	simm.s32 @!p0 $0x0;
	[dreg:$0x6] =	wrdreg s10;
	s10 =	smul.u32 $0x201, s21  }
0x12: {  	vm0 =	vcmask $0x1F10;
	v0 =	vunpack.c.0.s8.s32 v0;
	[dreg:$0x8] =	wrdreg s1;
	p0 =	sne.s32 s11, $0x0;
	s21 =	simm.s32 $0xE800  }
0x13: {  	v1 =	vsel vm0, v2, v1;
	s1 =	simm.s32 $0x5;
	s11 =	simm.s32 $0x10;
	s18 =	ssub.s32 s12, s8  }
0x14: {  	v5 =	vlaneseq.u32;
	v3 =	vcombine.low v0, v1;
	s8 =	sshll.u32 s9, $0xA;
	s9 =	sor.u32 $0x800, s13;
	s22 =	sshll.u32 s18, $0x10  }
0x15: {  	v0 =	vand.u32 $0x7, v5;
	v1 =	vor.u32 $0x8, v5;
	s13 =	sor.u32 $0xC00, s13;
	s25 =	sor.u32 $0x11, s8;
	s12 =	sand.u32 $0x1FFF0000, s22  }
.Ltmp0:
0x16: {  	v6 =	vperm.xlane v3, v0;
	v7 =	vperm.xlane v3, v1;
	v3 =	vmov s10;
	s10 =	simm.s32 $0x0;
	s12 =	sadd.s32 s0, s12;
	(pc) =	sbr.rel .LBB2_1-.Ltmp0, $4  }
0x17: {  	v2 =	vshrl.u32 v5, $0x3;
	[dreg:$0xa] =	wrdreg s25;
	s22 =	simm.s32 $0xA;
	s0 =	sadd.s32 s12, s23  }
0x18: {  	v2 =	vmul.u32 $0x8, v2;
	s26 =	sadd.s32 s12, s9;
	s31 =	sadd.s32 s12, s13;
	[dreg:$0xb] =	wrdreg s0  }
0x19: {  	vm0 =	vmmov $0xffff;
	v5 =	vmul.u32 $0x10, v5;
	s9 =	simm.s32 $0x3;
	s23 =	simm.s32 $0xB;
	[dreg:$0xc] =	wrdreg s26  }
0x1a: {  	v4 =	vmov s18;
	v6 =	vadd.s32 v2, v6;
	v7 =	vadd.s32 v2, v7;
	[dreg:$0xd] =	wrdreg s31;
	s0 =	simm.s32 $0x6;
	s26 =	simm.s32 $0xD  }
.LBB2_24:
0x1b: {  	s2 =	simm.s32 $0x4  }
0x1c: {  	_ =	swait.ge [sflag:s2], $0x2000  }
0x1d: {  	[sflag:s2] =	ssyncset.done $0x0  }
0x1e: {  	s25 =	simm.s32 $0x8;
	[sflag:s2] =	ssyncadd.s32 $0xFFFFE000  }
0x1f: {  	_ =	swait.ge [sflag:s25], $0x2000  }
0x20: {  	[sflag:s25] =	ssyncset.done $0x0  }
0x21: {  	[sflag:s25] =	ssyncadd.s32 $0xFFFFE000  }
0x22: {  	_ =	swait.ge [sflag:s14], $0x2000  }
0x23: {  	[sflag:s14] =	ssyncset.done $0x0  }
0x24: {  	[sflag:s14] =	ssyncadd.s32 $0xFFFFE000  }
0x25: {  	_ =	swait.ge [sflag:s11], $0x2000  }
0x26: {  	s10 =	rddreg [dreg:$0xe]  }
0x27: {  	s31 =	rddreg [dreg:$0x8];
	s10 =	sadd.s32 $0x1, s10  }
0x28: {  	p1 =	sne.s32 s10, s31  }
.Ltmp1:
0x29: {  	_ = 	snop;
	(pc) =	sbr.rel @!p1 .LBB2_25-.Ltmp1, $3  }
0x2a: {  	_ =	sdelay $0x1  }
0x2b: {  	[sflag:s11] =	ssyncset.done $0x0  }
0x2c: {  	[sflag:s11] =	ssyncadd.s32 $0xFFFFE000  }
.LBB2_1:
0x2d: {  	[dreg:$0xe] =	wrdreg s10  }
0x2e: {  	s2 =	rddreg [dreg:$0x5];
	s25 =	simm.s32 $0x12  }
0x2f: {  	[tilespmem:s4], [sflag:$0x12] =	stream.linear.gather [hbm4b:s2+s4], $0x400, $0x38;
	[tilespmem:$0x1A800] =	vst v63  }
0x30: {  	_ =	swait.ge [sflag:s25], $0x400  }
0x31: {  	[sflag:s25] =	ssyncset.done $0x0  }
0x32: {  	s13 =	simm.s32 $0x400;
	s31 =	rddreg [dreg:$0x6];
	[sflag:s25] =	ssyncadd.s32 $0xFFFFFC00  }
0x33: {  	[tilespmem:s13], [sflag:$0x12] =	stream.linear.gather [hbm4b:s31+s4], $0x400, $0x38;
	[tilespmem:$0x1A800] =	vst v63  }
0x34: {  	_ =	swait.ge [sflag:s25], $0x400  }
0x35: {  	[sflag:s25] =	ssyncset.done $0x0  }
0x36: {  	s10 =	simm.s32 $0x0;
	[sflag:s25] =	ssyncadd.s32 $0xFFFFFC00  }
0x37: {  	s13 =	simm.s32 $0x40;
	v8 =	vld [tilespmem:s10+$0x0]  }
.LBB2_2:
0x38: {  	p1 =	sne.s32 s13, $0xFC0;
	v9 =	vld [tilespmem:s10+$0x400];
	_ =	sdelay $0x1  }
.Ltmp2:
0x39: {  	(pc) =	sbr.rel @p1 .LBB2_2-.Ltmp2, $4  }
0x3a: {  	_ = 	snop  }
0x3b: {  	v8 =	vadd.s32 v3, v8  }
0x3c: {  	s15 =	sshra.s32 s13, $0x2;
	[tilespmem:s10+$0x0] =	vst v8;
	v9 =	vadd.s32 v3, v9  }
0x3d: {  	s13 =	sadd.s32 $0x40, s13;
	v8 =	vld [tilespmem:s15+$0x0];
	[tilespmem:s10+$0x400] =	vst v9;
	s10 =	smov.u32 s15  }
0x3e: {  	v9 =	vld [tilespmem:s10+$0x400]  }
0x3f: {  	s2 =	rddreg [dreg:$0xa]  }
0x40: {  	s13 =	sadd.s32 $0xFFFFFFF0, s2  }
0x41: {  	v10 =	vmov s13  }
0x42: {  	v11 =	vmov s2;
	v10 =	vshll.u32 v10, $0x4;
	v8 =	vadd.s32 v3, v8  }
0x43: {  	v10 =	vadd.s32 v5, v10;
	[tilespmem:s10+$0x0] =	vst v8;
	v8 =	vadd.s32 v3, v9;
	v9 =	vshll.u32 v11, $0x4  }
0x44: {  	s15 =	simm.s32 $0x0;
	[tilespmem:s10+$0x400] =	vst v8;
	v8 =	vadd.s32 v5, v9;
	v9 =	vadd.s32 v4, v10  }
0x45: {  	s13 =	sadd.s32 $0x20, s2;
	s10 =	simm.s32 $0x200;
	v8 =	vadd.s32 v4, v8;
	[tilespmem:s15+$0x800] =	vst v9  }
.LBB2_4:
0x46: {  	s16 =	sadd.s32 $0xFFFFFFF0, s13  }
0x47: {  	v9 =	vmov s13;
	p1 =	sne.s32 s10, $0x3E00;
	[tilespmem:s15+$0x810] =	vst v8;
	s15 =	smov.u32 s10;
	s10 =	sadd.s32 $0x200, s10  }
.Ltmp3:
0x48: {  	v8 =	vmov s16;
	v9 =	vshll.u32 v9, $0x4;
	(pc) =	sbr.rel @p1 .LBB2_4-.Ltmp3, $4  }
0x49: {  	v8 =	vshll.u32 v8, $0x4;
	v9 =	vadd.s32 v5, v9  }
0x4a: {  	v10 =	vadd.s32 v5, v8;
	v8 =	vadd.s32 v4, v9  }
0x4b: {  	s15 =	sshra.s32 s15, $0x2;
	v9 =	vadd.s32 v4, v10  }
0x4c: {  	s13 =	sadd.s32 $0x20, s13;
	[tilespmem:s15+$0x800] =	vst v9  }
.Ltmp4:
0x4d: {  	(pc) =	sbr.rel @p0 .LBB2_7-.Ltmp4, $2  }
0x4e: {  	_ =	sdelay $0x2  }
0x4f: {  	[tilespmem:s15+$0x810] =	vst v8  }
0x50: {  	s2 =	rddreg [dreg:$0x2];
	s10 =	simm.s32 $0x1800  }
0x51: {  	[tilespmem:s10], [sflag:$0x12] =	stream.linear.gather [hbm4b:s2+s4], $0x80, $0x38;
	[tilespmem:$0x1A800] =	vst v63  }
0x52: {  	s18 =	rddreg [dreg:$0x9];
	s13 =	simm.s32 $0x1C00;
	s20 =	simm.s32 $0x12  }
0x53: {  	[tilespmem:s13], [sflag:$0x12] =	stream.linear.gather [hbm4b:s18+s4], $0x80, $0x38;
	[tilespmem:$0x1A800] =	vst v63  }
0x54: {  	_ =	swait.ge [sflag:s20], $0x100  }
0x55: {  	[sflag:s20] =	ssyncset.done $0x0  }
0x56: {  	[sflag:s20] =	ssyncadd.s32 $0xFFFFFF00  }
0x57: {  	v8 =	vld [tilespmem:$0x1800];
	_ =	sdelay $0x4  }
0x58: {  	[tilespmem:$0x1880] =	vst v8  }
0x59: {  	[tilespmem:$0x1900] =	vst v8  }
0x5a: {  	[tilespmem:$0x1980] =	vst v8  }
0x5b: {  	[tilespmem:$0x1A00] =	vst v8  }
0x5c: {  	[tilespmem:$0x1A80] =	vst v8  }
0x5d: {  	[tilespmem:$0x1B00] =	vst v8  }
0x5e: {  	[tilespmem:$0x1B80] =	vst v8  }
0x5f: {  	[tilespmem:$0x2000] =	vst v8  }
0x60: {  	[tilespmem:$0x2080] =	vst v8  }
0x61: {  	[tilespmem:$0x2100] =	vst v8  }
0x62: {  	v9 =	vld [tilespmem:$0x1810];
	[tilespmem:$0x2180] =	vst v8  }
0x63: {  	[tilespmem:$0x2200] =	vst v8  }
0x64: {  	[tilespmem:$0x2280] =	vst v8  }
0x65: {  	[tilespmem:$0x2300] =	vst v8  }
0x66: {  	[tilespmem:$0x2380] =	vst v8  }
0x67: {  	[tilespmem:$0x1890] =	vst v9  }
0x68: {  	[tilespmem:$0x1910] =	vst v9  }
0x69: {  	[tilespmem:$0x1990] =	vst v9  }
0x6a: {  	[tilespmem:$0x1A10] =	vst v9  }
0x6b: {  	[tilespmem:$0x1A90] =	vst v9  }
0x6c: {  	[tilespmem:$0x1B10] =	vst v9  }
0x6d: {  	[tilespmem:$0x1B90] =	vst v9  }
0x6e: {  	[tilespmem:$0x2010] =	vst v9  }
0x6f: {  	[tilespmem:$0x2090] =	vst v9  }
0x70: {  	[tilespmem:$0x2110] =	vst v9  }
0x71: {  	v57 =	vld [tilespmem:$0x1830];
	[tilespmem:$0x2190] =	vst v9  }
0x72: {  	[tilespmem:$0x2210] =	vst v9  }
0x73: {  	[tilespmem:$0x2290] =	vst v9  }
0x74: {  	[tilespmem:$0x2310] =	vst v9  }
0x75: {  	[tilespmem:$0x2390] =	vst v9  }
0x76: {  	[tilespmem:$0x18B0] =	vst v57  }
0x77: {  	[tilespmem:$0x1930] =	vst v57  }
0x78: {  	[tilespmem:$0x19B0] =	vst v57  }
0x79: {  	[tilespmem:$0x1A30] =	vst v57  }
0x7a: {  	[tilespmem:$0x1AB0] =	vst v57  }
0x7b: {  	[tilespmem:$0x1B30] =	vst v57  }
0x7c: {  	[tilespmem:$0x1BB0] =	vst v57  }
0x7d: {  	[tilespmem:$0x2030] =	vst v57  }
0x7e: {  	[tilespmem:$0x20B0] =	vst v57  }
0x7f: {  	[tilespmem:$0x2130] =	vst v57  }
0x80: {  	v58 =	vld [tilespmem:$0x1850];
	[tilespmem:$0x21B0] =	vst v57  }
0x81: {  	[tilespmem:$0x2230] =	vst v57  }
0x82: {  	[tilespmem:$0x22B0] =	vst v57  }
0x83: {  	[tilespmem:$0x2330] =	vst v57  }
0x84: {  	[tilespmem:$0x23B0] =	vst v57  }
0x85: {  	[tilespmem:$0x18D0] =	vst v58  }
0x86: {  	[tilespmem:$0x1950] =	vst v58  }
0x87: {  	[tilespmem:$0x19D0] =	vst v58  }
0x88: {  	[tilespmem:$0x1A50] =	vst v58  }
0x89: {  	[tilespmem:$0x1AD0] =	vst v58  }
0x8a: {  	[tilespmem:$0x1B50] =	vst v58  }
0x8b: {  	[tilespmem:$0x1BD0] =	vst v58  }
0x8c: {  	[tilespmem:$0x2050] =	vst v58  }
0x8d: {  	[tilespmem:$0x20D0] =	vst v58  }
0x8e: {  	[tilespmem:$0x2150] =	vst v58  }
0x8f: {  	v59 =	vld [tilespmem:$0x1870];
	[tilespmem:$0x21D0] =	vst v58  }
0x90: {  	[tilespmem:$0x2250] =	vst v58  }
0x91: {  	[tilespmem:$0x22D0] =	vst v58  }
0x92: {  	[tilespmem:$0x2350] =	vst v58  }
0x93: {  	[tilespmem:$0x23D0] =	vst v58  }
0x94: {  	[tilespmem:$0x18F0] =	vst v59  }
0x95: {  	[tilespmem:$0x1970] =	vst v59  }
0x96: {  	[tilespmem:$0x19F0] =	vst v59  }
0x97: {  	[tilespmem:$0x1A70] =	vst v59  }
0x98: {  	[tilespmem:$0x1AF0] =	vst v59  }
0x99: {  	[tilespmem:$0x1B70] =	vst v59  }
0x9a: {  	[tilespmem:$0x1BF0] =	vst v59  }
0x9b: {  	[tilespmem:$0x2070] =	vst v59  }
0x9c: {  	[tilespmem:$0x20F0] =	vst v59  }
0x9d: {  	[tilespmem:$0x2170] =	vst v59  }
0x9e: {  	v60 =	vld [tilespmem:$0x1C10];
	[tilespmem:$0x21F0] =	vst v59  }
0x9f: {  	[tilespmem:$0x2270] =	vst v59  }
0xa0: {  	[tilespmem:$0x22F0] =	vst v59  }
0xa1: {  	[tilespmem:$0x2370] =	vst v59  }
0xa2: {  	[tilespmem:$0x23F0] =	vst v59  }
0xa3: {  	[tilespmem:$0x1C90] =	vst v60  }
0xa4: {  	[tilespmem:$0x1D10] =	vst v60  }
0xa5: {  	[tilespmem:$0x1D90] =	vst v60  }
0xa6: {  	[tilespmem:$0x1E10] =	vst v60  }
0xa7: {  	[tilespmem:$0x1E90] =	vst v60  }
0xa8: {  	[tilespmem:$0x1F10] =	vst v60  }
0xa9: {  	[tilespmem:$0x1F90] =	vst v60  }
0xaa: {  	[tilespmem:$0x2410] =	vst v60  }
0xab: {  	[tilespmem:$0x2490] =	vst v60  }
0xac: {  	[tilespmem:$0x2510] =	vst v60  }
0xad: {  	v61 =	vld [tilespmem:$0x1C30];
	[tilespmem:$0x2590] =	vst v60  }
0xae: {  	[tilespmem:$0x2610] =	vst v60  }
0xaf: {  	[tilespmem:$0x2690] =	vst v60  }
0xb0: {  	[tilespmem:$0x2710] =	vst v60  }
0xb1: {  	[tilespmem:$0x2790] =	vst v60  }
0xb2: {  	[tilespmem:$0x1CB0] =	vst v61  }
0xb3: {  	[tilespmem:$0x1D30] =	vst v61  }
0xb4: {  	[tilespmem:$0x1DB0] =	vst v61  }
0xb5: {  	[tilespmem:$0x1E30] =	vst v61  }
0xb6: {  	[tilespmem:$0x1EB0] =	vst v61  }
0xb7: {  	[tilespmem:$0x1F30] =	vst v61  }
0xb8: {  	[tilespmem:$0x1FB0] =	vst v61  }
0xb9: {  	[tilespmem:$0x2430] =	vst v61  }
0xba: {  	[tilespmem:$0x24B0] =	vst v61  }
0xbb: {  	[tilespmem:$0x2530] =	vst v61  }
0xbc: {  	v62 =	vld [tilespmem:$0x1C50];
	[tilespmem:$0x25B0] =	vst v61  }
0xbd: {  	[tilespmem:$0x2630] =	vst v61  }
0xbe: {  	[tilespmem:$0x26B0] =	vst v61  }
0xbf: {  	[tilespmem:$0x2730] =	vst v61  }
0xc0: {  	[tilespmem:$0x27B0] =	vst v61  }
0xc1: {  	[tilespmem:$0x1CD0] =	vst v62  }
0xc2: {  	v8 =	vld [tilespmem:$0x1820];
	[tilespmem:$0x1D50] =	vst v62  }
0xc3: {  	[tilespmem:$0x1DD0] =	vst v62  }
0xc4: {  	[tilespmem:$0x1E50] =	vst v62  }
0xc5: {  	[tilespmem:$0x1ED0] =	vst v62  }
0xc6: {  	[tilespmem:$0x1F50] =	vst v62  }
0xc7: {  	[tilespmem:$0x18A0] =	vst v8  }
0xc8: {  	[tilespmem:$0x1920] =	vst v8  }
0xc9: {  	[tilespmem:$0x19A0] =	vst v8  }
0xca: {  	[tilespmem:$0x1A20] =	vst v8  }
0xcb: {  	[tilespmem:$0x1AA0] =	vst v8  }
0xcc: {  	[tilespmem:$0x1B20] =	vst v8  }
0xcd: {  	[tilespmem:$0x1BA0] =	vst v8  }
0xce: {  	[tilespmem:$0x2020] =	vst v8  }
0xcf: {  	[tilespmem:$0x20A0] =	vst v8  }
0xd0: {  	[tilespmem:$0x2120] =	vst v8  }
0xd1: {  	[tilespmem:$0x21A0] =	vst v8  }
0xd2: {  	[tilespmem:$0x2220] =	vst v8  }
0xd3: {  	[tilespmem:$0x22A0] =	vst v8  }
0xd4: {  	[tilespmem:$0x2320] =	vst v8  }
0xd5: {  	[tilespmem:$0x23A0] =	vst v8;
	v8 =	vld [tilespmem:$0x1840]  }
0xd6: {  	[tilespmem:$0x1FD0] =	vst v62  }
0xd7: {  	[tilespmem:$0x2450] =	vst v62  }
0xd8: {  	[tilespmem:$0x24D0] =	vst v62  }
0xd9: {  	[tilespmem:$0x2550] =	vst v62  }
0xda: {  	[tilespmem:$0x18C0] =	vst v8  }
0xdb: {  	[tilespmem:$0x1940] =	vst v8  }
0xdc: {  	[tilespmem:$0x19C0] =	vst v8  }
0xdd: {  	[tilespmem:$0x1A40] =	vst v8  }
0xde: {  	[tilespmem:$0x1AC0] =	vst v8  }
0xdf: {  	[tilespmem:$0x1B40] =	vst v8  }
0xe0: {  	[tilespmem:$0x1BC0] =	vst v8  }
0xe1: {  	[tilespmem:$0x2040] =	vst v8  }
0xe2: {  	[tilespmem:$0x20C0] =	vst v8  }
0xe3: {  	[tilespmem:$0x2140] =	vst v8  }
0xe4: {  	[tilespmem:$0x21C0] =	vst v8  }
0xe5: {  	[tilespmem:$0x2240] =	vst v8  }
0xe6: {  	[tilespmem:$0x22C0] =	vst v8  }
0xe7: {  	[tilespmem:$0x2340] =	vst v8  }
0xe8: {  	[tilespmem:$0x23C0] =	vst v8;
	v8 =	vld [tilespmem:$0x1860]  }
0xe9: {  	[tilespmem:$0x25D0] =	vst v62  }
0xea: {  	[tilespmem:$0x2650] =	vst v62  }
0xeb: {  	[tilespmem:$0x26D0] =	vst v62  }
0xec: {  	[tilespmem:$0x2750] =	vst v62  }
0xed: {  	[tilespmem:$0x18E0] =	vst v8  }
0xee: {  	[tilespmem:$0x1960] =	vst v8  }
0xef: {  	[tilespmem:$0x19E0] =	vst v8  }
0xf0: {  	[tilespmem:$0x1A60] =	vst v8  }
0xf1: {  	[tilespmem:$0x1AE0] =	vst v8  }
0xf2: {  	[tilespmem:$0x1B60] =	vst v8  }
0xf3: {  	[tilespmem:$0x1BE0] =	vst v8  }
0xf4: {  	[tilespmem:$0x2060] =	vst v8  }
0xf5: {  	[tilespmem:$0x20E0] =	vst v8  }
0xf6: {  	[tilespmem:$0x2160] =	vst v8  }
0xf7: {  	[tilespmem:$0x21E0] =	vst v8  }
0xf8: {  	v63 =	vld [tilespmem:$0x1C70];
	[tilespmem:$0x2260] =	vst v8  }
0xf9: {  	[tilespmem:$0x22E0] =	vst v8  }
0xfa: {  	[tilespmem:$0x2360] =	vst v8  }
0xfb: {  	[tilespmem:$0x23E0] =	vst v8;
	v8 =	vld [tilespmem:$0x1C00]  }
0xfc: {  	[tilespmem:$0x27D0] =	vst v62  }
0xfd: {  	[tilespmem:$0x1CF0] =	vst v63  }
0xfe: {  	[tilespmem:$0x1D70] =	vst v63  }
0xff: {  	[tilespmem:$0x1DF0] =	vst v63  }
0x100: {  	[tilespmem:$0x1C80] =	vst v8  }
0x101: {  	[tilespmem:$0x1D00] =	vst v8  }
0x102: {  	[tilespmem:$0x1D80] =	vst v8  }
0x103: {  	[tilespmem:$0x1E00] =	vst v8  }
0x104: {  	[tilespmem:$0x1E80] =	vst v8  }
0x105: {  	[tilespmem:$0x1F00] =	vst v8  }
0x106: {  	[tilespmem:$0x1F80] =	vst v8  }
0x107: {  	[tilespmem:$0x2400] =	vst v8  }
0x108: {  	[tilespmem:$0x2480] =	vst v8  }
0x109: {  	[tilespmem:$0x2500] =	vst v8  }
0x10a: {  	[tilespmem:$0x2580] =	vst v8  }
0x10b: {  	[tilespmem:$0x2600] =	vst v8  }
0x10c: {  	[tilespmem:$0x2680] =	vst v8  }
0x10d: {  	[tilespmem:$0x2700] =	vst v8  }
0x10e: {  	[tilespmem:$0x2780] =	vst v8;
	v8 =	vld [tilespmem:$0x1C20]  }
0x10f: {  	[tilespmem:$0x1E70] =	vst v63  }
0x110: {  	[tilespmem:$0x1EF0] =	vst v63  }
0x111: {  	[tilespmem:$0x1F70] =	vst v63  }
0x112: {  	[tilespmem:$0x1FF0] =	vst v63  }
0x113: {  	[tilespmem:$0x1CA0] =	vst v8  }
0x114: {  	[tilespmem:$0x1D20] =	vst v8  }
0x115: {  	[tilespmem:$0x1DA0] =	vst v8  }
0x116: {  	[tilespmem:$0x1E20] =	vst v8  }
0x117: {  	[tilespmem:$0x1EA0] =	vst v8  }
0x118: {  	[tilespmem:$0x1F20] =	vst v8  }
0x119: {  	[tilespmem:$0x1FA0] =	vst v8  }
0x11a: {  	[tilespmem:$0x2420] =	vst v8  }
0x11b: {  	[tilespmem:$0x24A0] =	vst v8  }
0x11c: {  	[tilespmem:$0x2520] =	vst v8  }
0x11d: {  	[tilespmem:$0x25A0] =	vst v8  }
0x11e: {  	[tilespmem:$0x2620] =	vst v8  }
0x11f: {  	[tilespmem:$0x26A0] =	vst v8  }
0x120: {  	[tilespmem:$0x2720] =	vst v8  }
0x121: {  	[tilespmem:$0x27A0] =	vst v8;
	v8 =	vld [tilespmem:$0x1C40]  }
0x122: {  	[tilespmem:$0x2470] =	vst v63  }
0x123: {  	[tilespmem:$0x24F0] =	vst v63  }
0x124: {  	[tilespmem:$0x2570] =	vst v63  }
0x125: {  	[tilespmem:$0x25F0] =	vst v63  }
0x126: {  	[tilespmem:$0x1CC0] =	vst v8  }
0x127: {  	[tilespmem:$0x1D40] =	vst v8  }
0x128: {  	[tilespmem:$0x1DC0] =	vst v8  }
0x129: {  	[tilespmem:$0x1E40] =	vst v8  }
0x12a: {  	[tilespmem:$0x1EC0] =	vst v8  }
0x12b: {  	[tilespmem:$0x1F40] =	vst v8  }
0x12c: {  	[tilespmem:$0x1FC0] =	vst v8  }
0x12d: {  	[tilespmem:$0x2440] =	vst v8  }
0x12e: {  	[tilespmem:$0x24C0] =	vst v8  }
0x12f: {  	[tilespmem:$0x2540] =	vst v8  }
0x130: {  	[tilespmem:$0x25C0] =	vst v8  }
0x131: {  	[tilespmem:$0x2640] =	vst v8  }
0x132: {  	[tilespmem:$0x26C0] =	vst v8  }
0x133: {  	[tilespmem:$0x2740] =	vst v8  }
0x134: {  	[tilespmem:$0x27C0] =	vst v8;
	v8 =	vld [tilespmem:$0x1C60]  }
0x135: {  	[tilespmem:$0x2670] =	vst v63  }
0x136: {  	[tilespmem:$0x26F0] =	vst v63  }
0x137: {  	[tilespmem:$0x2770] =	vst v63  }
0x138: {  	[tilespmem:$0x27F0] =	vst v63  }
0x139: {  	[tilespmem:$0x1CE0] =	vst v8  }
0x13a: {  	[tilespmem:$0x1D60] =	vst v8  }
0x13b: {  	[tilespmem:$0x1DE0] =	vst v8  }
0x13c: {  	[tilespmem:$0x1E60] =	vst v8  }
0x13d: {  	[tilespmem:$0x1EE0] =	vst v8  }
0x13e: {  	[tilespmem:$0x1F60] =	vst v8  }
0x13f: {  	[tilespmem:$0x1FE0] =	vst v8  }
0x140: {  	[tilespmem:$0x2460] =	vst v8  }
0x141: {  	[tilespmem:$0x24E0] =	vst v8  }
0x142: {  	[tilespmem:$0x2560] =	vst v8  }
0x143: {  	[tilespmem:$0x25E0] =	vst v8  }
0x144: {  	[tilespmem:$0x2660] =	vst v8  }
0x145: {  	[tilespmem:$0x26E0] =	vst v8  }
0x146: {  	[tilespmem:$0x2760] =	vst v8  }
0x147: {  	[tilespmem:$0x27E0] =	vst v8  }
0x148: {  	[hbm4b:s3+s4] =	stream.indirect_vreg.scatter [tilespmem:s10], [sflag:$0x11], $0x80, v6, vm0, $0xb8;
	[tilespmem:$0x1A800] =	vst v63  }
0x149: {  	s25 =	simm.s32 $0x2000;
	s31 =	simm.s32 $0x11  }
0x14a: {  	[hbm4b:s3+s4] =	stream.indirect_vreg.scatter [tilespmem:s25], [sflag:$0x11], $0x80, v7, vm0, $0xb8;
	[tilespmem:$0x1A800] =	vst v63  }
0x14b: {  	_ =	swait.ge [sflag:s31], $0x1000  }
0x14c: {  	[sflag:s31] =	ssyncset.done $0x0  }
0x14d: {  	[sflag:s31] =	ssyncadd.s32 $0xFFFFF000  }
.LBB2_7:
0x14e: {  	s2 =	rddreg [dreg:$0x7]  }
0x14f: {  	s15 =	simm.s32 $0x0;
	s25 =	simm.s32 $0x2800;
	s10 =	sadd.s32 s2, s12  }
0x150: {  	[tilespmem:s25], [sflag:$0x1] =	stream.linear.gather [hbm4b:s10+s15], $0x2000, $0x38;
	[tilespmem:$0x1A800] =	vst v63  }
0x151: {  	v8 =	vld [tilespmem:$0x0];
	_ =	sdelay $0x4  }
0x152: {  	v9 =	vshll.u32 v8, $0x1  }
0x153: {  	v8 =	vand.u32 $0x7, v8;
	v9 =	vand.u32 $0xFFFFFFF0, v9  }
0x154: {  	v8 =	vor.u32 v8, v9  }
0x155: {  	v9 =	vperm.xlane v8, v0;
	_ =	sdelay $0x1  }
0x156: {  	v8 =	vperm.xlane v8, v1;
	v9 =	vadd.s32 v2, v9;
	_ =	sdelay $0x1  }
0x157: {  	v8 =	vadd.s32 v2, v8;
	_ =	sdelay $0x1  }
0x158: {  	s31 =	simm.s32 $0x4800  }
0x159: {  	[tilespmem:s31], [sflag:$0x2] =	stream.indirect_vreg.gather [hbm4b:s5+s15], $0x80, v9, vm0, $0xb8;
	[tilespmem:$0x1A800] =	vst v63  }
0x15a: {  	s10 =	simm.s32 $0x5000  }
0x15b: {  	[tilespmem:s10], [sflag:$0x2] =	stream.indirect_vreg.gather [hbm4b:s5+s15], $0x80, v8, vm0, $0xb8;
	[tilespmem:$0x1A800] =	vst v63  }
0x15c: {  	v8 =	vld [tilespmem:$0x10];
	_ =	sdelay $0x4  }
0x15d: {  	v49 =	vshll.u32 v8, $0x1  }
0x15e: {  	v8 =	vand.u32 $0x7, v8;
	v9 =	vand.u32 $0xFFFFFFF0, v49  }
0x15f: {  	v8 =	vor.u32 v8, v9  }
0x160: {  	v9 =	vperm.xlane v8, v0;
	_ =	sdelay $0x1  }
0x161: {  	v8 =	vperm.xlane v8, v1;
	v9 =	vadd.s32 v2, v9;
	_ =	sdelay $0x1  }
0x162: {  	v8 =	vadd.s32 v2, v8;
	_ =	sdelay $0x1  }
0x163: {  	s13 =	simm.s32 $0x5800  }
0x164: {  	[tilespmem:s13], [sflag:$0x2] =	stream.indirect_vreg.gather [hbm4b:s5+s15], $0x80, v9, vm0, $0xb8;
	[tilespmem:$0x1A800] =	vst v63  }
0x165: {  	s16 =	simm.s32 $0x6000  }
0x166: {  	[tilespmem:s16], [sflag:$0x2] =	stream.indirect_vreg.gather [hbm4b:s5+s15], $0x80, v8, vm0, $0xb8;
	[tilespmem:$0x1A800] =	vst v63  }
0x167: {  	v8 =	vld [tilespmem:$0x400];
	_ =	sdelay $0x4  }
0x168: {  	v50 =	vshll.u32 v8, $0x1  }
0x169: {  	v8 =	vand.u32 $0x7, v8;
	v9 =	vand.u32 $0xFFFFFFF0, v50  }
0x16a: {  	v8 =	vor.u32 v8, v9  }
0x16b: {  	v9 =	vperm.xlane v8, v0;
	_ =	sdelay $0x1  }
0x16c: {  	v8 =	vperm.xlane v8, v1;
	v9 =	vadd.s32 v2, v9;
	_ =	sdelay $0x1  }
0x16d: {  	v8 =	vadd.s32 v2, v8;
	_ =	sdelay $0x1  }
0x16e: {  	s18 =	simm.s32 $0x6800  }
0x16f: {  	[tilespmem:s18], [sflag:$0x3] =	stream.indirect_vreg.gather [hbm4b:s6+s15], $0x80, v9, vm0, $0xb8;
	[tilespmem:$0x1A800] =	vst v63  }
0x170: {  	s20 =	simm.s32 $0x7000  }
0x171: {  	[tilespmem:s20], [sflag:$0x3] =	stream.indirect_vreg.gather [hbm4b:s6+s15], $0x80, v8, vm0, $0xb8;
	[tilespmem:$0x1A800] =	vst v63  }
0x172: {  	v8 =	vld [tilespmem:$0x410];
	_ =	sdelay $0x4  }
0x173: {  	v51 =	vshll.u32 v8, $0x1  }
0x174: {  	v8 =	vand.u32 $0x7, v8;
	v9 =	vand.u32 $0xFFFFFFF0, v51  }
0x175: {  	v8 =	vor.u32 v8, v9  }
0x176: {  	v9 =	vperm.xlane v8, v0;
	_ =	sdelay $0x1  }
0x177: {  	v8 =	vperm.xlane v8, v1;
	v9 =	vadd.s32 v2, v9;
	_ =	sdelay $0x1  }
0x178: {  	v8 =	vadd.s32 v2, v8;
	_ =	sdelay $0x1  }
0x179: {  	s25 =	simm.s32 $0x7800  }
0x17a: {  	[tilespmem:s25], [sflag:$0x3] =	stream.indirect_vreg.gather [hbm4b:s6+s15], $0x80, v9, vm0, $0xb8;
	[tilespmem:$0x1A800] =	vst v63  }
0x17b: {  	s31 =	simm.s32 $0x8000  }
0x17c: {  	[tilespmem:s31], [sflag:$0x3] =	stream.indirect_vreg.gather [hbm4b:s6+s15], $0x80, v8, vm0, $0xb8;
	[tilespmem:$0x1A800] =	vst v63  }
0x17d: {  	s10 =	rddreg [dreg:$0xb];
	s13 =	simm.s32 $0x8800  }
0x17e: {  	[tilespmem:s13], [sflag:$0x5] =	stream.linear.gather [hbm4b:s10+s15], $0x2000, $0x38;
	[tilespmem:$0x1A800] =	vst v63  }
0x17f: {  	v8 =	vld [tilespmem:$0x20];
	_ =	sdelay $0x4  }
0x180: {  	v52 =	vshll.u32 v8, $0x1  }
0x181: {  	v8 =	vand.u32 $0x7, v8;
	v9 =	vand.u32 $0xFFFFFFF0, v52  }
0x182: {  	v8 =	vor.u32 v8, v9  }
0x183: {  	v9 =	vperm.xlane v8, v0;
	_ =	sdelay $0x1  }
0x184: {  	v8 =	vperm.xlane v8, v1;
	v9 =	vadd.s32 v2, v9;
	_ =	sdelay $0x1  }
0x185: {  	v8 =	vadd.s32 v2, v8;
	_ =	sdelay $0x1  }
0x186: {  	s16 =	simm.s32 $0xA800  }
0x187: {  	[tilespmem:s16], [sflag:$0x6] =	stream.indirect_vreg.gather [hbm4b:s5+s15], $0x80, v9, vm0, $0xb8;
	[tilespmem:$0x1A800] =	vst v63  }
0x188: {  	s18 =	simm.s32 $0xB000  }
0x189: {  	[tilespmem:s18], [sflag:$0x6] =	stream.indirect_vreg.gather [hbm4b:s5+s15], $0x80, v8, vm0, $0xb8;
	[tilespmem:$0x1A800] =	vst v63  }
0x18a: {  	v8 =	vld [tilespmem:$0x30];
	_ =	sdelay $0x4  }
0x18b: {  	v53 =	vshll.u32 v8, $0x1  }
0x18c: {  	v8 =	vand.u32 $0x7, v8;
	v9 =	vand.u32 $0xFFFFFFF0, v53  }
0x18d: {  	v8 =	vor.u32 v8, v9  }
0x18e: {  	v9 =	vperm.xlane v8, v0;
	_ =	sdelay $0x1  }
0x18f: {  	v8 =	vperm.xlane v8, v1;
	v9 =	vadd.s32 v2, v9;
	_ =	sdelay $0x1  }
0x190: {  	v8 =	vadd.s32 v2, v8;
	_ =	sdelay $0x1  }
0x191: {  	s20 =	simm.s32 $0xB800  }
0x192: {  	[tilespmem:s20], [sflag:$0x6] =	stream.indirect_vreg.gather [hbm4b:s5+s15], $0x80, v9, vm0, $0xb8;
	[tilespmem:$0x1A800] =	vst v63  }
0x193: {  	s25 =	simm.s32 $0xC000  }
0x194: {  	[tilespmem:s25], [sflag:$0x6] =	stream.indirect_vreg.gather [hbm4b:s5+s15], $0x80, v8, vm0, $0xb8;
	[tilespmem:$0x1A800] =	vst v63  }
0x195: {  	v8 =	vld [tilespmem:$0x420];
	_ =	sdelay $0x4  }
0x196: {  	v54 =	vshll.u32 v8, $0x1  }
0x197: {  	v8 =	vand.u32 $0x7, v8;
	v9 =	vand.u32 $0xFFFFFFF0, v54  }
0x198: {  	v8 =	vor.u32 v8, v9  }
0x199: {  	v9 =	vperm.xlane v8, v0;
	_ =	sdelay $0x1  }
0x19a: {  	v8 =	vperm.xlane v8, v1;
	v9 =	vadd.s32 v2, v9;
	_ =	sdelay $0x1  }
0x19b: {  	v8 =	vadd.s32 v2, v8;
	_ =	sdelay $0x1  }
0x19c: {  	s31 =	simm.s32 $0xC800  }
0x19d: {  	[tilespmem:s31], [sflag:$0x7] =	stream.indirect_vreg.gather [hbm4b:s6+s15], $0x80, v9, vm0, $0xb8;
	[tilespmem:$0x1A800] =	vst v63  }
0x19e: {  	s10 =	simm.s32 $0xD000  }
0x19f: {  	[tilespmem:s10], [sflag:$0x7] =	stream.indirect_vreg.gather [hbm4b:s6+s15], $0x80, v8, vm0, $0xb8;
	[tilespmem:$0x1A800] =	vst v63  }
0x1a0: {  	v8 =	vld [tilespmem:$0x430];
	_ =	sdelay $0x4  }
0x1a1: {  	v55 =	vshll.u32 v8, $0x1  }
0x1a2: {  	v8 =	vand.u32 $0x7, v8;
	v9 =	vand.u32 $0xFFFFFFF0, v55  }
0x1a3: {  	v8 =	vor.u32 v8, v9  }
0x1a4: {  	v9 =	vperm.xlane v8, v0;
	_ =	sdelay $0x1  }
0x1a5: {  	v8 =	vperm.xlane v8, v1;
	v9 =	vadd.s32 v2, v9;
	_ =	sdelay $0x1  }
0x1a6: {  	v8 =	vadd.s32 v2, v8;
	_ =	sdelay $0x1  }
0x1a7: {  	s13 =	simm.s32 $0xD800  }
0x1a8: {  	[tilespmem:s13], [sflag:$0x7] =	stream.indirect_vreg.gather [hbm4b:s6+s15], $0x80, v9, vm0, $0xb8;
	[tilespmem:$0x1A800] =	vst v63  }
0x1a9: {  	s16 =	simm.s32 $0xE000  }
0x1aa: {  	[tilespmem:s16], [sflag:$0x7] =	stream.indirect_vreg.gather [hbm4b:s6+s15], $0x80, v8, vm0, $0xb8;
	[tilespmem:$0x1A800] =	vst v63  }
0x1ab: {  	s18 =	rddreg [dreg:$0xc]  }
0x1ac: {  	[tilespmem:s21], [sflag:$0x9] =	stream.linear.gather [hbm4b:s18+s15], $0x2000, $0x38;
	[tilespmem:$0x1A800] =	vst v63  }
0x1ad: {  	v8 =	vld [tilespmem:$0x40];
	_ =	sdelay $0x4  }
0x1ae: {  	v56 =	vshll.u32 v8, $0x1  }
0x1af: {  	v8 =	vand.u32 $0x7, v8;
	v9 =	vand.u32 $0xFFFFFFF0, v56  }
0x1b0: {  	v8 =	vor.u32 v8, v9  }
0x1b1: {  	v9 =	vperm.xlane v8, v0;
	_ =	sdelay $0x1  }
0x1b2: {  	v8 =	vperm.xlane v8, v1;
	v9 =	vadd.s32 v2, v9;
	_ =	sdelay $0x1  }
0x1b3: {  	v8 =	vadd.s32 v2, v8;
	_ =	sdelay $0x1  }
0x1b4: {  	s20 =	simm.s32 $0x10800  }
0x1b5: {  	[tilespmem:s20], [sflag:$0xA] =	stream.indirect_vreg.gather [hbm4b:s5+s15], $0x80, v9, vm0, $0xb8;
	[tilespmem:$0x1A800] =	vst v63  }
0x1b6: {  	s25 =	simm.s32 $0x11000  }
0x1b7: {  	[tilespmem:s25], [sflag:$0xA] =	stream.indirect_vreg.gather [hbm4b:s5+s15], $0x80, v8, vm0, $0xb8;
	[tilespmem:$0x1A800] =	vst v63  }
0x1b8: {  	v8 =	vld [tilespmem:$0x50];
	_ =	sdelay $0x4  }
0x1b9: {  	v57 =	vshll.u32 v8, $0x1  }
0x1ba: {  	v8 =	vand.u32 $0x7, v8;
	v9 =	vand.u32 $0xFFFFFFF0, v57  }
0x1bb: {  	v8 =	vor.u32 v8, v9  }
0x1bc: {  	v9 =	vperm.xlane v8, v0;
	_ =	sdelay $0x1  }
0x1bd: {  	v8 =	vperm.xlane v8, v1;
	v9 =	vadd.s32 v2, v9;
	_ =	sdelay $0x1  }
0x1be: {  	v8 =	vadd.s32 v2, v8;
	_ =	sdelay $0x1  }
0x1bf: {  	s31 =	simm.s32 $0x11800  }
0x1c0: {  	[tilespmem:s31], [sflag:$0xA] =	stream.indirect_vreg.gather [hbm4b:s5+s15], $0x80, v9, vm0, $0xb8;
	[tilespmem:$0x1A800] =	vst v63  }
0x1c1: {  	s10 =	simm.s32 $0x12000  }
0x1c2: {  	[tilespmem:s10], [sflag:$0xA] =	stream.indirect_vreg.gather [hbm4b:s5+s15], $0x80, v8, vm0, $0xb8;
	[tilespmem:$0x1A800] =	vst v63  }
0x1c3: {  	v8 =	vld [tilespmem:$0x440];
	_ =	sdelay $0x4  }
0x1c4: {  	v58 =	vshll.u32 v8, $0x1  }
0x1c5: {  	v8 =	vand.u32 $0x7, v8;
	v9 =	vand.u32 $0xFFFFFFF0, v58  }
0x1c6: {  	v8 =	vor.u32 v8, v9  }
0x1c7: {  	v9 =	vperm.xlane v8, v0;
	_ =	sdelay $0x1  }
0x1c8: {  	v8 =	vperm.xlane v8, v1;
	v9 =	vadd.s32 v2, v9;
	_ =	sdelay $0x1  }
0x1c9: {  	v8 =	vadd.s32 v2, v8;
	_ =	sdelay $0x1  }
0x1ca: {  	s13 =	simm.s32 $0x12800  }
0x1cb: {  	[tilespmem:s13], [sflag:$0xB] =	stream.indirect_vreg.gather [hbm4b:s6+s15], $0x80, v9, vm0, $0xb8;
	[tilespmem:$0x1A800] =	vst v63  }
0x1cc: {  	s16 =	simm.s32 $0x13000  }
0x1cd: {  	[tilespmem:s16], [sflag:$0xB] =	stream.indirect_vreg.gather [hbm4b:s6+s15], $0x80, v8, vm0, $0xb8;
	[tilespmem:$0x1A800] =	vst v63  }
0x1ce: {  	v8 =	vld [tilespmem:$0x450];
	_ =	sdelay $0x4  }
0x1cf: {  	v59 =	vshll.u32 v8, $0x1  }
0x1d0: {  	v8 =	vand.u32 $0x7, v8;
	v9 =	vand.u32 $0xFFFFFFF0, v59  }
0x1d1: {  	v8 =	vor.u32 v8, v9  }
0x1d2: {  	v9 =	vperm.xlane v8, v0;
	_ =	sdelay $0x1  }
0x1d3: {  	v8 =	vperm.xlane v8, v1;
	v9 =	vadd.s32 v2, v9;
	_ =	sdelay $0x1  }
0x1d4: {  	v8 =	vadd.s32 v2, v8;
	_ =	sdelay $0x1  }
0x1d5: {  	s18 =	simm.s32 $0x13800  }
0x1d6: {  	[tilespmem:s18], [sflag:$0xB] =	stream.indirect_vreg.gather [hbm4b:s6+s15], $0x80, v9, vm0, $0xb8;
	[tilespmem:$0x1A800] =	vst v63  }
0x1d7: {  	s20 =	simm.s32 $0x14000  }
0x1d8: {  	[tilespmem:s20], [sflag:$0xB] =	stream.indirect_vreg.gather [hbm4b:s6+s15], $0x80, v8, vm0, $0xb8;
	[tilespmem:$0x1A800] =	vst v63  }
0x1d9: {  	s25 =	rddreg [dreg:$0xd]  }
0x1da: {  	[tilespmem:s30], [sflag:$0xD] =	stream.linear.gather [hbm4b:s25+s15], $0x2000, $0x38;
	[tilespmem:$0x1A800] =	vst v63  }
0x1db: {  	v8 =	vld [tilespmem:$0x60];
	_ =	sdelay $0x4  }
0x1dc: {  	v60 =	vshll.u32 v8, $0x1  }
0x1dd: {  	v8 =	vand.u32 $0x7, v8;
	v9 =	vand.u32 $0xFFFFFFF0, v60  }
0x1de: {  	v8 =	vor.u32 v8, v9  }
0x1df: {  	v9 =	vperm.xlane v8, v0;
	_ =	sdelay $0x1  }
0x1e0: {  	v8 =	vperm.xlane v8, v1;
	v9 =	vadd.s32 v2, v9;
	_ =	sdelay $0x1  }
0x1e1: {  	v8 =	vadd.s32 v2, v8;
	_ =	sdelay $0x1  }
0x1e2: {  	s31 =	simm.s32 $0x16800  }
0x1e3: {  	[tilespmem:s31], [sflag:$0xE] =	stream.indirect_vreg.gather [hbm4b:s5+s15], $0x80, v9, vm0, $0xb8;
	[tilespmem:$0x1A800] =	vst v63  }
0x1e4: {  	s10 =	simm.s32 $0x17000  }
0x1e5: {  	[tilespmem:s10], [sflag:$0xE] =	stream.indirect_vreg.gather [hbm4b:s5+s15], $0x80, v8, vm0, $0xb8;
	[tilespmem:$0x1A800] =	vst v63  }
0x1e6: {  	v8 =	vld [tilespmem:$0x70];
	_ =	sdelay $0x4  }
0x1e7: {  	v61 =	vshll.u32 v8, $0x1  }
0x1e8: {  	v8 =	vand.u32 $0x7, v8;
	v9 =	vand.u32 $0xFFFFFFF0, v61  }
0x1e9: {  	v8 =	vor.u32 v8, v9  }
0x1ea: {  	v9 =	vperm.xlane v8, v0;
	_ =	sdelay $0x1  }
0x1eb: {  	v8 =	vperm.xlane v8, v1;
	v9 =	vadd.s32 v2, v9;
	_ =	sdelay $0x1  }
0x1ec: {  	v8 =	vadd.s32 v2, v8;
	_ =	sdelay $0x1  }
0x1ed: {  	s13 =	simm.s32 $0x17800  }
0x1ee: {  	[tilespmem:s13], [sflag:$0xE] =	stream.indirect_vreg.gather [hbm4b:s5+s15], $0x80, v9, vm0, $0xb8;
	[tilespmem:$0x1A800] =	vst v63  }
0x1ef: {  	s16 =	simm.s32 $0x18000  }
0x1f0: {  	[tilespmem:s16], [sflag:$0xE] =	stream.indirect_vreg.gather [hbm4b:s5+s15], $0x80, v8, vm0, $0xb8;
	[tilespmem:$0x1A800] =	vst v63  }
0x1f1: {  	v8 =	vld [tilespmem:$0x460];
	_ =	sdelay $0x4  }
0x1f2: {  	v62 =	vshll.u32 v8, $0x1  }
0x1f3: {  	v8 =	vand.u32 $0x7, v8;
	v9 =	vand.u32 $0xFFFFFFF0, v62  }
0x1f4: {  	v8 =	vor.u32 v8, v9  }
0x1f5: {  	v9 =	vperm.xlane v8, v0;
	_ =	sdelay $0x1  }
0x1f6: {  	v8 =	vperm.xlane v8, v1;
	v9 =	vadd.s32 v2, v9;
	_ =	sdelay $0x1  }
0x1f7: {  	v8 =	vadd.s32 v2, v8;
	_ =	sdelay $0x1  }
0x1f8: {  	s18 =	simm.s32 $0x18800  }
0x1f9: {  	[tilespmem:s18], [sflag:$0xF] =	stream.indirect_vreg.gather [hbm4b:s6+s15], $0x80, v9, vm0, $0xb8;
	[tilespmem:$0x1A800] =	vst v63  }
0x1fa: {  	s20 =	simm.s32 $0x19000  }
0x1fb: {  	[tilespmem:s20], [sflag:$0xF] =	stream.indirect_vreg.gather [hbm4b:s6+s15], $0x80, v8, vm0, $0xb8;
	[tilespmem:$0x1A800] =	vst v63  }
0x1fc: {  	v8 =	vld [tilespmem:$0x470];
	_ =	sdelay $0x4  }
0x1fd: {  	v63 =	vshll.u32 v8, $0x1  }
0x1fe: {  	v8 =	vand.u32 $0x7, v8;
	v9 =	vand.u32 $0xFFFFFFF0, v63  }
0x1ff: {  	v8 =	vor.u32 v8, v9  }
0x200: {  	v9 =	vperm.xlane v8, v0;
	_ =	sdelay $0x1  }
0x201: {  	v8 =	vperm.xlane v8, v1;
	v9 =	vadd.s32 v2, v9;
	_ =	sdelay $0x1  }
0x202: {  	v8 =	vadd.s32 v2, v8;
	_ =	sdelay $0x1  }
0x203: {  	s25 =	simm.s32 $0x19800  }
0x204: {  	[tilespmem:s25], [sflag:$0xF] =	stream.indirect_vreg.gather [hbm4b:s6+s15], $0x80, v9, vm0, $0xb8;
	[tilespmem:$0x1A800] =	vst v63  }
0x205: {  	s31 =	simm.s32 $0x1A000;
	s16 =	simm.s32 $0x0  }
0x206: {  	[tilespmem:s31], [sflag:$0xF] =	stream.indirect_vreg.gather [hbm4b:s6+s15], $0x80, v8, vm0, $0xb8;
	[tilespmem:$0x1A800] =	vst v63  }
.LBB2_8:
0x207: {  	_ =	swait.ge [sflag:s7], $0x2000  }
0x208: {  	[sflag:s7] =	ssyncset.done $0x0  }
0x209: {  	[sflag:s7] =	ssyncadd.s32 $0xFFFFE000  }
0x20a: {  	_ =	swait.ge [sflag:s24], $0x2000  }
0x20b: {  	[sflag:s24] =	ssyncset.done $0x0  }
0x20c: {  	[sflag:s24] =	ssyncadd.s32 $0xFFFFE000  }
0x20d: {  	_ =	swait.ge [sflag:s9], $0x2000  }
0x20e: {  	s10 =	sand.u32 $0x1800, s15;
	s13 =	sand.u32 $0x380, s15;
	[sflag:s9] =	ssyncset.done $0x0  }
0x20f: {  	s10 =	sor.u32 s13, s10;
	[sflag:s9] =	ssyncadd.s32 $0xFFFFE000  }
0x210: {  	v22 =	vld [tilespmem:s10+$0x6800]  }
0x211: {  	v23 =	vld [tilespmem:s10+$0x6810]  }
0x212: {  	v24 =	vld [tilespmem:s10+$0x6820]  }
0x213: {  	v26 =	vld [tilespmem:s10+$0x6830]  }
0x214: {  	v27 =	vld [tilespmem:s10+$0x6840]  }
0x215: {  	v28 =	vld [tilespmem:s10+$0x6850]  }
0x216: {  	v29 =	vld [tilespmem:s10+$0x6860]  }
0x217: {  	v14 =	vld [tilespmem:s10+$0x6870]  }
0x218: {  	v13 =	vld [tilespmem:s10+$0x6C00]  }
0x219: {  	v12 =	vld [tilespmem:s10+$0x6C10]  }
0x21a: {  	v11 =	vld [tilespmem:s10+$0x6C20]  }
0x21b: {  	v10 =	vld [tilespmem:s10+$0x6C30]  }
0x21c: {  	v9 =	vld [tilespmem:s10+$0x6C40]  }
0x21d: {  	v8 =	vld [tilespmem:s10+$0x6C50]  }
0x21e: {  	v25 =	vld [tilespmem:s10+$0x4800]  }
0x21f: {  	v30 =	vld [tilespmem:s10+$0x4810]  }
0x220: {  	v31 =	vld [tilespmem:s10+$0x4820]  }
0x221: {  	v32 =	vld [tilespmem:s10+$0x4830]  }
0x222: {  	v33 =	vld [tilespmem:s10+$0x4840]  }
0x223: {  	v34 =	vld [tilespmem:s10+$0x4850]  }
0x224: {  	v35 =	vld [tilespmem:s10+$0x4860]  }
0x225: {  	v36 =	vld [tilespmem:s10+$0x4870]  }
0x226: {  	v37 =	vld [tilespmem:s10+$0x4C00]  }
0x227: {  	v21 =	vld [tilespmem:s10+$0x4C10]  }
0x228: {  	v20 =	vld [tilespmem:s10+$0x4C20]  }
0x229: {  	v19 =	vld [tilespmem:s10+$0x4C30]  }
0x22a: {  	v18 =	vld [tilespmem:s10+$0x4C40]  }
0x22b: {  	v17 =	vld [tilespmem:s10+$0x4C50]  }
0x22c: {  	v16 =	vld [tilespmem:s10+$0x4C60]  }
0x22d: {  	v15 =	vld [tilespmem:s10+$0x4C70]  }
0x22e: {  	v38 =	vld [tilespmem:s10+$0x2800]  }
0x22f: {  	v39 =	vld [tilespmem:s10+$0x2810]  }
0x230: {  	v40 =	vld [tilespmem:s10+$0x2820]  }
0x231: {  	v41 =	vld [tilespmem:s10+$0x2830]  }
0x232: {  	v42 =	vld [tilespmem:s10+$0x2840]  }
0x233: {  	v59 =	vld [tilespmem:s10+$0x2850];
	v25 =	vadd.f32 v25, v38  }
0x234: {  	v60 =	vld [tilespmem:s10+$0x2860];
	v30 =	vadd.f32 v30, v39  }
0x235: {  	v22 =	vadd.f32 v22, v25;
	v25 =	vadd.f32 v31, v40;
	v31 =	vld [tilespmem:s10+$0x2870]  }
0x236: {  	v61 =	vld [tilespmem:s10+$0x2C00];
	v23 =	vadd.f32 v23, v30;
	v30 =	vadd.f32 v32, v41  }
0x237: {  	[tilespmem:s10+$0x2800] =	vst v22;
	v22 =	vadd.f32 v24, v25;
	v24 =	vadd.f32 v33, v42;
	v25 =	vld [tilespmem:s10+$0x2C10]  }
0x238: {  	v62 =	vadd.f32 v34, v59;
	[tilespmem:s10+$0x2810] =	vst v23;
	v30 =	vadd.f32 v26, v30;
	v26 =	vld [tilespmem:s10+$0x2C20]  }
0x239: {  	v63 =	vadd.f32 v35, v60;
	v23 =	vld [tilespmem:s10+$0x2C30];
	[tilespmem:s10+$0x2820] =	vst v22;
	v22 =	vadd.f32 v27, v24  }
0x23a: {  	[tilespmem:s10+$0x2830] =	vst v30;
	v27 =	vadd.f32 v28, v62;
	v24 =	vld [tilespmem:s10+$0x2C40];
	v28 =	vadd.f32 v36, v31  }
0x23b: {  	s25 =	simm.s32 $0x0;
	s13 =	simm.s32 $0x100;
	v30 =	vadd.f32 v29, v63;
	v29 =	vadd.f32 v37, v61;
	[tilespmem:s10+$0x2840] =	vst v22;
	v22 =	vld [tilespmem:s10+$0x2C50]  }
.LBB2_9:
0x23c: {  	p1 =	sne.s32 s13, $0x1F00;
	[tilespmem:s10+$0x2850] =	vst v27;
	v14 =	vadd.f32 v14, v28;
	v21 =	vadd.f32 v21, v25;
	v25 =	vld [tilespmem:s10+$0x2C60]  }
0x23d: {  	s25 =	sadd.s32 $0x80, s25;
	[tilespmem:s10+$0x2860] =	vst v30;
	v13 =	vadd.f32 v13, v29;
	v20 =	vadd.f32 v20, v26;
	v26 =	vld [tilespmem:s10+$0x2C70]  }
0x23e: {  	s20 =	sand.u32 $0x1800, s13;
	s31 =	sand.u32 $0x380, s25;
	[tilespmem:s10+$0x2870] =	vst v14;
	v12 =	vadd.f32 v12, v21;
	v14 =	vadd.f32 v19, v23;
	v19 =	vld [tilespmem:s10+$0x6C60]  }
0x23f: {  	s20 =	sor.u32 s31, s20;
	[tilespmem:s10+$0x2C00] =	vst v13;
	v11 =	vadd.f32 v11, v20;
	v13 =	vadd.f32 v18, v24;
	v18 =	vld [tilespmem:s10+$0x6C70]  }
0x240: {  	v23 =	vld [tilespmem:s20+$0x6800];
	[tilespmem:s10+$0x2C10] =	vst v12;
	v10 =	vadd.f32 v10, v14;
	v12 =	vadd.f32 v17, v22  }
0x241: {  	v22 =	vld [tilespmem:s20+$0x6810];
	[tilespmem:s10+$0x2C20] =	vst v11;
	v9 =	vadd.f32 v9, v13;
	v11 =	vadd.f32 v16, v25  }
0x242: {  	v24 =	vld [tilespmem:s20+$0x6820];
	[tilespmem:s10+$0x2C30] =	vst v10;
	v8 =	vadd.f32 v8, v12;
	v10 =	vadd.f32 v15, v26  }
0x243: {  	v26 =	vld [tilespmem:s20+$0x6830];
	[tilespmem:s10+$0x2C40] =	vst v9;
	v9 =	vadd.f32 v19, v11  }
0x244: {  	v27 =	vld [tilespmem:s20+$0x6840];
	[tilespmem:s10+$0x2C50] =	vst v8;
	v8 =	vadd.f32 v18, v10  }
0x245: {  	v28 =	vld [tilespmem:s20+$0x6850];
	[tilespmem:s10+$0x2C60] =	vst v9  }
0x246: {  	v29 =	vld [tilespmem:s20+$0x6860];
	[tilespmem:s10+$0x2C70] =	vst v8;
	s10 =	smov.u32 s20  }
0x247: {  	v14 =	vld [tilespmem:s10+$0x6870]  }
0x248: {  	v13 =	vld [tilespmem:s10+$0x6C00]  }
0x249: {  	v12 =	vld [tilespmem:s10+$0x6C10]  }
0x24a: {  	v11 =	vld [tilespmem:s10+$0x6C20]  }
0x24b: {  	v10 =	vld [tilespmem:s10+$0x6C30]  }
0x24c: {  	v9 =	vld [tilespmem:s10+$0x6C40]  }
0x24d: {  	v8 =	vld [tilespmem:s10+$0x6C50]  }
0x24e: {  	v25 =	vld [tilespmem:s10+$0x4800]  }
0x24f: {  	v30 =	vld [tilespmem:s10+$0x4810]  }
0x250: {  	v31 =	vld [tilespmem:s10+$0x4820]  }
0x251: {  	v32 =	vld [tilespmem:s10+$0x4830]  }
0x252: {  	v33 =	vld [tilespmem:s10+$0x4840]  }
0x253: {  	v34 =	vld [tilespmem:s10+$0x4850]  }
0x254: {  	v35 =	vld [tilespmem:s10+$0x4860]  }
0x255: {  	v36 =	vld [tilespmem:s10+$0x4870]  }
0x256: {  	v37 =	vld [tilespmem:s10+$0x4C00]  }
0x257: {  	v21 =	vld [tilespmem:s10+$0x4C10]  }
0x258: {  	v20 =	vld [tilespmem:s10+$0x4C20]  }
0x259: {  	v19 =	vld [tilespmem:s10+$0x4C30]  }
0x25a: {  	v18 =	vld [tilespmem:s10+$0x4C40]  }
0x25b: {  	v17 =	vld [tilespmem:s10+$0x4C50]  }
0x25c: {  	v16 =	vld [tilespmem:s10+$0x4C60]  }
0x25d: {  	v15 =	vld [tilespmem:s10+$0x4C70]  }
0x25e: {  	v38 =	vld [tilespmem:s10+$0x2800]  }
0x25f: {  	v39 =	vld [tilespmem:s10+$0x2810]  }
0x260: {  	v40 =	vld [tilespmem:s10+$0x2820]  }
0x261: {  	v41 =	vld [tilespmem:s10+$0x2830]  }
0x262: {  	v42 =	vld [tilespmem:s10+$0x2840]  }
0x263: {  	v25 =	vadd.f32 v25, v38;
	v38 =	vld [tilespmem:s10+$0x2850]  }
0x264: {  	v30 =	vadd.f32 v30, v39;
	v39 =	vld [tilespmem:s10+$0x2860]  }
0x265: {  	v23 =	vadd.f32 v23, v25;
	v25 =	vadd.f32 v31, v40;
	v31 =	vld [tilespmem:s10+$0x2870]  }
0x266: {  	v22 =	vadd.f32 v22, v30;
	v30 =	vadd.f32 v32, v41;
	v32 =	vld [tilespmem:s10+$0x2C00]  }
.Ltmp5:
0x267: {  	[tilespmem:s10+$0x2800] =	vst v23;
	v23 =	vadd.f32 v24, v25;
	v24 =	vadd.f32 v33, v42;
	v25 =	vld [tilespmem:s10+$0x2C10];
	(pc) =	sbr.rel @p1 .LBB2_9-.Ltmp5, $4  }
0x268: {  	[tilespmem:s10+$0x2810] =	vst v22;
	v22 =	vadd.f32 v26, v30;
	v30 =	vadd.f32 v34, v38;
	v26 =	vld [tilespmem:s10+$0x2C20]  }
0x269: {  	[tilespmem:s10+$0x2820] =	vst v23;
	v33 =	vadd.f32 v27, v24;
	v34 =	vadd.f32 v35, v39;
	v23 =	vld [tilespmem:s10+$0x2C30]  }
0x26a: {  	[tilespmem:s10+$0x2830] =	vst v22;
	v27 =	vadd.f32 v28, v30;
	v28 =	vadd.f32 v36, v31;
	v24 =	vld [tilespmem:s10+$0x2C40]  }
0x26b: {  	s13 =	sadd.s32 $0x100, s13;
	[tilespmem:s10+$0x2840] =	vst v33;
	v30 =	vadd.f32 v29, v34;
	v29 =	vadd.f32 v37, v32;
	v22 =	vld [tilespmem:s10+$0x2C50]  }
0x26c: {  	[tilespmem:s10+$0x2850] =	vst v27;
	v14 =	vadd.f32 v14, v28;
	v52 =	vld [tilespmem:s10+$0x2C60];
	v21 =	vadd.f32 v21, v25  }
0x26d: {  	v53 =	vld [tilespmem:s10+$0x2C70];
	[tilespmem:s10+$0x2860] =	vst v30;
	v13 =	vadd.f32 v13, v29;
	v54 =	vadd.f32 v20, v26  }
0x26e: {  	v55 =	vld [tilespmem:s10+$0x6C60];
	[tilespmem:s10+$0x2870] =	vst v14;
	v12 =	vadd.f32 v12, v21;
	v19 =	vadd.f32 v19, v23  }
0x26f: {  	v57 =	vld [tilespmem:s10+$0x6C70];
	[tilespmem:s10+$0x2C00] =	vst v13;
	v11 =	vadd.f32 v11, v54;
	v56 =	vadd.f32 v18, v24  }
0x270: {  	[tilespmem:s10+$0x2C10] =	vst v12;
	v10 =	vadd.f32 v10, v19;
	v58 =	vadd.f32 v17, v22  }
0x271: {  	[tilespmem:s10+$0x2C20] =	vst v11;
	v9 =	vadd.f32 v9, v56;
	v59 =	vadd.f32 v16, v52  }
0x272: {  	v60 =	vadd.f32 v15, v53;
	[tilespmem:s10+$0x2C30] =	vst v10;
	v8 =	vadd.f32 v8, v58  }
0x273: {  	[tilespmem:s10+$0x2C40] =	vst v9;
	v61 =	vadd.f32 v55, v59  }
0x274: {  	[tilespmem:s10+$0x2C50] =	vst v8;
	v8 =	vadd.f32 v57, v60  }
0x275: {  	s13 =	sshll.u32 s16, $0x9;
	[tilespmem:s10+$0x2C60] =	vst v61  }
0x276: {  	s13 =	sand.u32 $0x3FFFFE00, s13;
	[tilespmem:s10+$0x2C70] =	vst v8  }
0x277: {  	v8 =	vld [tilespmem:s13+$0x800];
	_ =	sdelay $0x4  }
0x278: {  	v62 =	vshll.u32 v8, $0x1  }
0x279: {  	v8 =	vand.u32 $0x7, v8;
	v9 =	vand.u32 $0xFFFFFFF0, v62  }
0x27a: {  	v8 =	vor.u32 v8, v9  }
0x27b: {  	v9 =	vperm.xlane v8, v0;
	_ =	sdelay $0x1  }
0x27c: {  	v8 =	vperm.xlane v8, v1;
	v9 =	vadd.s32 v2, v9;
	_ =	sdelay $0x1  }
0x27d: {  	v8 =	vadd.s32 v2, v8;
	_ =	sdelay $0x1  }
0x27e: {  	s2 =	simm.s32 $0x2800  }
0x27f: {  	[hbm4b:s3+s4] =	stream.indirect_vreg.scatter [tilespmem:s2], [sflag:$0x4], $0x80, v9, vm0, $0xb8;
	[tilespmem:$0x1A800] =	vst v63  }
0x280: {  	s20 =	simm.s32 $0x3000  }
0x281: {  	[hbm4b:s3+s4] =	stream.indirect_vreg.scatter [tilespmem:s20], [sflag:$0x4], $0x80, v8, vm0, $0xb8;
	[tilespmem:$0x1A800] =	vst v63  }
0x282: {  	v8 =	vld [tilespmem:s13+$0x810];
	_ =	sdelay $0x4  }
0x283: {  	v63 =	vshll.u32 v8, $0x1  }
0x284: {  	v8 =	vand.u32 $0x7, v8;
	v9 =	vand.u32 $0xFFFFFFF0, v63  }
0x285: {  	v8 =	vor.u32 v8, v9  }
0x286: {  	v9 =	vperm.xlane v8, v0;
	_ =	sdelay $0x1  }
0x287: {  	v8 =	vperm.xlane v8, v1;
	v9 =	vadd.s32 v2, v9;
	_ =	sdelay $0x1  }
0x288: {  	p1 =	seq.s32 s16, $0x0;
	v8 =	vadd.s32 v2, v8  }
.Ltmp6:
0x289: {  	_ = 	snop;
	(pc) =	sbr.rel @p1 .LBB2_12-.Ltmp6, $4  }
0x28a: {  	s25 =	simm.s32 $0x3800  }
0x28b: {  	[hbm4b:s3+s4] =	stream.indirect_vreg.scatter [tilespmem:s25], [sflag:$0x4], $0x80, v9, vm0, $0xb8;
	[tilespmem:$0x1A800] =	vst v63  }
0x28c: {  	s31 =	simm.s32 $0x4000;
	s10 =	sshllo.u32 s16, $0x2  }
0x28d: {  	[hbm4b:s3+s4] =	stream.indirect_vreg.scatter [tilespmem:s31], [sflag:$0x4], $0x80, v8, vm0, $0xb8;
	[tilespmem:$0x1A800] =	vst v63  }
0x28e: {  	s20 =	sshll.u32 s10, $0x5  }
0x28f: {  	_ =	swait.ge [sflag:s11], $0x2000;
	s25 =	sadd.s32 s8, s20  }
0x290: {  	[sflag:s11] =	ssyncset.done $0x0;
	s25 =	sshll.u32 s25, $0x5  }
0x291: {  	[sflag:s11] =	ssyncadd.s32 $0xFFFFE000;
	s25 =	sadd.s32 s12, s25  }
0x292: {  	[tilespmem:s30], [sflag:$0xD] =	stream.linear.gather [hbm4b:s25+s4], $0x2000, $0x38;
	[tilespmem:$0x1A800] =	vst v63  }
0x293: {  	v8 =	vld [tilespmem:s20+$0x0];
	_ =	sdelay $0x4  }
0x294: {  	v9 =	vshll.u32 v8, $0x1  }
0x295: {  	v8 =	vand.u32 $0x7, v8;
	v9 =	vand.u32 $0xFFFFFFF0, v9  }
0x296: {  	v8 =	vor.u32 v8, v9  }
0x297: {  	v9 =	vperm.xlane v8, v0;
	_ =	sdelay $0x1  }
0x298: {  	v8 =	vperm.xlane v8, v1;
	v9 =	vadd.s32 v2, v9;
	_ =	sdelay $0x1  }
0x299: {  	v8 =	vadd.s32 v2, v8;
	_ =	sdelay $0x1  }
0x29a: {  	s2 =	simm.s32 $0x16800  }
0x29b: {  	[tilespmem:s2], [sflag:$0xE] =	stream.indirect_vreg.gather [hbm4b:s5+s4], $0x80, v9, vm0, $0xb8;
	[tilespmem:$0x1A800] =	vst v63  }
0x29c: {  	s31 =	simm.s32 $0x17000  }
0x29d: {  	[tilespmem:s31], [sflag:$0xE] =	stream.indirect_vreg.gather [hbm4b:s5+s4], $0x80, v8, vm0, $0xb8;
	[tilespmem:$0x1A800] =	vst v63  }
0x29e: {  	v8 =	vld [tilespmem:s20+$0x10];
	_ =	sdelay $0x4  }
0x29f: {  	v61 =	vshll.u32 v8, $0x1  }
0x2a0: {  	v8 =	vand.u32 $0x7, v8;
	v9 =	vand.u32 $0xFFFFFFF0, v61  }
0x2a1: {  	v8 =	vor.u32 v8, v9  }
0x2a2: {  	v9 =	vperm.xlane v8, v0;
	_ =	sdelay $0x1  }
0x2a3: {  	v8 =	vperm.xlane v8, v1;
	v9 =	vadd.s32 v2, v9;
	_ =	sdelay $0x1  }
0x2a4: {  	v8 =	vadd.s32 v2, v8;
	_ =	sdelay $0x1  }
0x2a5: {  	s18 =	simm.s32 $0x17800  }
0x2a6: {  	[tilespmem:s18], [sflag:$0xE] =	stream.indirect_vreg.gather [hbm4b:s5+s4], $0x80, v9, vm0, $0xb8;
	[tilespmem:$0x1A800] =	vst v63  }
0x2a7: {  	s25 =	simm.s32 $0x18000  }
0x2a8: {  	[tilespmem:s25], [sflag:$0xE] =	stream.indirect_vreg.gather [hbm4b:s5+s4], $0x80, v8, vm0, $0xb8;
	[tilespmem:$0x1A800] =	vst v63  }
0x2a9: {  	v8 =	vld [tilespmem:s20+$0x400];
	_ =	sdelay $0x4  }
0x2aa: {  	v62 =	vshll.u32 v8, $0x1  }
0x2ab: {  	v8 =	vand.u32 $0x7, v8;
	v9 =	vand.u32 $0xFFFFFFF0, v62  }
0x2ac: {  	v8 =	vor.u32 v8, v9  }
0x2ad: {  	v9 =	vperm.xlane v8, v0;
	_ =	sdelay $0x1  }
0x2ae: {  	v8 =	vperm.xlane v8, v1;
	v9 =	vadd.s32 v2, v9;
	_ =	sdelay $0x1  }
0x2af: {  	v8 =	vadd.s32 v2, v8;
	_ =	sdelay $0x1  }
0x2b0: {  	s31 =	simm.s32 $0x18800  }
0x2b1: {  	[tilespmem:s31], [sflag:$0xF] =	stream.indirect_vreg.gather [hbm4b:s6+s4], $0x80, v9, vm0, $0xb8;
	[tilespmem:$0x1A800] =	vst v63  }
0x2b2: {  	s18 =	simm.s32 $0x19000  }
0x2b3: {  	[tilespmem:s18], [sflag:$0xF] =	stream.indirect_vreg.gather [hbm4b:s6+s4], $0x80, v8, vm0, $0xb8;
	[tilespmem:$0x1A800] =	vst v63  }
0x2b4: {  	v8 =	vld [tilespmem:s20+$0x410];
	_ =	sdelay $0x4  }
0x2b5: {  	v63 =	vshll.u32 v8, $0x1  }
0x2b6: {  	v8 =	vand.u32 $0x7, v8;
	v9 =	vand.u32 $0xFFFFFFF0, v63  }
0x2b7: {  	v8 =	vor.u32 v8, v9  }
0x2b8: {  	v9 =	vperm.xlane v8, v0;
	_ =	sdelay $0x1  }
0x2b9: {  	v8 =	vperm.xlane v8, v1;
	v9 =	vadd.s32 v2, v9;
	_ =	sdelay $0x1  }
0x2ba: {  	v8 =	vadd.s32 v2, v8;
	_ =	sdelay $0x1  }
0x2bb: {  	s25 =	simm.s32 $0x19800  }
0x2bc: {  	[tilespmem:s25], [sflag:$0xF] =	stream.indirect_vreg.gather [hbm4b:s6+s4], $0x80, v9, vm0, $0xb8;
	[tilespmem:$0x1A800] =	vst v63  }
0x2bd: {  	s31 =	simm.s32 $0x1A000  }
0x2be: {  	[tilespmem:s31], [sflag:$0xF] =	stream.indirect_vreg.gather [hbm4b:s6+s4], $0x80, v8, vm0, $0xb8;
	[tilespmem:$0x1A800] =	vst v63  }
.LBB2_12:
0x2bf: {  	_ =	swait.ge [sflag:s1], $0x2000  }
0x2c0: {  	[sflag:s1] =	ssyncset.done $0x0  }
0x2c1: {  	[sflag:s1] =	ssyncadd.s32 $0xFFFFE000  }
0x2c2: {  	_ =	swait.ge [sflag:s0], $0x2000  }
0x2c3: {  	[sflag:s0] =	ssyncset.done $0x0  }
0x2c4: {  	[sflag:s0] =	ssyncadd.s32 $0xFFFFE000  }
0x2c5: {  	s25 =	simm.s32 $0x0;
	_ =	swait.ge [sflag:s19], $0x2000  }
0x2c6: {  	s20 =	sand.u32 $0x1800, s25;
	s31 =	sand.u32 $0x380, s25;
	[sflag:s19] =	ssyncset.done $0x0  }
0x2c7: {  	s31 =	sor.u32 s31, s20;
	[sflag:s19] =	ssyncadd.s32 $0xFFFFE000  }
0x2c8: {  	v22 =	vld [tilespmem:s31+$0xC800]  }
0x2c9: {  	v23 =	vld [tilespmem:s31+$0xC810]  }
0x2ca: {  	v24 =	vld [tilespmem:s31+$0xC820]  }
0x2cb: {  	v26 =	vld [tilespmem:s31+$0xC830]  }
0x2cc: {  	v27 =	vld [tilespmem:s31+$0xC840]  }
0x2cd: {  	v28 =	vld [tilespmem:s31+$0xC850]  }
0x2ce: {  	v29 =	vld [tilespmem:s31+$0xC860]  }
0x2cf: {  	v14 =	vld [tilespmem:s31+$0xC870]  }
0x2d0: {  	v13 =	vld [tilespmem:s31+$0xCC00]  }
0x2d1: {  	v12 =	vld [tilespmem:s31+$0xCC10]  }
0x2d2: {  	v11 =	vld [tilespmem:s31+$0xCC20]  }
0x2d3: {  	v10 =	vld [tilespmem:s31+$0xCC30]  }
0x2d4: {  	v9 =	vld [tilespmem:s31+$0xCC40]  }
0x2d5: {  	v8 =	vld [tilespmem:s31+$0xCC50]  }
0x2d6: {  	v25 =	vld [tilespmem:s31+$0xA800]  }
0x2d7: {  	v30 =	vld [tilespmem:s31+$0xA810]  }
0x2d8: {  	v31 =	vld [tilespmem:s31+$0xA820]  }
0x2d9: {  	v32 =	vld [tilespmem:s31+$0xA830]  }
0x2da: {  	v33 =	vld [tilespmem:s31+$0xA840]  }
0x2db: {  	v34 =	vld [tilespmem:s31+$0xA850]  }
0x2dc: {  	v35 =	vld [tilespmem:s31+$0xA860]  }
0x2dd: {  	v36 =	vld [tilespmem:s31+$0xA870]  }
0x2de: {  	v37 =	vld [tilespmem:s31+$0xAC00]  }
0x2df: {  	v21 =	vld [tilespmem:s31+$0xAC10]  }
0x2e0: {  	v20 =	vld [tilespmem:s31+$0xAC20]  }
0x2e1: {  	v19 =	vld [tilespmem:s31+$0xAC30]  }
0x2e2: {  	v18 =	vld [tilespmem:s31+$0xAC40]  }
0x2e3: {  	v17 =	vld [tilespmem:s31+$0xAC50]  }
0x2e4: {  	v16 =	vld [tilespmem:s31+$0xAC60]  }
0x2e5: {  	v15 =	vld [tilespmem:s31+$0xAC70]  }
0x2e6: {  	v38 =	vld [tilespmem:s31+$0x8800]  }
0x2e7: {  	v39 =	vld [tilespmem:s31+$0x8810]  }
0x2e8: {  	v40 =	vld [tilespmem:s31+$0x8820]  }
0x2e9: {  	v41 =	vld [tilespmem:s31+$0x8830]  }
0x2ea: {  	v42 =	vld [tilespmem:s31+$0x8840]  }
0x2eb: {  	v59 =	vld [tilespmem:s31+$0x8850];
	v25 =	vadd.f32 v25, v38  }
0x2ec: {  	v60 =	vld [tilespmem:s31+$0x8860];
	v30 =	vadd.f32 v30, v39  }
0x2ed: {  	v22 =	vadd.f32 v22, v25;
	v25 =	vadd.f32 v31, v40;
	v31 =	vld [tilespmem:s31+$0x8870]  }
0x2ee: {  	v61 =	vld [tilespmem:s31+$0x8C00];
	v23 =	vadd.f32 v23, v30;
	v30 =	vadd.f32 v32, v41  }
0x2ef: {  	[tilespmem:s31+$0x8800] =	vst v22;
	v22 =	vadd.f32 v24, v25;
	v24 =	vadd.f32 v33, v42;
	v25 =	vld [tilespmem:s31+$0x8C10]  }
0x2f0: {  	v62 =	vadd.f32 v34, v59;
	[tilespmem:s31+$0x8810] =	vst v23;
	v30 =	vadd.f32 v26, v30;
	v26 =	vld [tilespmem:s31+$0x8C20]  }
0x2f1: {  	v63 =	vadd.f32 v35, v60;
	v23 =	vld [tilespmem:s31+$0x8C30];
	[tilespmem:s31+$0x8820] =	vst v22;
	v22 =	vadd.f32 v27, v24  }
0x2f2: {  	[tilespmem:s31+$0x8830] =	vst v30;
	v27 =	vadd.f32 v28, v62;
	v24 =	vld [tilespmem:s31+$0x8C40];
	v28 =	vadd.f32 v36, v31  }
0x2f3: {  	s20 =	simm.s32 $0x100;
	v30 =	vadd.f32 v29, v63;
	v29 =	vadd.f32 v37, v61;
	[tilespmem:s31+$0x8840] =	vst v22;
	v22 =	vld [tilespmem:s31+$0x8C50]  }
.LBB2_13:
0x2f4: {  	p1 =	sne.s32 s20, $0x1F00;
	[tilespmem:s31+$0x8850] =	vst v27;
	v14 =	vadd.f32 v14, v28;
	v21 =	vadd.f32 v21, v25;
	v25 =	vld [tilespmem:s31+$0x8C60]  }
0x2f5: {  	s25 =	sadd.s32 $0x80, s25;
	[tilespmem:s31+$0x8860] =	vst v30;
	v13 =	vadd.f32 v13, v29;
	v20 =	vadd.f32 v20, v26;
	v26 =	vld [tilespmem:s31+$0x8C70]  }
0x2f6: {  	s2 =	sand.u32 $0x1800, s20;
	s18 =	sand.u32 $0x380, s25;
	[tilespmem:s31+$0x8870] =	vst v14;
	v12 =	vadd.f32 v12, v21;
	v14 =	vadd.f32 v19, v23;
	v19 =	vld [tilespmem:s31+$0xCC60]  }
0x2f7: {  	s2 =	sor.u32 s18, s2;
	[tilespmem:s31+$0x8C00] =	vst v13;
	v11 =	vadd.f32 v11, v20;
	v13 =	vadd.f32 v18, v24;
	v18 =	vld [tilespmem:s31+$0xCC70]  }
0x2f8: {  	v23 =	vld [tilespmem:s2+$0xC800];
	[tilespmem:s31+$0x8C10] =	vst v12;
	v10 =	vadd.f32 v10, v14;
	v12 =	vadd.f32 v17, v22  }
0x2f9: {  	v22 =	vld [tilespmem:s2+$0xC810];
	[tilespmem:s31+$0x8C20] =	vst v11;
	v9 =	vadd.f32 v9, v13;
	v11 =	vadd.f32 v16, v25  }
0x2fa: {  	v24 =	vld [tilespmem:s2+$0xC820];
	[tilespmem:s31+$0x8C30] =	vst v10;
	v8 =	vadd.f32 v8, v12;
	v10 =	vadd.f32 v15, v26  }
0x2fb: {  	v26 =	vld [tilespmem:s2+$0xC830];
	[tilespmem:s31+$0x8C40] =	vst v9;
	v9 =	vadd.f32 v19, v11  }
0x2fc: {  	v27 =	vld [tilespmem:s2+$0xC840];
	[tilespmem:s31+$0x8C50] =	vst v8;
	v8 =	vadd.f32 v18, v10  }
0x2fd: {  	v28 =	vld [tilespmem:s2+$0xC850];
	[tilespmem:s31+$0x8C60] =	vst v9  }
0x2fe: {  	v29 =	vld [tilespmem:s2+$0xC860];
	[tilespmem:s31+$0x8C70] =	vst v8;
	s31 =	smov.u32 s2  }
0x2ff: {  	v14 =	vld [tilespmem:s31+$0xC870]  }
0x300: {  	v13 =	vld [tilespmem:s31+$0xCC00]  }
0x301: {  	v12 =	vld [tilespmem:s31+$0xCC10]  }
0x302: {  	v11 =	vld [tilespmem:s31+$0xCC20]  }
0x303: {  	v10 =	vld [tilespmem:s31+$0xCC30]  }
0x304: {  	v9 =	vld [tilespmem:s31+$0xCC40]  }
0x305: {  	v8 =	vld [tilespmem:s31+$0xCC50]  }
0x306: {  	v25 =	vld [tilespmem:s31+$0xA800]  }
0x307: {  	v30 =	vld [tilespmem:s31+$0xA810]  }
0x308: {  	v31 =	vld [tilespmem:s31+$0xA820]  }
0x309: {  	v32 =	vld [tilespmem:s31+$0xA830]  }
0x30a: {  	v33 =	vld [tilespmem:s31+$0xA840]  }
0x30b: {  	v34 =	vld [tilespmem:s31+$0xA850]  }
0x30c: {  	v35 =	vld [tilespmem:s31+$0xA860]  }
0x30d: {  	v36 =	vld [tilespmem:s31+$0xA870]  }
0x30e: {  	v37 =	vld [tilespmem:s31+$0xAC00]  }
0x30f: {  	v21 =	vld [tilespmem:s31+$0xAC10]  }
0x310: {  	v20 =	vld [tilespmem:s31+$0xAC20]  }
0x311: {  	v19 =	vld [tilespmem:s31+$0xAC30]  }
0x312: {  	v18 =	vld [tilespmem:s31+$0xAC40]  }
0x313: {  	v17 =	vld [tilespmem:s31+$0xAC50]  }
0x314: {  	v16 =	vld [tilespmem:s31+$0xAC60]  }
0x315: {  	v15 =	vld [tilespmem:s31+$0xAC70]  }
0x316: {  	v38 =	vld [tilespmem:s31+$0x8800]  }
0x317: {  	v39 =	vld [tilespmem:s31+$0x8810]  }
0x318: {  	v40 =	vld [tilespmem:s31+$0x8820]  }
0x319: {  	v41 =	vld [tilespmem:s31+$0x8830]  }
0x31a: {  	v42 =	vld [tilespmem:s31+$0x8840]  }
0x31b: {  	v25 =	vadd.f32 v25, v38;
	v38 =	vld [tilespmem:s31+$0x8850]  }
0x31c: {  	v30 =	vadd.f32 v30, v39;
	v39 =	vld [tilespmem:s31+$0x8860]  }
0x31d: {  	v23 =	vadd.f32 v23, v25;
	v25 =	vadd.f32 v31, v40;
	v31 =	vld [tilespmem:s31+$0x8870]  }
0x31e: {  	v22 =	vadd.f32 v22, v30;
	v30 =	vadd.f32 v32, v41;
	v32 =	vld [tilespmem:s31+$0x8C00]  }
.Ltmp7:
0x31f: {  	[tilespmem:s31+$0x8800] =	vst v23;
	v23 =	vadd.f32 v24, v25;
	v24 =	vadd.f32 v33, v42;
	v25 =	vld [tilespmem:s31+$0x8C10];
	(pc) =	sbr.rel @p1 .LBB2_13-.Ltmp7, $4  }
0x320: {  	[tilespmem:s31+$0x8810] =	vst v22;
	v22 =	vadd.f32 v26, v30;
	v30 =	vadd.f32 v34, v38;
	v26 =	vld [tilespmem:s31+$0x8C20]  }
0x321: {  	[tilespmem:s31+$0x8820] =	vst v23;
	v33 =	vadd.f32 v27, v24;
	v34 =	vadd.f32 v35, v39;
	v23 =	vld [tilespmem:s31+$0x8C30]  }
0x322: {  	[tilespmem:s31+$0x8830] =	vst v22;
	v27 =	vadd.f32 v28, v30;
	v28 =	vadd.f32 v36, v31;
	v24 =	vld [tilespmem:s31+$0x8C40]  }
0x323: {  	s20 =	sadd.s32 $0x100, s20;
	[tilespmem:s31+$0x8840] =	vst v33;
	v30 =	vadd.f32 v29, v34;
	v29 =	vadd.f32 v37, v32;
	v22 =	vld [tilespmem:s31+$0x8C50]  }
0x324: {  	[tilespmem:s31+$0x8850] =	vst v27;
	v14 =	vadd.f32 v14, v28;
	v52 =	vld [tilespmem:s31+$0x8C60];
	v21 =	vadd.f32 v21, v25  }
0x325: {  	v53 =	vld [tilespmem:s31+$0x8C70];
	[tilespmem:s31+$0x8860] =	vst v30;
	v13 =	vadd.f32 v13, v29;
	v54 =	vadd.f32 v20, v26  }
0x326: {  	v55 =	vld [tilespmem:s31+$0xCC60];
	[tilespmem:s31+$0x8870] =	vst v14;
	v12 =	vadd.f32 v12, v21;
	v19 =	vadd.f32 v19, v23  }
0x327: {  	v57 =	vld [tilespmem:s31+$0xCC70];
	[tilespmem:s31+$0x8C00] =	vst v13;
	v11 =	vadd.f32 v11, v54;
	v56 =	vadd.f32 v18, v24  }
0x328: {  	[tilespmem:s31+$0x8C10] =	vst v12;
	v10 =	vadd.f32 v10, v19;
	v58 =	vadd.f32 v17, v22  }
0x329: {  	[tilespmem:s31+$0x8C20] =	vst v11;
	v9 =	vadd.f32 v9, v56;
	v59 =	vadd.f32 v16, v52  }
0x32a: {  	v60 =	vadd.f32 v15, v53;
	[tilespmem:s31+$0x8C30] =	vst v10;
	v8 =	vadd.f32 v8, v58  }
0x32b: {  	[tilespmem:s31+$0x8C40] =	vst v9;
	v61 =	vadd.f32 v55, v59  }
0x32c: {  	[tilespmem:s31+$0x8C50] =	vst v8;
	v8 =	vadd.f32 v57, v60  }
0x32d: {  	[tilespmem:s31+$0x8C60] =	vst v61  }
0x32e: {  	[tilespmem:s31+$0x8C70] =	vst v8  }
0x32f: {  	v8 =	vld [tilespmem:s13+$0x880];
	_ =	sdelay $0x4  }
0x330: {  	v62 =	vshll.u32 v8, $0x1  }
0x331: {  	v8 =	vand.u32 $0x7, v8;
	v9 =	vand.u32 $0xFFFFFFF0, v62  }
0x332: {  	v8 =	vor.u32 v8, v9  }
0x333: {  	v9 =	vperm.xlane v8, v0;
	_ =	sdelay $0x1  }
0x334: {  	v8 =	vperm.xlane v8, v1;
	v9 =	vadd.s32 v2, v9;
	_ =	sdelay $0x1  }
0x335: {  	v8 =	vadd.s32 v2, v8;
	_ =	sdelay $0x1  }
0x336: {  	s2 =	simm.s32 $0x8800  }
0x337: {  	[hbm4b:s3+s4] =	stream.indirect_vreg.scatter [tilespmem:s2], [sflag:$0x8], $0x80, v9, vm0, $0xb8;
	[tilespmem:$0x1A800] =	vst v63  }
0x338: {  	s20 =	simm.s32 $0x9000  }
0x339: {  	[hbm4b:s3+s4] =	stream.indirect_vreg.scatter [tilespmem:s20], [sflag:$0x8], $0x80, v8, vm0, $0xb8;
	[tilespmem:$0x1A800] =	vst v63  }
0x33a: {  	v8 =	vld [tilespmem:s13+$0x890];
	_ =	sdelay $0x4  }
0x33b: {  	v63 =	vshll.u32 v8, $0x1  }
0x33c: {  	v8 =	vand.u32 $0x7, v8;
	v9 =	vand.u32 $0xFFFFFFF0, v63  }
0x33d: {  	v8 =	vor.u32 v8, v9  }
0x33e: {  	v9 =	vperm.xlane v8, v0;
	_ =	sdelay $0x1  }
0x33f: {  	v8 =	vperm.xlane v8, v1;
	v9 =	vadd.s32 v2, v9;
	_ =	sdelay $0x1  }
0x340: {  	p1 =	seq.s32 s16, $0x7;
	v8 =	vadd.s32 v2, v8  }
.Ltmp8:
0x341: {  	_ = 	snop;
	(pc) =	sbr.rel @p1 .LBB2_16-.Ltmp8, $4  }
0x342: {  	s25 =	simm.s32 $0x9800  }
0x343: {  	[hbm4b:s3+s4] =	stream.indirect_vreg.scatter [tilespmem:s25], [sflag:$0x8], $0x80, v9, vm0, $0xb8;
	[tilespmem:$0x1A800] =	vst v63  }
0x344: {  	s31 =	simm.s32 $0xA000  }
0x345: {  	[hbm4b:s3+s4] =	stream.indirect_vreg.scatter [tilespmem:s31], [sflag:$0x8], $0x80, v8, vm0, $0xb8;
	[tilespmem:$0x1A800] =	vst v63  }
0x346: {  	s2 =	sshll.u32 s16, $0x7  }
0x347: {  	s20 =	simm.s32 $0x4;
	s18 =	sadd.s32 $0x80, s2  }
0x348: {  	_ =	swait.ge [sflag:s20], $0x2000;
	s18 =	sadd.s32 s8, s18  }
0x349: {  	[sflag:s20] =	ssyncset.done $0x0;
	s18 =	sshll.u32 s18, $0x5  }
0x34a: {  	s31 =	simm.s32 $0x2800;
	[sflag:s20] =	ssyncadd.s32 $0xFFFFE000;
	s18 =	sadd.s32 s12, s18  }
0x34b: {  	[tilespmem:s31], [sflag:$0x1] =	stream.linear.gather [hbm4b:s18+s4], $0x2000, $0x38;
	[tilespmem:$0x1A800] =	vst v63  }
0x34c: {  	v8 =	vld [tilespmem:s2+$0x80];
	_ =	sdelay $0x4  }
0x34d: {  	v9 =	vshll.u32 v8, $0x1  }
0x34e: {  	v8 =	vand.u32 $0x7, v8;
	v9 =	vand.u32 $0xFFFFFFF0, v9  }
0x34f: {  	v8 =	vor.u32 v8, v9  }
0x350: {  	v9 =	vperm.xlane v8, v0;
	_ =	sdelay $0x1  }
0x351: {  	v8 =	vperm.xlane v8, v1;
	v9 =	vadd.s32 v2, v9;
	_ =	sdelay $0x1  }
0x352: {  	v8 =	vadd.s32 v2, v8;
	_ =	sdelay $0x1  }
0x353: {  	s25 =	simm.s32 $0x4800  }
0x354: {  	[tilespmem:s25], [sflag:$0x2] =	stream.indirect_vreg.gather [hbm4b:s5+s4], $0x80, v9, vm0, $0xb8;
	[tilespmem:$0x1A800] =	vst v63  }
0x355: {  	s31 =	simm.s32 $0x5000  }
0x356: {  	[tilespmem:s31], [sflag:$0x2] =	stream.indirect_vreg.gather [hbm4b:s5+s4], $0x80, v8, vm0, $0xb8;
	[tilespmem:$0x1A800] =	vst v63  }
0x357: {  	v8 =	vld [tilespmem:s2+$0x90];
	_ =	sdelay $0x4  }
0x358: {  	v61 =	vshll.u32 v8, $0x1  }
0x359: {  	v8 =	vand.u32 $0x7, v8;
	v9 =	vand.u32 $0xFFFFFFF0, v61  }
0x35a: {  	v8 =	vor.u32 v8, v9  }
0x35b: {  	v9 =	vperm.xlane v8, v0;
	_ =	sdelay $0x1  }
0x35c: {  	v8 =	vperm.xlane v8, v1;
	v9 =	vadd.s32 v2, v9;
	_ =	sdelay $0x1  }
0x35d: {  	v8 =	vadd.s32 v2, v8;
	_ =	sdelay $0x1  }
0x35e: {  	s20 =	simm.s32 $0x5800  }
0x35f: {  	[tilespmem:s20], [sflag:$0x2] =	stream.indirect_vreg.gather [hbm4b:s5+s4], $0x80, v9, vm0, $0xb8;
	[tilespmem:$0x1A800] =	vst v63  }
0x360: {  	s25 =	simm.s32 $0x6000  }
0x361: {  	[tilespmem:s25], [sflag:$0x2] =	stream.indirect_vreg.gather [hbm4b:s5+s4], $0x80, v8, vm0, $0xb8;
	[tilespmem:$0x1A800] =	vst v63  }
0x362: {  	v8 =	vld [tilespmem:s2+$0x480];
	_ =	sdelay $0x4  }
0x363: {  	v62 =	vshll.u32 v8, $0x1  }
0x364: {  	v8 =	vand.u32 $0x7, v8;
	v9 =	vand.u32 $0xFFFFFFF0, v62  }
0x365: {  	v8 =	vor.u32 v8, v9  }
0x366: {  	v9 =	vperm.xlane v8, v0;
	_ =	sdelay $0x1  }
0x367: {  	v8 =	vperm.xlane v8, v1;
	v9 =	vadd.s32 v2, v9;
	_ =	sdelay $0x1  }
0x368: {  	v8 =	vadd.s32 v2, v8;
	_ =	sdelay $0x1  }
0x369: {  	s31 =	simm.s32 $0x6800  }
0x36a: {  	[tilespmem:s31], [sflag:$0x3] =	stream.indirect_vreg.gather [hbm4b:s6+s4], $0x80, v9, vm0, $0xb8;
	[tilespmem:$0x1A800] =	vst v63  }
0x36b: {  	s20 =	simm.s32 $0x7000  }
0x36c: {  	[tilespmem:s20], [sflag:$0x3] =	stream.indirect_vreg.gather [hbm4b:s6+s4], $0x80, v8, vm0, $0xb8;
	[tilespmem:$0x1A800] =	vst v63  }
0x36d: {  	v8 =	vld [tilespmem:s2+$0x490];
	_ =	sdelay $0x4  }
0x36e: {  	v63 =	vshll.u32 v8, $0x1  }
0x36f: {  	v8 =	vand.u32 $0x7, v8;
	v9 =	vand.u32 $0xFFFFFFF0, v63  }
0x370: {  	v8 =	vor.u32 v8, v9  }
0x371: {  	v9 =	vperm.xlane v8, v0;
	_ =	sdelay $0x1  }
0x372: {  	v8 =	vperm.xlane v8, v1;
	v9 =	vadd.s32 v2, v9;
	_ =	sdelay $0x1  }
0x373: {  	v8 =	vadd.s32 v2, v8;
	_ =	sdelay $0x1  }
0x374: {  	s25 =	simm.s32 $0x7800  }
0x375: {  	[tilespmem:s25], [sflag:$0x3] =	stream.indirect_vreg.gather [hbm4b:s6+s4], $0x80, v9, vm0, $0xb8;
	[tilespmem:$0x1A800] =	vst v63  }
0x376: {  	s31 =	simm.s32 $0x8000  }
0x377: {  	[tilespmem:s31], [sflag:$0x3] =	stream.indirect_vreg.gather [hbm4b:s6+s4], $0x80, v8, vm0, $0xb8;
	[tilespmem:$0x1A800] =	vst v63  }
.LBB2_16:
0x378: {  	_ =	swait.ge [sflag:s17], $0x2000  }
0x379: {  	[sflag:s17] =	ssyncset.done $0x0  }
0x37a: {  	[sflag:s17] =	ssyncadd.s32 $0xFFFFE000  }
0x37b: {  	_ =	swait.ge [sflag:s22], $0x2000  }
0x37c: {  	[sflag:s22] =	ssyncset.done $0x0  }
0x37d: {  	[sflag:s22] =	ssyncadd.s32 $0xFFFFE000  }
0x37e: {  	s25 =	simm.s32 $0x0;
	_ =	swait.ge [sflag:s23], $0x2000  }
0x37f: {  	s2 =	sand.u32 $0x1800, s25;
	s18 =	sand.u32 $0x380, s25;
	[sflag:s23] =	ssyncset.done $0x0  }
0x380: {  	s31 =	sor.u32 s18, s2;
	[sflag:s23] =	ssyncadd.s32 $0xFFFFE000  }
0x381: {  	v22 =	vld [tilespmem:s31+$0x12800]  }
0x382: {  	v23 =	vld [tilespmem:s31+$0x12810]  }
0x383: {  	v24 =	vld [tilespmem:s31+$0x12820]  }
0x384: {  	v26 =	vld [tilespmem:s31+$0x12830]  }
0x385: {  	v27 =	vld [tilespmem:s31+$0x12840]  }
0x386: {  	v28 =	vld [tilespmem:s31+$0x12850]  }
0x387: {  	v29 =	vld [tilespmem:s31+$0x12860]  }
0x388: {  	v14 =	vld [tilespmem:s31+$0x12870]  }
0x389: {  	v13 =	vld [tilespmem:s31+$0x12C00]  }
0x38a: {  	v12 =	vld [tilespmem:s31+$0x12C10]  }
0x38b: {  	v11 =	vld [tilespmem:s31+$0x12C20]  }
0x38c: {  	v10 =	vld [tilespmem:s31+$0x12C30]  }
0x38d: {  	v9 =	vld [tilespmem:s31+$0x12C40]  }
0x38e: {  	v8 =	vld [tilespmem:s31+$0x12C50]  }
0x38f: {  	v25 =	vld [tilespmem:s31+$0x10800]  }
0x390: {  	v30 =	vld [tilespmem:s31+$0x10810]  }
0x391: {  	v31 =	vld [tilespmem:s31+$0x10820]  }
0x392: {  	v32 =	vld [tilespmem:s31+$0x10830]  }
0x393: {  	v33 =	vld [tilespmem:s31+$0x10840]  }
0x394: {  	v34 =	vld [tilespmem:s31+$0x10850]  }
0x395: {  	v35 =	vld [tilespmem:s31+$0x10860]  }
0x396: {  	v36 =	vld [tilespmem:s31+$0x10870]  }
0x397: {  	v37 =	vld [tilespmem:s31+$0x10C00]  }
0x398: {  	v21 =	vld [tilespmem:s31+$0x10C10]  }
0x399: {  	v20 =	vld [tilespmem:s31+$0x10C20]  }
0x39a: {  	v19 =	vld [tilespmem:s31+$0x10C30]  }
0x39b: {  	v18 =	vld [tilespmem:s31+$0x10C40]  }
0x39c: {  	v17 =	vld [tilespmem:s31+$0x10C50]  }
0x39d: {  	v16 =	vld [tilespmem:s31+$0x10C60]  }
0x39e: {  	v15 =	vld [tilespmem:s31+$0x10C70]  }
0x39f: {  	v38 =	vld [tilespmem:s31+$0xE800]  }
0x3a0: {  	v39 =	vld [tilespmem:s31+$0xE810]  }
0x3a1: {  	v40 =	vld [tilespmem:s31+$0xE820]  }
0x3a2: {  	v41 =	vld [tilespmem:s31+$0xE830]  }
0x3a3: {  	v42 =	vld [tilespmem:s31+$0xE840]  }
0x3a4: {  	v59 =	vld [tilespmem:s31+$0xE850];
	v25 =	vadd.f32 v25, v38  }
0x3a5: {  	v60 =	vld [tilespmem:s31+$0xE860];
	v30 =	vadd.f32 v30, v39  }
0x3a6: {  	v22 =	vadd.f32 v22, v25;
	v25 =	vadd.f32 v31, v40;
	v31 =	vld [tilespmem:s31+$0xE870]  }
0x3a7: {  	v61 =	vld [tilespmem:s31+$0xEC00];
	v23 =	vadd.f32 v23, v30;
	v30 =	vadd.f32 v32, v41  }
0x3a8: {  	[tilespmem:s31+$0xE800] =	vst v22;
	v22 =	vadd.f32 v24, v25;
	v24 =	vadd.f32 v33, v42;
	v25 =	vld [tilespmem:s31+$0xEC10]  }
0x3a9: {  	v62 =	vadd.f32 v34, v59;
	[tilespmem:s31+$0xE810] =	vst v23;
	v30 =	vadd.f32 v26, v30;
	v26 =	vld [tilespmem:s31+$0xEC20]  }
0x3aa: {  	v63 =	vadd.f32 v35, v60;
	v23 =	vld [tilespmem:s31+$0xEC30];
	[tilespmem:s31+$0xE820] =	vst v22;
	v22 =	vadd.f32 v27, v24  }
0x3ab: {  	[tilespmem:s31+$0xE830] =	vst v30;
	v27 =	vadd.f32 v28, v62;
	v24 =	vld [tilespmem:s31+$0xEC40];
	v28 =	vadd.f32 v36, v31  }
0x3ac: {  	s20 =	simm.s32 $0x100;
	v30 =	vadd.f32 v29, v63;
	v29 =	vadd.f32 v37, v61;
	[tilespmem:s31+$0xE840] =	vst v22;
	v22 =	vld [tilespmem:s31+$0xEC50]  }
.LBB2_17:
0x3ad: {  	p2 =	sne.s32 s20, $0x1F00;
	[tilespmem:s31+$0xE850] =	vst v27;
	v14 =	vadd.f32 v14, v28;
	v21 =	vadd.f32 v21, v25;
	v25 =	vld [tilespmem:s31+$0xEC60]  }
0x3ae: {  	s25 =	sadd.s32 $0x80, s25;
	[tilespmem:s31+$0xE860] =	vst v30;
	v13 =	vadd.f32 v13, v29;
	v20 =	vadd.f32 v20, v26;
	v26 =	vld [tilespmem:s31+$0xEC70]  }
0x3af: {  	s2 =	sand.u32 $0x1800, s20;
	s18 =	sand.u32 $0x380, s25;
	[tilespmem:s31+$0xE870] =	vst v14;
	v12 =	vadd.f32 v12, v21;
	v14 =	vadd.f32 v19, v23;
	v19 =	vld [tilespmem:s31+$0x12C60]  }
0x3b0: {  	s2 =	sor.u32 s18, s2;
	[tilespmem:s31+$0xEC00] =	vst v13;
	v11 =	vadd.f32 v11, v20;
	v13 =	vadd.f32 v18, v24;
	v18 =	vld [tilespmem:s31+$0x12C70]  }
0x3b1: {  	v23 =	vld [tilespmem:s2+$0x12800];
	[tilespmem:s31+$0xEC10] =	vst v12;
	v10 =	vadd.f32 v10, v14;
	v12 =	vadd.f32 v17, v22  }
0x3b2: {  	v22 =	vld [tilespmem:s2+$0x12810];
	[tilespmem:s31+$0xEC20] =	vst v11;
	v9 =	vadd.f32 v9, v13;
	v11 =	vadd.f32 v16, v25  }
0x3b3: {  	v24 =	vld [tilespmem:s2+$0x12820];
	[tilespmem:s31+$0xEC30] =	vst v10;
	v8 =	vadd.f32 v8, v12;
	v10 =	vadd.f32 v15, v26  }
0x3b4: {  	v26 =	vld [tilespmem:s2+$0x12830];
	[tilespmem:s31+$0xEC40] =	vst v9;
	v9 =	vadd.f32 v19, v11  }
0x3b5: {  	v27 =	vld [tilespmem:s2+$0x12840];
	[tilespmem:s31+$0xEC50] =	vst v8;
	v8 =	vadd.f32 v18, v10  }
0x3b6: {  	v28 =	vld [tilespmem:s2+$0x12850];
	[tilespmem:s31+$0xEC60] =	vst v9  }
0x3b7: {  	v29 =	vld [tilespmem:s2+$0x12860];
	[tilespmem:s31+$0xEC70] =	vst v8;
	s31 =	smov.u32 s2  }
0x3b8: {  	v14 =	vld [tilespmem:s31+$0x12870]  }
0x3b9: {  	v13 =	vld [tilespmem:s31+$0x12C00]  }
0x3ba: {  	v12 =	vld [tilespmem:s31+$0x12C10]  }
0x3bb: {  	v11 =	vld [tilespmem:s31+$0x12C20]  }
0x3bc: {  	v10 =	vld [tilespmem:s31+$0x12C30]  }
0x3bd: {  	v9 =	vld [tilespmem:s31+$0x12C40]  }
0x3be: {  	v8 =	vld [tilespmem:s31+$0x12C50]  }
0x3bf: {  	v25 =	vld [tilespmem:s31+$0x10800]  }
0x3c0: {  	v30 =	vld [tilespmem:s31+$0x10810]  }
0x3c1: {  	v31 =	vld [tilespmem:s31+$0x10820]  }
0x3c2: {  	v32 =	vld [tilespmem:s31+$0x10830]  }
0x3c3: {  	v33 =	vld [tilespmem:s31+$0x10840]  }
0x3c4: {  	v34 =	vld [tilespmem:s31+$0x10850]  }
0x3c5: {  	v35 =	vld [tilespmem:s31+$0x10860]  }
0x3c6: {  	v36 =	vld [tilespmem:s31+$0x10870]  }
0x3c7: {  	v37 =	vld [tilespmem:s31+$0x10C00]  }
0x3c8: {  	v21 =	vld [tilespmem:s31+$0x10C10]  }
0x3c9: {  	v20 =	vld [tilespmem:s31+$0x10C20]  }
0x3ca: {  	v19 =	vld [tilespmem:s31+$0x10C30]  }
0x3cb: {  	v18 =	vld [tilespmem:s31+$0x10C40]  }
0x3cc: {  	v17 =	vld [tilespmem:s31+$0x10C50]  }
0x3cd: {  	v16 =	vld [tilespmem:s31+$0x10C60]  }
0x3ce: {  	v15 =	vld [tilespmem:s31+$0x10C70]  }
0x3cf: {  	v38 =	vld [tilespmem:s31+$0xE800]  }
0x3d0: {  	v39 =	vld [tilespmem:s31+$0xE810]  }
0x3d1: {  	v40 =	vld [tilespmem:s31+$0xE820]  }
0x3d2: {  	v41 =	vld [tilespmem:s31+$0xE830]  }
0x3d3: {  	v42 =	vld [tilespmem:s31+$0xE840]  }
0x3d4: {  	v25 =	vadd.f32 v25, v38;
	v38 =	vld [tilespmem:s31+$0xE850]  }
0x3d5: {  	v30 =	vadd.f32 v30, v39;
	v39 =	vld [tilespmem:s31+$0xE860]  }
0x3d6: {  	v23 =	vadd.f32 v23, v25;
	v25 =	vadd.f32 v31, v40;
	v31 =	vld [tilespmem:s31+$0xE870]  }
0x3d7: {  	v22 =	vadd.f32 v22, v30;
	v30 =	vadd.f32 v32, v41;
	v32 =	vld [tilespmem:s31+$0xEC00]  }
.Ltmp9:
0x3d8: {  	[tilespmem:s31+$0xE800] =	vst v23;
	v23 =	vadd.f32 v24, v25;
	v24 =	vadd.f32 v33, v42;
	v25 =	vld [tilespmem:s31+$0xEC10];
	(pc) =	sbr.rel @p2 .LBB2_17-.Ltmp9, $4  }
0x3d9: {  	[tilespmem:s31+$0xE810] =	vst v22;
	v22 =	vadd.f32 v26, v30;
	v30 =	vadd.f32 v34, v38;
	v26 =	vld [tilespmem:s31+$0xEC20]  }
0x3da: {  	[tilespmem:s31+$0xE820] =	vst v23;
	v33 =	vadd.f32 v27, v24;
	v34 =	vadd.f32 v35, v39;
	v23 =	vld [tilespmem:s31+$0xEC30]  }
0x3db: {  	[tilespmem:s31+$0xE830] =	vst v22;
	v27 =	vadd.f32 v28, v30;
	v28 =	vadd.f32 v36, v31;
	v24 =	vld [tilespmem:s31+$0xEC40]  }
0x3dc: {  	s20 =	sadd.s32 $0x100, s20;
	[tilespmem:s31+$0xE840] =	vst v33;
	v30 =	vadd.f32 v29, v34;
	v29 =	vadd.f32 v37, v32;
	v22 =	vld [tilespmem:s31+$0xEC50]  }
0x3dd: {  	[tilespmem:s31+$0xE850] =	vst v27;
	v14 =	vadd.f32 v14, v28;
	v52 =	vld [tilespmem:s31+$0xEC60];
	v21 =	vadd.f32 v21, v25  }
0x3de: {  	v53 =	vld [tilespmem:s31+$0xEC70];
	[tilespmem:s31+$0xE860] =	vst v30;
	v13 =	vadd.f32 v13, v29;
	v54 =	vadd.f32 v20, v26  }
0x3df: {  	v55 =	vld [tilespmem:s31+$0x12C60];
	[tilespmem:s31+$0xE870] =	vst v14;
	v12 =	vadd.f32 v12, v21;
	v19 =	vadd.f32 v19, v23  }
0x3e0: {  	v57 =	vld [tilespmem:s31+$0x12C70];
	[tilespmem:s31+$0xEC00] =	vst v13;
	v11 =	vadd.f32 v11, v54;
	v56 =	vadd.f32 v18, v24  }
0x3e1: {  	[tilespmem:s31+$0xEC10] =	vst v12;
	v10 =	vadd.f32 v10, v19;
	v58 =	vadd.f32 v17, v22  }
0x3e2: {  	[tilespmem:s31+$0xEC20] =	vst v11;
	v9 =	vadd.f32 v9, v56;
	v59 =	vadd.f32 v16, v52  }
0x3e3: {  	v60 =	vadd.f32 v15, v53;
	[tilespmem:s31+$0xEC30] =	vst v10;
	v8 =	vadd.f32 v8, v58  }
0x3e4: {  	[tilespmem:s31+$0xEC40] =	vst v9;
	v61 =	vadd.f32 v55, v59  }
0x3e5: {  	[tilespmem:s31+$0xEC50] =	vst v8;
	v8 =	vadd.f32 v57, v60  }
0x3e6: {  	[tilespmem:s31+$0xEC60] =	vst v61  }
0x3e7: {  	[tilespmem:s31+$0xEC70] =	vst v8  }
0x3e8: {  	v8 =	vld [tilespmem:s13+$0x900];
	_ =	sdelay $0x4  }
0x3e9: {  	v62 =	vshll.u32 v8, $0x1  }
0x3ea: {  	v8 =	vand.u32 $0x7, v8;
	v9 =	vand.u32 $0xFFFFFFF0, v62  }
0x3eb: {  	v8 =	vor.u32 v8, v9  }
0x3ec: {  	v9 =	vperm.xlane v8, v0;
	_ =	sdelay $0x1  }
0x3ed: {  	v8 =	vperm.xlane v8, v1;
	v9 =	vadd.s32 v2, v9;
	_ =	sdelay $0x1  }
0x3ee: {  	v8 =	vadd.s32 v2, v8;
	_ =	sdelay $0x2  }
0x3ef: {  	[hbm4b:s3+s4] =	stream.indirect_vreg.scatter [tilespmem:s21], [sflag:$0xC], $0x80, v9, vm0, $0xb8;
	[tilespmem:$0x1A800] =	vst v63  }
0x3f0: {  	s2 =	simm.s32 $0xF000  }
0x3f1: {  	[hbm4b:s3+s4] =	stream.indirect_vreg.scatter [tilespmem:s2], [sflag:$0xC], $0x80, v8, vm0, $0xb8;
	[tilespmem:$0x1A800] =	vst v63  }
0x3f2: {  	v8 =	vld [tilespmem:s13+$0x910];
	_ =	sdelay $0x4  }
0x3f3: {  	v63 =	vshll.u32 v8, $0x1  }
0x3f4: {  	v8 =	vand.u32 $0x7, v8;
	v9 =	vand.u32 $0xFFFFFFF0, v63  }
0x3f5: {  	v8 =	vor.u32 v8, v9  }
0x3f6: {  	v9 =	vperm.xlane v8, v0;
	_ =	sdelay $0x1  }
0x3f7: {  	v8 =	vperm.xlane v8, v1;
	v9 =	vadd.s32 v2, v9;
	_ =	sdelay $0x1  }
0x3f8: {  	v8 =	vadd.s32 v2, v8  }
.Ltmp10:
0x3f9: {  	_ = 	snop;
	(pc) =	sbr.rel @p1 .LBB2_20-.Ltmp10, $4  }
0x3fa: {  	s25 =	simm.s32 $0xF800  }
0x3fb: {  	[hbm4b:s3+s4] =	stream.indirect_vreg.scatter [tilespmem:s25], [sflag:$0xC], $0x80, v9, vm0, $0xb8;
	[tilespmem:$0x1A800] =	vst v63  }
0x3fc: {  	s31 =	simm.s32 $0x10000  }
0x3fd: {  	[hbm4b:s3+s4] =	stream.indirect_vreg.scatter [tilespmem:s31], [sflag:$0xC], $0x80, v8, vm0, $0xb8;
	[tilespmem:$0x1A800] =	vst v63  }
0x3fe: {  	s2 =	sshll.u32 s16, $0x7  }
0x3ff: {  	s18 =	simm.s32 $0x8;
	s13 =	sadd.s32 $0xA0, s2  }
0x400: {  	_ =	swait.ge [sflag:s18], $0x2000;
	s13 =	sadd.s32 s8, s13  }
0x401: {  	[sflag:s18] =	ssyncset.done $0x0;
	s13 =	sshll.u32 s13, $0x5  }
0x402: {  	s31 =	simm.s32 $0x8800;
	[sflag:s18] =	ssyncadd.s32 $0xFFFFE000;
	s13 =	sadd.s32 s12, s13  }
0x403: {  	[tilespmem:s31], [sflag:$0x5] =	stream.linear.gather [hbm4b:s13+s4], $0x2000, $0x38;
	[tilespmem:$0x1A800] =	vst v63  }
0x404: {  	v8 =	vld [tilespmem:s2+$0xA0];
	_ =	sdelay $0x4  }
0x405: {  	v9 =	vshll.u32 v8, $0x1  }
0x406: {  	v8 =	vand.u32 $0x7, v8;
	v9 =	vand.u32 $0xFFFFFFF0, v9  }
0x407: {  	v8 =	vor.u32 v8, v9  }
0x408: {  	v9 =	vperm.xlane v8, v0;
	_ =	sdelay $0x1  }
0x409: {  	v8 =	vperm.xlane v8, v1;
	v9 =	vadd.s32 v2, v9;
	_ =	sdelay $0x1  }
0x40a: {  	v8 =	vadd.s32 v2, v8;
	_ =	sdelay $0x1  }
0x40b: {  	s18 =	simm.s32 $0xA800  }
0x40c: {  	[tilespmem:s18], [sflag:$0x6] =	stream.indirect_vreg.gather [hbm4b:s5+s4], $0x80, v9, vm0, $0xb8;
	[tilespmem:$0x1A800] =	vst v63  }
0x40d: {  	s20 =	simm.s32 $0xB000  }
0x40e: {  	[tilespmem:s20], [sflag:$0x6] =	stream.indirect_vreg.gather [hbm4b:s5+s4], $0x80, v8, vm0, $0xb8;
	[tilespmem:$0x1A800] =	vst v63  }
0x40f: {  	v8 =	vld [tilespmem:s2+$0xB0];
	_ =	sdelay $0x4  }
0x410: {  	v61 =	vshll.u32 v8, $0x1  }
0x411: {  	v8 =	vand.u32 $0x7, v8;
	v9 =	vand.u32 $0xFFFFFFF0, v61  }
0x412: {  	v8 =	vor.u32 v8, v9  }
0x413: {  	v9 =	vperm.xlane v8, v0;
	_ =	sdelay $0x1  }
0x414: {  	v8 =	vperm.xlane v8, v1;
	v9 =	vadd.s32 v2, v9;
	_ =	sdelay $0x1  }
0x415: {  	v8 =	vadd.s32 v2, v8;
	_ =	sdelay $0x1  }
0x416: {  	s25 =	simm.s32 $0xB800  }
0x417: {  	[tilespmem:s25], [sflag:$0x6] =	stream.indirect_vreg.gather [hbm4b:s5+s4], $0x80, v9, vm0, $0xb8;
	[tilespmem:$0x1A800] =	vst v63  }
0x418: {  	s31 =	simm.s32 $0xC000  }
0x419: {  	[tilespmem:s31], [sflag:$0x6] =	stream.indirect_vreg.gather [hbm4b:s5+s4], $0x80, v8, vm0, $0xb8;
	[tilespmem:$0x1A800] =	vst v63  }
0x41a: {  	v8 =	vld [tilespmem:s2+$0x4A0];
	_ =	sdelay $0x4  }
0x41b: {  	v62 =	vshll.u32 v8, $0x1  }
0x41c: {  	v8 =	vand.u32 $0x7, v8;
	v9 =	vand.u32 $0xFFFFFFF0, v62  }
0x41d: {  	v8 =	vor.u32 v8, v9  }
0x41e: {  	v9 =	vperm.xlane v8, v0;
	_ =	sdelay $0x1  }
0x41f: {  	v8 =	vperm.xlane v8, v1;
	v9 =	vadd.s32 v2, v9;
	_ =	sdelay $0x1  }
0x420: {  	v8 =	vadd.s32 v2, v8;
	_ =	sdelay $0x1  }
0x421: {  	s18 =	simm.s32 $0xC800  }
0x422: {  	[tilespmem:s18], [sflag:$0x7] =	stream.indirect_vreg.gather [hbm4b:s6+s4], $0x80, v9, vm0, $0xb8;
	[tilespmem:$0x1A800] =	vst v63  }
0x423: {  	s20 =	simm.s32 $0xD000  }
0x424: {  	[tilespmem:s20], [sflag:$0x7] =	stream.indirect_vreg.gather [hbm4b:s6+s4], $0x80, v8, vm0, $0xb8;
	[tilespmem:$0x1A800] =	vst v63  }
0x425: {  	v8 =	vld [tilespmem:s2+$0x4B0];
	_ =	sdelay $0x4  }
0x426: {  	v63 =	vshll.u32 v8, $0x1  }
0x427: {  	v8 =	vand.u32 $0x7, v8;
	v9 =	vand.u32 $0xFFFFFFF0, v63  }
0x428: {  	v8 =	vor.u32 v8, v9  }
0x429: {  	v9 =	vperm.xlane v8, v0;
	_ =	sdelay $0x1  }
0x42a: {  	v8 =	vperm.xlane v8, v1;
	v9 =	vadd.s32 v2, v9;
	_ =	sdelay $0x1  }
0x42b: {  	v8 =	vadd.s32 v2, v8;
	_ =	sdelay $0x1  }
0x42c: {  	s25 =	simm.s32 $0xD800  }
0x42d: {  	[tilespmem:s25], [sflag:$0x7] =	stream.indirect_vreg.gather [hbm4b:s6+s4], $0x80, v9, vm0, $0xb8;
	[tilespmem:$0x1A800] =	vst v63  }
0x42e: {  	s31 =	simm.s32 $0xE000  }
0x42f: {  	[tilespmem:s31], [sflag:$0x7] =	stream.indirect_vreg.gather [hbm4b:s6+s4], $0x80, v8, vm0, $0xb8;
	[tilespmem:$0x1A800] =	vst v63  }
.LBB2_20:
0x430: {  	_ =	swait.ge [sflag:s26], $0x2000  }
0x431: {  	[sflag:s26] =	ssyncset.done $0x0  }
0x432: {  	[sflag:s26] =	ssyncadd.s32 $0xFFFFE000  }
0x433: {  	_ =	swait.ge [sflag:s28], $0x2000  }
0x434: {  	[sflag:s28] =	ssyncset.done $0x0  }
0x435: {  	[sflag:s28] =	ssyncadd.s32 $0xFFFFE000  }
0x436: {  	s25 =	simm.s32 $0x0;
	_ =	swait.ge [sflag:s29], $0x2000  }
0x437: {  	s2 =	sand.u32 $0x1800, s25;
	s13 =	sand.u32 $0x380, s25;
	[sflag:s29] =	ssyncset.done $0x0  }
0x438: {  	s13 =	sor.u32 s13, s2;
	[sflag:s29] =	ssyncadd.s32 $0xFFFFE000  }
0x439: {  	v22 =	vld [tilespmem:s13+$0x18800]  }
0x43a: {  	v23 =	vld [tilespmem:s13+$0x18810]  }
0x43b: {  	v24 =	vld [tilespmem:s13+$0x18820]  }
0x43c: {  	v26 =	vld [tilespmem:s13+$0x18830]  }
0x43d: {  	v27 =	vld [tilespmem:s13+$0x18840]  }
0x43e: {  	v28 =	vld [tilespmem:s13+$0x18850]  }
0x43f: {  	v29 =	vld [tilespmem:s13+$0x18860]  }
0x440: {  	v14 =	vld [tilespmem:s13+$0x18870]  }
0x441: {  	v13 =	vld [tilespmem:s13+$0x18C00]  }
0x442: {  	v12 =	vld [tilespmem:s13+$0x18C10]  }
0x443: {  	v11 =	vld [tilespmem:s13+$0x18C20]  }
0x444: {  	v10 =	vld [tilespmem:s13+$0x18C30]  }
0x445: {  	v9 =	vld [tilespmem:s13+$0x18C40]  }
0x446: {  	v8 =	vld [tilespmem:s13+$0x18C50]  }
0x447: {  	v25 =	vld [tilespmem:s13+$0x16800]  }
0x448: {  	v30 =	vld [tilespmem:s13+$0x16810]  }
0x449: {  	v31 =	vld [tilespmem:s13+$0x16820]  }
0x44a: {  	v32 =	vld [tilespmem:s13+$0x16830]  }
0x44b: {  	v33 =	vld [tilespmem:s13+$0x16840]  }
0x44c: {  	v34 =	vld [tilespmem:s13+$0x16850]  }
0x44d: {  	v35 =	vld [tilespmem:s13+$0x16860]  }
0x44e: {  	v36 =	vld [tilespmem:s13+$0x16870]  }
0x44f: {  	v37 =	vld [tilespmem:s13+$0x16C00]  }
0x450: {  	v21 =	vld [tilespmem:s13+$0x16C10]  }
0x451: {  	v20 =	vld [tilespmem:s13+$0x16C20]  }
0x452: {  	v19 =	vld [tilespmem:s13+$0x16C30]  }
0x453: {  	v18 =	vld [tilespmem:s13+$0x16C40]  }
0x454: {  	v17 =	vld [tilespmem:s13+$0x16C50]  }
0x455: {  	v16 =	vld [tilespmem:s13+$0x16C60]  }
0x456: {  	v15 =	vld [tilespmem:s13+$0x16C70]  }
0x457: {  	v38 =	vld [tilespmem:s13+$0x14800]  }
0x458: {  	v39 =	vld [tilespmem:s13+$0x14810]  }
0x459: {  	v40 =	vld [tilespmem:s13+$0x14820]  }
0x45a: {  	v41 =	vld [tilespmem:s13+$0x14830]  }
0x45b: {  	v42 =	vld [tilespmem:s13+$0x14840]  }
0x45c: {  	v59 =	vld [tilespmem:s13+$0x14850];
	v25 =	vadd.f32 v25, v38  }
0x45d: {  	v60 =	vld [tilespmem:s13+$0x14860];
	v30 =	vadd.f32 v30, v39  }
0x45e: {  	v22 =	vadd.f32 v22, v25;
	v25 =	vadd.f32 v31, v40;
	v31 =	vld [tilespmem:s13+$0x14870]  }
0x45f: {  	v61 =	vld [tilespmem:s13+$0x14C00];
	v23 =	vadd.f32 v23, v30;
	v30 =	vadd.f32 v32, v41  }
0x460: {  	[tilespmem:s13+$0x14800] =	vst v22;
	v22 =	vadd.f32 v24, v25;
	v24 =	vadd.f32 v33, v42;
	v25 =	vld [tilespmem:s13+$0x14C10]  }
0x461: {  	v62 =	vadd.f32 v34, v59;
	[tilespmem:s13+$0x14810] =	vst v23;
	v30 =	vadd.f32 v26, v30;
	v26 =	vld [tilespmem:s13+$0x14C20]  }
0x462: {  	v63 =	vadd.f32 v35, v60;
	v23 =	vld [tilespmem:s13+$0x14C30];
	[tilespmem:s13+$0x14820] =	vst v22;
	v22 =	vadd.f32 v27, v24  }
0x463: {  	[tilespmem:s13+$0x14830] =	vst v30;
	v27 =	vadd.f32 v28, v62;
	v24 =	vld [tilespmem:s13+$0x14C40];
	v28 =	vadd.f32 v36, v31  }
0x464: {  	s20 =	simm.s32 $0x100;
	v30 =	vadd.f32 v29, v63;
	v29 =	vadd.f32 v37, v61;
	[tilespmem:s13+$0x14840] =	vst v22;
	v22 =	vld [tilespmem:s13+$0x14C50]  }
.LBB2_21:
0x465: {  	p2 =	sne.s32 s20, $0x1F00;
	[tilespmem:s13+$0x14850] =	vst v27;
	v14 =	vadd.f32 v14, v28;
	v21 =	vadd.f32 v21, v25;
	v25 =	vld [tilespmem:s13+$0x14C60]  }
0x466: {  	s25 =	sadd.s32 $0x80, s25;
	[tilespmem:s13+$0x14860] =	vst v30;
	v13 =	vadd.f32 v13, v29;
	v20 =	vadd.f32 v20, v26;
	v26 =	vld [tilespmem:s13+$0x14C70]  }
0x467: {  	s2 =	sand.u32 $0x1800, s20;
	s18 =	sand.u32 $0x380, s25;
	[tilespmem:s13+$0x14870] =	vst v14;
	v12 =	vadd.f32 v12, v21;
	v14 =	vadd.f32 v19, v23;
	v19 =	vld [tilespmem:s13+$0x18C60]  }
0x468: {  	s2 =	sor.u32 s18, s2;
	[tilespmem:s13+$0x14C00] =	vst v13;
	v11 =	vadd.f32 v11, v20;
	v13 =	vadd.f32 v18, v24;
	v18 =	vld [tilespmem:s13+$0x18C70]  }
0x469: {  	v23 =	vld [tilespmem:s2+$0x18800];
	[tilespmem:s13+$0x14C10] =	vst v12;
	v10 =	vadd.f32 v10, v14;
	v12 =	vadd.f32 v17, v22  }
0x46a: {  	v22 =	vld [tilespmem:s2+$0x18810];
	[tilespmem:s13+$0x14C20] =	vst v11;
	v9 =	vadd.f32 v9, v13;
	v11 =	vadd.f32 v16, v25  }
0x46b: {  	v24 =	vld [tilespmem:s2+$0x18820];
	[tilespmem:s13+$0x14C30] =	vst v10;
	v8 =	vadd.f32 v8, v12;
	v10 =	vadd.f32 v15, v26  }
0x46c: {  	v26 =	vld [tilespmem:s2+$0x18830];
	[tilespmem:s13+$0x14C40] =	vst v9;
	v9 =	vadd.f32 v19, v11  }
0x46d: {  	v27 =	vld [tilespmem:s2+$0x18840];
	[tilespmem:s13+$0x14C50] =	vst v8;
	v8 =	vadd.f32 v18, v10  }
0x46e: {  	v28 =	vld [tilespmem:s2+$0x18850];
	[tilespmem:s13+$0x14C60] =	vst v9  }
0x46f: {  	v29 =	vld [tilespmem:s2+$0x18860];
	[tilespmem:s13+$0x14C70] =	vst v8;
	s13 =	smov.u32 s2  }
0x470: {  	v14 =	vld [tilespmem:s13+$0x18870]  }
0x471: {  	v13 =	vld [tilespmem:s13+$0x18C00]  }
0x472: {  	v12 =	vld [tilespmem:s13+$0x18C10]  }
0x473: {  	v11 =	vld [tilespmem:s13+$0x18C20]  }
0x474: {  	v10 =	vld [tilespmem:s13+$0x18C30]  }
0x475: {  	v9 =	vld [tilespmem:s13+$0x18C40]  }
0x476: {  	v8 =	vld [tilespmem:s13+$0x18C50]  }
0x477: {  	v25 =	vld [tilespmem:s13+$0x16800]  }
0x478: {  	v30 =	vld [tilespmem:s13+$0x16810]  }
0x479: {  	v31 =	vld [tilespmem:s13+$0x16820]  }
0x47a: {  	v32 =	vld [tilespmem:s13+$0x16830]  }
0x47b: {  	v33 =	vld [tilespmem:s13+$0x16840]  }
0x47c: {  	v34 =	vld [tilespmem:s13+$0x16850]  }
0x47d: {  	v35 =	vld [tilespmem:s13+$0x16860]  }
0x47e: {  	v36 =	vld [tilespmem:s13+$0x16870]  }
0x47f: {  	v37 =	vld [tilespmem:s13+$0x16C00]  }
0x480: {  	v21 =	vld [tilespmem:s13+$0x16C10]  }
0x481: {  	v20 =	vld [tilespmem:s13+$0x16C20]  }
0x482: {  	v19 =	vld [tilespmem:s13+$0x16C30]  }
0x483: {  	v18 =	vld [tilespmem:s13+$0x16C40]  }
0x484: {  	v17 =	vld [tilespmem:s13+$0x16C50]  }
0x485: {  	v16 =	vld [tilespmem:s13+$0x16C60]  }
0x486: {  	v15 =	vld [tilespmem:s13+$0x16C70]  }
0x487: {  	v38 =	vld [tilespmem:s13+$0x14800]  }
0x488: {  	v39 =	vld [tilespmem:s13+$0x14810]  }
0x489: {  	v40 =	vld [tilespmem:s13+$0x14820]  }
0x48a: {  	v41 =	vld [tilespmem:s13+$0x14830]  }
0x48b: {  	v42 =	vld [tilespmem:s13+$0x14840]  }
0x48c: {  	v25 =	vadd.f32 v25, v38;
	v38 =	vld [tilespmem:s13+$0x14850]  }
0x48d: {  	v30 =	vadd.f32 v30, v39;
	v39 =	vld [tilespmem:s13+$0x14860]  }
0x48e: {  	v23 =	vadd.f32 v23, v25;
	v25 =	vadd.f32 v31, v40;
	v31 =	vld [tilespmem:s13+$0x14870]  }
0x48f: {  	v22 =	vadd.f32 v22, v30;
	v30 =	vadd.f32 v32, v41;
	v32 =	vld [tilespmem:s13+$0x14C00]  }
.Ltmp11:
0x490: {  	[tilespmem:s13+$0x14800] =	vst v23;
	v23 =	vadd.f32 v24, v25;
	v24 =	vadd.f32 v33, v42;
	v25 =	vld [tilespmem:s13+$0x14C10];
	(pc) =	sbr.rel @p2 .LBB2_21-.Ltmp11, $4  }
0x491: {  	[tilespmem:s13+$0x14810] =	vst v22;
	v22 =	vadd.f32 v26, v30;
	v30 =	vadd.f32 v34, v38;
	v26 =	vld [tilespmem:s13+$0x14C20]  }
0x492: {  	[tilespmem:s13+$0x14820] =	vst v23;
	v33 =	vadd.f32 v27, v24;
	v34 =	vadd.f32 v35, v39;
	v23 =	vld [tilespmem:s13+$0x14C30]  }
0x493: {  	[tilespmem:s13+$0x14830] =	vst v22;
	v27 =	vadd.f32 v28, v30;
	v28 =	vadd.f32 v36, v31;
	v24 =	vld [tilespmem:s13+$0x14C40]  }
0x494: {  	s20 =	sadd.s32 $0x100, s20;
	[tilespmem:s13+$0x14840] =	vst v33;
	v30 =	vadd.f32 v29, v34;
	v29 =	vadd.f32 v37, v32;
	v22 =	vld [tilespmem:s13+$0x14C50]  }
0x495: {  	[tilespmem:s13+$0x14850] =	vst v27;
	v14 =	vadd.f32 v14, v28;
	v52 =	vld [tilespmem:s13+$0x14C60];
	v21 =	vadd.f32 v21, v25  }
0x496: {  	v53 =	vld [tilespmem:s13+$0x14C70];
	[tilespmem:s13+$0x14860] =	vst v30;
	v13 =	vadd.f32 v13, v29;
	v54 =	vadd.f32 v20, v26  }
0x497: {  	v55 =	vld [tilespmem:s13+$0x18C60];
	[tilespmem:s13+$0x14870] =	vst v14;
	v12 =	vadd.f32 v12, v21;
	v19 =	vadd.f32 v19, v23  }
0x498: {  	v57 =	vld [tilespmem:s13+$0x18C70];
	[tilespmem:s13+$0x14C00] =	vst v13;
	v11 =	vadd.f32 v11, v54;
	v56 =	vadd.f32 v18, v24  }
0x499: {  	[tilespmem:s13+$0x14C10] =	vst v12;
	v10 =	vadd.f32 v10, v19;
	v58 =	vadd.f32 v17, v22  }
0x49a: {  	[tilespmem:s13+$0x14C20] =	vst v11;
	v9 =	vadd.f32 v9, v56;
	v59 =	vadd.f32 v16, v52  }
0x49b: {  	v60 =	vadd.f32 v15, v53;
	[tilespmem:s13+$0x14C30] =	vst v10;
	v8 =	vadd.f32 v8, v58  }
0x49c: {  	[tilespmem:s13+$0x14C40] =	vst v9;
	v61 =	vadd.f32 v55, v59  }
0x49d: {  	[tilespmem:s13+$0x14C50] =	vst v8;
	v8 =	vadd.f32 v57, v60  }
0x49e: {  	s2 =	sshll.u32 s10, $0x7;
	[tilespmem:s13+$0x14C60] =	vst v61  }
0x49f: {  	s2 =	sand.u32 $0x3FFFFF80, s2;
	[tilespmem:s13+$0x14C70] =	vst v8  }
0x4a0: {  	v8 =	vld [tilespmem:s2+$0x800];
	_ =	sdelay $0x4  }
0x4a1: {  	v62 =	vshll.u32 v8, $0x1  }
0x4a2: {  	v8 =	vand.u32 $0x7, v8;
	v9 =	vand.u32 $0xFFFFFFF0, v62  }
0x4a3: {  	v8 =	vor.u32 v8, v9  }
0x4a4: {  	v9 =	vperm.xlane v8, v0;
	_ =	sdelay $0x1  }
0x4a5: {  	v8 =	vperm.xlane v8, v1;
	v9 =	vadd.s32 v2, v9;
	_ =	sdelay $0x1  }
0x4a6: {  	v8 =	vadd.s32 v2, v8;
	_ =	sdelay $0x2  }
0x4a7: {  	[hbm4b:s3+s4] =	stream.indirect_vreg.scatter [tilespmem:s30], [sflag:$0x10], $0x80, v9, vm0, $0xb8;
	[tilespmem:$0x1A800] =	vst v63  }
0x4a8: {  	s20 =	simm.s32 $0x15000  }
0x4a9: {  	[hbm4b:s3+s4] =	stream.indirect_vreg.scatter [tilespmem:s20], [sflag:$0x10], $0x80, v8, vm0, $0xb8;
	[tilespmem:$0x1A800] =	vst v63  }
0x4aa: {  	v8 =	vld [tilespmem:s2+$0x810];
	_ =	sdelay $0x4  }
0x4ab: {  	v63 =	vshll.u32 v8, $0x1  }
0x4ac: {  	v8 =	vand.u32 $0x7, v8;
	v9 =	vand.u32 $0xFFFFFFF0, v63  }
0x4ad: {  	v8 =	vor.u32 v8, v9  }
0x4ae: {  	v9 =	vperm.xlane v8, v0;
	_ =	sdelay $0x1  }
0x4af: {  	v8 =	vperm.xlane v8, v1;
	v9 =	vadd.s32 v2, v9;
	_ =	sdelay $0x1  }
0x4b0: {  	v8 =	vadd.s32 v2, v8  }
.Ltmp12:
0x4b1: {  	_ = 	snop;
	(pc) =	sbr.rel @p1 .LBB2_24-.Ltmp12, $4  }
0x4b2: {  	s25 =	simm.s32 $0x15800  }
0x4b3: {  	[hbm4b:s3+s4] =	stream.indirect_vreg.scatter [tilespmem:s25], [sflag:$0x10], $0x80, v9, vm0, $0xb8;
	[tilespmem:$0x1A800] =	vst v63  }
0x4b4: {  	s31 =	simm.s32 $0x16000  }
0x4b5: {  	[hbm4b:s3+s4] =	stream.indirect_vreg.scatter [tilespmem:s31], [sflag:$0x10], $0x80, v8, vm0, $0xb8;
	[tilespmem:$0x1A800] =	vst v63  }
0x4b6: {  	s2 =	sshll.u32 s16, $0x7  }
0x4b7: {  	s10 =	sadd.s32 $0xC0, s2  }
0x4b8: {  	_ =	swait.ge [sflag:s14], $0x2000;
	s10 =	sadd.s32 s8, s10  }
0x4b9: {  	[sflag:s14] =	ssyncset.done $0x0;
	s10 =	sshll.u32 s10, $0x5  }
0x4ba: {  	[sflag:s14] =	ssyncadd.s32 $0xFFFFE000;
	s10 =	sadd.s32 s12, s10  }
0x4bb: {  	[tilespmem:s21], [sflag:$0x9] =	stream.linear.gather [hbm4b:s10+s4], $0x2000, $0x38;
	[tilespmem:$0x1A800] =	vst v63  }
0x4bc: {  	v8 =	vld [tilespmem:s2+$0xC0];
	_ =	sdelay $0x4  }
0x4bd: {  	v9 =	vshll.u32 v8, $0x1  }
0x4be: {  	v8 =	vand.u32 $0x7, v8;
	v9 =	vand.u32 $0xFFFFFFF0, v9  }
0x4bf: {  	v8 =	vor.u32 v8, v9  }
0x4c0: {  	v9 =	vperm.xlane v8, v0;
	_ =	sdelay $0x1  }
0x4c1: {  	v8 =	vperm.xlane v8, v1;
	v9 =	vadd.s32 v2, v9;
	_ =	sdelay $0x1  }
0x4c2: {  	v8 =	vadd.s32 v2, v8;
	_ =	sdelay $0x1  }
0x4c3: {  	s20 =	simm.s32 $0x10800  }
0x4c4: {  	[tilespmem:s20], [sflag:$0xA] =	stream.indirect_vreg.gather [hbm4b:s5+s4], $0x80, v9, vm0, $0xb8;
	[tilespmem:$0x1A800] =	vst v63  }
0x4c5: {  	s25 =	simm.s32 $0x11000  }
0x4c6: {  	[tilespmem:s25], [sflag:$0xA] =	stream.indirect_vreg.gather [hbm4b:s5+s4], $0x80, v8, vm0, $0xb8;
	[tilespmem:$0x1A800] =	vst v63  }
0x4c7: {  	v8 =	vld [tilespmem:s2+$0xD0];
	_ =	sdelay $0x4  }
0x4c8: {  	v61 =	vshll.u32 v8, $0x1  }
0x4c9: {  	v8 =	vand.u32 $0x7, v8;
	v9 =	vand.u32 $0xFFFFFFF0, v61  }
0x4ca: {  	v8 =	vor.u32 v8, v9  }
0x4cb: {  	v9 =	vperm.xlane v8, v0;
	_ =	sdelay $0x1  }
0x4cc: {  	v8 =	vperm.xlane v8, v1;
	v9 =	vadd.s32 v2, v9;
	_ =	sdelay $0x1  }
0x4cd: {  	v8 =	vadd.s32 v2, v8;
	_ =	sdelay $0x1  }
0x4ce: {  	s31 =	simm.s32 $0x11800  }
0x4cf: {  	[tilespmem:s31], [sflag:$0xA] =	stream.indirect_vreg.gather [hbm4b:s5+s4], $0x80, v9, vm0, $0xb8;
	[tilespmem:$0x1A800] =	vst v63  }
0x4d0: {  	s13 =	simm.s32 $0x12000  }
0x4d1: {  	[tilespmem:s13], [sflag:$0xA] =	stream.indirect_vreg.gather [hbm4b:s5+s4], $0x80, v8, vm0, $0xb8;
	[tilespmem:$0x1A800] =	vst v63  }
0x4d2: {  	v8 =	vld [tilespmem:s2+$0x4C0];
	_ =	sdelay $0x4  }
0x4d3: {  	v62 =	vshll.u32 v8, $0x1  }
0x4d4: {  	v8 =	vand.u32 $0x7, v8;
	v9 =	vand.u32 $0xFFFFFFF0, v62  }
0x4d5: {  	v8 =	vor.u32 v8, v9  }
0x4d6: {  	v9 =	vperm.xlane v8, v0;
	_ =	sdelay $0x1  }
0x4d7: {  	v8 =	vperm.xlane v8, v1;
	v9 =	vadd.s32 v2, v9;
	_ =	sdelay $0x1  }
0x4d8: {  	v8 =	vadd.s32 v2, v8;
	_ =	sdelay $0x1  }
0x4d9: {  	s18 =	simm.s32 $0x12800  }
0x4da: {  	[tilespmem:s18], [sflag:$0xB] =	stream.indirect_vreg.gather [hbm4b:s6+s4], $0x80, v9, vm0, $0xb8;
	[tilespmem:$0x1A800] =	vst v63  }
0x4db: {  	s20 =	simm.s32 $0x13000  }
0x4dc: {  	[tilespmem:s20], [sflag:$0xB] =	stream.indirect_vreg.gather [hbm4b:s6+s4], $0x80, v8, vm0, $0xb8;
	[tilespmem:$0x1A800] =	vst v63  }
0x4dd: {  	v8 =	vld [tilespmem:s2+$0x4D0];
	_ =	sdelay $0x4  }
0x4de: {  	v63 =	vshll.u32 v8, $0x1  }
0x4df: {  	v8 =	vand.u32 $0x7, v8;
	v9 =	vand.u32 $0xFFFFFFF0, v63  }
0x4e0: {  	v8 =	vor.u32 v8, v9  }
0x4e1: {  	v9 =	vperm.xlane v8, v0;
	_ =	sdelay $0x1  }
0x4e2: {  	v8 =	vperm.xlane v8, v1;
	v9 =	vadd.s32 v2, v9;
	_ =	sdelay $0x1  }
0x4e3: {  	v8 =	vadd.s32 v2, v8  }
.Ltmp13:
0x4e4: {  	_ = 	snop;
	(pc) =	sbr.rel .LBB2_8-.Ltmp13, $4  }
0x4e5: {  	s25 =	simm.s32 $0x13800  }
0x4e6: {  	[tilespmem:s25], [sflag:$0xB] =	stream.indirect_vreg.gather [hbm4b:s6+s4], $0x80, v9, vm0, $0xb8;
	[tilespmem:$0x1A800] =	vst v63  }
0x4e7: {  	s16 =	sadd.s32 $0x1, s16;
	s31 =	simm.s32 $0x14000  }
0x4e8: {  	[tilespmem:s31], [sflag:$0xB] =	stream.indirect_vreg.gather [hbm4b:s6+s4], $0x80, v8, vm0, $0xb8;
	[tilespmem:$0x1A800] =	vst v63  }
.LBB2_25:
0x4e9: {  	_ =	sfence.sel $0x180000  }
0x4ea: {  	[bflag:$0x0] =	sbarrier.arrive $0xFFFF  }
0x4eb: {  	_ =	strace $0x90000047  }
0x4ec: {  	s0 =	stileid.u32;
	[bflag:$0x2] =	sbarrier.arrive $0xFFFF  }
0x4ed: {  	p0 =	sne.s32 s0, $0x0;
	s0 =	rddreg [dreg:$0x4]  }
0x4ee: {  	s0 =	sadd.s32 @!p0 $0x100000, s0  }
0x4ef: {  	[sflag:s0] =	ssyncadd.tile.s32 @!p0 $0x1;
	_ =	shalt  }
.Lfunc_end2:
_tile_overlayer_lowered:
.L_overlay_start_2:
0x4f0: {  	(tag) =	ssettag $0x2  }
0x4f1: {  	s0 =	rddreg [dreg:$0x0];
	s2 =	stileid.u32  }
0x4f2: {  	s1 =	rddreg [dreg:$0x1];
	p0 =	sne.s32 s2, $0x0  }
0x4f3: {  	s3 =	rddreg [dreg:$0x2];
	[bflag:$0x3] =	sbarrier.arrive $0xFFFF;
	s2 =	simm.s32 @!p0 $0x1C12  }
0x4f4: {  	[timem:s3], [sflag:s2] =	dma.local @!p0 [hbm:s0], s1  }
0x4f5: {  	s0 =	simm.s32 @!p0 $0x12  }
0x4f6: {  	_ =	swait.ge @!p0 [sflag:s0], s1  }
0x4f7: {  	s1 =	ssub.s32 @!p0 $0x0, s1;
	[sflag:s0] =	ssyncset.done @!p0 $0x0  }
0x4f8: {  	[sflag:s0] =	ssyncadd.s32 @!p0 s1  }
0x4f9: {  	[bflag:$0x3] =	sbarrier.arrive $0xFFFF  }
0x4fa: {  	_ =	shalt  }

</sc_bundles>
